<compile_context>
chip_gen: v7x
topology: tpu7x:2x2x1
jax: 0.10.2.dev20260603
libtpu: 0.0.44.dev20260713+nightly
codegen_flags: <defaults>
</compile_context>

<pallas_src>
import functools

import jax
import jax.numpy as jnp
from jax import lax
from jax.experimental import pallas as pl
from jax.experimental.pallas import tpu as pltpu
from jax.experimental.pallas import tpu_sc as plsc

N = 10000
C = 128
E = 320000
NNZ = 320000
NHE = 2000
K = 100
NSUB = 16
CL = 16

_mesh = lambda: plsc.VectorSubcoreMesh(core_axis_name="c", subcore_axis_name="s")


def _mlp_body(x_ref, w1_ref, b1_ref, w2_ref, b2_ref, o_ref):
    z = jnp.dot(x_ref[...], w1_ref[...], preferred_element_type=jnp.float32)
    z = z + b1_ref[...]
    z = jnp.where(z >= 0.0, z, 0.2 * z)
    o_ref[...] = jnp.dot(z, w2_ref[...], preferred_element_type=jnp.float32) + b2_ref[...]


def _mlp(x, W1, b1, W2, b2):
    R = 1000
    return pl.pallas_call(
        _mlp_body,
        grid=(N // R,),
        in_specs=[
            pl.BlockSpec((R, C), lambda i: (i, 0)),
            pl.BlockSpec((C, C // 2), lambda i: (0, 0)),
            pl.BlockSpec((1, C // 2), lambda i: (0, 0)),
            pl.BlockSpec((C // 2, C), lambda i: (0, 0)),
            pl.BlockSpec((1, C), lambda i: (0, 0)),
        ],
        out_specs=pl.BlockSpec((R, C), lambda i: (i, 0)),
        out_shape=jax.ShapeDtypeStruct((N, C), jnp.float32),
    )(x, W1, b1, W2, b2)


def _sc_pass(s, table_hbm, idx2_hbm, z128_hbm, z16_hbm, ones_hbm,
             idx4, rowsA, rowsB, ones_v, acc_sh,
             semA, semB, semI0, semI1, semI2, semI3, semO,
             rows_per_tile, chunk0, nchunks,
             cnt_sh=None, cnt2_sh=None, cnt2_rows=None):
    pltpu.sync_copy(z128_hbm.at[pl.ds(0, rows_per_tile)],
                    acc_sh.at[pl.ds(s * rows_per_tile, rows_per_tile)])
    if cnt_sh is not None:
        pltpu.sync_copy(z16_hbm.at[pl.ds(0, rows_per_tile)],
                        cnt_sh.at[pl.ds(s * rows_per_tile, rows_per_tile)])
        pltpu.sync_copy(ones_hbm, ones_v)
    if cnt2_sh is not None:
        pltpu.sync_copy(z16_hbm.at[pl.ds(0, cnt2_rows)],
                        cnt2_sh.at[pl.ds(s * cnt2_rows, cnt2_rows)])
    semI = (semI0, semI1, semI2, semI3)
    pltpu.sync_copy(idx2_hbm.at[chunk0], idx4.at[0])
    pltpu.sync_copy(idx2_hbm.at[chunk0 + 1], idx4.at[1])
    pltpu.async_copy(idx2_hbm.at[chunk0 + 2], idx4.at[2], semI[2])
    pltpu.async_copy(idx2_hbm.at[chunk0 + 3], idx4.at[3], semI[3])
    pltpu.async_copy(table_hbm.at[idx4.at[0, 0]], rowsA, semA)
    pltpu.async_copy(table_hbm.at[idx4.at[1, 0]], rowsB, semB)
    plsc.subcore_barrier()

    def process(j, q, rows_v, semR):
        c = 4 * j + q
        qn = (q + 2) % 4
        pltpu.make_async_copy(table_hbm.at[idx4.at[q, 0]], rows_v, semR).wait()
        if cnt_sh is not None:
            pltpu.async_copy(ones_v, cnt_sh.at[idx4.at[q, 1]], semO, add=True)
        if cnt2_sh is not None:
            pltpu.async_copy(ones_v, cnt2_sh.at[idx4.at[q, 0]], semO, add=True)
        pltpu.sync_copy(rows_v, acc_sh.at[idx4.at[q, 1]], add=True)
        if cnt_sh is not None:
            pltpu.make_async_copy(ones_v, cnt_sh.at[idx4.at[q, 1]], semO).wait()
        if cnt2_sh is not None:
            pltpu.make_async_copy(ones_v, cnt2_sh.at[idx4.at[q, 0]], semO).wait()

        @pl.when(c + 4 < nchunks)
        def _():
            pltpu.async_copy(idx2_hbm.at[chunk0 + c + 4], idx4.at[q], semI[q])

        @pl.when(c + 2 < nchunks)
        def _():
            pltpu.make_async_copy(idx2_hbm.at[chunk0 + c + 2], idx4.at[qn],
                                  semI[qn]).wait()
            pltpu.async_copy(table_hbm.at[idx4.at[qn, 0]], rows_v, semR)

    def body(j, carry):
        process(j, 0, rowsA, semA)
        process(j, 1, rowsB, semB)
        process(j, 2, rowsA, semA)
        process(j, 3, rowsB, semB)
        return carry

    lax.fori_loop(0, nchunks // 4, body, 0)
    plsc.subcore_barrier()


def _scA_body(h_hbm, gidx2_hbm, hidx2_hbm, z128_hbm, z16_hbm,
              ones_hbm, gsum_out, gcnt_out, efeat_out, ncnt_out,
              idx4, rowsA, rowsB, ones_v, cdiv_v, acc_sh, cnt_sh, cnt2_sh,
              semA, semB, semI0, semI1, semI2, semI3, semO):
    c = lax.axis_index("c")
    s = lax.axis_index("s")
    nch = E // NSUB // K
    rpt = N // NSUB

    @pl.when(c == 0)
    def _():
        _sc_pass(s, h_hbm, gidx2_hbm, z128_hbm, z16_hbm, ones_hbm,
                 idx4, rowsA, rowsB, ones_v, acc_sh,
                 semA, semB, semI0, semI1, semI2, semI3, semO,
                 rpt, s * nch, nch, cnt_sh=cnt_sh)
        pltpu.sync_copy(acc_sh.at[pl.ds(s * rpt, rpt)],
                        gsum_out.at[pl.ds(s * rpt, rpt)])
        pltpu.sync_copy(cnt_sh.at[pl.ds(s * rpt, rpt)],
                        gcnt_out.at[pl.ds(s * rpt, rpt)])

    @pl.when(c == 1)
    def _():
        ept = NHE // NSUB
        _sc_pass(s, h_hbm, hidx2_hbm, z128_hbm, z16_hbm, ones_hbm,
                 idx4, rowsA, rowsB, ones_v, acc_sh,
                 semA, semB, semI0, semI1, semI2, semI3, semO,
                 ept, s * nch, nch, cnt_sh=cnt_sh, cnt2_sh=cnt2_sh,
                 cnt2_rows=rpt)
        base = s * ept
        pltpu.sync_copy(acc_sh.at[pl.ds(base, 100)], rowsA)
        pltpu.sync_copy(acc_sh.at[pl.ds(base + 100, 25)], rowsB.at[pl.ds(0, 25)])
        pltpu.sync_copy(cnt_sh.at[pl.ds(base, ept)], cdiv_v)

        def divide(buf, roff, n):
            def f(r, carry):
                d = 1.0 / jnp.maximum(cdiv_v[roff + r], 1.0)
                for jj in range(C // 16):
                    sl = pl.ds(jj * 16, 16)
                    buf[r, sl] = buf[r, sl] * d
                return carry
            lax.fori_loop(0, n, f, 0)

        divide(rowsA, 0, 100)
        divide(rowsB, 100, 25)
        pltpu.sync_copy(rowsA, efeat_out.at[pl.ds(base, 100)])
        pltpu.sync_copy(rowsB.at[pl.ds(0, 25)], efeat_out.at[pl.ds(base + 100, 25)])
        pltpu.sync_copy(cnt2_sh.at[pl.ds(s * rpt, rpt)],
                        ncnt_out.at[pl.ds(s * rpt, rpt)])


def _scA(h, gidx2, hidx2, z128, z16, ones):
    f = pl.kernel(
        _scA_body,
        out_type=[
            jax.ShapeDtypeStruct((N, C), jnp.float32),
            jax.ShapeDtypeStruct((N, CL), jnp.float32),
            jax.ShapeDtypeStruct((NHE, C), jnp.float32),
            jax.ShapeDtypeStruct((N, CL), jnp.float32),
        ],
        mesh=_mesh(),
        compiler_params=pltpu.CompilerParams(use_tc_tiling_on_sc=False),
        scratch_types=[
            pltpu.VMEM((4, 2, K), jnp.int32),
            pltpu.VMEM((K, C), jnp.float32),
            pltpu.VMEM((K, C), jnp.float32),
            pltpu.VMEM((K, CL), jnp.float32),
            pltpu.VMEM((NHE // NSUB, CL), jnp.float32),
            pltpu.VMEM_SHARED((N, C), jnp.float32),
            pltpu.VMEM_SHARED((N, CL), jnp.float32),
            pltpu.VMEM_SHARED((N, CL), jnp.float32),
            pltpu.SemaphoreType.DMA,
            pltpu.SemaphoreType.DMA,
            pltpu.SemaphoreType.DMA,
            pltpu.SemaphoreType.DMA,
            pltpu.SemaphoreType.DMA,
            pltpu.SemaphoreType.DMA,
            pltpu.SemaphoreType.DMA,
        ],
    )
    return f(h, gidx2, hidx2, z128, z16, ones)


def _scB_body(ef_hbm, idx2_hbm, z128_hbm, z16_hbm, ones_hbm,
              nsum_out, idx4, rowsA, rowsB, acc_sh,
              semA, semB, semI0, semI1, semI2, semI3):
    c = lax.axis_index("c")
    s = lax.axis_index("s")
    wid = s * 2 + c
    nch = NNZ // (2 * NSUB) // K
    rpt = N // NSUB
    _sc_pass(s, ef_hbm, idx2_hbm, z128_hbm, z16_hbm, ones_hbm,
             idx4, rowsA, rowsB, None, acc_sh,
             semA, semB, semI0, semI1, semI2, semI3, None,
             rpt, wid * nch, nch)
    pltpu.sync_copy(acc_sh.at[pl.ds(s * rpt, rpt)],
                    nsum_out.at[c, pl.ds(s * rpt, rpt)])


def _scB(ef, idx2, z128, z16, ones):
    f = pl.kernel(
        _scB_body,
        out_type=jax.ShapeDtypeStruct((2, N, C), jnp.float32),
        mesh=_mesh(),
        compiler_params=pltpu.CompilerParams(use_tc_tiling_on_sc=False),
        scratch_types=[
            pltpu.VMEM((4, 2, K), jnp.int32),
            pltpu.VMEM((K, C), jnp.float32),
            pltpu.VMEM((K, C), jnp.float32),
            pltpu.VMEM_SHARED((N, C), jnp.float32),
            pltpu.SemaphoreType.DMA,
            pltpu.SemaphoreType.DMA,
            pltpu.SemaphoreType.DMA,
            pltpu.SemaphoreType.DMA,
            pltpu.SemaphoreType.DMA,
            pltpu.SemaphoreType.DMA,
        ],
    )
    return f(ef, idx2, z128, z16, ones)


def _final_body(wv_ref, h_ref, gs_ref, gc_ref, ns_ref, nc_ref, o_ref):
    w1 = wv_ref[0, 0]
    w2 = wv_ref[0, 1]
    xg = gs_ref[...] / jnp.maximum(gc_ref[:, 0:1], 1.0)
    nsum = ns_ref[0] + ns_ref[1]
    xhg = nsum / jnp.maximum(nc_ref[:, 0:1], 1.0)
    out = w1 * ((xg + xhg) * 0.5) + w2 * h_ref[...]
    o_ref[...] = jnp.where(out >= 0.0, out, 0.2 * out)


def _final(wv, h, gsum, gcnt, nsum, ncnt):
    R = 1000
    return pl.pallas_call(
        _final_body,
        grid=(N // R,),
        in_specs=[
            pl.BlockSpec(memory_space=pltpu.SMEM),
            pl.BlockSpec((R, C), lambda i: (i, 0)),
            pl.BlockSpec((R, C), lambda i: (i, 0)),
            pl.BlockSpec((R, CL), lambda i: (i, 0)),
            pl.BlockSpec((2, R, C), lambda i: (0, i, 0)),
            pl.BlockSpec((R, CL), lambda i: (i, 0)),
        ],
        out_specs=pl.BlockSpec((R, C), lambda i: (i, 0)),
        out_shape=jax.ShapeDtypeStruct((N, C), jnp.float32),
    )(wv, h, gsum, gcnt, nsum, ncnt)


def kernel(x, w, W1, b1, W2, b2, graph_edge_index, hg_vertex, hg_edge):
    src = graph_edge_index[0]
    dst = graph_edge_index[1]
    ew = jnp.exp(w)
    wv = (ew / jnp.sum(ew)).reshape(1, 2)
    z128 = jnp.zeros((N // NSUB, C), jnp.float32)
    z16 = jnp.zeros((N // NSUB, CL), jnp.float32)
    ones = jnp.ones((K, CL), jnp.float32)

    gidx2 = jnp.stack([src.reshape(-1, K), dst.reshape(-1, K)], axis=1)
    hidx2 = jnp.stack([hg_vertex.reshape(-1, K), hg_edge.reshape(-1, K)], axis=1)
    eidx2 = jnp.stack([hg_edge.reshape(-1, K), hg_vertex.reshape(-1, K)], axis=1)

    h = _mlp(x, W1, b1.reshape(1, -1), W2, b2.reshape(1, -1))
    gsum, gcnt, e_feat, ncnt = _scA(h, gidx2, hidx2, z128, z16, ones)
    nsum = _scB(e_feat, eidx2, z128, z16, ones)
    return _final(wv, h, gsum, gcnt, nsum, ncnt)

# --- scband reference (transcript-rebuilt; emitter-appended) ---
"""Pipeline reference for scband-hgnngconv-56315611185271 (READ-ONLY COPY).

The authoritative reference and input builder live on the scoring server;
editing this copy changes nothing except your own understanding.
"""

import jax, jax.numpy as jnp
import numpy as np

N = 10000
C = 128
E = 320000
NNZ = 320000
NHE = 2000


def setup_inputs(seed: int = 0) -> dict:
    key = jax.random.key(seed)
    ks = jax.random.split(key, 10)
    x = jax.random.normal(ks[0], (N, C), dtype=jnp.float32)
    graph_edge_index = jax.random.randint(ks[1], (2, E), 0, N, dtype=jnp.int32)
    hg_vertex = jax.random.randint(ks[2], (NNZ,), 0, N, dtype=jnp.int32)
    hg_edge = jax.random.randint(ks[3], (NNZ,), 0, NHE, dtype=jnp.int32)
    # learned params: theta = Linear(C, C//2) -> LeakyReLU(0.2) -> Linear(C//2, C); w = ones(2)
    W1 = jax.random.normal(ks[4], (C, C // 2), dtype=jnp.float32) * 0.05
    b1 = jnp.zeros((C // 2,), dtype=jnp.float32)
    W2 = jax.random.normal(ks[5], (C // 2, C), dtype=jnp.float32) * 0.05
    b2 = jnp.zeros((C,), dtype=jnp.float32)
    w = jnp.ones((2,), dtype=jnp.float32)
    return {"x": x, "w": w, "W1": W1, "b1": b1, "W2": W2, "b2": b2,
            "graph_edge_index": graph_edge_index, "hg_vertex": hg_vertex, "hg_edge": hg_edge}


def _segment_mean(data, seg, num_segments):
    s = jax.ops.segment_sum(data, seg, num_segments=num_segments)
    cnt = jax.ops.segment_sum(jnp.ones((data.shape[0], 1), dtype=data.dtype), seg, num_segments=num_segments)
    return s / jnp.maximum(cnt, 1.0)


def reference(x, w, W1, b1, W2, b2, graph_edge_index, hg_vertex, hg_edge):
    # softmax-style weights from self.w
    ew = jnp.exp(w)
    denom = jnp.sum(ew)
    w1 = ew[0] / denom
    w2 = ew[1] / denom
    # theta MLP (is_last=False path)
    h = x @ W1 + b1
    h = jax.nn.leaky_relu(h, negative_slope=0.2)
    h = h @ W2 + b2
    # hypergraph v2v mean: v2e(mean) then e2v(mean)
    e_feat = _segment_mean(h[hg_vertex], hg_edge, NHE)
    x_hg = _segment_mean(e_feat[hg_edge], hg_vertex, N)
    # graph v2v mean: mean of src-neighbor features per dst node
    src = graph_edge_index[0]
    dst = graph_edge_index[1]
    x_g = _segment_mean(h[src], dst, N)
    x_fuse = (x_g + x_hg) / 2.0
    out = w1 * x_fuse + w2 * h
    # eval mode: no batchnorm (use_bn=False), dropout is identity; apply LeakyReLU(0.2)
    out = jax.nn.leaky_relu(out, negative_slope=0.2)
    return out

if __name__ == "__main__":
    import jax
    _d = setup_inputs()
    print(jax.jit(kernel)(*tuple(_d.values())))

</pallas_src>

<mosaic_0001>
#map = affine_map<(d0, d1) -> (0, 0)>
#map1 = affine_map<(d0, d1) -> (0, 0, 0)>
module attributes {stable_mosaic.version = 14 : i64} {
  func.func @_scA_body(%arg0: i32, %arg1: i32, %arg2: memref<10000x128xf32, #tpu.memory_space<hbm>>, %arg3: memref<3200x2x100xi32, #tpu.memory_space<hbm>>, %arg4: memref<3200x2x100xi32, #tpu.memory_space<hbm>>, %arg5: memref<625x128xf32, #tpu.memory_space<hbm>>, %arg6: memref<625x16xf32, #tpu.memory_space<hbm>>, %arg7: memref<100x16xf32, #tpu.memory_space<hbm>>, %arg8: memref<10000x128xf32, #tpu.memory_space<hbm>>, %arg9: memref<10000x16xf32, #tpu.memory_space<hbm>>, %arg10: memref<2000x128xf32, #tpu.memory_space<hbm>>, %arg11: memref<10000x16xf32, #tpu.memory_space<hbm>>, %arg12: memref<4x2x100xi32, #tpu.memory_space<vmem>>, %arg13: memref<100x128xf32, #tpu.memory_space<vmem>>, %arg14: memref<100x128xf32, #tpu.memory_space<vmem>>, %arg15: memref<100x16xf32, #tpu.memory_space<vmem>>, %arg16: memref<125x16xf32, #tpu.memory_space<vmem>>, %arg17: memref<10000x128xf32, #tpu.memory_space<vmem_shared>>, %arg18: memref<10000x16xf32, #tpu.memory_space<vmem_shared>>, %arg19: memref<10000x16xf32, #tpu.memory_space<vmem_shared>>, %arg20: memref<!tpu.dma_semaphore, #tpu.memory_space<semaphore_mem>>, %arg21: memref<!tpu.dma_semaphore, #tpu.memory_space<semaphore_mem>>, %arg22: memref<!tpu.dma_semaphore, #tpu.memory_space<semaphore_mem>>, %arg23: memref<!tpu.dma_semaphore, #tpu.memory_space<semaphore_mem>>, %arg24: memref<!tpu.dma_semaphore, #tpu.memory_space<semaphore_mem>>, %arg25: memref<!tpu.dma_semaphore, #tpu.memory_space<semaphore_mem>>, %arg26: memref<!tpu.dma_semaphore, #tpu.memory_space<semaphore_mem>>) attributes {dimension_semantics = [#tpu.dimension_semantics<core_parallel>, #tpu.dimension_semantics<subcore_parallel>], iteration_bounds = array<i64: 2, 16>, scalar_prefetch = 0 : i64, scratch_operands = 15 : i64, tpu.core_type = #tpu.core_type<sc_vector_subcore>, window_params = [{transform_indices = #map}, {transform_indices = #map1}, {transform_indices = #map1}, {transform_indices = #map}, {transform_indices = #map}, {transform_indices = #map}, {transform_indices = #map}, {transform_indices = #map}, {transform_indices = #map}, {transform_indices = #map}]} {
    %eq3A = arith.constant 0 : i32
    %eq3A_0 = arith.cmpi eq, %arg0, %eq3A : i32
    %convert_element_type3A = arith.extui %eq3A_0 : i1 to i32
    %cond3A = arith.constant 0 : i32
    %cond3A_1 = arith.cmpi ne, %convert_element_type3A, %cond3A : i32
    scf.if %cond3A_1 {
      %mul3A = arith.constant 200 : i32
      %mul3A_7 = arith.muli %arg1, %mul3A : i32
      %mul3A_8 = arith.constant 625 : i32
      %mul3A_9 = arith.muli %arg1, %mul3A_8 : i32
      "tpu.region"() ({
        %run_scoped3A_81 = tpu.sem_alloc : memref<!tpu.dma_semaphore, #tpu.memory_space<semaphore_mem>>
        %dma_start3A_82 = arith.constant 0 : i32
        %dma_start3A_83 = tpu.memref_slice %arg17[%mul3A_9, %dma_start3A_82] : memref<10000x128xf32, #tpu.memory_space<vmem_shared>> -> memref<625x128xf32, #tpu.memory_space<vmem_shared>>
        %dma_start3A_84 = arith.constant 0 : i32
        %dma_start3A_85 = arith.constant 0 : i32
        %dma_start3A_86 = tpu.memref_slice %arg5[%dma_start3A_84, %dma_start3A_85] : memref<625x128xf32, #tpu.memory_space<hbm>> -> memref<625x128xf32, #tpu.memory_space<hbm>>
        tpu.enqueue_dma source(%dma_start3A_86 : memref<625x128xf32, #tpu.memory_space<hbm>>) target(%dma_start3A_83 : memref<625x128xf32, #tpu.memory_space<vmem_shared>>) target_semaphore(%run_scoped3A_81 : memref<!tpu.dma_semaphore, #tpu.memory_space<semaphore_mem>>)
        %dma_wait3A = arith.constant 0 : i32
        %dma_wait3A_87 = tpu.memref_slice %arg17[%mul3A_9, %dma_wait3A] : memref<10000x128xf32, #tpu.memory_space<vmem_shared>> -> memref<625x128xf32, #tpu.memory_space<vmem_shared>>
        %dma_wait3A_88 = arith.constant 0 : i32
        %dma_wait3A_89 = arith.constant 0 : i32
        %dma_wait3A_90 = tpu.memref_slice %arg5[%dma_wait3A_88, %dma_wait3A_89] : memref<625x128xf32, #tpu.memory_space<hbm>> -> memref<625x128xf32, #tpu.memory_space<hbm>>
        tpu.wait_dma2 semaphore(%run_scoped3A_81 : memref<!tpu.dma_semaphore, #tpu.memory_space<semaphore_mem>>) src(%dma_wait3A_90 : memref<625x128xf32, #tpu.memory_space<hbm>>) dst(%dma_wait3A_87 : memref<625x128xf32, #tpu.memory_space<vmem_shared>>)
        tpu.yield
      }) : () -> ()
      %mul3A_10 = arith.constant 625 : i32
      %mul3A_11 = arith.muli %arg1, %mul3A_10 : i32
      "tpu.region"() ({
        %run_scoped3A_81 = tpu.sem_alloc : memref<!tpu.dma_semaphore, #tpu.memory_space<semaphore_mem>>
        %dma_start3A_82 = arith.constant 0 : i32
        %dma_start3A_83 = tpu.memref_slice %arg18[%mul3A_11, %dma_start3A_82] : memref<10000x16xf32, #tpu.memory_space<vmem_shared>> -> memref<625x16xf32, #tpu.memory_space<vmem_shared>>
        %dma_start3A_84 = arith.constant 0 : i32
        %dma_start3A_85 = arith.constant 0 : i32
        %dma_start3A_86 = tpu.memref_slice %arg6[%dma_start3A_84, %dma_start3A_85] : memref<625x16xf32, #tpu.memory_space<hbm>> -> memref<625x16xf32, #tpu.memory_space<hbm>>
        tpu.enqueue_dma source(%dma_start3A_86 : memref<625x16xf32, #tpu.memory_space<hbm>>) target(%dma_start3A_83 : memref<625x16xf32, #tpu.memory_space<vmem_shared>>) target_semaphore(%run_scoped3A_81 : memref<!tpu.dma_semaphore, #tpu.memory_space<semaphore_mem>>)
        %dma_wait3A = arith.constant 0 : i32
        %dma_wait3A_87 = tpu.memref_slice %arg18[%mul3A_11, %dma_wait3A] : memref<10000x16xf32, #tpu.memory_space<vmem_shared>> -> memref<625x16xf32, #tpu.memory_space<vmem_shared>>
        %dma_wait3A_88 = arith.constant 0 : i32
        %dma_wait3A_89 = arith.constant 0 : i32
        %dma_wait3A_90 = tpu.memref_slice %arg6[%dma_wait3A_88, %dma_wait3A_89] : memref<625x16xf32, #tpu.memory_space<hbm>> -> memref<625x16xf32, #tpu.memory_space<hbm>>
        tpu.wait_dma2 semaphore(%run_scoped3A_81 : memref<!tpu.dma_semaphore, #tpu.memory_space<semaphore_mem>>) src(%dma_wait3A_90 : memref<625x16xf32, #tpu.memory_space<hbm>>) dst(%dma_wait3A_87 : memref<625x16xf32, #tpu.memory_space<vmem_shared>>)
        tpu.yield
      }) : () -> ()
      "tpu.region"() ({
        %run_scoped3A_81 = tpu.sem_alloc : memref<!tpu.dma_semaphore, #tpu.memory_space<semaphore_mem>>
        tpu.enqueue_dma source(%arg7 : memref<100x16xf32, #tpu.memory_space<hbm>>) target(%arg15 : memref<100x16xf32, #tpu.memory_space<vmem>>) target_semaphore(%run_scoped3A_81 : memref<!tpu.dma_semaphore, #tpu.memory_space<semaphore_mem>>)
        tpu.wait_dma2 semaphore(%run_scoped3A_81 : memref<!tpu.dma_semaphore, #tpu.memory_space<semaphore_mem>>) src(%arg7 : memref<100x16xf32, #tpu.memory_space<hbm>>) dst(%arg15 : memref<100x16xf32, #tpu.memory_space<vmem>>)
        tpu.yield
      }) : () -> ()
      %run_scoped3A = arith.constant 0 : i32
      "tpu.region"() ({
        %run_scoped3A_81 = tpu.sem_alloc : memref<!tpu.dma_semaphore, #tpu.memory_space<semaphore_mem>>
        %dma_start3A_82 = arith.constant 0 : i32
        %dma_start3A_83 = arith.constant 0 : i32
        %dma_start3A_84 = tpu.memref_slice %arg12[%run_scoped3A, %dma_start3A_82, %dma_start3A_83] : memref<4x2x100xi32, #tpu.memory_space<vmem>> -> memref<1x2x100xi32, #tpu.memory_space<vmem>>
        %dma_start3A_85 = tpu.memref_squeeze %dma_start3A_84 : memref<1x2x100xi32, #tpu.memory_space<vmem>> -> memref<2x100xi32, #tpu.memory_space<vmem>>
        %dma_start3A_86 = arith.constant 0 : i32
        %dma_start3A_87 = arith.constant 0 : i32
        %dma_start3A_88 = tpu.memref_slice %arg3[%mul3A_7, %dma_start3A_86, %dma_start3A_87] : memref<3200x2x100xi32, #tpu.memory_space<hbm>> -> memref<1x2x100xi32, #tpu.memory_space<hbm>>
        %dma_start3A_89 = tpu.memref_squeeze %dma_start3A_88 : memref<1x2x100xi32, #tpu.memory_space<hbm>> -> memref<2x100xi32, #tpu.memory_space<hbm>>
        %dma_start3A_90 = arith.constant 0 : i32
        %dma_start3A_91 = arith.constant 0 : i32
        %dma_start3A_92 = tpu.memref_slice %arg12[%run_scoped3A, %dma_start3A_90, %dma_start3A_91] : memref<4x2x100xi32, #tpu.memory_space<vmem>> -> memref<1x2x100xi32, #tpu.memory_space<vmem>>
        %dma_start3A_93 = tpu.memref_squeeze %dma_start3A_92 : memref<1x2x100xi32, #tpu.memory_space<vmem>> -> memref<2x100xi32, #tpu.memory_space<vmem>>
        %dma_start3A_94 = arith.constant 0 : i32
        %dma_start3A_95 = arith.constant 0 : i32
        %dma_start3A_96 = tpu.memref_slice %arg3[%mul3A_7, %dma_start3A_94, %dma_start3A_95] : memref<3200x2x100xi32, #tpu.memory_space<hbm>> -> memref<1x2x100xi32, #tpu.memory_space<hbm>>
        %dma_start3A_97 = tpu.memref_squeeze %dma_start3A_96 : memref<1x2x100xi32, #tpu.memory_space<hbm>> -> memref<2x100xi32, #tpu.memory_space<hbm>>
        tpu.enqueue_dma source(%dma_start3A_97 : memref<2x100xi32, #tpu.memory_space<hbm>>) target(%dma_start3A_93 : memref<2x100xi32, #tpu.memory_space<vmem>>) target_semaphore(%run_scoped3A_81 : memref<!tpu.dma_semaphore, #tpu.memory_space<semaphore_mem>>)
        %dma_wait3A = arith.constant 0 : i32
        %dma_wait3A_98 = arith.constant 0 : i32
        %dma_wait3A_99 = tpu.memref_slice %arg12[%run_scoped3A, %dma_wait3A, %dma_wait3A_98] : memref<4x2x100xi32, #tpu.memory_space<vmem>> -> memref<1x2x100xi32, #tpu.memory_space<vmem>>
        %dma_wait3A_100 = tpu.memref_squeeze %dma_wait3A_99 : memref<1x2x100xi32, #tpu.memory_space<vmem>> -> memref<2x100xi32, #tpu.memory_space<vmem>>
        %dma_wait3A_101 = arith.constant 0 : i32
        %dma_wait3A_102 = arith.constant 0 : i32
        %dma_wait3A_103 = tpu.memref_slice %arg3[%mul3A_7, %dma_wait3A_101, %dma_wait3A_102] : memref<3200x2x100xi32, #tpu.memory_space<hbm>> -> memref<1x2x100xi32, #tpu.memory_space<hbm>>
        %dma_wait3A_104 = tpu.memref_squeeze %dma_wait3A_103 : memref<1x2x100xi32, #tpu.memory_space<hbm>> -> memref<2x100xi32, #tpu.memory_space<hbm>>
        %dma_wait3A_105 = arith.constant 0 : i32
        %dma_wait3A_106 = arith.constant 0 : i32
        %dma_wait3A_107 = tpu.memref_slice %arg12[%run_scoped3A, %dma_wait3A_105, %dma_wait3A_106] : memref<4x2x100xi32, #tpu.memory_space<vmem>> -> memref<1x2x100xi32, #tpu.memory_space<vmem>>
        %dma_wait3A_108 = tpu.memref_squeeze %dma_wait3A_107 : memref<1x2x100xi32, #tpu.memory_space<vmem>> -> memref<2x100xi32, #tpu.memory_space<vmem>>
        %dma_wait3A_109 = arith.constant 0 : i32
        %dma_wait3A_110 = arith.constant 0 : i32
        %dma_wait3A_111 = tpu.memref_slice %arg3[%mul3A_7, %dma_wait3A_109, %dma_wait3A_110] : memref<3200x2x100xi32, #tpu.memory_space<hbm>> -> memref<1x2x100xi32, #tpu.memory_space<hbm>>
        %dma_wait3A_112 = tpu.memref_squeeze %dma_wait3A_111 : memref<1x2x100xi32, #tpu.memory_space<hbm>> -> memref<2x100xi32, #tpu.memory_space<hbm>>
        tpu.wait_dma2 semaphore(%run_scoped3A_81 : memref<!tpu.dma_semaphore, #tpu.memory_space<semaphore_mem>>) src(%dma_wait3A_112 : memref<2x100xi32, #tpu.memory_space<hbm>>) dst(%dma_wait3A_108 : memref<2x100xi32, #tpu.memory_space<vmem>>)
        tpu.yield
      }) : () -> ()
      %add3A = arith.constant 1 : i32
      %add3A_12 = arith.addi %mul3A_7, %add3A : i32
      %run_scoped3A_13 = arith.constant 1 : i32
      "tpu.region"() ({
        %run_scoped3A_81 = tpu.sem_alloc : memref<!tpu.dma_semaphore, #tpu.memory_space<semaphore_mem>>
        %dma_start3A_82 = arith.constant 0 : i32
        %dma_start3A_83 = arith.constant 0 : i32
        %dma_start3A_84 = tpu.memref_slice %arg12[%run_scoped3A_13, %dma_start3A_82, %dma_start3A_83] : memref<4x2x100xi32, #tpu.memory_space<vmem>> -> memref<1x2x100xi32, #tpu.memory_space<vmem>>
        %dma_start3A_85 = tpu.memref_squeeze %dma_start3A_84 : memref<1x2x100xi32, #tpu.memory_space<vmem>> -> memref<2x100xi32, #tpu.memory_space<vmem>>
        %dma_start3A_86 = arith.constant 0 : i32
        %dma_start3A_87 = arith.constant 0 : i32
        %dma_start3A_88 = tpu.memref_slice %arg3[%add3A_12, %dma_start3A_86, %dma_start3A_87] : memref<3200x2x100xi32, #tpu.memory_space<hbm>> -> memref<1x2x100xi32, #tpu.memory_space<hbm>>
        %dma_start3A_89 = tpu.memref_squeeze %dma_start3A_88 : memref<1x2x100xi32, #tpu.memory_space<hbm>> -> memref<2x100xi32, #tpu.memory_space<hbm>>
        %dma_start3A_90 = arith.constant 0 : i32
        %dma_start3A_91 = arith.constant 0 : i32
        %dma_start3A_92 = tpu.memref_slice %arg12[%run_scoped3A_13, %dma_start3A_90, %dma_start3A_91] : memref<4x2x100xi32, #tpu.memory_space<vmem>> -> memref<1x2x100xi32, #tpu.memory_space<vmem>>
        %dma_start3A_93 = tpu.memref_squeeze %dma_start3A_92 : memref<1x2x100xi32, #tpu.memory_space<vmem>> -> memref<2x100xi32, #tpu.memory_space<vmem>>
        %dma_start3A_94 = arith.constant 0 : i32
        %dma_start3A_95 = arith.constant 0 : i32
        %dma_start3A_96 = tpu.memref_slice %arg3[%add3A_12, %dma_start3A_94, %dma_start3A_95] : memref<3200x2x100xi32, #tpu.memory_space<hbm>> -> memref<1x2x100xi32, #tpu.memory_space<hbm>>
        %dma_start3A_97 = tpu.memref_squeeze %dma_start3A_96 : memref<1x2x100xi32, #tpu.memory_space<hbm>> -> memref<2x100xi32, #tpu.memory_space<hbm>>
        tpu.enqueue_dma source(%dma_start3A_97 : memref<2x100xi32, #tpu.memory_space<hbm>>) target(%dma_start3A_93 : memref<2x100xi32, #tpu.memory_space<vmem>>) target_semaphore(%run_scoped3A_81 : memref<!tpu.dma_semaphore, #tpu.memory_space<semaphore_mem>>)
        %dma_wait3A = arith.constant 0 : i32
        %dma_wait3A_98 = arith.constant 0 : i32
        %dma_wait3A_99 = tpu.memref_slice %arg12[%run_scoped3A_13, %dma_wait3A, %dma_wait3A_98] : memref<4x2x100xi32, #tpu.memory_space<vmem>> -> memref<1x2x100xi32, #tpu.memory_space<vmem>>
        %dma_wait3A_100 = tpu.memref_squeeze %dma_wait3A_99 : memref<1x2x100xi32, #tpu.memory_space<vmem>> -> memref<2x100xi32, #tpu.memory_space<vmem>>
        %dma_wait3A_101 = arith.constant 0 : i32
        %dma_wait3A_102 = arith.constant 0 : i32
        %dma_wait3A_103 = tpu.memref_slice %arg3[%add3A_12, %dma_wait3A_101, %dma_wait3A_102] : memref<3200x2x100xi32, #tpu.memory_space<hbm>> -> memref<1x2x100xi32, #tpu.memory_space<hbm>>
        %dma_wait3A_104 = tpu.memref_squeeze %dma_wait3A_103 : memref<1x2x100xi32, #tpu.memory_space<hbm>> -> memref<2x100xi32, #tpu.memory_space<hbm>>
        %dma_wait3A_105 = arith.constant 0 : i32
        %dma_wait3A_106 = arith.constant 0 : i32
        %dma_wait3A_107 = tpu.memref_slice %arg12[%run_scoped3A_13, %dma_wait3A_105, %dma_wait3A_106] : memref<4x2x100xi32, #tpu.memory_space<vmem>> -> memref<1x2x100xi32, #tpu.memory_space<vmem>>
        %dma_wait3A_108 = tpu.memref_squeeze %dma_wait3A_107 : memref<1x2x100xi32, #tpu.memory_space<vmem>> -> memref<2x100xi32, #tpu.memory_space<vmem>>
        %dma_wait3A_109 = arith.constant 0 : i32
        %dma_wait3A_110 = arith.constant 0 : i32
        %dma_wait3A_111 = tpu.memref_slice %arg3[%add3A_12, %dma_wait3A_109, %dma_wait3A_110] : memref<3200x2x100xi32, #tpu.memory_space<hbm>> -> memref<1x2x100xi32, #tpu.memory_space<hbm>>
        %dma_wait3A_112 = tpu.memref_squeeze %dma_wait3A_111 : memref<1x2x100xi32, #tpu.memory_space<hbm>> -> memref<2x100xi32, #tpu.memory_space<hbm>>
        tpu.wait_dma2 semaphore(%run_scoped3A_81 : memref<!tpu.dma_semaphore, #tpu.memory_space<semaphore_mem>>) src(%dma_wait3A_112 : memref<2x100xi32, #tpu.memory_space<hbm>>) dst(%dma_wait3A_108 : memref<2x100xi32, #tpu.memory_space<vmem>>)
        tpu.yield
      }) : () -> ()
      %add3A_14 = arith.constant 2 : i32
      %add3A_15 = arith.addi %mul3A_7, %add3A_14 : i32
      %dma_start3A = arith.constant 2 : i32
      %dma_start3A_16 = arith.constant 0 : i32
      %dma_start3A_17 = arith.constant 0 : i32
      %dma_start3A_18 = tpu.memref_slice %arg12[%dma_start3A, %dma_start3A_16, %dma_start3A_17] : memref<4x2x100xi32, #tpu.memory_space<vmem>> -> memref<1x2x100xi32, #tpu.memory_space<vmem>>
      %dma_start3A_19 = tpu.memref_squeeze %dma_start3A_18 : memref<1x2x100xi32, #tpu.memory_space<vmem>> -> memref<2x100xi32, #tpu.memory_space<vmem>>
      %dma_start3A_20 = arith.constant 0 : i32
      %dma_start3A_21 = arith.constant 0 : i32
      %dma_start3A_22 = tpu.memref_slice %arg3[%add3A_15, %dma_start3A_20, %dma_start3A_21] : memref<3200x2x100xi32, #tpu.memory_space<hbm>> -> memref<1x2x100xi32, #tpu.memory_space<hbm>>
      %dma_start3A_23 = tpu.memref_squeeze %dma_start3A_22 : memref<1x2x100xi32, #tpu.memory_space<hbm>> -> memref<2x100xi32, #tpu.memory_space<hbm>>
      %dma_start3A_24 = arith.constant 0 : i32
      %dma_start3A_25 = arith.constant 0 : i32
      %dma_start3A_26 = tpu.memref_slice %arg12[%dma_start3A, %dma_start3A_24, %dma_start3A_25] : memref<4x2x100xi32, #tpu.memory_space<vmem>> -> memref<1x2x100xi32, #tpu.memory_space<vmem>>
      %dma_start3A_27 = tpu.memref_squeeze %dma_start3A_26 : memref<1x2x100xi32, #tpu.memory_space<vmem>> -> memref<2x100xi32, #tpu.memory_space<vmem>>
      %dma_start3A_28 = arith.constant 0 : i32
      %dma_start3A_29 = arith.constant 0 : i32
      %dma_start3A_30 = tpu.memref_slice %arg3[%add3A_15, %dma_start3A_28, %dma_start3A_29] : memref<3200x2x100xi32, #tpu.memory_space<hbm>> -> memref<1x2x100xi32, #tpu.memory_space<hbm>>
      %dma_start3A_31 = tpu.memref_squeeze %dma_start3A_30 : memref<1x2x100xi32, #tpu.memory_space<hbm>> -> memref<2x100xi32, #tpu.memory_space<hbm>>
      tpu.enqueue_dma source(%dma_start3A_31 : memref<2x100xi32, #tpu.memory_space<hbm>>) target(%dma_start3A_27 : memref<2x100xi32, #tpu.memory_space<vmem>>) target_semaphore(%arg24 : memref<!tpu.dma_semaphore, #tpu.memory_space<semaphore_mem>>)
      %add3A_32 = arith.constant 3 : i32
      %add3A_33 = arith.addi %mul3A_7, %add3A_32 : i32
      %dma_start3A_34 = arith.constant 3 : i32
      %dma_start3A_35 = arith.constant 0 : i32
      %dma_start3A_36 = arith.constant 0 : i32
      %dma_start3A_37 = tpu.memref_slice %arg12[%dma_start3A_34, %dma_start3A_35, %dma_start3A_36] : memref<4x2x100xi32, #tpu.memory_space<vmem>> -> memref<1x2x100xi32, #tpu.memory_space<vmem>>
      %dma_start3A_38 = tpu.memref_squeeze %dma_start3A_37 : memref<1x2x100xi32, #tpu.memory_space<vmem>> -> memref<2x100xi32, #tpu.memory_space<vmem>>
      %dma_start3A_39 = arith.constant 0 : i32
      %dma_start3A_40 = arith.constant 0 : i32
      %dma_start3A_41 = tpu.memref_slice %arg3[%add3A_33, %dma_start3A_39, %dma_start3A_40] : memref<3200x2x100xi32, #tpu.memory_space<hbm>> -> memref<1x2x100xi32, #tpu.memory_space<hbm>>
      %dma_start3A_42 = tpu.memref_squeeze %dma_start3A_41 : memref<1x2x100xi32, #tpu.memory_space<hbm>> -> memref<2x100xi32, #tpu.memory_space<hbm>>
      %dma_start3A_43 = arith.constant 0 : i32
      %dma_start3A_44 = arith.constant 0 : i32
      %dma_start3A_45 = tpu.memref_slice %arg12[%dma_start3A_34, %dma_start3A_43, %dma_start3A_44] : memref<4x2x100xi32, #tpu.memory_space<vmem>> -> memref<1x2x100xi32, #tpu.memory_space<vmem>>
      %dma_start3A_46 = tpu.memref_squeeze %dma_start3A_45 : memref<1x2x100xi32, #tpu.memory_space<vmem>> -> memref<2x100xi32, #tpu.memory_space<vmem>>
      %dma_start3A_47 = arith.constant 0 : i32
      %dma_start3A_48 = arith.constant 0 : i32
      %dma_start3A_49 = tpu.memref_slice %arg3[%add3A_33, %dma_start3A_47, %dma_start3A_48] : memref<3200x2x100xi32, #tpu.memory_space<hbm>> -> memref<1x2x100xi32, #tpu.memory_space<hbm>>
      %dma_start3A_50 = tpu.memref_squeeze %dma_start3A_49 : memref<1x2x100xi32, #tpu.memory_space<hbm>> -> memref<2x100xi32, #tpu.memory_space<hbm>>
      tpu.enqueue_dma source(%dma_start3A_50 : memref<2x100xi32, #tpu.memory_space<hbm>>) target(%dma_start3A_46 : memref<2x100xi32, #tpu.memory_space<vmem>>) target_semaphore(%arg25 : memref<!tpu.dma_semaphore, #tpu.memory_space<semaphore_mem>>)
      %dma_start3A_51 = arith.constant 0 : i32
      %dma_start3A_52 = arith.constant 0 : i32
      %dma_start3A_53 = arith.constant 0 : i32
      %dma_start3A_54 = tpu.memref_slice %arg12[%dma_start3A_51, %dma_start3A_52, %dma_start3A_53] : memref<4x2x100xi32, #tpu.memory_space<vmem>> -> memref<1x1x100xi32, #tpu.memory_space<vmem>>
      %dma_start3A_55 = tpu.memref_squeeze %dma_start3A_54 : memref<1x1x100xi32, #tpu.memory_space<vmem>> -> memref<100xi32, #tpu.memory_space<vmem>>
      %dma_start3A_56 = arith.constant 0 : i32
      %dma_start3A_57 = arith.constant 0 : i32
      %dma_start3A_58 = tpu.memref_slice %arg2[%dma_start3A_56, %dma_start3A_57] : memref<10000x128xf32, #tpu.memory_space<hbm>> -> memref<10000x128xf32, #tpu.memory_space<hbm>>
      tpu.enqueue_indirect_dma source(%dma_start3A_58 : memref<10000x128xf32, #tpu.memory_space<hbm>>) target(%arg13 : memref<100x128xf32, #tpu.memory_space<vmem>>) offsets(%dma_start3A_55 : memref<100xi32, #tpu.memory_space<vmem>>) semaphore(%arg20 : memref<!tpu.dma_semaphore, #tpu.memory_space<semaphore_mem>>)
      %dma_start3A_59 = arith.constant 1 : i32
      %dma_start3A_60 = arith.constant 0 : i32
      %dma_start3A_61 = arith.constant 0 : i32
      %dma_start3A_62 = tpu.memref_slice %arg12[%dma_start3A_59, %dma_start3A_60, %dma_start3A_61] : memref<4x2x100xi32, #tpu.memory_space<vmem>> -> memref<1x1x100xi32, #tpu.memory_space<vmem>>
      %dma_start3A_63 = tpu.memref_squeeze %dma_start3A_62 : memref<1x1x100xi32, #tpu.memory_space<vmem>> -> memref<100xi32, #tpu.memory_space<vmem>>
      %dma_start3A_64 = arith.constant 0 : i32
      %dma_start3A_65 = arith.constant 0 : i32
      %dma_start3A_66 = tpu.memref_slice %arg2[%dma_start3A_64, %dma_start3A_65] : memref<10000x128xf32, #tpu.memory_space<hbm>> -> memref<10000x128xf32, #tpu.memory_space<hbm>>
      tpu.enqueue_indirect_dma source(%dma_start3A_66 : memref<10000x128xf32, #tpu.memory_space<hbm>>) target(%arg14 : memref<100x128xf32, #tpu.memory_space<vmem>>) offsets(%dma_start3A_63 : memref<100xi32, #tpu.memory_space<vmem>>) semaphore(%arg21 : memref<!tpu.dma_semaphore, #tpu.memory_space<semaphore_mem>>)
      %barrier3A = arith.constant 0 : index
      tpu.barrier barrier_id(%barrier3A)
      %scan3A = arith.constant 0 : i32
      %scan3A_67 = arith.constant 0 : i32
      %scan3A_68 = arith.constant 50 : i32
      %scan3A_69 = arith.addi %scan3A_67, %scan3A_68 : i32
      %scan3A_70 = arith.constant 1 : i32
      scf.for %scan3A_81 = %scan3A_67 to %scan3A_69 step %scan3A_70  : i32 {
        %mul3A_82 = arith.constant 4 : i32
        %mul3A_83 = arith.muli %mul3A_82, %scan3A_81 : i32
        %add3A_84 = arith.constant 0 : i32
        %add3A_85 = arith.addi %mul3A_83, %add3A_84 : i32
        %dma_wait3A = arith.constant 0 : i32
        %dma_wait3A_86 = arith.constant 0 : i32
        %dma_wait3A_87 = arith.constant 0 : i32
        %dma_wait3A_88 = tpu.memref_slice %arg12[%dma_wait3A, %dma_wait3A_86, %dma_wait3A_87] : memref<4x2x100xi32, #tpu.memory_space<vmem>> -> memref<1x1x100xi32, #tpu.memory_space<vmem>>
        %dma_wait3A_89 = tpu.memref_squeeze %dma_wait3A_88 : memref<1x1x100xi32, #tpu.memory_space<vmem>> -> memref<100xi32, #tpu.memory_space<vmem>>
        %dma_wait3A_90 = arith.constant 0 : i32
        %dma_wait3A_91 = arith.constant 0 : i32
        %dma_wait3A_92 = tpu.memref_slice %arg2[%dma_wait3A_90, %dma_wait3A_91] : memref<10000x128xf32, #tpu.memory_space<hbm>> -> memref<10000x128xf32, #tpu.memory_space<hbm>>
        tpu.wait_indirect_dma semaphore(%arg20 : memref<!tpu.dma_semaphore, #tpu.memory_space<semaphore_mem>>) src(%dma_wait3A_92 : memref<10000x128xf32, #tpu.memory_space<hbm>>) dst(%arg13 : memref<100x128xf32, #tpu.memory_space<vmem>>)
        %dma_start3A_93 = arith.constant 0 : i32
        %dma_start3A_94 = arith.constant 1 : i32
        %dma_start3A_95 = arith.constant 0 : i32
        %dma_start3A_96 = tpu.memref_slice %arg12[%dma_start3A_93, %dma_start3A_94, %dma_start3A_95] : memref<4x2x100xi32, #tpu.memory_space<vmem>> -> memref<1x1x100xi32, #tpu.memory_space<vmem>>
        %dma_start3A_97 = tpu.memref_squeeze %dma_start3A_96 : memref<1x1x100xi32, #tpu.memory_space<vmem>> -> memref<100xi32, #tpu.memory_space<vmem>>
        %dma_start3A_98 = arith.constant 0 : i32
        %dma_start3A_99 = arith.constant 0 : i32
        %dma_start3A_100 = tpu.memref_slice %arg18[%dma_start3A_98, %dma_start3A_99] : memref<10000x16xf32, #tpu.memory_space<vmem_shared>> -> memref<10000x16xf32, #tpu.memory_space<vmem_shared>>
        tpu.enqueue_indirect_dma source(%arg15 : memref<100x16xf32, #tpu.memory_space<vmem>>) target(%dma_start3A_100 : memref<10000x16xf32, #tpu.memory_space<vmem_shared>>) offsets(%dma_start3A_97 : memref<100xi32, #tpu.memory_space<vmem>>) semaphore(%arg26 : memref<!tpu.dma_semaphore, #tpu.memory_space<semaphore_mem>>) {add = true}
        %run_scoped3A_101 = arith.constant 0 : i32
        %run_scoped3A_102 = arith.constant 1 : i32
        "tpu.region"() ({
          %run_scoped3A_256 = tpu.sem_alloc : memref<!tpu.dma_semaphore, #tpu.memory_space<semaphore_mem>>
          %dma_start3A_257 = arith.constant 0 : i32
          %dma_start3A_258 = tpu.memref_slice %arg12[%run_scoped3A_101, %run_scoped3A_102, %dma_start3A_257] : memref<4x2x100xi32, #tpu.memory_space<vmem>> -> memref<1x1x100xi32, #tpu.memory_space<vmem>>
          %dma_start3A_259 = tpu.memref_squeeze %dma_start3A_258 : memref<1x1x100xi32, #tpu.memory_space<vmem>> -> memref<100xi32, #tpu.memory_space<vmem>>
          %dma_start3A_260 = arith.constant 0 : i32
          %dma_start3A_261 = arith.constant 0 : i32
          %dma_start3A_262 = tpu.memref_slice %arg17[%dma_start3A_260, %dma_start3A_261] : memref<10000x128xf32, #tpu.memory_space<vmem_shared>> -> memref<10000x128xf32, #tpu.memory_space<vmem_shared>>
          tpu.enqueue_indirect_dma source(%arg13 : memref<100x128xf32, #tpu.memory_space<vmem>>) target(%dma_start3A_262 : memref<10000x128xf32, #tpu.memory_space<vmem_shared>>) offsets(%dma_start3A_259 : memref<100xi32, #tpu.memory_space<vmem>>) semaphore(%run_scoped3A_256 : memref<!tpu.dma_semaphore, #tpu.memory_space<semaphore_mem>>) {add = true}
          %dma_wait3A_263 = arith.constant 0 : i32
          %dma_wait3A_264 = tpu.memref_slice %arg12[%run_scoped3A_101, %run_scoped3A_102, %dma_wait3A_263] : memref<4x2x100xi32, #tpu.memory_space<vmem>> -> memref<1x1x100xi32, #tpu.memory_space<vmem>>
          %dma_wait3A_265 = tpu.memref_squeeze %dma_wait3A_264 : memref<1x1x100xi32, #tpu.memory_space<vmem>> -> memref<100xi32, #tpu.memory_space<vmem>>
          %dma_wait3A_266 = arith.constant 0 : i32
          %dma_wait3A_267 = arith.constant 0 : i32
          %dma_wait3A_268 = tpu.memref_slice %arg17[%dma_wait3A_266, %dma_wait3A_267] : memref<10000x128xf32, #tpu.memory_space<vmem_shared>> -> memref<10000x128xf32, #tpu.memory_space<vmem_shared>>
          tpu.wait_indirect_dma semaphore(%run_scoped3A_256 : memref<!tpu.dma_semaphore, #tpu.memory_space<semaphore_mem>>) src(%arg13 : memref<100x128xf32, #tpu.memory_space<vmem>>) dst(%dma_wait3A_268 : memref<10000x128xf32, #tpu.memory_space<vmem_shared>>)
          tpu.yield
        }) : () -> ()
        %dma_wait3A_103 = arith.constant 0 : i32
        %dma_wait3A_104 = arith.constant 1 : i32
        %dma_wait3A_105 = arith.constant 0 : i32
        %dma_wait3A_106 = tpu.memref_slice %arg12[%dma_wait3A_103, %dma_wait3A_104, %dma_wait3A_105] : memref<4x2x100xi32, #tpu.memory_space<vmem>> -> memref<1x1x100xi32, #tpu.memory_space<vmem>>
        %dma_wait3A_107 = tpu.memref_squeeze %dma_wait3A_106 : memref<1x1x100xi32, #tpu.memory_space<vmem>> -> memref<100xi32, #tpu.memory_space<vmem>>
        %dma_wait3A_108 = arith.constant 0 : i32
        %dma_wait3A_109 = arith.constant 0 : i32
        %dma_wait3A_110 = tpu.memref_slice %arg18[%dma_wait3A_108, %dma_wait3A_109] : memref<10000x16xf32, #tpu.memory_space<vmem_shared>> -> memref<10000x16xf32, #tpu.memory_space<vmem_shared>>
        tpu.wait_indirect_dma semaphore(%arg26 : memref<!tpu.dma_semaphore, #tpu.memory_space<semaphore_mem>>) src(%arg15 : memref<100x16xf32, #tpu.memory_space<vmem>>) dst(%dma_wait3A_110 : memref<10000x16xf32, #tpu.memory_space<vmem_shared>>)
        %add3A_111 = arith.constant 4 : i32
        %add3A_112 = arith.addi %add3A_85, %add3A_111 : i32
        %lt3A = arith.constant 200 : i32
        %lt3A_113 = arith.cmpi slt, %add3A_112, %lt3A : i32
        %convert_element_type3A_114 = arith.extui %lt3A_113 : i1 to i32
        %cond3A_115 = arith.constant 0 : i32
        %cond3A_116 = arith.cmpi ne, %convert_element_type3A_114, %cond3A_115 : i32
        scf.if %cond3A_116 {
          %add3A_256 = arith.addi %mul3A_7, %add3A_85 : i32
          %add3A_257 = arith.constant 4 : i32
          %add3A_258 = arith.addi %add3A_256, %add3A_257 : i32
          %dma_start3A_259 = arith.constant 0 : i32
          %dma_start3A_260 = arith.constant 0 : i32
          %dma_start3A_261 = arith.constant 0 : i32
          %dma_start3A_262 = tpu.memref_slice %arg12[%dma_start3A_259, %dma_start3A_260, %dma_start3A_261] : memref<4x2x100xi32, #tpu.memory_space<vmem>> -> memref<1x2x100xi32, #tpu.memory_space<vmem>>
          %dma_start3A_263 = tpu.memref_squeeze %dma_start3A_262 : memref<1x2x100xi32, #tpu.memory_space<vmem>> -> memref<2x100xi32, #tpu.memory_space<vmem>>
          %dma_start3A_264 = arith.constant 0 : i32
          %dma_start3A_265 = arith.constant 0 : i32
          %dma_start3A_266 = tpu.memref_slice %arg3[%add3A_258, %dma_start3A_264, %dma_start3A_265] : memref<3200x2x100xi32, #tpu.memory_space<hbm>> -> memref<1x2x100xi32, #tpu.memory_space<hbm>>
          %dma_start3A_267 = tpu.memref_squeeze %dma_start3A_266 : memref<1x2x100xi32, #tpu.memory_space<hbm>> -> memref<2x100xi32, #tpu.memory_space<hbm>>
          %dma_start3A_268 = arith.constant 0 : i32
          %dma_start3A_269 = arith.constant 0 : i32
          %dma_start3A_270 = tpu.memref_slice %arg12[%dma_start3A_259, %dma_start3A_268, %dma_start3A_269] : memref<4x2x100xi32, #tpu.memory_space<vmem>> -> memref<1x2x100xi32, #tpu.memory_space<vmem>>
          %dma_start3A_271 = tpu.memref_squeeze %dma_start3A_270 : memref<1x2x100xi32, #tpu.memory_space<vmem>> -> memref<2x100xi32, #tpu.memory_space<vmem>>
          %dma_start3A_272 = arith.constant 0 : i32
          %dma_start3A_273 = arith.constant 0 : i32
          %dma_start3A_274 = tpu.memref_slice %arg3[%add3A_258, %dma_start3A_272, %dma_start3A_273] : memref<3200x2x100xi32, #tpu.memory_space<hbm>> -> memref<1x2x100xi32, #tpu.memory_space<hbm>>
          %dma_start3A_275 = tpu.memref_squeeze %dma_start3A_274 : memref<1x2x100xi32, #tpu.memory_space<hbm>> -> memref<2x100xi32, #tpu.memory_space<hbm>>
          tpu.enqueue_dma source(%dma_start3A_275 : memref<2x100xi32, #tpu.memory_space<hbm>>) target(%dma_start3A_271 : memref<2x100xi32, #tpu.memory_space<vmem>>) target_semaphore(%arg22 : memref<!tpu.dma_semaphore, #tpu.memory_space<semaphore_mem>>)
        } else {
        }
        %add3A_117 = arith.constant 2 : i32
        %add3A_118 = arith.addi %add3A_85, %add3A_117 : i32
        %lt3A_119 = arith.constant 200 : i32
        %lt3A_120 = arith.cmpi slt, %add3A_118, %lt3A_119 : i32
        %convert_element_type3A_121 = arith.extui %lt3A_120 : i1 to i32
        %cond3A_122 = arith.constant 0 : i32
        %cond3A_123 = arith.cmpi ne, %convert_element_type3A_121, %cond3A_122 : i32
        scf.if %cond3A_123 {
          %add3A_256 = arith.addi %mul3A_7, %add3A_85 : i32
          %add3A_257 = arith.constant 2 : i32
          %add3A_258 = arith.addi %add3A_256, %add3A_257 : i32
          %dma_wait3A_259 = arith.constant 2 : i32
          %dma_wait3A_260 = arith.constant 0 : i32
          %dma_wait3A_261 = arith.constant 0 : i32
          %dma_wait3A_262 = tpu.memref_slice %arg12[%dma_wait3A_259, %dma_wait3A_260, %dma_wait3A_261] : memref<4x2x100xi32, #tpu.memory_space<vmem>> -> memref<1x2x100xi32, #tpu.memory_space<vmem>>
          %dma_wait3A_263 = tpu.memref_squeeze %dma_wait3A_262 : memref<1x2x100xi32, #tpu.memory_space<vmem>> -> memref<2x100xi32, #tpu.memory_space<vmem>>
          %dma_wait3A_264 = arith.constant 0 : i32
          %dma_wait3A_265 = arith.constant 0 : i32
          %dma_wait3A_266 = tpu.memref_slice %arg3[%add3A_258, %dma_wait3A_264, %dma_wait3A_265] : memref<3200x2x100xi32, #tpu.memory_space<hbm>> -> memref<1x2x100xi32, #tpu.memory_space<hbm>>
          %dma_wait3A_267 = tpu.memref_squeeze %dma_wait3A_266 : memref<1x2x100xi32, #tpu.memory_space<hbm>> -> memref<2x100xi32, #tpu.memory_space<hbm>>
          %dma_wait3A_268 = arith.constant 0 : i32
          %dma_wait3A_269 = arith.constant 0 : i32
          %dma_wait3A_270 = tpu.memref_slice %arg12[%dma_wait3A_259, %dma_wait3A_268, %dma_wait3A_269] : memref<4x2x100xi32, #tpu.memory_space<vmem>> -> memref<1x2x100xi32, #tpu.memory_space<vmem>>
          %dma_wait3A_271 = tpu.memref_squeeze %dma_wait3A_270 : memref<1x2x100xi32, #tpu.memory_space<vmem>> -> memref<2x100xi32, #tpu.memory_space<vmem>>
          %dma_wait3A_272 = arith.constant 0 : i32
          %dma_wait3A_273 = arith.constant 0 : i32
          %dma_wait3A_274 = tpu.memref_slice %arg3[%add3A_258, %dma_wait3A_272, %dma_wait3A_273] : memref<3200x2x100xi32, #tpu.memory_space<hbm>> -> memref<1x2x100xi32, #tpu.memory_space<hbm>>
          %dma_wait3A_275 = tpu.memref_squeeze %dma_wait3A_274 : memref<1x2x100xi32, #tpu.memory_space<hbm>> -> memref<2x100xi32, #tpu.memory_space<hbm>>
          tpu.wait_dma2 semaphore(%arg24 : memref<!tpu.dma_semaphore, #tpu.memory_space<semaphore_mem>>) src(%dma_wait3A_275 : memref<2x100xi32, #tpu.memory_space<hbm>>) dst(%dma_wait3A_271 : memref<2x100xi32, #tpu.memory_space<vmem>>)
          %dma_start3A_276 = arith.constant 2 : i32
          %dma_start3A_277 = arith.constant 0 : i32
          %dma_start3A_278 = arith.constant 0 : i32
          %dma_start3A_279 = tpu.memref_slice %arg12[%dma_start3A_276, %dma_start3A_277, %dma_start3A_278] : memref<4x2x100xi32, #tpu.memory_space<vmem>> -> memref<1x1x100xi32, #tpu.memory_space<vmem>>
          %dma_start3A_280 = tpu.memref_squeeze %dma_start3A_279 : memref<1x1x100xi32, #tpu.memory_space<vmem>> -> memref<100xi32, #tpu.memory_space<vmem>>
          %dma_start3A_281 = arith.constant 0 : i32
          %dma_start3A_282 = arith.constant 0 : i32
          %dma_start3A_283 = tpu.memref_slice %arg2[%dma_start3A_281, %dma_start3A_282] : memref<10000x128xf32, #tpu.memory_space<hbm>> -> memref<10000x128xf32, #tpu.memory_space<hbm>>
          tpu.enqueue_indirect_dma source(%dma_start3A_283 : memref<10000x128xf32, #tpu.memory_space<hbm>>) target(%arg13 : memref<100x128xf32, #tpu.memory_space<vmem>>) offsets(%dma_start3A_280 : memref<100xi32, #tpu.memory_space<vmem>>) semaphore(%arg20 : memref<!tpu.dma_semaphore, #tpu.memory_space<semaphore_mem>>)
        } else {
        }
        %mul3A_124 = arith.constant 4 : i32
        %mul3A_125 = arith.muli %mul3A_124, %scan3A_81 : i32
        %add3A_126 = arith.constant 1 : i32
        %add3A_127 = arith.addi %mul3A_125, %add3A_126 : i32
        %dma_wait3A_128 = arith.constant 1 : i32
        %dma_wait3A_129 = arith.constant 0 : i32
        %dma_wait3A_130 = arith.constant 0 : i32
        %dma_wait3A_131 = tpu.memref_slice %arg12[%dma_wait3A_128, %dma_wait3A_129, %dma_wait3A_130] : memref<4x2x100xi32, #tpu.memory_space<vmem>> -> memref<1x1x100xi32, #tpu.memory_space<vmem>>
        %dma_wait3A_132 = tpu.memref_squeeze %dma_wait3A_131 : memref<1x1x100xi32, #tpu.memory_space<vmem>> -> memref<100xi32, #tpu.memory_space<vmem>>
        %dma_wait3A_133 = arith.constant 0 : i32
        %dma_wait3A_134 = arith.constant 0 : i32
        %dma_wait3A_135 = tpu.memref_slice %arg2[%dma_wait3A_133, %dma_wait3A_134] : memref<10000x128xf32, #tpu.memory_space<hbm>> -> memref<10000x128xf32, #tpu.memory_space<hbm>>
        tpu.wait_indirect_dma semaphore(%arg21 : memref<!tpu.dma_semaphore, #tpu.memory_space<semaphore_mem>>) src(%dma_wait3A_135 : memref<10000x128xf32, #tpu.memory_space<hbm>>) dst(%arg14 : memref<100x128xf32, #tpu.memory_space<vmem>>)
        %dma_start3A_136 = arith.constant 1 : i32
        %dma_start3A_137 = arith.constant 1 : i32
        %dma_start3A_138 = arith.constant 0 : i32
        %dma_start3A_139 = tpu.memref_slice %arg12[%dma_start3A_136, %dma_start3A_137, %dma_start3A_138] : memref<4x2x100xi32, #tpu.memory_space<vmem>> -> memref<1x1x100xi32, #tpu.memory_space<vmem>>
        %dma_start3A_140 = tpu.memref_squeeze %dma_start3A_139 : memref<1x1x100xi32, #tpu.memory_space<vmem>> -> memref<100xi32, #tpu.memory_space<vmem>>
        %dma_start3A_141 = arith.constant 0 : i32
        %dma_start3A_142 = arith.constant 0 : i32
        %dma_start3A_143 = tpu.memref_slice %arg18[%dma_start3A_141, %dma_start3A_142] : memref<10000x16xf32, #tpu.memory_space<vmem_shared>> -> memref<10000x16xf32, #tpu.memory_space<vmem_shared>>
        tpu.enqueue_indirect_dma source(%arg15 : memref<100x16xf32, #tpu.memory_space<vmem>>) target(%dma_start3A_143 : memref<10000x16xf32, #tpu.memory_space<vmem_shared>>) offsets(%dma_start3A_140 : memref<100xi32, #tpu.memory_space<vmem>>) semaphore(%arg26 : memref<!tpu.dma_semaphore, #tpu.memory_space<semaphore_mem>>) {add = true}
        %run_scoped3A_144 = arith.constant 1 : i32
        %run_scoped3A_145 = arith.constant 1 : i32
        "tpu.region"() ({
          %run_scoped3A_256 = tpu.sem_alloc : memref<!tpu.dma_semaphore, #tpu.memory_space<semaphore_mem>>
          %dma_start3A_257 = arith.constant 0 : i32
          %dma_start3A_258 = tpu.memref_slice %arg12[%run_scoped3A_144, %run_scoped3A_145, %dma_start3A_257] : memref<4x2x100xi32, #tpu.memory_space<vmem>> -> memref<1x1x100xi32, #tpu.memory_space<vmem>>
          %dma_start3A_259 = tpu.memref_squeeze %dma_start3A_258 : memref<1x1x100xi32, #tpu.memory_space<vmem>> -> memref<100xi32, #tpu.memory_space<vmem>>
          %dma_start3A_260 = arith.constant 0 : i32
          %dma_start3A_261 = arith.constant 0 : i32
          %dma_start3A_262 = tpu.memref_slice %arg17[%dma_start3A_260, %dma_start3A_261] : memref<10000x128xf32, #tpu.memory_space<vmem_shared>> -> memref<10000x128xf32, #tpu.memory_space<vmem_shared>>
          tpu.enqueue_indirect_dma source(%arg14 : memref<100x128xf32, #tpu.memory_space<vmem>>) target(%dma_start3A_262 : memref<10000x128xf32, #tpu.memory_space<vmem_shared>>) offsets(%dma_start3A_259 : memref<100xi32, #tpu.memory_space<vmem>>) semaphore(%run_scoped3A_256 : memref<!tpu.dma_semaphore, #tpu.memory_space<semaphore_mem>>) {add = true}
          %dma_wait3A_263 = arith.constant 0 : i32
          %dma_wait3A_264 = tpu.memref_slice %arg12[%run_scoped3A_144, %run_scoped3A_145, %dma_wait3A_263] : memref<4x2x100xi32, #tpu.memory_space<vmem>> -> memref<1x1x100xi32, #tpu.memory_space<vmem>>
          %dma_wait3A_265 = tpu.memref_squeeze %dma_wait3A_264 : memref<1x1x100xi32, #tpu.memory_space<vmem>> -> memref<100xi32, #tpu.memory_space<vmem>>
          %dma_wait3A_266 = arith.constant 0 : i32
          %dma_wait3A_267 = arith.constant 0 : i32
          %dma_wait3A_268 = tpu.memref_slice %arg17[%dma_wait3A_266, %dma_wait3A_267] : memref<10000x128xf32, #tpu.memory_space<vmem_shared>> -> memref<10000x128xf32, #tpu.memory_space<vmem_shared>>
          tpu.wait_indirect_dma semaphore(%run_scoped3A_256 : memref<!tpu.dma_semaphore, #tpu.memory_space<semaphore_mem>>) src(%arg14 : memref<100x128xf32, #tpu.memory_space<vmem>>) dst(%dma_wait3A_268 : memref<10000x128xf32, #tpu.memory_space<vmem_shared>>)
          tpu.yield
        }) : () -> ()
        %dma_wait3A_146 = arith.constant 1 : i32
        %dma_wait3A_147 = arith.constant 1 : i32
        %dma_wait3A_148 = arith.constant 0 : i32
        %dma_wait3A_149 = tpu.memref_slice %arg12[%dma_wait3A_146, %dma_wait3A_147, %dma_wait3A_148] : memref<4x2x100xi32, #tpu.memory_space<vmem>> -> memref<1x1x100xi32, #tpu.memory_space<vmem>>
        %dma_wait3A_150 = tpu.memref_squeeze %dma_wait3A_149 : memref<1x1x100xi32, #tpu.memory_space<vmem>> -> memref<100xi32, #tpu.memory_space<vmem>>
        %dma_wait3A_151 = arith.constant 0 : i32
        %dma_wait3A_152 = arith.constant 0 : i32
        %dma_wait3A_153 = tpu.memref_slice %arg18[%dma_wait3A_151, %dma_wait3A_152] : memref<10000x16xf32, #tpu.memory_space<vmem_shared>> -> memref<10000x16xf32, #tpu.memory_space<vmem_shared>>
        tpu.wait_indirect_dma semaphore(%arg26 : memref<!tpu.dma_semaphore, #tpu.memory_space<semaphore_mem>>) src(%arg15 : memref<100x16xf32, #tpu.memory_space<vmem>>) dst(%dma_wait3A_153 : memref<10000x16xf32, #tpu.memory_space<vmem_shared>>)
        %add3A_154 = arith.constant 4 : i32
        %add3A_155 = arith.addi %add3A_127, %add3A_154 : i32
        %lt3A_156 = arith.constant 200 : i32
        %lt3A_157 = arith.cmpi slt, %add3A_155, %lt3A_156 : i32
        %convert_element_type3A_158 = arith.extui %lt3A_157 : i1 to i32
        %cond3A_159 = arith.constant 0 : i32
        %cond3A_160 = arith.cmpi ne, %convert_element_type3A_158, %cond3A_159 : i32
        scf.if %cond3A_160 {
          %add3A_256 = arith.addi %mul3A_7, %add3A_127 : i32
          %add3A_257 = arith.constant 4 : i32
          %add3A_258 = arith.addi %add3A_256, %add3A_257 : i32
          %dma_start3A_259 = arith.constant 1 : i32
          %dma_start3A_260 = arith.constant 0 : i32
          %dma_start3A_261 = arith.constant 0 : i32
          %dma_start3A_262 = tpu.memref_slice %arg12[%dma_start3A_259, %dma_start3A_260, %dma_start3A_261] : memref<4x2x100xi32, #tpu.memory_space<vmem>> -> memref<1x2x100xi32, #tpu.memory_space<vmem>>
          %dma_start3A_263 = tpu.memref_squeeze %dma_start3A_262 : memref<1x2x100xi32, #tpu.memory_space<vmem>> -> memref<2x100xi32, #tpu.memory_space<vmem>>
          %dma_start3A_264 = arith.constant 0 : i32
          %dma_start3A_265 = arith.constant 0 : i32
          %dma_start3A_266 = tpu.memref_slice %arg3[%add3A_258, %dma_start3A_264, %dma_start3A_265] : memref<3200x2x100xi32, #tpu.memory_space<hbm>> -> memref<1x2x100xi32, #tpu.memory_space<hbm>>
          %dma_start3A_267 = tpu.memref_squeeze %dma_start3A_266 : memref<1x2x100xi32, #tpu.memory_space<hbm>> -> memref<2x100xi32, #tpu.memory_space<hbm>>
          %dma_start3A_268 = arith.constant 0 : i32
          %dma_start3A_269 = arith.constant 0 : i32
          %dma_start3A_270 = tpu.memref_slice %arg12[%dma_start3A_259, %dma_start3A_268, %dma_start3A_269] : memref<4x2x100xi32, #tpu.memory_space<vmem>> -> memref<1x2x100xi32, #tpu.memory_space<vmem>>
          %dma_start3A_271 = tpu.memref_squeeze %dma_start3A_270 : memref<1x2x100xi32, #tpu.memory_space<vmem>> -> memref<2x100xi32, #tpu.memory_space<vmem>>
          %dma_start3A_272 = arith.constant 0 : i32
          %dma_start3A_273 = arith.constant 0 : i32
          %dma_start3A_274 = tpu.memref_slice %arg3[%add3A_258, %dma_start3A_272, %dma_start3A_273] : memref<3200x2x100xi32, #tpu.memory_space<hbm>> -> memref<1x2x100xi32, #tpu.memory_space<hbm>>
          %dma_start3A_275 = tpu.memref_squeeze %dma_start3A_274 : memref<1x2x100xi32, #tpu.memory_space<hbm>> -> memref<2x100xi32, #tpu.memory_space<hbm>>
          tpu.enqueue_dma source(%dma_start3A_275 : memref<2x100xi32, #tpu.memory_space<hbm>>) target(%dma_start3A_271 : memref<2x100xi32, #tpu.memory_space<vmem>>) target_semaphore(%arg23 : memref<!tpu.dma_semaphore, #tpu.memory_space<semaphore_mem>>)
        } else {
        }
        %add3A_161 = arith.constant 2 : i32
        %add3A_162 = arith.addi %add3A_127, %add3A_161 : i32
        %lt3A_163 = arith.constant 200 : i32
        %lt3A_164 = arith.cmpi slt, %add3A_162, %lt3A_163 : i32
        %convert_element_type3A_165 = arith.extui %lt3A_164 : i1 to i32
        %cond3A_166 = arith.constant 0 : i32
        %cond3A_167 = arith.cmpi ne, %convert_element_type3A_165, %cond3A_166 : i32
        scf.if %cond3A_167 {
          %add3A_256 = arith.addi %mul3A_7, %add3A_127 : i32
          %add3A_257 = arith.constant 2 : i32
          %add3A_258 = arith.addi %add3A_256, %add3A_257 : i32
          %dma_wait3A_259 = arith.constant 3 : i32
          %dma_wait3A_260 = arith.constant 0 : i32
          %dma_wait3A_261 = arith.constant 0 : i32
          %dma_wait3A_262 = tpu.memref_slice %arg12[%dma_wait3A_259, %dma_wait3A_260, %dma_wait3A_261] : memref<4x2x100xi32, #tpu.memory_space<vmem>> -> memref<1x2x100xi32, #tpu.memory_space<vmem>>
          %dma_wait3A_263 = tpu.memref_squeeze %dma_wait3A_262 : memref<1x2x100xi32, #tpu.memory_space<vmem>> -> memref<2x100xi32, #tpu.memory_space<vmem>>
          %dma_wait3A_264 = arith.constant 0 : i32
          %dma_wait3A_265 = arith.constant 0 : i32
          %dma_wait3A_266 = tpu.memref_slice %arg3[%add3A_258, %dma_wait3A_264, %dma_wait3A_265] : memref<3200x2x100xi32, #tpu.memory_space<hbm>> -> memref<1x2x100xi32, #tpu.memory_space<hbm>>
          %dma_wait3A_267 = tpu.memref_squeeze %dma_wait3A_266 : memref<1x2x100xi32, #tpu.memory_space<hbm>> -> memref<2x100xi32, #tpu.memory_space<hbm>>
          %dma_wait3A_268 = arith.constant 0 : i32
          %dma_wait3A_269 = arith.constant 0 : i32
          %dma_wait3A_270 = tpu.memref_slice %arg12[%dma_wait3A_259, %dma_wait3A_268, %dma_wait3A_269] : memref<4x2x100xi32, #tpu.memory_space<vmem>> -> memref<1x2x100xi32, #tpu.memory_space<vmem>>
          %dma_wait3A_271 = tpu.memref_squeeze %dma_wait3A_270 : memref<1x2x100xi32, #tpu.memory_space<vmem>> -> memref<2x100xi32, #tpu.memory_space<vmem>>
          %dma_wait3A_272 = arith.constant 0 : i32
          %dma_wait3A_273 = arith.constant 0 : i32
          %dma_wait3A_274 = tpu.memref_slice %arg3[%add3A_258, %dma_wait3A_272, %dma_wait3A_273] : memref<3200x2x100xi32, #tpu.memory_space<hbm>> -> memref<1x2x100xi32, #tpu.memory_space<hbm>>
          %dma_wait3A_275 = tpu.memref_squeeze %dma_wait3A_274 : memref<1x2x100xi32, #tpu.memory_space<hbm>> -> memref<2x100xi32, #tpu.memory_space<hbm>>
          tpu.wait_dma2 semaphore(%arg25 : memref<!tpu.dma_semaphore, #tpu.memory_space<semaphore_mem>>) src(%dma_wait3A_275 : memref<2x100xi32, #tpu.memory_space<hbm>>) dst(%dma_wait3A_271 : memref<2x100xi32, #tpu.memory_space<vmem>>)
          %dma_start3A_276 = arith.constant 3 : i32
          %dma_start3A_277 = arith.constant 0 : i32
          %dma_start3A_278 = arith.constant 0 : i32
          %dma_start3A_279 = tpu.memref_slice %arg12[%dma_start3A_276, %dma_start3A_277, %dma_start3A_278] : memref<4x2x100xi32, #tpu.memory_space<vmem>> -> memref<1x1x100xi32, #tpu.memory_space<vmem>>
          %dma_start3A_280 = tpu.memref_squeeze %dma_start3A_279 : memref<1x1x100xi32, #tpu.memory_space<vmem>> -> memref<100xi32, #tpu.memory_space<vmem>>
          %dma_start3A_281 = arith.constant 0 : i32
          %dma_start3A_282 = arith.constant 0 : i32
          %dma_start3A_283 = tpu.memref_slice %arg2[%dma_start3A_281, %dma_start3A_282] : memref<10000x128xf32, #tpu.memory_space<hbm>> -> memref<10000x128xf32, #tpu.memory_space<hbm>>
          tpu.enqueue_indirect_dma source(%dma_start3A_283 : memref<10000x128xf32, #tpu.memory_space<hbm>>) target(%arg14 : memref<100x128xf32, #tpu.memory_space<vmem>>) offsets(%dma_start3A_280 : memref<100xi32, #tpu.memory_space<vmem>>) semaphore(%arg21 : memref<!tpu.dma_semaphore, #tpu.memory_space<semaphore_mem>>)
        } else {
        }
        %mul3A_168 = arith.constant 4 : i32
        %mul3A_169 = arith.muli %mul3A_168, %scan3A_81 : i32
        %add3A_170 = arith.constant 2 : i32
        %add3A_171 = arith.addi %mul3A_169, %add3A_170 : i32
        %dma_wait3A_172 = arith.constant 2 : i32
        %dma_wait3A_173 = arith.constant 0 : i32
        %dma_wait3A_174 = arith.constant 0 : i32
        %dma_wait3A_175 = tpu.memref_slice %arg12[%dma_wait3A_172, %dma_wait3A_173, %dma_wait3A_174] : memref<4x2x100xi32, #tpu.memory_space<vmem>> -> memref<1x1x100xi32, #tpu.memory_space<vmem>>
        %dma_wait3A_176 = tpu.memref_squeeze %dma_wait3A_175 : memref<1x1x100xi32, #tpu.memory_space<vmem>> -> memref<100xi32, #tpu.memory_space<vmem>>
        %dma_wait3A_177 = arith.constant 0 : i32
        %dma_wait3A_178 = arith.constant 0 : i32
        %dma_wait3A_179 = tpu.memref_slice %arg2[%dma_wait3A_177, %dma_wait3A_178] : memref<10000x128xf32, #tpu.memory_space<hbm>> -> memref<10000x128xf32, #tpu.memory_space<hbm>>
        tpu.wait_indirect_dma semaphore(%arg20 : memref<!tpu.dma_semaphore, #tpu.memory_space<semaphore_mem>>) src(%dma_wait3A_179 : memref<10000x128xf32, #tpu.memory_space<hbm>>) dst(%arg13 : memref<100x128xf32, #tpu.memory_space<vmem>>)
        %dma_start3A_180 = arith.constant 2 : i32
        %dma_start3A_181 = arith.constant 1 : i32
        %dma_start3A_182 = arith.constant 0 : i32
        %dma_start3A_183 = tpu.memref_slice %arg12[%dma_start3A_180, %dma_start3A_181, %dma_start3A_182] : memref<4x2x100xi32, #tpu.memory_space<vmem>> -> memref<1x1x100xi32, #tpu.memory_space<vmem>>
        %dma_start3A_184 = tpu.memref_squeeze %dma_start3A_183 : memref<1x1x100xi32, #tpu.memory_space<vmem>> -> memref<100xi32, #tpu.memory_space<vmem>>
        %dma_start3A_185 = arith.constant 0 : i32
        %dma_start3A_186 = arith.constant 0 : i32
        %dma_start3A_187 = tpu.memref_slice %arg18[%dma_start3A_185, %dma_start3A_186] : memref<10000x16xf32, #tpu.memory_space<vmem_shared>> -> memref<10000x16xf32, #tpu.memory_space<vmem_shared>>
        tpu.enqueue_indirect_dma source(%arg15 : memref<100x16xf32, #tpu.memory_space<vmem>>) target(%dma_start3A_187 : memref<10000x16xf32, #tpu.memory_space<vmem_shared>>) offsets(%dma_start3A_184 : memref<100xi32, #tpu.memory_space<vmem>>) semaphore(%arg26 : memref<!tpu.dma_semaphore, #tpu.memory_space<semaphore_mem>>) {add = true}
        %run_scoped3A_188 = arith.constant 2 : i32
        %run_scoped3A_189 = arith.constant 1 : i32
        "tpu.region"() ({
          %run_scoped3A_256 = tpu.sem_alloc : memref<!tpu.dma_semaphore, #tpu.memory_space<semaphore_mem>>
          %dma_start3A_257 = arith.constant 0 : i32
          %dma_start3A_258 = tpu.memref_slice %arg12[%run_scoped3A_188, %run_scoped3A_189, %dma_start3A_257] : memref<4x2x100xi32, #tpu.memory_space<vmem>> -> memref<1x1x100xi32, #tpu.memory_space<vmem>>
          %dma_start3A_259 = tpu.memref_squeeze %dma_start3A_258 : memref<1x1x100xi32, #tpu.memory_space<vmem>> -> memref<100xi32, #tpu.memory_space<vmem>>
          %dma_start3A_260 = arith.constant 0 : i32
          %dma_start3A_261 = arith.constant 0 : i32
          %dma_start3A_262 = tpu.memref_slice %arg17[%dma_start3A_260, %dma_start3A_261] : memref<10000x128xf32, #tpu.memory_space<vmem_shared>> -> memref<10000x128xf32, #tpu.memory_space<vmem_shared>>
          tpu.enqueue_indirect_dma source(%arg13 : memref<100x128xf32, #tpu.memory_space<vmem>>) target(%dma_start3A_262 : memref<10000x128xf32, #tpu.memory_space<vmem_shared>>) offsets(%dma_start3A_259 : memref<100xi32, #tpu.memory_space<vmem>>) semaphore(%run_scoped3A_256 : memref<!tpu.dma_semaphore, #tpu.memory_space<semaphore_mem>>) {add = true}
          %dma_wait3A_263 = arith.constant 0 : i32
          %dma_wait3A_264 = tpu.memref_slice %arg12[%run_scoped3A_188, %run_scoped3A_189, %dma_wait3A_263] : memref<4x2x100xi32, #tpu.memory_space<vmem>> -> memref<1x1x100xi32, #tpu.memory_space<vmem>>
          %dma_wait3A_265 = tpu.memref_squeeze %dma_wait3A_264 : memref<1x1x100xi32, #tpu.memory_space<vmem>> -> memref<100xi32, #tpu.memory_space<vmem>>
          %dma_wait3A_266 = arith.constant 0 : i32
          %dma_wait3A_267 = arith.constant 0 : i32
          %dma_wait3A_268 = tpu.memref_slice %arg17[%dma_wait3A_266, %dma_wait3A_267] : memref<10000x128xf32, #tpu.memory_space<vmem_shared>> -> memref<10000x128xf32, #tpu.memory_space<vmem_shared>>
          tpu.wait_indirect_dma semaphore(%run_scoped3A_256 : memref<!tpu.dma_semaphore, #tpu.memory_space<semaphore_mem>>) src(%arg13 : memref<100x128xf32, #tpu.memory_space<vmem>>) dst(%dma_wait3A_268 : memref<10000x128xf32, #tpu.memory_space<vmem_shared>>)
          tpu.yield
        }) : () -> ()
        %dma_wait3A_190 = arith.constant 2 : i32
        %dma_wait3A_191 = arith.constant 1 : i32
        %dma_wait3A_192 = arith.constant 0 : i32
        %dma_wait3A_193 = tpu.memref_slice %arg12[%dma_wait3A_190, %dma_wait3A_191, %dma_wait3A_192] : memref<4x2x100xi32, #tpu.memory_space<vmem>> -> memref<1x1x100xi32, #tpu.memory_space<vmem>>
        %dma_wait3A_194 = tpu.memref_squeeze %dma_wait3A_193 : memref<1x1x100xi32, #tpu.memory_space<vmem>> -> memref<100xi32, #tpu.memory_space<vmem>>
        %dma_wait3A_195 = arith.constant 0 : i32
        %dma_wait3A_196 = arith.constant 0 : i32
        %dma_wait3A_197 = tpu.memref_slice %arg18[%dma_wait3A_195, %dma_wait3A_196] : memref<10000x16xf32, #tpu.memory_space<vmem_shared>> -> memref<10000x16xf32, #tpu.memory_space<vmem_shared>>
        tpu.wait_indirect_dma semaphore(%arg26 : memref<!tpu.dma_semaphore, #tpu.memory_space<semaphore_mem>>) src(%arg15 : memref<100x16xf32, #tpu.memory_space<vmem>>) dst(%dma_wait3A_197 : memref<10000x16xf32, #tpu.memory_space<vmem_shared>>)
        %add3A_198 = arith.constant 4 : i32
        %add3A_199 = arith.addi %add3A_171, %add3A_198 : i32
        %lt3A_200 = arith.constant 200 : i32
        %lt3A_201 = arith.cmpi slt, %add3A_199, %lt3A_200 : i32
        %convert_element_type3A_202 = arith.extui %lt3A_201 : i1 to i32
        %cond3A_203 = arith.constant 0 : i32
        %cond3A_204 = arith.cmpi ne, %convert_element_type3A_202, %cond3A_203 : i32
        scf.if %cond3A_204 {
          %add3A_256 = arith.addi %mul3A_7, %add3A_171 : i32
          %add3A_257 = arith.constant 4 : i32
          %add3A_258 = arith.addi %add3A_256, %add3A_257 : i32
          %dma_start3A_259 = arith.constant 2 : i32
          %dma_start3A_260 = arith.constant 0 : i32
          %dma_start3A_261 = arith.constant 0 : i32
          %dma_start3A_262 = tpu.memref_slice %arg12[%dma_start3A_259, %dma_start3A_260, %dma_start3A_261] : memref<4x2x100xi32, #tpu.memory_space<vmem>> -> memref<1x2x100xi32, #tpu.memory_space<vmem>>
          %dma_start3A_263 = tpu.memref_squeeze %dma_start3A_262 : memref<1x2x100xi32, #tpu.memory_space<vmem>> -> memref<2x100xi32, #tpu.memory_space<vmem>>
          %dma_start3A_264 = arith.constant 0 : i32
          %dma_start3A_265 = arith.constant 0 : i32
          %dma_start3A_266 = tpu.memref_slice %arg3[%add3A_258, %dma_start3A_264, %dma_start3A_265] : memref<3200x2x100xi32, #tpu.memory_space<hbm>> -> memref<1x2x100xi32, #tpu.memory_space<hbm>>
          %dma_start3A_267 = tpu.memref_squeeze %dma_start3A_266 : memref<1x2x100xi32, #tpu.memory_space<hbm>> -> memref<2x100xi32, #tpu.memory_space<hbm>>
          %dma_start3A_268 = arith.constant 0 : i32
          %dma_start3A_269 = arith.constant 0 : i32
          %dma_start3A_270 = tpu.memref_slice %arg12[%dma_start3A_259, %dma_start3A_268, %dma_start3A_269] : memref<4x2x100xi32, #tpu.memory_space<vmem>> -> memref<1x2x100xi32, #tpu.memory_space<vmem>>
          %dma_start3A_271 = tpu.memref_squeeze %dma_start3A_270 : memref<1x2x100xi32, #tpu.memory_space<vmem>> -> memref<2x100xi32, #tpu.memory_space<vmem>>
          %dma_start3A_272 = arith.constant 0 : i32
          %dma_start3A_273 = arith.constant 0 : i32
          %dma_start3A_274 = tpu.memref_slice %arg3[%add3A_258, %dma_start3A_272, %dma_start3A_273] : memref<3200x2x100xi32, #tpu.memory_space<hbm>> -> memref<1x2x100xi32, #tpu.memory_space<hbm>>
          %dma_start3A_275 = tpu.memref_squeeze %dma_start3A_274 : memref<1x2x100xi32, #tpu.memory_space<hbm>> -> memref<2x100xi32, #tpu.memory_space<hbm>>
          tpu.enqueue_dma source(%dma_start3A_275 : memref<2x100xi32, #tpu.memory_space<hbm>>) target(%dma_start3A_271 : memref<2x100xi32, #tpu.memory_space<vmem>>) target_semaphore(%arg24 : memref<!tpu.dma_semaphore, #tpu.memory_space<semaphore_mem>>)
        } else {
        }
        %add3A_205 = arith.constant 2 : i32
        %add3A_206 = arith.addi %add3A_171, %add3A_205 : i32
        %lt3A_207 = arith.constant 200 : i32
        %lt3A_208 = arith.cmpi slt, %add3A_206, %lt3A_207 : i32
        %convert_element_type3A_209 = arith.extui %lt3A_208 : i1 to i32
        %cond3A_210 = arith.constant 0 : i32
        %cond3A_211 = arith.cmpi ne, %convert_element_type3A_209, %cond3A_210 : i32
        scf.if %cond3A_211 {
          %add3A_256 = arith.addi %mul3A_7, %add3A_171 : i32
          %add3A_257 = arith.constant 2 : i32
          %add3A_258 = arith.addi %add3A_256, %add3A_257 : i32
          %dma_wait3A_259 = arith.constant 0 : i32
          %dma_wait3A_260 = arith.constant 0 : i32
          %dma_wait3A_261 = arith.constant 0 : i32
          %dma_wait3A_262 = tpu.memref_slice %arg12[%dma_wait3A_259, %dma_wait3A_260, %dma_wait3A_261] : memref<4x2x100xi32, #tpu.memory_space<vmem>> -> memref<1x2x100xi32, #tpu.memory_space<vmem>>
          %dma_wait3A_263 = tpu.memref_squeeze %dma_wait3A_262 : memref<1x2x100xi32, #tpu.memory_space<vmem>> -> memref<2x100xi32, #tpu.memory_space<vmem>>
          %dma_wait3A_264 = arith.constant 0 : i32
          %dma_wait3A_265 = arith.constant 0 : i32
          %dma_wait3A_266 = tpu.memref_slice %arg3[%add3A_258, %dma_wait3A_264, %dma_wait3A_265] : memref<3200x2x100xi32, #tpu.memory_space<hbm>> -> memref<1x2x100xi32, #tpu.memory_space<hbm>>
          %dma_wait3A_267 = tpu.memref_squeeze %dma_wait3A_266 : memref<1x2x100xi32, #tpu.memory_space<hbm>> -> memref<2x100xi32, #tpu.memory_space<hbm>>
          %dma_wait3A_268 = arith.constant 0 : i32
          %dma_wait3A_269 = arith.constant 0 : i32
          %dma_wait3A_270 = tpu.memref_slice %arg12[%dma_wait3A_259, %dma_wait3A_268, %dma_wait3A_269] : memref<4x2x100xi32, #tpu.memory_space<vmem>> -> memref<1x2x100xi32, #tpu.memory_space<vmem>>
          %dma_wait3A_271 = tpu.memref_squeeze %dma_wait3A_270 : memref<1x2x100xi32, #tpu.memory_space<vmem>> -> memref<2x100xi32, #tpu.memory_space<vmem>>
          %dma_wait3A_272 = arith.constant 0 : i32
          %dma_wait3A_273 = arith.constant 0 : i32
          %dma_wait3A_274 = tpu.memref_slice %arg3[%add3A_258, %dma_wait3A_272, %dma_wait3A_273] : memref<3200x2x100xi32, #tpu.memory_space<hbm>> -> memref<1x2x100xi32, #tpu.memory_space<hbm>>
          %dma_wait3A_275 = tpu.memref_squeeze %dma_wait3A_274 : memref<1x2x100xi32, #tpu.memory_space<hbm>> -> memref<2x100xi32, #tpu.memory_space<hbm>>
          tpu.wait_dma2 semaphore(%arg22 : memref<!tpu.dma_semaphore, #tpu.memory_space<semaphore_mem>>) src(%dma_wait3A_275 : memref<2x100xi32, #tpu.memory_space<hbm>>) dst(%dma_wait3A_271 : memref<2x100xi32, #tpu.memory_space<vmem>>)
          %dma_start3A_276 = arith.constant 0 : i32
          %dma_start3A_277 = arith.constant 0 : i32
          %dma_start3A_278 = arith.constant 0 : i32
          %dma_start3A_279 = tpu.memref_slice %arg12[%dma_start3A_276, %dma_start3A_277, %dma_start3A_278] : memref<4x2x100xi32, #tpu.memory_space<vmem>> -> memref<1x1x100xi32, #tpu.memory_space<vmem>>
          %dma_start3A_280 = tpu.memref_squeeze %dma_start3A_279 : memref<1x1x100xi32, #tpu.memory_space<vmem>> -> memref<100xi32, #tpu.memory_space<vmem>>
          %dma_start3A_281 = arith.constant 0 : i32
          %dma_start3A_282 = arith.constant 0 : i32
          %dma_start3A_283 = tpu.memref_slice %arg2[%dma_start3A_281, %dma_start3A_282] : memref<10000x128xf32, #tpu.memory_space<hbm>> -> memref<10000x128xf32, #tpu.memory_space<hbm>>
          tpu.enqueue_indirect_dma source(%dma_start3A_283 : memref<10000x128xf32, #tpu.memory_space<hbm>>) target(%arg13 : memref<100x128xf32, #tpu.memory_space<vmem>>) offsets(%dma_start3A_280 : memref<100xi32, #tpu.memory_space<vmem>>) semaphore(%arg20 : memref<!tpu.dma_semaphore, #tpu.memory_space<semaphore_mem>>)
        } else {
        }
        %mul3A_212 = arith.constant 4 : i32
        %mul3A_213 = arith.muli %mul3A_212, %scan3A_81 : i32
        %add3A_214 = arith.constant 3 : i32
        %add3A_215 = arith.addi %mul3A_213, %add3A_214 : i32
        %dma_wait3A_216 = arith.constant 3 : i32
        %dma_wait3A_217 = arith.constant 0 : i32
        %dma_wait3A_218 = arith.constant 0 : i32
        %dma_wait3A_219 = tpu.memref_slice %arg12[%dma_wait3A_216, %dma_wait3A_217, %dma_wait3A_218] : memref<4x2x100xi32, #tpu.memory_space<vmem>> -> memref<1x1x100xi32, #tpu.memory_space<vmem>>
        %dma_wait3A_220 = tpu.memref_squeeze %dma_wait3A_219 : memref<1x1x100xi32, #tpu.memory_space<vmem>> -> memref<100xi32, #tpu.memory_space<vmem>>
        %dma_wait3A_221 = arith.constant 0 : i32
        %dma_wait3A_222 = arith.constant 0 : i32
        %dma_wait3A_223 = tpu.memref_slice %arg2[%dma_wait3A_221, %dma_wait3A_222] : memref<10000x128xf32, #tpu.memory_space<hbm>> -> memref<10000x128xf32, #tpu.memory_space<hbm>>
        tpu.wait_indirect_dma semaphore(%arg21 : memref<!tpu.dma_semaphore, #tpu.memory_space<semaphore_mem>>) src(%dma_wait3A_223 : memref<10000x128xf32, #tpu.memory_space<hbm>>) dst(%arg14 : memref<100x128xf32, #tpu.memory_space<vmem>>)
        %dma_start3A_224 = arith.constant 3 : i32
        %dma_start3A_225 = arith.constant 1 : i32
        %dma_start3A_226 = arith.constant 0 : i32
        %dma_start3A_227 = tpu.memref_slice %arg12[%dma_start3A_224, %dma_start3A_225, %dma_start3A_226] : memref<4x2x100xi32, #tpu.memory_space<vmem>> -> memref<1x1x100xi32, #tpu.memory_space<vmem>>
        %dma_start3A_228 = tpu.memref_squeeze %dma_start3A_227 : memref<1x1x100xi32, #tpu.memory_space<vmem>> -> memref<100xi32, #tpu.memory_space<vmem>>
        %dma_start3A_229 = arith.constant 0 : i32
        %dma_start3A_230 = arith.constant 0 : i32
        %dma_start3A_231 = tpu.memref_slice %arg18[%dma_start3A_229, %dma_start3A_230] : memref<10000x16xf32, #tpu.memory_space<vmem_shared>> -> memref<10000x16xf32, #tpu.memory_space<vmem_shared>>
        tpu.enqueue_indirect_dma source(%arg15 : memref<100x16xf32, #tpu.memory_space<vmem>>) target(%dma_start3A_231 : memref<10000x16xf32, #tpu.memory_space<vmem_shared>>) offsets(%dma_start3A_228 : memref<100xi32, #tpu.memory_space<vmem>>) semaphore(%arg26 : memref<!tpu.dma_semaphore, #tpu.memory_space<semaphore_mem>>) {add = true}
        %run_scoped3A_232 = arith.constant 3 : i32
        %run_scoped3A_233 = arith.constant 1 : i32
        "tpu.region"() ({
          %run_scoped3A_256 = tpu.sem_alloc : memref<!tpu.dma_semaphore, #tpu.memory_space<semaphore_mem>>
          %dma_start3A_257 = arith.constant 0 : i32
          %dma_start3A_258 = tpu.memref_slice %arg12[%run_scoped3A_232, %run_scoped3A_233, %dma_start3A_257] : memref<4x2x100xi32, #tpu.memory_space<vmem>> -> memref<1x1x100xi32, #tpu.memory_space<vmem>>
          %dma_start3A_259 = tpu.memref_squeeze %dma_start3A_258 : memref<1x1x100xi32, #tpu.memory_space<vmem>> -> memref<100xi32, #tpu.memory_space<vmem>>
          %dma_start3A_260 = arith.constant 0 : i32
          %dma_start3A_261 = arith.constant 0 : i32
          %dma_start3A_262 = tpu.memref_slice %arg17[%dma_start3A_260, %dma_start3A_261] : memref<10000x128xf32, #tpu.memory_space<vmem_shared>> -> memref<10000x128xf32, #tpu.memory_space<vmem_shared>>
          tpu.enqueue_indirect_dma source(%arg14 : memref<100x128xf32, #tpu.memory_space<vmem>>) target(%dma_start3A_262 : memref<10000x128xf32, #tpu.memory_space<vmem_shared>>) offsets(%dma_start3A_259 : memref<100xi32, #tpu.memory_space<vmem>>) semaphore(%run_scoped3A_256 : memref<!tpu.dma_semaphore, #tpu.memory_space<semaphore_mem>>) {add = true}
          %dma_wait3A_263 = arith.constant 0 : i32
          %dma_wait3A_264 = tpu.memref_slice %arg12[%run_scoped3A_232, %run_scoped3A_233, %dma_wait3A_263] : memref<4x2x100xi32, #tpu.memory_space<vmem>> -> memref<1x1x100xi32, #tpu.memory_space<vmem>>
          %dma_wait3A_265 = tpu.memref_squeeze %dma_wait3A_264 : memref<1x1x100xi32, #tpu.memory_space<vmem>> -> memref<100xi32, #tpu.memory_space<vmem>>
          %dma_wait3A_266 = arith.constant 0 : i32
          %dma_wait3A_267 = arith.constant 0 : i32
          %dma_wait3A_268 = tpu.memref_slice %arg17[%dma_wait3A_266, %dma_wait3A_267] : memref<10000x128xf32, #tpu.memory_space<vmem_shared>> -> memref<10000x128xf32, #tpu.memory_space<vmem_shared>>
          tpu.wait_indirect_dma semaphore(%run_scoped3A_256 : memref<!tpu.dma_semaphore, #tpu.memory_space<semaphore_mem>>) src(%arg14 : memref<100x128xf32, #tpu.memory_space<vmem>>) dst(%dma_wait3A_268 : memref<10000x128xf32, #tpu.memory_space<vmem_shared>>)
          tpu.yield
        }) : () -> ()
        %dma_wait3A_234 = arith.constant 3 : i32
        %dma_wait3A_235 = arith.constant 1 : i32
        %dma_wait3A_236 = arith.constant 0 : i32
        %dma_wait3A_237 = tpu.memref_slice %arg12[%dma_wait3A_234, %dma_wait3A_235, %dma_wait3A_236] : memref<4x2x100xi32, #tpu.memory_space<vmem>> -> memref<1x1x100xi32, #tpu.memory_space<vmem>>
        %dma_wait3A_238 = tpu.memref_squeeze %dma_wait3A_237 : memref<1x1x100xi32, #tpu.memory_space<vmem>> -> memref<100xi32, #tpu.memory_space<vmem>>
        %dma_wait3A_239 = arith.constant 0 : i32
        %dma_wait3A_240 = arith.constant 0 : i32
        %dma_wait3A_241 = tpu.memref_slice %arg18[%dma_wait3A_239, %dma_wait3A_240] : memref<10000x16xf32, #tpu.memory_space<vmem_shared>> -> memref<10000x16xf32, #tpu.memory_space<vmem_shared>>
        tpu.wait_indirect_dma semaphore(%arg26 : memref<!tpu.dma_semaphore, #tpu.memory_space<semaphore_mem>>) src(%arg15 : memref<100x16xf32, #tpu.memory_space<vmem>>) dst(%dma_wait3A_241 : memref<10000x16xf32, #tpu.memory_space<vmem_shared>>)
        %add3A_242 = arith.constant 4 : i32
        %add3A_243 = arith.addi %add3A_215, %add3A_242 : i32
        %lt3A_244 = arith.constant 200 : i32
        %lt3A_245 = arith.cmpi slt, %add3A_243, %lt3A_244 : i32
        %convert_element_type3A_246 = arith.extui %lt3A_245 : i1 to i32
        %cond3A_247 = arith.constant 0 : i32
        %cond3A_248 = arith.cmpi ne, %convert_element_type3A_246, %cond3A_247 : i32
        scf.if %cond3A_248 {
          %add3A_256 = arith.addi %mul3A_7, %add3A_215 : i32
          %add3A_257 = arith.constant 4 : i32
          %add3A_258 = arith.addi %add3A_256, %add3A_257 : i32
          %dma_start3A_259 = arith.constant 3 : i32
          %dma_start3A_260 = arith.constant 0 : i32
          %dma_start3A_261 = arith.constant 0 : i32
          %dma_start3A_262 = tpu.memref_slice %arg12[%dma_start3A_259, %dma_start3A_260, %dma_start3A_261] : memref<4x2x100xi32, #tpu.memory_space<vmem>> -> memref<1x2x100xi32, #tpu.memory_space<vmem>>
          %dma_start3A_263 = tpu.memref_squeeze %dma_start3A_262 : memref<1x2x100xi32, #tpu.memory_space<vmem>> -> memref<2x100xi32, #tpu.memory_space<vmem>>
          %dma_start3A_264 = arith.constant 0 : i32
          %dma_start3A_265 = arith.constant 0 : i32
          %dma_start3A_266 = tpu.memref_slice %arg3[%add3A_258, %dma_start3A_264, %dma_start3A_265] : memref<3200x2x100xi32, #tpu.memory_space<hbm>> -> memref<1x2x100xi32, #tpu.memory_space<hbm>>
          %dma_start3A_267 = tpu.memref_squeeze %dma_start3A_266 : memref<1x2x100xi32, #tpu.memory_space<hbm>> -> memref<2x100xi32, #tpu.memory_space<hbm>>
          %dma_start3A_268 = arith.constant 0 : i32
          %dma_start3A_269 = arith.constant 0 : i32
          %dma_start3A_270 = tpu.memref_slice %arg12[%dma_start3A_259, %dma_start3A_268, %dma_start3A_269] : memref<4x2x100xi32, #tpu.memory_space<vmem>> -> memref<1x2x100xi32, #tpu.memory_space<vmem>>
          %dma_start3A_271 = tpu.memref_squeeze %dma_start3A_270 : memref<1x2x100xi32, #tpu.memory_space<vmem>> -> memref<2x100xi32, #tpu.memory_space<vmem>>
          %dma_start3A_272 = arith.constant 0 : i32
          %dma_start3A_273 = arith.constant 0 : i32
          %dma_start3A_274 = tpu.memref_slice %arg3[%add3A_258, %dma_start3A_272, %dma_start3A_273] : memref<3200x2x100xi32, #tpu.memory_space<hbm>> -> memref<1x2x100xi32, #tpu.memory_space<hbm>>
          %dma_start3A_275 = tpu.memref_squeeze %dma_start3A_274 : memref<1x2x100xi32, #tpu.memory_space<hbm>> -> memref<2x100xi32, #tpu.memory_space<hbm>>
          tpu.enqueue_dma source(%dma_start3A_275 : memref<2x100xi32, #tpu.memory_space<hbm>>) target(%dma_start3A_271 : memref<2x100xi32, #tpu.memory_space<vmem>>) target_semaphore(%arg25 : memref<!tpu.dma_semaphore, #tpu.memory_space<semaphore_mem>>)
        } else {
        }
        %add3A_249 = arith.constant 2 : i32
        %add3A_250 = arith.addi %add3A_215, %add3A_249 : i32
        %lt3A_251 = arith.constant 200 : i32
        %lt3A_252 = arith.cmpi slt, %add3A_250, %lt3A_251 : i32
        %convert_element_type3A_253 = arith.extui %lt3A_252 : i1 to i32
        %cond3A_254 = arith.constant 0 : i32
        %cond3A_255 = arith.cmpi ne, %convert_element_type3A_253, %cond3A_254 : i32
        scf.if %cond3A_255 {
          %add3A_256 = arith.addi %mul3A_7, %add3A_215 : i32
          %add3A_257 = arith.constant 2 : i32
          %add3A_258 = arith.addi %add3A_256, %add3A_257 : i32
          %dma_wait3A_259 = arith.constant 1 : i32
          %dma_wait3A_260 = arith.constant 0 : i32
          %dma_wait3A_261 = arith.constant 0 : i32
          %dma_wait3A_262 = tpu.memref_slice %arg12[%dma_wait3A_259, %dma_wait3A_260, %dma_wait3A_261] : memref<4x2x100xi32, #tpu.memory_space<vmem>> -> memref<1x2x100xi32, #tpu.memory_space<vmem>>
          %dma_wait3A_263 = tpu.memref_squeeze %dma_wait3A_262 : memref<1x2x100xi32, #tpu.memory_space<vmem>> -> memref<2x100xi32, #tpu.memory_space<vmem>>
          %dma_wait3A_264 = arith.constant 0 : i32
          %dma_wait3A_265 = arith.constant 0 : i32
          %dma_wait3A_266 = tpu.memref_slice %arg3[%add3A_258, %dma_wait3A_264, %dma_wait3A_265] : memref<3200x2x100xi32, #tpu.memory_space<hbm>> -> memref<1x2x100xi32, #tpu.memory_space<hbm>>
          %dma_wait3A_267 = tpu.memref_squeeze %dma_wait3A_266 : memref<1x2x100xi32, #tpu.memory_space<hbm>> -> memref<2x100xi32, #tpu.memory_space<hbm>>
          %dma_wait3A_268 = arith.constant 0 : i32
          %dma_wait3A_269 = arith.constant 0 : i32
          %dma_wait3A_270 = tpu.memref_slice %arg12[%dma_wait3A_259, %dma_wait3A_268, %dma_wait3A_269] : memref<4x2x100xi32, #tpu.memory_space<vmem>> -> memref<1x2x100xi32, #tpu.memory_space<vmem>>
          %dma_wait3A_271 = tpu.memref_squeeze %dma_wait3A_270 : memref<1x2x100xi32, #tpu.memory_space<vmem>> -> memref<2x100xi32, #tpu.memory_space<vmem>>
          %dma_wait3A_272 = arith.constant 0 : i32
          %dma_wait3A_273 = arith.constant 0 : i32
          %dma_wait3A_274 = tpu.memref_slice %arg3[%add3A_258, %dma_wait3A_272, %dma_wait3A_273] : memref<3200x2x100xi32, #tpu.memory_space<hbm>> -> memref<1x2x100xi32, #tpu.memory_space<hbm>>
          %dma_wait3A_275 = tpu.memref_squeeze %dma_wait3A_274 : memref<1x2x100xi32, #tpu.memory_space<hbm>> -> memref<2x100xi32, #tpu.memory_space<hbm>>
          tpu.wait_dma2 semaphore(%arg23 : memref<!tpu.dma_semaphore, #tpu.memory_space<semaphore_mem>>) src(%dma_wait3A_275 : memref<2x100xi32, #tpu.memory_space<hbm>>) dst(%dma_wait3A_271 : memref<2x100xi32, #tpu.memory_space<vmem>>)
          %dma_start3A_276 = arith.constant 1 : i32
          %dma_start3A_277 = arith.constant 0 : i32
          %dma_start3A_278 = arith.constant 0 : i32
          %dma_start3A_279 = tpu.memref_slice %arg12[%dma_start3A_276, %dma_start3A_277, %dma_start3A_278] : memref<4x2x100xi32, #tpu.memory_space<vmem>> -> memref<1x1x100xi32, #tpu.memory_space<vmem>>
          %dma_start3A_280 = tpu.memref_squeeze %dma_start3A_279 : memref<1x1x100xi32, #tpu.memory_space<vmem>> -> memref<100xi32, #tpu.memory_space<vmem>>
          %dma_start3A_281 = arith.constant 0 : i32
          %dma_start3A_282 = arith.constant 0 : i32
          %dma_start3A_283 = tpu.memref_slice %arg2[%dma_start3A_281, %dma_start3A_282] : memref<10000x128xf32, #tpu.memory_space<hbm>> -> memref<10000x128xf32, #tpu.memory_space<hbm>>
          tpu.enqueue_indirect_dma source(%dma_start3A_283 : memref<10000x128xf32, #tpu.memory_space<hbm>>) target(%arg14 : memref<100x128xf32, #tpu.memory_space<vmem>>) offsets(%dma_start3A_280 : memref<100xi32, #tpu.memory_space<vmem>>) semaphore(%arg21 : memref<!tpu.dma_semaphore, #tpu.memory_space<semaphore_mem>>)
        } else {
        }
      }
      %scan3A_71 = arith.constant 50 : i32
      %barrier3A_72 = arith.constant 0 : index
      tpu.barrier barrier_id(%barrier3A_72)
      %mul3A_73 = arith.constant 625 : i32
      %mul3A_74 = arith.muli %arg1, %mul3A_73 : i32
      %mul3A_75 = arith.constant 625 : i32
      %mul3A_76 = arith.muli %arg1, %mul3A_75 : i32
      "tpu.region"() ({
        %run_scoped3A_81 = tpu.sem_alloc : memref<!tpu.dma_semaphore, #tpu.memory_space<semaphore_mem>>
        %dma_start3A_82 = arith.constant 0 : i32
        %dma_start3A_83 = tpu.memref_slice %arg8[%mul3A_76, %dma_start3A_82] : memref<10000x128xf32, #tpu.memory_space<hbm>> -> memref<625x128xf32, #tpu.memory_space<hbm>>
        %dma_start3A_84 = arith.constant 0 : i32
        %dma_start3A_85 = tpu.memref_slice %arg17[%mul3A_74, %dma_start3A_84] : memref<10000x128xf32, #tpu.memory_space<vmem_shared>> -> memref<625x128xf32, #tpu.memory_space<vmem_shared>>
        tpu.enqueue_dma source(%dma_start3A_85 : memref<625x128xf32, #tpu.memory_space<vmem_shared>>) target(%dma_start3A_83 : memref<625x128xf32, #tpu.memory_space<hbm>>) target_semaphore(%run_scoped3A_81 : memref<!tpu.dma_semaphore, #tpu.memory_space<semaphore_mem>>)
        %dma_wait3A = arith.constant 0 : i32
        %dma_wait3A_86 = tpu.memref_slice %arg8[%mul3A_76, %dma_wait3A] : memref<10000x128xf32, #tpu.memory_space<hbm>> -> memref<625x128xf32, #tpu.memory_space<hbm>>
        %dma_wait3A_87 = arith.constant 0 : i32
        %dma_wait3A_88 = tpu.memref_slice %arg17[%mul3A_74, %dma_wait3A_87] : memref<10000x128xf32, #tpu.memory_space<vmem_shared>> -> memref<625x128xf32, #tpu.memory_space<vmem_shared>>
        tpu.wait_dma2 semaphore(%run_scoped3A_81 : memref<!tpu.dma_semaphore, #tpu.memory_space<semaphore_mem>>) src(%dma_wait3A_88 : memref<625x128xf32, #tpu.memory_space<vmem_shared>>) dst(%dma_wait3A_86 : memref<625x128xf32, #tpu.memory_space<hbm>>)
        tpu.yield
      }) : () -> ()
      %mul3A_77 = arith.constant 625 : i32
      %mul3A_78 = arith.muli %arg1, %mul3A_77 : i32
      %mul3A_79 = arith.constant 625 : i32
      %mul3A_80 = arith.muli %arg1, %mul3A_79 : i32
      "tpu.region"() ({
        %run_scoped3A_81 = tpu.sem_alloc : memref<!tpu.dma_semaphore, #tpu.memory_space<semaphore_mem>>
        %dma_start3A_82 = arith.constant 0 : i32
        %dma_start3A_83 = tpu.memref_slice %arg9[%mul3A_80, %dma_start3A_82] : memref<10000x16xf32, #tpu.memory_space<hbm>> -> memref<625x16xf32, #tpu.memory_space<hbm>>
        %dma_start3A_84 = arith.constant 0 : i32
        %dma_start3A_85 = tpu.memref_slice %arg18[%mul3A_78, %dma_start3A_84] : memref<10000x16xf32, #tpu.memory_space<vmem_shared>> -> memref<625x16xf32, #tpu.memory_space<vmem_shared>>
        tpu.enqueue_dma source(%dma_start3A_85 : memref<625x16xf32, #tpu.memory_space<vmem_shared>>) target(%dma_start3A_83 : memref<625x16xf32, #tpu.memory_space<hbm>>) target_semaphore(%run_scoped3A_81 : memref<!tpu.dma_semaphore, #tpu.memory_space<semaphore_mem>>)
        %dma_wait3A = arith.constant 0 : i32
        %dma_wait3A_86 = tpu.memref_slice %arg9[%mul3A_80, %dma_wait3A] : memref<10000x16xf32, #tpu.memory_space<hbm>> -> memref<625x16xf32, #tpu.memory_space<hbm>>
        %dma_wait3A_87 = arith.constant 0 : i32
        %dma_wait3A_88 = tpu.memref_slice %arg18[%mul3A_78, %dma_wait3A_87] : memref<10000x16xf32, #tpu.memory_space<vmem_shared>> -> memref<625x16xf32, #tpu.memory_space<vmem_shared>>
        tpu.wait_dma2 semaphore(%run_scoped3A_81 : memref<!tpu.dma_semaphore, #tpu.memory_space<semaphore_mem>>) src(%dma_wait3A_88 : memref<625x16xf32, #tpu.memory_space<vmem_shared>>) dst(%dma_wait3A_86 : memref<625x16xf32, #tpu.memory_space<hbm>>)
        tpu.yield
      }) : () -> ()
    } else {
    }
    %eq3A_2 = arith.constant 1 : i32
    %eq3A_3 = arith.cmpi eq, %arg0, %eq3A_2 : i32
    %convert_element_type3A_4 = arith.extui %eq3A_3 : i1 to i32
    %cond3A_5 = arith.constant 0 : i32
    %cond3A_6 = arith.cmpi ne, %convert_element_type3A_4, %cond3A_5 : i32
    scf.if %cond3A_6 {
      %mul3A = arith.constant 200 : i32
      %mul3A_7 = arith.muli %arg1, %mul3A : i32
      %mul3A_8 = arith.constant 125 : i32
      %mul3A_9 = arith.muli %arg1, %mul3A_8 : i32
      "tpu.region"() ({
        %run_scoped3A_97 = tpu.sem_alloc : memref<!tpu.dma_semaphore, #tpu.memory_space<semaphore_mem>>
        %dma_start3A_98 = arith.constant 0 : i32
        %dma_start3A_99 = tpu.memref_slice %arg17[%mul3A_9, %dma_start3A_98] : memref<10000x128xf32, #tpu.memory_space<vmem_shared>> -> memref<125x128xf32, #tpu.memory_space<vmem_shared>>
        %dma_start3A_100 = arith.constant 0 : i32
        %dma_start3A_101 = arith.constant 0 : i32
        %dma_start3A_102 = tpu.memref_slice %arg5[%dma_start3A_100, %dma_start3A_101] : memref<625x128xf32, #tpu.memory_space<hbm>> -> memref<125x128xf32, #tpu.memory_space<hbm>>
        tpu.enqueue_dma source(%dma_start3A_102 : memref<125x128xf32, #tpu.memory_space<hbm>>) target(%dma_start3A_99 : memref<125x128xf32, #tpu.memory_space<vmem_shared>>) target_semaphore(%run_scoped3A_97 : memref<!tpu.dma_semaphore, #tpu.memory_space<semaphore_mem>>)
        %dma_wait3A = arith.constant 0 : i32
        %dma_wait3A_103 = tpu.memref_slice %arg17[%mul3A_9, %dma_wait3A] : memref<10000x128xf32, #tpu.memory_space<vmem_shared>> -> memref<125x128xf32, #tpu.memory_space<vmem_shared>>
        %dma_wait3A_104 = arith.constant 0 : i32
        %dma_wait3A_105 = arith.constant 0 : i32
        %dma_wait3A_106 = tpu.memref_slice %arg5[%dma_wait3A_104, %dma_wait3A_105] : memref<625x128xf32, #tpu.memory_space<hbm>> -> memref<125x128xf32, #tpu.memory_space<hbm>>
        tpu.wait_dma2 semaphore(%run_scoped3A_97 : memref<!tpu.dma_semaphore, #tpu.memory_space<semaphore_mem>>) src(%dma_wait3A_106 : memref<125x128xf32, #tpu.memory_space<hbm>>) dst(%dma_wait3A_103 : memref<125x128xf32, #tpu.memory_space<vmem_shared>>)
        tpu.yield
      }) : () -> ()
      %mul3A_10 = arith.constant 125 : i32
      %mul3A_11 = arith.muli %arg1, %mul3A_10 : i32
      "tpu.region"() ({
        %run_scoped3A_97 = tpu.sem_alloc : memref<!tpu.dma_semaphore, #tpu.memory_space<semaphore_mem>>
        %dma_start3A_98 = arith.constant 0 : i32
        %dma_start3A_99 = tpu.memref_slice %arg18[%mul3A_11, %dma_start3A_98] : memref<10000x16xf32, #tpu.memory_space<vmem_shared>> -> memref<125x16xf32, #tpu.memory_space<vmem_shared>>
        %dma_start3A_100 = arith.constant 0 : i32
        %dma_start3A_101 = arith.constant 0 : i32
        %dma_start3A_102 = tpu.memref_slice %arg6[%dma_start3A_100, %dma_start3A_101] : memref<625x16xf32, #tpu.memory_space<hbm>> -> memref<125x16xf32, #tpu.memory_space<hbm>>
        tpu.enqueue_dma source(%dma_start3A_102 : memref<125x16xf32, #tpu.memory_space<hbm>>) target(%dma_start3A_99 : memref<125x16xf32, #tpu.memory_space<vmem_shared>>) target_semaphore(%run_scoped3A_97 : memref<!tpu.dma_semaphore, #tpu.memory_space<semaphore_mem>>)
        %dma_wait3A = arith.constant 0 : i32
        %dma_wait3A_103 = tpu.memref_slice %arg18[%mul3A_11, %dma_wait3A] : memref<10000x16xf32, #tpu.memory_space<vmem_shared>> -> memref<125x16xf32, #tpu.memory_space<vmem_shared>>
        %dma_wait3A_104 = arith.constant 0 : i32
        %dma_wait3A_105 = arith.constant 0 : i32
        %dma_wait3A_106 = tpu.memref_slice %arg6[%dma_wait3A_104, %dma_wait3A_105] : memref<625x16xf32, #tpu.memory_space<hbm>> -> memref<125x16xf32, #tpu.memory_space<hbm>>
        tpu.wait_dma2 semaphore(%run_scoped3A_97 : memref<!tpu.dma_semaphore, #tpu.memory_space<semaphore_mem>>) src(%dma_wait3A_106 : memref<125x16xf32, #tpu.memory_space<hbm>>) dst(%dma_wait3A_103 : memref<125x16xf32, #tpu.memory_space<vmem_shared>>)
        tpu.yield
      }) : () -> ()
      "tpu.region"() ({
        %run_scoped3A_97 = tpu.sem_alloc : memref<!tpu.dma_semaphore, #tpu.memory_space<semaphore_mem>>
        tpu.enqueue_dma source(%arg7 : memref<100x16xf32, #tpu.memory_space<hbm>>) target(%arg15 : memref<100x16xf32, #tpu.memory_space<vmem>>) target_semaphore(%run_scoped3A_97 : memref<!tpu.dma_semaphore, #tpu.memory_space<semaphore_mem>>)
        tpu.wait_dma2 semaphore(%run_scoped3A_97 : memref<!tpu.dma_semaphore, #tpu.memory_space<semaphore_mem>>) src(%arg7 : memref<100x16xf32, #tpu.memory_space<hbm>>) dst(%arg15 : memref<100x16xf32, #tpu.memory_space<vmem>>)
        tpu.yield
      }) : () -> ()
      %mul3A_12 = arith.constant 625 : i32
      %mul3A_13 = arith.muli %arg1, %mul3A_12 : i32
      "tpu.region"() ({
        %run_scoped3A_97 = tpu.sem_alloc : memref<!tpu.dma_semaphore, #tpu.memory_space<semaphore_mem>>
        %dma_start3A_98 = arith.constant 0 : i32
        %dma_start3A_99 = tpu.memref_slice %arg19[%mul3A_13, %dma_start3A_98] : memref<10000x16xf32, #tpu.memory_space<vmem_shared>> -> memref<625x16xf32, #tpu.memory_space<vmem_shared>>
        %dma_start3A_100 = arith.constant 0 : i32
        %dma_start3A_101 = arith.constant 0 : i32
        %dma_start3A_102 = tpu.memref_slice %arg6[%dma_start3A_100, %dma_start3A_101] : memref<625x16xf32, #tpu.memory_space<hbm>> -> memref<625x16xf32, #tpu.memory_space<hbm>>
        tpu.enqueue_dma source(%dma_start3A_102 : memref<625x16xf32, #tpu.memory_space<hbm>>) target(%dma_start3A_99 : memref<625x16xf32, #tpu.memory_space<vmem_shared>>) target_semaphore(%run_scoped3A_97 : memref<!tpu.dma_semaphore, #tpu.memory_space<semaphore_mem>>)
        %dma_wait3A = arith.constant 0 : i32
        %dma_wait3A_103 = tpu.memref_slice %arg19[%mul3A_13, %dma_wait3A] : memref<10000x16xf32, #tpu.memory_space<vmem_shared>> -> memref<625x16xf32, #tpu.memory_space<vmem_shared>>
        %dma_wait3A_104 = arith.constant 0 : i32
        %dma_wait3A_105 = arith.constant 0 : i32
        %dma_wait3A_106 = tpu.memref_slice %arg6[%dma_wait3A_104, %dma_wait3A_105] : memref<625x16xf32, #tpu.memory_space<hbm>> -> memref<625x16xf32, #tpu.memory_space<hbm>>
        tpu.wait_dma2 semaphore(%run_scoped3A_97 : memref<!tpu.dma_semaphore, #tpu.memory_space<semaphore_mem>>) src(%dma_wait3A_106 : memref<625x16xf32, #tpu.memory_space<hbm>>) dst(%dma_wait3A_103 : memref<625x16xf32, #tpu.memory_space<vmem_shared>>)
        tpu.yield
      }) : () -> ()
      %run_scoped3A = arith.constant 0 : i32
      "tpu.region"() ({
        %run_scoped3A_97 = tpu.sem_alloc : memref<!tpu.dma_semaphore, #tpu.memory_space<semaphore_mem>>
        %dma_start3A_98 = arith.constant 0 : i32
        %dma_start3A_99 = arith.constant 0 : i32
        %dma_start3A_100 = tpu.memref_slice %arg12[%run_scoped3A, %dma_start3A_98, %dma_start3A_99] : memref<4x2x100xi32, #tpu.memory_space<vmem>> -> memref<1x2x100xi32, #tpu.memory_space<vmem>>
        %dma_start3A_101 = tpu.memref_squeeze %dma_start3A_100 : memref<1x2x100xi32, #tpu.memory_space<vmem>> -> memref<2x100xi32, #tpu.memory_space<vmem>>
        %dma_start3A_102 = arith.constant 0 : i32
        %dma_start3A_103 = arith.constant 0 : i32
        %dma_start3A_104 = tpu.memref_slice %arg4[%mul3A_7, %dma_start3A_102, %dma_start3A_103] : memref<3200x2x100xi32, #tpu.memory_space<hbm>> -> memref<1x2x100xi32, #tpu.memory_space<hbm>>
        %dma_start3A_105 = tpu.memref_squeeze %dma_start3A_104 : memref<1x2x100xi32, #tpu.memory_space<hbm>> -> memref<2x100xi32, #tpu.memory_space<hbm>>
        %dma_start3A_106 = arith.constant 0 : i32
        %dma_start3A_107 = arith.constant 0 : i32
        %dma_start3A_108 = tpu.memref_slice %arg12[%run_scoped3A, %dma_start3A_106, %dma_start3A_107] : memref<4x2x100xi32, #tpu.memory_space<vmem>> -> memref<1x2x100xi32, #tpu.memory_space<vmem>>
        %dma_start3A_109 = tpu.memref_squeeze %dma_start3A_108 : memref<1x2x100xi32, #tpu.memory_space<vmem>> -> memref<2x100xi32, #tpu.memory_space<vmem>>
        %dma_start3A_110 = arith.constant 0 : i32
        %dma_start3A_111 = arith.constant 0 : i32
        %dma_start3A_112 = tpu.memref_slice %arg4[%mul3A_7, %dma_start3A_110, %dma_start3A_111] : memref<3200x2x100xi32, #tpu.memory_space<hbm>> -> memref<1x2x100xi32, #tpu.memory_space<hbm>>
        %dma_start3A_113 = tpu.memref_squeeze %dma_start3A_112 : memref<1x2x100xi32, #tpu.memory_space<hbm>> -> memref<2x100xi32, #tpu.memory_space<hbm>>
        tpu.enqueue_dma source(%dma_start3A_113 : memref<2x100xi32, #tpu.memory_space<hbm>>) target(%dma_start3A_109 : memref<2x100xi32, #tpu.memory_space<vmem>>) target_semaphore(%run_scoped3A_97 : memref<!tpu.dma_semaphore, #tpu.memory_space<semaphore_mem>>)
        %dma_wait3A = arith.constant 0 : i32
        %dma_wait3A_114 = arith.constant 0 : i32
        %dma_wait3A_115 = tpu.memref_slice %arg12[%run_scoped3A, %dma_wait3A, %dma_wait3A_114] : memref<4x2x100xi32, #tpu.memory_space<vmem>> -> memref<1x2x100xi32, #tpu.memory_space<vmem>>
        %dma_wait3A_116 = tpu.memref_squeeze %dma_wait3A_115 : memref<1x2x100xi32, #tpu.memory_space<vmem>> -> memref<2x100xi32, #tpu.memory_space<vmem>>
        %dma_wait3A_117 = arith.constant 0 : i32
        %dma_wait3A_118 = arith.constant 0 : i32
        %dma_wait3A_119 = tpu.memref_slice %arg4[%mul3A_7, %dma_wait3A_117, %dma_wait3A_118] : memref<3200x2x100xi32, #tpu.memory_space<hbm>> -> memref<1x2x100xi32, #tpu.memory_space<hbm>>
        %dma_wait3A_120 = tpu.memref_squeeze %dma_wait3A_119 : memref<1x2x100xi32, #tpu.memory_space<hbm>> -> memref<2x100xi32, #tpu.memory_space<hbm>>
        %dma_wait3A_121 = arith.constant 0 : i32
        %dma_wait3A_122 = arith.constant 0 : i32
        %dma_wait3A_123 = tpu.memref_slice %arg12[%run_scoped3A, %dma_wait3A_121, %dma_wait3A_122] : memref<4x2x100xi32, #tpu.memory_space<vmem>> -> memref<1x2x100xi32, #tpu.memory_space<vmem>>
        %dma_wait3A_124 = tpu.memref_squeeze %dma_wait3A_123 : memref<1x2x100xi32, #tpu.memory_space<vmem>> -> memref<2x100xi32, #tpu.memory_space<vmem>>
        %dma_wait3A_125 = arith.constant 0 : i32
        %dma_wait3A_126 = arith.constant 0 : i32
        %dma_wait3A_127 = tpu.memref_slice %arg4[%mul3A_7, %dma_wait3A_125, %dma_wait3A_126] : memref<3200x2x100xi32, #tpu.memory_space<hbm>> -> memref<1x2x100xi32, #tpu.memory_space<hbm>>
        %dma_wait3A_128 = tpu.memref_squeeze %dma_wait3A_127 : memref<1x2x100xi32, #tpu.memory_space<hbm>> -> memref<2x100xi32, #tpu.memory_space<hbm>>
        tpu.wait_dma2 semaphore(%run_scoped3A_97 : memref<!tpu.dma_semaphore, #tpu.memory_space<semaphore_mem>>) src(%dma_wait3A_128 : memref<2x100xi32, #tpu.memory_space<hbm>>) dst(%dma_wait3A_124 : memref<2x100xi32, #tpu.memory_space<vmem>>)
        tpu.yield
      }) : () -> ()
      %add3A = arith.constant 1 : i32
      %add3A_14 = arith.addi %mul3A_7, %add3A : i32
      %run_scoped3A_15 = arith.constant 1 : i32
      "tpu.region"() ({
        %run_scoped3A_97 = tpu.sem_alloc : memref<!tpu.dma_semaphore, #tpu.memory_space<semaphore_mem>>
        %dma_start3A_98 = arith.constant 0 : i32
        %dma_start3A_99 = arith.constant 0 : i32
        %dma_start3A_100 = tpu.memref_slice %arg12[%run_scoped3A_15, %dma_start3A_98, %dma_start3A_99] : memref<4x2x100xi32, #tpu.memory_space<vmem>> -> memref<1x2x100xi32, #tpu.memory_space<vmem>>
        %dma_start3A_101 = tpu.memref_squeeze %dma_start3A_100 : memref<1x2x100xi32, #tpu.memory_space<vmem>> -> memref<2x100xi32, #tpu.memory_space<vmem>>
        %dma_start3A_102 = arith.constant 0 : i32
        %dma_start3A_103 = arith.constant 0 : i32
        %dma_start3A_104 = tpu.memref_slice %arg4[%add3A_14, %dma_start3A_102, %dma_start3A_103] : memref<3200x2x100xi32, #tpu.memory_space<hbm>> -> memref<1x2x100xi32, #tpu.memory_space<hbm>>
        %dma_start3A_105 = tpu.memref_squeeze %dma_start3A_104 : memref<1x2x100xi32, #tpu.memory_space<hbm>> -> memref<2x100xi32, #tpu.memory_space<hbm>>
        %dma_start3A_106 = arith.constant 0 : i32
        %dma_start3A_107 = arith.constant 0 : i32
        %dma_start3A_108 = tpu.memref_slice %arg12[%run_scoped3A_15, %dma_start3A_106, %dma_start3A_107] : memref<4x2x100xi32, #tpu.memory_space<vmem>> -> memref<1x2x100xi32, #tpu.memory_space<vmem>>
        %dma_start3A_109 = tpu.memref_squeeze %dma_start3A_108 : memref<1x2x100xi32, #tpu.memory_space<vmem>> -> memref<2x100xi32, #tpu.memory_space<vmem>>
        %dma_start3A_110 = arith.constant 0 : i32
        %dma_start3A_111 = arith.constant 0 : i32
        %dma_start3A_112 = tpu.memref_slice %arg4[%add3A_14, %dma_start3A_110, %dma_start3A_111] : memref<3200x2x100xi32, #tpu.memory_space<hbm>> -> memref<1x2x100xi32, #tpu.memory_space<hbm>>
        %dma_start3A_113 = tpu.memref_squeeze %dma_start3A_112 : memref<1x2x100xi32, #tpu.memory_space<hbm>> -> memref<2x100xi32, #tpu.memory_space<hbm>>
        tpu.enqueue_dma source(%dma_start3A_113 : memref<2x100xi32, #tpu.memory_space<hbm>>) target(%dma_start3A_109 : memref<2x100xi32, #tpu.memory_space<vmem>>) target_semaphore(%run_scoped3A_97 : memref<!tpu.dma_semaphore, #tpu.memory_space<semaphore_mem>>)
        %dma_wait3A = arith.constant 0 : i32
        %dma_wait3A_114 = arith.constant 0 : i32
        %dma_wait3A_115 = tpu.memref_slice %arg12[%run_scoped3A_15, %dma_wait3A, %dma_wait3A_114] : memref<4x2x100xi32, #tpu.memory_space<vmem>> -> memref<1x2x100xi32, #tpu.memory_space<vmem>>
        %dma_wait3A_116 = tpu.memref_squeeze %dma_wait3A_115 : memref<1x2x100xi32, #tpu.memory_space<vmem>> -> memref<2x100xi32, #tpu.memory_space<vmem>>
        %dma_wait3A_117 = arith.constant 0 : i32
        %dma_wait3A_118 = arith.constant 0 : i32
        %dma_wait3A_119 = tpu.memref_slice %arg4[%add3A_14, %dma_wait3A_117, %dma_wait3A_118] : memref<3200x2x100xi32, #tpu.memory_space<hbm>> -> memref<1x2x100xi32, #tpu.memory_space<hbm>>
        %dma_wait3A_120 = tpu.memref_squeeze %dma_wait3A_119 : memref<1x2x100xi32, #tpu.memory_space<hbm>> -> memref<2x100xi32, #tpu.memory_space<hbm>>
        %dma_wait3A_121 = arith.constant 0 : i32
        %dma_wait3A_122 = arith.constant 0 : i32
        %dma_wait3A_123 = tpu.memref_slice %arg12[%run_scoped3A_15, %dma_wait3A_121, %dma_wait3A_122] : memref<4x2x100xi32, #tpu.memory_space<vmem>> -> memref<1x2x100xi32, #tpu.memory_space<vmem>>
        %dma_wait3A_124 = tpu.memref_squeeze %dma_wait3A_123 : memref<1x2x100xi32, #tpu.memory_space<vmem>> -> memref<2x100xi32, #tpu.memory_space<vmem>>
        %dma_wait3A_125 = arith.constant 0 : i32
        %dma_wait3A_126 = arith.constant 0 : i32
        %dma_wait3A_127 = tpu.memref_slice %arg4[%add3A_14, %dma_wait3A_125, %dma_wait3A_126] : memref<3200x2x100xi32, #tpu.memory_space<hbm>> -> memref<1x2x100xi32, #tpu.memory_space<hbm>>
        %dma_wait3A_128 = tpu.memref_squeeze %dma_wait3A_127 : memref<1x2x100xi32, #tpu.memory_space<hbm>> -> memref<2x100xi32, #tpu.memory_space<hbm>>
        tpu.wait_dma2 semaphore(%run_scoped3A_97 : memref<!tpu.dma_semaphore, #tpu.memory_space<semaphore_mem>>) src(%dma_wait3A_128 : memref<2x100xi32, #tpu.memory_space<hbm>>) dst(%dma_wait3A_124 : memref<2x100xi32, #tpu.memory_space<vmem>>)
        tpu.yield
      }) : () -> ()
      %add3A_16 = arith.constant 2 : i32
      %add3A_17 = arith.addi %mul3A_7, %add3A_16 : i32
      %dma_start3A = arith.constant 2 : i32
      %dma_start3A_18 = arith.constant 0 : i32
      %dma_start3A_19 = arith.constant 0 : i32
      %dma_start3A_20 = tpu.memref_slice %arg12[%dma_start3A, %dma_start3A_18, %dma_start3A_19] : memref<4x2x100xi32, #tpu.memory_space<vmem>> -> memref<1x2x100xi32, #tpu.memory_space<vmem>>
      %dma_start3A_21 = tpu.memref_squeeze %dma_start3A_20 : memref<1x2x100xi32, #tpu.memory_space<vmem>> -> memref<2x100xi32, #tpu.memory_space<vmem>>
      %dma_start3A_22 = arith.constant 0 : i32
      %dma_start3A_23 = arith.constant 0 : i32
      %dma_start3A_24 = tpu.memref_slice %arg4[%add3A_17, %dma_start3A_22, %dma_start3A_23] : memref<3200x2x100xi32, #tpu.memory_space<hbm>> -> memref<1x2x100xi32, #tpu.memory_space<hbm>>
      %dma_start3A_25 = tpu.memref_squeeze %dma_start3A_24 : memref<1x2x100xi32, #tpu.memory_space<hbm>> -> memref<2x100xi32, #tpu.memory_space<hbm>>
      %dma_start3A_26 = arith.constant 0 : i32
      %dma_start3A_27 = arith.constant 0 : i32
      %dma_start3A_28 = tpu.memref_slice %arg12[%dma_start3A, %dma_start3A_26, %dma_start3A_27] : memref<4x2x100xi32, #tpu.memory_space<vmem>> -> memref<1x2x100xi32, #tpu.memory_space<vmem>>
      %dma_start3A_29 = tpu.memref_squeeze %dma_start3A_28 : memref<1x2x100xi32, #tpu.memory_space<vmem>> -> memref<2x100xi32, #tpu.memory_space<vmem>>
      %dma_start3A_30 = arith.constant 0 : i32
      %dma_start3A_31 = arith.constant 0 : i32
      %dma_start3A_32 = tpu.memref_slice %arg4[%add3A_17, %dma_start3A_30, %dma_start3A_31] : memref<3200x2x100xi32, #tpu.memory_space<hbm>> -> memref<1x2x100xi32, #tpu.memory_space<hbm>>
      %dma_start3A_33 = tpu.memref_squeeze %dma_start3A_32 : memref<1x2x100xi32, #tpu.memory_space<hbm>> -> memref<2x100xi32, #tpu.memory_space<hbm>>
      tpu.enqueue_dma source(%dma_start3A_33 : memref<2x100xi32, #tpu.memory_space<hbm>>) target(%dma_start3A_29 : memref<2x100xi32, #tpu.memory_space<vmem>>) target_semaphore(%arg24 : memref<!tpu.dma_semaphore, #tpu.memory_space<semaphore_mem>>)
      %add3A_34 = arith.constant 3 : i32
      %add3A_35 = arith.addi %mul3A_7, %add3A_34 : i32
      %dma_start3A_36 = arith.constant 3 : i32
      %dma_start3A_37 = arith.constant 0 : i32
      %dma_start3A_38 = arith.constant 0 : i32
      %dma_start3A_39 = tpu.memref_slice %arg12[%dma_start3A_36, %dma_start3A_37, %dma_start3A_38] : memref<4x2x100xi32, #tpu.memory_space<vmem>> -> memref<1x2x100xi32, #tpu.memory_space<vmem>>
      %dma_start3A_40 = tpu.memref_squeeze %dma_start3A_39 : memref<1x2x100xi32, #tpu.memory_space<vmem>> -> memref<2x100xi32, #tpu.memory_space<vmem>>
      %dma_start3A_41 = arith.constant 0 : i32
      %dma_start3A_42 = arith.constant 0 : i32
      %dma_start3A_43 = tpu.memref_slice %arg4[%add3A_35, %dma_start3A_41, %dma_start3A_42] : memref<3200x2x100xi32, #tpu.memory_space<hbm>> -> memref<1x2x100xi32, #tpu.memory_space<hbm>>
      %dma_start3A_44 = tpu.memref_squeeze %dma_start3A_43 : memref<1x2x100xi32, #tpu.memory_space<hbm>> -> memref<2x100xi32, #tpu.memory_space<hbm>>
      %dma_start3A_45 = arith.constant 0 : i32
      %dma_start3A_46 = arith.constant 0 : i32
      %dma_start3A_47 = tpu.memref_slice %arg12[%dma_start3A_36, %dma_start3A_45, %dma_start3A_46] : memref<4x2x100xi32, #tpu.memory_space<vmem>> -> memref<1x2x100xi32, #tpu.memory_space<vmem>>
      %dma_start3A_48 = tpu.memref_squeeze %dma_start3A_47 : memref<1x2x100xi32, #tpu.memory_space<vmem>> -> memref<2x100xi32, #tpu.memory_space<vmem>>
      %dma_start3A_49 = arith.constant 0 : i32
      %dma_start3A_50 = arith.constant 0 : i32
      %dma_start3A_51 = tpu.memref_slice %arg4[%add3A_35, %dma_start3A_49, %dma_start3A_50] : memref<3200x2x100xi32, #tpu.memory_space<hbm>> -> memref<1x2x100xi32, #tpu.memory_space<hbm>>
      %dma_start3A_52 = tpu.memref_squeeze %dma_start3A_51 : memref<1x2x100xi32, #tpu.memory_space<hbm>> -> memref<2x100xi32, #tpu.memory_space<hbm>>
      tpu.enqueue_dma source(%dma_start3A_52 : memref<2x100xi32, #tpu.memory_space<hbm>>) target(%dma_start3A_48 : memref<2x100xi32, #tpu.memory_space<vmem>>) target_semaphore(%arg25 : memref<!tpu.dma_semaphore, #tpu.memory_space<semaphore_mem>>)
      %dma_start3A_53 = arith.constant 0 : i32
      %dma_start3A_54 = arith.constant 0 : i32
      %dma_start3A_55 = arith.constant 0 : i32
      %dma_start3A_56 = tpu.memref_slice %arg12[%dma_start3A_53, %dma_start3A_54, %dma_start3A_55] : memref<4x2x100xi32, #tpu.memory_space<vmem>> -> memref<1x1x100xi32, #tpu.memory_space<vmem>>
      %dma_start3A_57 = tpu.memref_squeeze %dma_start3A_56 : memref<1x1x100xi32, #tpu.memory_space<vmem>> -> memref<100xi32, #tpu.memory_space<vmem>>
      %dma_start3A_58 = arith.constant 0 : i32
      %dma_start3A_59 = arith.constant 0 : i32
      %dma_start3A_60 = tpu.memref_slice %arg2[%dma_start3A_58, %dma_start3A_59] : memref<10000x128xf32, #tpu.memory_space<hbm>> -> memref<10000x128xf32, #tpu.memory_space<hbm>>
      tpu.enqueue_indirect_dma source(%dma_start3A_60 : memref<10000x128xf32, #tpu.memory_space<hbm>>) target(%arg13 : memref<100x128xf32, #tpu.memory_space<vmem>>) offsets(%dma_start3A_57 : memref<100xi32, #tpu.memory_space<vmem>>) semaphore(%arg20 : memref<!tpu.dma_semaphore, #tpu.memory_space<semaphore_mem>>)
      %dma_start3A_61 = arith.constant 1 : i32
      %dma_start3A_62 = arith.constant 0 : i32
      %dma_start3A_63 = arith.constant 0 : i32
      %dma_start3A_64 = tpu.memref_slice %arg12[%dma_start3A_61, %dma_start3A_62, %dma_start3A_63] : memref<4x2x100xi32, #tpu.memory_space<vmem>> -> memref<1x1x100xi32, #tpu.memory_space<vmem>>
      %dma_start3A_65 = tpu.memref_squeeze %dma_start3A_64 : memref<1x1x100xi32, #tpu.memory_space<vmem>> -> memref<100xi32, #tpu.memory_space<vmem>>
      %dma_start3A_66 = arith.constant 0 : i32
      %dma_start3A_67 = arith.constant 0 : i32
      %dma_start3A_68 = tpu.memref_slice %arg2[%dma_start3A_66, %dma_start3A_67] : memref<10000x128xf32, #tpu.memory_space<hbm>> -> memref<10000x128xf32, #tpu.memory_space<hbm>>
      tpu.enqueue_indirect_dma source(%dma_start3A_68 : memref<10000x128xf32, #tpu.memory_space<hbm>>) target(%arg14 : memref<100x128xf32, #tpu.memory_space<vmem>>) offsets(%dma_start3A_65 : memref<100xi32, #tpu.memory_space<vmem>>) semaphore(%arg21 : memref<!tpu.dma_semaphore, #tpu.memory_space<semaphore_mem>>)
      %barrier3A = arith.constant 0 : index
      tpu.barrier barrier_id(%barrier3A)
      %scan3A = arith.constant 0 : i32
      %scan3A_69 = arith.constant 0 : i32
      %scan3A_70 = arith.constant 50 : i32
      %scan3A_71 = arith.addi %scan3A_69, %scan3A_70 : i32
      %scan3A_72 = arith.constant 1 : i32
      scf.for %scan3A_97 = %scan3A_69 to %scan3A_71 step %scan3A_72  : i32 {
        %mul3A_98 = arith.constant 4 : i32
        %mul3A_99 = arith.muli %mul3A_98, %scan3A_97 : i32
        %add3A_100 = arith.constant 0 : i32
        %add3A_101 = arith.addi %mul3A_99, %add3A_100 : i32
        %dma_wait3A = arith.constant 0 : i32
        %dma_wait3A_102 = arith.constant 0 : i32
        %dma_wait3A_103 = arith.constant 0 : i32
        %dma_wait3A_104 = tpu.memref_slice %arg12[%dma_wait3A, %dma_wait3A_102, %dma_wait3A_103] : memref<4x2x100xi32, #tpu.memory_space<vmem>> -> memref<1x1x100xi32, #tpu.memory_space<vmem>>
        %dma_wait3A_105 = tpu.memref_squeeze %dma_wait3A_104 : memref<1x1x100xi32, #tpu.memory_space<vmem>> -> memref<100xi32, #tpu.memory_space<vmem>>
        %dma_wait3A_106 = arith.constant 0 : i32
        %dma_wait3A_107 = arith.constant 0 : i32
        %dma_wait3A_108 = tpu.memref_slice %arg2[%dma_wait3A_106, %dma_wait3A_107] : memref<10000x128xf32, #tpu.memory_space<hbm>> -> memref<10000x128xf32, #tpu.memory_space<hbm>>
        tpu.wait_indirect_dma semaphore(%arg20 : memref<!tpu.dma_semaphore, #tpu.memory_space<semaphore_mem>>) src(%dma_wait3A_108 : memref<10000x128xf32, #tpu.memory_space<hbm>>) dst(%arg13 : memref<100x128xf32, #tpu.memory_space<vmem>>)
        %dma_start3A_109 = arith.constant 0 : i32
        %dma_start3A_110 = arith.constant 1 : i32
        %dma_start3A_111 = arith.constant 0 : i32
        %dma_start3A_112 = tpu.memref_slice %arg12[%dma_start3A_109, %dma_start3A_110, %dma_start3A_111] : memref<4x2x100xi32, #tpu.memory_space<vmem>> -> memref<1x1x100xi32, #tpu.memory_space<vmem>>
        %dma_start3A_113 = tpu.memref_squeeze %dma_start3A_112 : memref<1x1x100xi32, #tpu.memory_space<vmem>> -> memref<100xi32, #tpu.memory_space<vmem>>
        %dma_start3A_114 = arith.constant 0 : i32
        %dma_start3A_115 = arith.constant 0 : i32
        %dma_start3A_116 = tpu.memref_slice %arg18[%dma_start3A_114, %dma_start3A_115] : memref<10000x16xf32, #tpu.memory_space<vmem_shared>> -> memref<10000x16xf32, #tpu.memory_space<vmem_shared>>
        tpu.enqueue_indirect_dma source(%arg15 : memref<100x16xf32, #tpu.memory_space<vmem>>) target(%dma_start3A_116 : memref<10000x16xf32, #tpu.memory_space<vmem_shared>>) offsets(%dma_start3A_113 : memref<100xi32, #tpu.memory_space<vmem>>) semaphore(%arg26 : memref<!tpu.dma_semaphore, #tpu.memory_space<semaphore_mem>>) {add = true}
        %dma_start3A_117 = arith.constant 0 : i32
        %dma_start3A_118 = arith.constant 0 : i32
        %dma_start3A_119 = arith.constant 0 : i32
        %dma_start3A_120 = tpu.memref_slice %arg12[%dma_start3A_117, %dma_start3A_118, %dma_start3A_119] : memref<4x2x100xi32, #tpu.memory_space<vmem>> -> memref<1x1x100xi32, #tpu.memory_space<vmem>>
        %dma_start3A_121 = tpu.memref_squeeze %dma_start3A_120 : memref<1x1x100xi32, #tpu.memory_space<vmem>> -> memref<100xi32, #tpu.memory_space<vmem>>
        %dma_start3A_122 = arith.constant 0 : i32
        %dma_start3A_123 = arith.constant 0 : i32
        %dma_start3A_124 = tpu.memref_slice %arg19[%dma_start3A_122, %dma_start3A_123] : memref<10000x16xf32, #tpu.memory_space<vmem_shared>> -> memref<10000x16xf32, #tpu.memory_space<vmem_shared>>
        tpu.enqueue_indirect_dma source(%arg15 : memref<100x16xf32, #tpu.memory_space<vmem>>) target(%dma_start3A_124 : memref<10000x16xf32, #tpu.memory_space<vmem_shared>>) offsets(%dma_start3A_121 : memref<100xi32, #tpu.memory_space<vmem>>) semaphore(%arg26 : memref<!tpu.dma_semaphore, #tpu.memory_space<semaphore_mem>>) {add = true}
        %run_scoped3A_125 = arith.constant 0 : i32
        %run_scoped3A_126 = arith.constant 1 : i32
        "tpu.region"() ({
          %run_scoped3A_336 = tpu.sem_alloc : memref<!tpu.dma_semaphore, #tpu.memory_space<semaphore_mem>>
          %dma_start3A_337 = arith.constant 0 : i32
          %dma_start3A_338 = tpu.memref_slice %arg12[%run_scoped3A_125, %run_scoped3A_126, %dma_start3A_337] : memref<4x2x100xi32, #tpu.memory_space<vmem>> -> memref<1x1x100xi32, #tpu.memory_space<vmem>>
          %dma_start3A_339 = tpu.memref_squeeze %dma_start3A_338 : memref<1x1x100xi32, #tpu.memory_space<vmem>> -> memref<100xi32, #tpu.memory_space<vmem>>
          %dma_start3A_340 = arith.constant 0 : i32
          %dma_start3A_341 = arith.constant 0 : i32
          %dma_start3A_342 = tpu.memref_slice %arg17[%dma_start3A_340, %dma_start3A_341] : memref<10000x128xf32, #tpu.memory_space<vmem_shared>> -> memref<10000x128xf32, #tpu.memory_space<vmem_shared>>
          tpu.enqueue_indirect_dma source(%arg13 : memref<100x128xf32, #tpu.memory_space<vmem>>) target(%dma_start3A_342 : memref<10000x128xf32, #tpu.memory_space<vmem_shared>>) offsets(%dma_start3A_339 : memref<100xi32, #tpu.memory_space<vmem>>) semaphore(%run_scoped3A_336 : memref<!tpu.dma_semaphore, #tpu.memory_space<semaphore_mem>>) {add = true}
          %dma_wait3A_343 = arith.constant 0 : i32
          %dma_wait3A_344 = tpu.memref_slice %arg12[%run_scoped3A_125, %run_scoped3A_126, %dma_wait3A_343] : memref<4x2x100xi32, #tpu.memory_space<vmem>> -> memref<1x1x100xi32, #tpu.memory_space<vmem>>
          %dma_wait3A_345 = tpu.memref_squeeze %dma_wait3A_344 : memref<1x1x100xi32, #tpu.memory_space<vmem>> -> memref<100xi32, #tpu.memory_space<vmem>>
          %dma_wait3A_346 = arith.constant 0 : i32
          %dma_wait3A_347 = arith.constant 0 : i32
          %dma_wait3A_348 = tpu.memref_slice %arg17[%dma_wait3A_346, %dma_wait3A_347] : memref<10000x128xf32, #tpu.memory_space<vmem_shared>> -> memref<10000x128xf32, #tpu.memory_space<vmem_shared>>
          tpu.wait_indirect_dma semaphore(%run_scoped3A_336 : memref<!tpu.dma_semaphore, #tpu.memory_space<semaphore_mem>>) src(%arg13 : memref<100x128xf32, #tpu.memory_space<vmem>>) dst(%dma_wait3A_348 : memref<10000x128xf32, #tpu.memory_space<vmem_shared>>)
          tpu.yield
        }) : () -> ()
        %dma_wait3A_127 = arith.constant 0 : i32
        %dma_wait3A_128 = arith.constant 1 : i32
        %dma_wait3A_129 = arith.constant 0 : i32
        %dma_wait3A_130 = tpu.memref_slice %arg12[%dma_wait3A_127, %dma_wait3A_128, %dma_wait3A_129] : memref<4x2x100xi32, #tpu.memory_space<vmem>> -> memref<1x1x100xi32, #tpu.memory_space<vmem>>
        %dma_wait3A_131 = tpu.memref_squeeze %dma_wait3A_130 : memref<1x1x100xi32, #tpu.memory_space<vmem>> -> memref<100xi32, #tpu.memory_space<vmem>>
        %dma_wait3A_132 = arith.constant 0 : i32
        %dma_wait3A_133 = arith.constant 0 : i32
        %dma_wait3A_134 = tpu.memref_slice %arg18[%dma_wait3A_132, %dma_wait3A_133] : memref<10000x16xf32, #tpu.memory_space<vmem_shared>> -> memref<10000x16xf32, #tpu.memory_space<vmem_shared>>
        tpu.wait_indirect_dma semaphore(%arg26 : memref<!tpu.dma_semaphore, #tpu.memory_space<semaphore_mem>>) src(%arg15 : memref<100x16xf32, #tpu.memory_space<vmem>>) dst(%dma_wait3A_134 : memref<10000x16xf32, #tpu.memory_space<vmem_shared>>)
        %dma_wait3A_135 = arith.constant 0 : i32
        %dma_wait3A_136 = arith.constant 0 : i32
        %dma_wait3A_137 = arith.constant 0 : i32
        %dma_wait3A_138 = tpu.memref_slice %arg12[%dma_wait3A_135, %dma_wait3A_136, %dma_wait3A_137] : memref<4x2x100xi32, #tpu.memory_space<vmem>> -> memref<1x1x100xi32, #tpu.memory_space<vmem>>
        %dma_wait3A_139 = tpu.memref_squeeze %dma_wait3A_138 : memref<1x1x100xi32, #tpu.memory_space<vmem>> -> memref<100xi32, #tpu.memory_space<vmem>>
        %dma_wait3A_140 = arith.constant 0 : i32
        %dma_wait3A_141 = arith.constant 0 : i32
        %dma_wait3A_142 = tpu.memref_slice %arg19[%dma_wait3A_140, %dma_wait3A_141] : memref<10000x16xf32, #tpu.memory_space<vmem_shared>> -> memref<10000x16xf32, #tpu.memory_space<vmem_shared>>
        tpu.wait_indirect_dma semaphore(%arg26 : memref<!tpu.dma_semaphore, #tpu.memory_space<semaphore_mem>>) src(%arg15 : memref<100x16xf32, #tpu.memory_space<vmem>>) dst(%dma_wait3A_142 : memref<10000x16xf32, #tpu.memory_space<vmem_shared>>)
        %add3A_143 = arith.constant 4 : i32
        %add3A_144 = arith.addi %add3A_101, %add3A_143 : i32
        %lt3A = arith.constant 200 : i32
        %lt3A_145 = arith.cmpi slt, %add3A_144, %lt3A : i32
        %convert_element_type3A_146 = arith.extui %lt3A_145 : i1 to i32
        %cond3A_147 = arith.constant 0 : i32
        %cond3A_148 = arith.cmpi ne, %convert_element_type3A_146, %cond3A_147 : i32
        scf.if %cond3A_148 {
          %add3A_336 = arith.addi %mul3A_7, %add3A_101 : i32
          %add3A_337 = arith.constant 4 : i32
          %add3A_338 = arith.addi %add3A_336, %add3A_337 : i32
          %dma_start3A_339 = arith.constant 0 : i32
          %dma_start3A_340 = arith.constant 0 : i32
          %dma_start3A_341 = arith.constant 0 : i32
          %dma_start3A_342 = tpu.memref_slice %arg12[%dma_start3A_339, %dma_start3A_340, %dma_start3A_341] : memref<4x2x100xi32, #tpu.memory_space<vmem>> -> memref<1x2x100xi32, #tpu.memory_space<vmem>>
          %dma_start3A_343 = tpu.memref_squeeze %dma_start3A_342 : memref<1x2x100xi32, #tpu.memory_space<vmem>> -> memref<2x100xi32, #tpu.memory_space<vmem>>
          %dma_start3A_344 = arith.constant 0 : i32
          %dma_start3A_345 = arith.constant 0 : i32
          %dma_start3A_346 = tpu.memref_slice %arg4[%add3A_338, %dma_start3A_344, %dma_start3A_345] : memref<3200x2x100xi32, #tpu.memory_space<hbm>> -> memref<1x2x100xi32, #tpu.memory_space<hbm>>
          %dma_start3A_347 = tpu.memref_squeeze %dma_start3A_346 : memref<1x2x100xi32, #tpu.memory_space<hbm>> -> memref<2x100xi32, #tpu.memory_space<hbm>>
          %dma_start3A_348 = arith.constant 0 : i32
          %dma_start3A_349 = arith.constant 0 : i32
          %dma_start3A_350 = tpu.memref_slice %arg12[%dma_start3A_339, %dma_start3A_348, %dma_start3A_349] : memref<4x2x100xi32, #tpu.memory_space<vmem>> -> memref<1x2x100xi32, #tpu.memory_space<vmem>>
          %dma_start3A_351 = tpu.memref_squeeze %dma_start3A_350 : memref<1x2x100xi32, #tpu.memory_space<vmem>> -> memref<2x100xi32, #tpu.memory_space<vmem>>
          %dma_start3A_352 = arith.constant 0 : i32
          %dma_start3A_353 = arith.constant 0 : i32
          %dma_start3A_354 = tpu.memref_slice %arg4[%add3A_338, %dma_start3A_352, %dma_start3A_353] : memref<3200x2x100xi32, #tpu.memory_space<hbm>> -> memref<1x2x100xi32, #tpu.memory_space<hbm>>
          %dma_start3A_355 = tpu.memref_squeeze %dma_start3A_354 : memref<1x2x100xi32, #tpu.memory_space<hbm>> -> memref<2x100xi32, #tpu.memory_space<hbm>>
          tpu.enqueue_dma source(%dma_start3A_355 : memref<2x100xi32, #tpu.memory_space<hbm>>) target(%dma_start3A_351 : memref<2x100xi32, #tpu.memory_space<vmem>>) target_semaphore(%arg22 : memref<!tpu.dma_semaphore, #tpu.memory_space<semaphore_mem>>)
        } else {
        }
        %add3A_149 = arith.constant 2 : i32
        %add3A_150 = arith.addi %add3A_101, %add3A_149 : i32
        %lt3A_151 = arith.constant 200 : i32
        %lt3A_152 = arith.cmpi slt, %add3A_150, %lt3A_151 : i32
        %convert_element_type3A_153 = arith.extui %lt3A_152 : i1 to i32
        %cond3A_154 = arith.constant 0 : i32
        %cond3A_155 = arith.cmpi ne, %convert_element_type3A_153, %cond3A_154 : i32
        scf.if %cond3A_155 {
          %add3A_336 = arith.addi %mul3A_7, %add3A_101 : i32
          %add3A_337 = arith.constant 2 : i32
          %add3A_338 = arith.addi %add3A_336, %add3A_337 : i32
          %dma_wait3A_339 = arith.constant 2 : i32
          %dma_wait3A_340 = arith.constant 0 : i32
          %dma_wait3A_341 = arith.constant 0 : i32
          %dma_wait3A_342 = tpu.memref_slice %arg12[%dma_wait3A_339, %dma_wait3A_340, %dma_wait3A_341] : memref<4x2x100xi32, #tpu.memory_space<vmem>> -> memref<1x2x100xi32, #tpu.memory_space<vmem>>
          %dma_wait3A_343 = tpu.memref_squeeze %dma_wait3A_342 : memref<1x2x100xi32, #tpu.memory_space<vmem>> -> memref<2x100xi32, #tpu.memory_space<vmem>>
          %dma_wait3A_344 = arith.constant 0 : i32
          %dma_wait3A_345 = arith.constant 0 : i32
          %dma_wait3A_346 = tpu.memref_slice %arg4[%add3A_338, %dma_wait3A_344, %dma_wait3A_345] : memref<3200x2x100xi32, #tpu.memory_space<hbm>> -> memref<1x2x100xi32, #tpu.memory_space<hbm>>
          %dma_wait3A_347 = tpu.memref_squeeze %dma_wait3A_346 : memref<1x2x100xi32, #tpu.memory_space<hbm>> -> memref<2x100xi32, #tpu.memory_space<hbm>>
          %dma_wait3A_348 = arith.constant 0 : i32
          %dma_wait3A_349 = arith.constant 0 : i32
          %dma_wait3A_350 = tpu.memref_slice %arg12[%dma_wait3A_339, %dma_wait3A_348, %dma_wait3A_349] : memref<4x2x100xi32, #tpu.memory_space<vmem>> -> memref<1x2x100xi32, #tpu.memory_space<vmem>>
          %dma_wait3A_351 = tpu.memref_squeeze %dma_wait3A_350 : memref<1x2x100xi32, #tpu.memory_space<vmem>> -> memref<2x100xi32, #tpu.memory_space<vmem>>
          %dma_wait3A_352 = arith.constant 0 : i32
          %dma_wait3A_353 = arith.constant 0 : i32
          %dma_wait3A_354 = tpu.memref_slice %arg4[%add3A_338, %dma_wait3A_352, %dma_wait3A_353] : memref<3200x2x100xi32, #tpu.memory_space<hbm>> -> memref<1x2x100xi32, #tpu.memory_space<hbm>>
          %dma_wait3A_355 = tpu.memref_squeeze %dma_wait3A_354 : memref<1x2x100xi32, #tpu.memory_space<hbm>> -> memref<2x100xi32, #tpu.memory_space<hbm>>
          tpu.wait_dma2 semaphore(%arg24 : memref<!tpu.dma_semaphore, #tpu.memory_space<semaphore_mem>>) src(%dma_wait3A_355 : memref<2x100xi32, #tpu.memory_space<hbm>>) dst(%dma_wait3A_351 : memref<2x100xi32, #tpu.memory_space<vmem>>)
          %dma_start3A_356 = arith.constant 2 : i32
          %dma_start3A_357 = arith.constant 0 : i32
          %dma_start3A_358 = arith.constant 0 : i32
          %dma_start3A_359 = tpu.memref_slice %arg12[%dma_start3A_356, %dma_start3A_357, %dma_start3A_358] : memref<4x2x100xi32, #tpu.memory_space<vmem>> -> memref<1x1x100xi32, #tpu.memory_space<vmem>>
          %dma_start3A_360 = tpu.memref_squeeze %dma_start3A_359 : memref<1x1x100xi32, #tpu.memory_space<vmem>> -> memref<100xi32, #tpu.memory_space<vmem>>
          %dma_start3A_361 = arith.constant 0 : i32
          %dma_start3A_362 = arith.constant 0 : i32
          %dma_start3A_363 = tpu.memref_slice %arg2[%dma_start3A_361, %dma_start3A_362] : memref<10000x128xf32, #tpu.memory_space<hbm>> -> memref<10000x128xf32, #tpu.memory_space<hbm>>
          tpu.enqueue_indirect_dma source(%dma_start3A_363 : memref<10000x128xf32, #tpu.memory_space<hbm>>) target(%arg13 : memref<100x128xf32, #tpu.memory_space<vmem>>) offsets(%dma_start3A_360 : memref<100xi32, #tpu.memory_space<vmem>>) semaphore(%arg20 : memref<!tpu.dma_semaphore, #tpu.memory_space<semaphore_mem>>)
        } else {
        }
        %mul3A_156 = arith.constant 4 : i32
        %mul3A_157 = arith.muli %mul3A_156, %scan3A_97 : i32
        %add3A_158 = arith.constant 1 : i32
        %add3A_159 = arith.addi %mul3A_157, %add3A_158 : i32
        %dma_wait3A_160 = arith.constant 1 : i32
        %dma_wait3A_161 = arith.constant 0 : i32
        %dma_wait3A_162 = arith.constant 0 : i32
        %dma_wait3A_163 = tpu.memref_slice %arg12[%dma_wait3A_160, %dma_wait3A_161, %dma_wait3A_162] : memref<4x2x100xi32, #tpu.memory_space<vmem>> -> memref<1x1x100xi32, #tpu.memory_space<vmem>>
        %dma_wait3A_164 = tpu.memref_squeeze %dma_wait3A_163 : memref<1x1x100xi32, #tpu.memory_space<vmem>> -> memref<100xi32, #tpu.memory_space<vmem>>
        %dma_wait3A_165 = arith.constant 0 : i32
        %dma_wait3A_166 = arith.constant 0 : i32
        %dma_wait3A_167 = tpu.memref_slice %arg2[%dma_wait3A_165, %dma_wait3A_166] : memref<10000x128xf32, #tpu.memory_space<hbm>> -> memref<10000x128xf32, #tpu.memory_space<hbm>>
        tpu.wait_indirect_dma semaphore(%arg21 : memref<!tpu.dma_semaphore, #tpu.memory_space<semaphore_mem>>) src(%dma_wait3A_167 : memref<10000x128xf32, #tpu.memory_space<hbm>>) dst(%arg14 : memref<100x128xf32, #tpu.memory_space<vmem>>)
        %dma_start3A_168 = arith.constant 1 : i32
        %dma_start3A_169 = arith.constant 1 : i32
        %dma_start3A_170 = arith.constant 0 : i32
        %dma_start3A_171 = tpu.memref_slice %arg12[%dma_start3A_168, %dma_start3A_169, %dma_start3A_170] : memref<4x2x100xi32, #tpu.memory_space<vmem>> -> memref<1x1x100xi32, #tpu.memory_space<vmem>>
        %dma_start3A_172 = tpu.memref_squeeze %dma_start3A_171 : memref<1x1x100xi32, #tpu.memory_space<vmem>> -> memref<100xi32, #tpu.memory_space<vmem>>
        %dma_start3A_173 = arith.constant 0 : i32
        %dma_start3A_174 = arith.constant 0 : i32
        %dma_start3A_175 = tpu.memref_slice %arg18[%dma_start3A_173, %dma_start3A_174] : memref<10000x16xf32, #tpu.memory_space<vmem_shared>> -> memref<10000x16xf32, #tpu.memory_space<vmem_shared>>
        tpu.enqueue_indirect_dma source(%arg15 : memref<100x16xf32, #tpu.memory_space<vmem>>) target(%dma_start3A_175 : memref<10000x16xf32, #tpu.memory_space<vmem_shared>>) offsets(%dma_start3A_172 : memref<100xi32, #tpu.memory_space<vmem>>) semaphore(%arg26 : memref<!tpu.dma_semaphore, #tpu.memory_space<semaphore_mem>>) {add = true}
        %dma_start3A_176 = arith.constant 1 : i32
        %dma_start3A_177 = arith.constant 0 : i32
        %dma_start3A_178 = arith.constant 0 : i32
        %dma_start3A_179 = tpu.memref_slice %arg12[%dma_start3A_176, %dma_start3A_177, %dma_start3A_178] : memref<4x2x100xi32, #tpu.memory_space<vmem>> -> memref<1x1x100xi32, #tpu.memory_space<vmem>>
        %dma_start3A_180 = tpu.memref_squeeze %dma_start3A_179 : memref<1x1x100xi32, #tpu.memory_space<vmem>> -> memref<100xi32, #tpu.memory_space<vmem>>
        %dma_start3A_181 = arith.constant 0 : i32
        %dma_start3A_182 = arith.constant 0 : i32
        %dma_start3A_183 = tpu.memref_slice %arg19[%dma_start3A_181, %dma_start3A_182] : memref<10000x16xf32, #tpu.memory_space<vmem_shared>> -> memref<10000x16xf32, #tpu.memory_space<vmem_shared>>
        tpu.enqueue_indirect_dma source(%arg15 : memref<100x16xf32, #tpu.memory_space<vmem>>) target(%dma_start3A_183 : memref<10000x16xf32, #tpu.memory_space<vmem_shared>>) offsets(%dma_start3A_180 : memref<100xi32, #tpu.memory_space<vmem>>) semaphore(%arg26 : memref<!tpu.dma_semaphore, #tpu.memory_space<semaphore_mem>>) {add = true}
        %run_scoped3A_184 = arith.constant 1 : i32
        %run_scoped3A_185 = arith.constant 1 : i32
        "tpu.region"() ({
          %run_scoped3A_336 = tpu.sem_alloc : memref<!tpu.dma_semaphore, #tpu.memory_space<semaphore_mem>>
          %dma_start3A_337 = arith.constant 0 : i32
          %dma_start3A_338 = tpu.memref_slice %arg12[%run_scoped3A_184, %run_scoped3A_185, %dma_start3A_337] : memref<4x2x100xi32, #tpu.memory_space<vmem>> -> memref<1x1x100xi32, #tpu.memory_space<vmem>>
          %dma_start3A_339 = tpu.memref_squeeze %dma_start3A_338 : memref<1x1x100xi32, #tpu.memory_space<vmem>> -> memref<100xi32, #tpu.memory_space<vmem>>
          %dma_start3A_340 = arith.constant 0 : i32
          %dma_start3A_341 = arith.constant 0 : i32
          %dma_start3A_342 = tpu.memref_slice %arg17[%dma_start3A_340, %dma_start3A_341] : memref<10000x128xf32, #tpu.memory_space<vmem_shared>> -> memref<10000x128xf32, #tpu.memory_space<vmem_shared>>
          tpu.enqueue_indirect_dma source(%arg14 : memref<100x128xf32, #tpu.memory_space<vmem>>) target(%dma_start3A_342 : memref<10000x128xf32, #tpu.memory_space<vmem_shared>>) offsets(%dma_start3A_339 : memref<100xi32, #tpu.memory_space<vmem>>) semaphore(%run_scoped3A_336 : memref<!tpu.dma_semaphore, #tpu.memory_space<semaphore_mem>>) {add = true}
          %dma_wait3A_343 = arith.constant 0 : i32
          %dma_wait3A_344 = tpu.memref_slice %arg12[%run_scoped3A_184, %run_scoped3A_185, %dma_wait3A_343] : memref<4x2x100xi32, #tpu.memory_space<vmem>> -> memref<1x1x100xi32, #tpu.memory_space<vmem>>
          %dma_wait3A_345 = tpu.memref_squeeze %dma_wait3A_344 : memref<1x1x100xi32, #tpu.memory_space<vmem>> -> memref<100xi32, #tpu.memory_space<vmem>>
          %dma_wait3A_346 = arith.constant 0 : i32
          %dma_wait3A_347 = arith.constant 0 : i32
          %dma_wait3A_348 = tpu.memref_slice %arg17[%dma_wait3A_346, %dma_wait3A_347] : memref<10000x128xf32, #tpu.memory_space<vmem_shared>> -> memref<10000x128xf32, #tpu.memory_space<vmem_shared>>
          tpu.wait_indirect_dma semaphore(%run_scoped3A_336 : memref<!tpu.dma_semaphore, #tpu.memory_space<semaphore_mem>>) src(%arg14 : memref<100x128xf32, #tpu.memory_space<vmem>>) dst(%dma_wait3A_348 : memref<10000x128xf32, #tpu.memory_space<vmem_shared>>)
          tpu.yield
        }) : () -> ()
        %dma_wait3A_186 = arith.constant 1 : i32
        %dma_wait3A_187 = arith.constant 1 : i32
        %dma_wait3A_188 = arith.constant 0 : i32
        %dma_wait3A_189 = tpu.memref_slice %arg12[%dma_wait3A_186, %dma_wait3A_187, %dma_wait3A_188] : memref<4x2x100xi32, #tpu.memory_space<vmem>> -> memref<1x1x100xi32, #tpu.memory_space<vmem>>
        %dma_wait3A_190 = tpu.memref_squeeze %dma_wait3A_189 : memref<1x1x100xi32, #tpu.memory_space<vmem>> -> memref<100xi32, #tpu.memory_space<vmem>>
        %dma_wait3A_191 = arith.constant 0 : i32
        %dma_wait3A_192 = arith.constant 0 : i32
        %dma_wait3A_193 = tpu.memref_slice %arg18[%dma_wait3A_191, %dma_wait3A_192] : memref<10000x16xf32, #tpu.memory_space<vmem_shared>> -> memref<10000x16xf32, #tpu.memory_space<vmem_shared>>
        tpu.wait_indirect_dma semaphore(%arg26 : memref<!tpu.dma_semaphore, #tpu.memory_space<semaphore_mem>>) src(%arg15 : memref<100x16xf32, #tpu.memory_space<vmem>>) dst(%dma_wait3A_193 : memref<10000x16xf32, #tpu.memory_space<vmem_shared>>)
        %dma_wait3A_194 = arith.constant 1 : i32
        %dma_wait3A_195 = arith.constant 0 : i32
        %dma_wait3A_196 = arith.constant 0 : i32
        %dma_wait3A_197 = tpu.memref_slice %arg12[%dma_wait3A_194, %dma_wait3A_195, %dma_wait3A_196] : memref<4x2x100xi32, #tpu.memory_space<vmem>> -> memref<1x1x100xi32, #tpu.memory_space<vmem>>
        %dma_wait3A_198 = tpu.memref_squeeze %dma_wait3A_197 : memref<1x1x100xi32, #tpu.memory_space<vmem>> -> memref<100xi32, #tpu.memory_space<vmem>>
        %dma_wait3A_199 = arith.constant 0 : i32
        %dma_wait3A_200 = arith.constant 0 : i32
        %dma_wait3A_201 = tpu.memref_slice %arg19[%dma_wait3A_199, %dma_wait3A_200] : memref<10000x16xf32, #tpu.memory_space<vmem_shared>> -> memref<10000x16xf32, #tpu.memory_space<vmem_shared>>
        tpu.wait_indirect_dma semaphore(%arg26 : memref<!tpu.dma_semaphore, #tpu.memory_space<semaphore_mem>>) src(%arg15 : memref<100x16xf32, #tpu.memory_space<vmem>>) dst(%dma_wait3A_201 : memref<10000x16xf32, #tpu.memory_space<vmem_shared>>)
        %add3A_202 = arith.constant 4 : i32
        %add3A_203 = arith.addi %add3A_159, %add3A_202 : i32
        %lt3A_204 = arith.constant 200 : i32
        %lt3A_205 = arith.cmpi slt, %add3A_203, %lt3A_204 : i32
        %convert_element_type3A_206 = arith.extui %lt3A_205 : i1 to i32
        %cond3A_207 = arith.constant 0 : i32
        %cond3A_208 = arith.cmpi ne, %convert_element_type3A_206, %cond3A_207 : i32
        scf.if %cond3A_208 {
          %add3A_336 = arith.addi %mul3A_7, %add3A_159 : i32
          %add3A_337 = arith.constant 4 : i32
          %add3A_338 = arith.addi %add3A_336, %add3A_337 : i32
          %dma_start3A_339 = arith.constant 1 : i32
          %dma_start3A_340 = arith.constant 0 : i32
          %dma_start3A_341 = arith.constant 0 : i32
          %dma_start3A_342 = tpu.memref_slice %arg12[%dma_start3A_339, %dma_start3A_340, %dma_start3A_341] : memref<4x2x100xi32, #tpu.memory_space<vmem>> -> memref<1x2x100xi32, #tpu.memory_space<vmem>>
          %dma_start3A_343 = tpu.memref_squeeze %dma_start3A_342 : memref<1x2x100xi32, #tpu.memory_space<vmem>> -> memref<2x100xi32, #tpu.memory_space<vmem>>
          %dma_start3A_344 = arith.constant 0 : i32
          %dma_start3A_345 = arith.constant 0 : i32
          %dma_start3A_346 = tpu.memref_slice %arg4[%add3A_338, %dma_start3A_344, %dma_start3A_345] : memref<3200x2x100xi32, #tpu.memory_space<hbm>> -> memref<1x2x100xi32, #tpu.memory_space<hbm>>
          %dma_start3A_347 = tpu.memref_squeeze %dma_start3A_346 : memref<1x2x100xi32, #tpu.memory_space<hbm>> -> memref<2x100xi32, #tpu.memory_space<hbm>>
          %dma_start3A_348 = arith.constant 0 : i32
          %dma_start3A_349 = arith.constant 0 : i32
          %dma_start3A_350 = tpu.memref_slice %arg12[%dma_start3A_339, %dma_start3A_348, %dma_start3A_349] : memref<4x2x100xi32, #tpu.memory_space<vmem>> -> memref<1x2x100xi32, #tpu.memory_space<vmem>>
          %dma_start3A_351 = tpu.memref_squeeze %dma_start3A_350 : memref<1x2x100xi32, #tpu.memory_space<vmem>> -> memref<2x100xi32, #tpu.memory_space<vmem>>
          %dma_start3A_352 = arith.constant 0 : i32
          %dma_start3A_353 = arith.constant 0 : i32
          %dma_start3A_354 = tpu.memref_slice %arg4[%add3A_338, %dma_start3A_352, %dma_start3A_353] : memref<3200x2x100xi32, #tpu.memory_space<hbm>> -> memref<1x2x100xi32, #tpu.memory_space<hbm>>
          %dma_start3A_355 = tpu.memref_squeeze %dma_start3A_354 : memref<1x2x100xi32, #tpu.memory_space<hbm>> -> memref<2x100xi32, #tpu.memory_space<hbm>>
          tpu.enqueue_dma source(%dma_start3A_355 : memref<2x100xi32, #tpu.memory_space<hbm>>) target(%dma_start3A_351 : memref<2x100xi32, #tpu.memory_space<vmem>>) target_semaphore(%arg23 : memref<!tpu.dma_semaphore, #tpu.memory_space<semaphore_mem>>)
        } else {
        }
        %add3A_209 = arith.constant 2 : i32
        %add3A_210 = arith.addi %add3A_159, %add3A_209 : i32
        %lt3A_211 = arith.constant 200 : i32
        %lt3A_212 = arith.cmpi slt, %add3A_210, %lt3A_211 : i32
        %convert_element_type3A_213 = arith.extui %lt3A_212 : i1 to i32
        %cond3A_214 = arith.constant 0 : i32
        %cond3A_215 = arith.cmpi ne, %convert_element_type3A_213, %cond3A_214 : i32
        scf.if %cond3A_215 {
          %add3A_336 = arith.addi %mul3A_7, %add3A_159 : i32
          %add3A_337 = arith.constant 2 : i32
          %add3A_338 = arith.addi %add3A_336, %add3A_337 : i32
          %dma_wait3A_339 = arith.constant 3 : i32
          %dma_wait3A_340 = arith.constant 0 : i32
          %dma_wait3A_341 = arith.constant 0 : i32
          %dma_wait3A_342 = tpu.memref_slice %arg12[%dma_wait3A_339, %dma_wait3A_340, %dma_wait3A_341] : memref<4x2x100xi32, #tpu.memory_space<vmem>> -> memref<1x2x100xi32, #tpu.memory_space<vmem>>
          %dma_wait3A_343 = tpu.memref_squeeze %dma_wait3A_342 : memref<1x2x100xi32, #tpu.memory_space<vmem>> -> memref<2x100xi32, #tpu.memory_space<vmem>>
          %dma_wait3A_344 = arith.constant 0 : i32
          %dma_wait3A_345 = arith.constant 0 : i32
          %dma_wait3A_346 = tpu.memref_slice %arg4[%add3A_338, %dma_wait3A_344, %dma_wait3A_345] : memref<3200x2x100xi32, #tpu.memory_space<hbm>> -> memref<1x2x100xi32, #tpu.memory_space<hbm>>
          %dma_wait3A_347 = tpu.memref_squeeze %dma_wait3A_346 : memref<1x2x100xi32, #tpu.memory_space<hbm>> -> memref<2x100xi32, #tpu.memory_space<hbm>>
          %dma_wait3A_348 = arith.constant 0 : i32
          %dma_wait3A_349 = arith.constant 0 : i32
          %dma_wait3A_350 = tpu.memref_slice %arg12[%dma_wait3A_339, %dma_wait3A_348, %dma_wait3A_349] : memref<4x2x100xi32, #tpu.memory_space<vmem>> -> memref<1x2x100xi32, #tpu.memory_space<vmem>>
          %dma_wait3A_351 = tpu.memref_squeeze %dma_wait3A_350 : memref<1x2x100xi32, #tpu.memory_space<vmem>> -> memref<2x100xi32, #tpu.memory_space<vmem>>
          %dma_wait3A_352 = arith.constant 0 : i32
          %dma_wait3A_353 = arith.constant 0 : i32
          %dma_wait3A_354 = tpu.memref_slice %arg4[%add3A_338, %dma_wait3A_352, %dma_wait3A_353] : memref<3200x2x100xi32, #tpu.memory_space<hbm>> -> memref<1x2x100xi32, #tpu.memory_space<hbm>>
          %dma_wait3A_355 = tpu.memref_squeeze %dma_wait3A_354 : memref<1x2x100xi32, #tpu.memory_space<hbm>> -> memref<2x100xi32, #tpu.memory_space<hbm>>
          tpu.wait_dma2 semaphore(%arg25 : memref<!tpu.dma_semaphore, #tpu.memory_space<semaphore_mem>>) src(%dma_wait3A_355 : memref<2x100xi32, #tpu.memory_space<hbm>>) dst(%dma_wait3A_351 : memref<2x100xi32, #tpu.memory_space<vmem>>)
          %dma_start3A_356 = arith.constant 3 : i32
          %dma_start3A_357 = arith.constant 0 : i32
          %dma_start3A_358 = arith.constant 0 : i32
          %dma_start3A_359 = tpu.memref_slice %arg12[%dma_start3A_356, %dma_start3A_357, %dma_start3A_358] : memref<4x2x100xi32, #tpu.memory_space<vmem>> -> memref<1x1x100xi32, #tpu.memory_space<vmem>>
          %dma_start3A_360 = tpu.memref_squeeze %dma_start3A_359 : memref<1x1x100xi32, #tpu.memory_space<vmem>> -> memref<100xi32, #tpu.memory_space<vmem>>
          %dma_start3A_361 = arith.constant 0 : i32
          %dma_start3A_362 = arith.constant 0 : i32
          %dma_start3A_363 = tpu.memref_slice %arg2[%dma_start3A_361, %dma_start3A_362] : memref<10000x128xf32, #tpu.memory_space<hbm>> -> memref<10000x128xf32, #tpu.memory_space<hbm>>
          tpu.enqueue_indirect_dma source(%dma_start3A_363 : memref<10000x128xf32, #tpu.memory_space<hbm>>) target(%arg14 : memref<100x128xf32, #tpu.memory_space<vmem>>) offsets(%dma_start3A_360 : memref<100xi32, #tpu.memory_space<vmem>>) semaphore(%arg21 : memref<!tpu.dma_semaphore, #tpu.memory_space<semaphore_mem>>)
        } else {
        }
        %mul3A_216 = arith.constant 4 : i32
        %mul3A_217 = arith.muli %mul3A_216, %scan3A_97 : i32
        %add3A_218 = arith.constant 2 : i32
        %add3A_219 = arith.addi %mul3A_217, %add3A_218 : i32
        %dma_wait3A_220 = arith.constant 2 : i32
        %dma_wait3A_221 = arith.constant 0 : i32
        %dma_wait3A_222 = arith.constant 0 : i32
        %dma_wait3A_223 = tpu.memref_slice %arg12[%dma_wait3A_220, %dma_wait3A_221, %dma_wait3A_222] : memref<4x2x100xi32, #tpu.memory_space<vmem>> -> memref<1x1x100xi32, #tpu.memory_space<vmem>>
        %dma_wait3A_224 = tpu.memref_squeeze %dma_wait3A_223 : memref<1x1x100xi32, #tpu.memory_space<vmem>> -> memref<100xi32, #tpu.memory_space<vmem>>
        %dma_wait3A_225 = arith.constant 0 : i32
        %dma_wait3A_226 = arith.constant 0 : i32
        %dma_wait3A_227 = tpu.memref_slice %arg2[%dma_wait3A_225, %dma_wait3A_226] : memref<10000x128xf32, #tpu.memory_space<hbm>> -> memref<10000x128xf32, #tpu.memory_space<hbm>>
        tpu.wait_indirect_dma semaphore(%arg20 : memref<!tpu.dma_semaphore, #tpu.memory_space<semaphore_mem>>) src(%dma_wait3A_227 : memref<10000x128xf32, #tpu.memory_space<hbm>>) dst(%arg13 : memref<100x128xf32, #tpu.memory_space<vmem>>)
        %dma_start3A_228 = arith.constant 2 : i32
        %dma_start3A_229 = arith.constant 1 : i32
        %dma_start3A_230 = arith.constant 0 : i32
        %dma_start3A_231 = tpu.memref_slice %arg12[%dma_start3A_228, %dma_start3A_229, %dma_start3A_230] : memref<4x2x100xi32, #tpu.memory_space<vmem>> -> memref<1x1x100xi32, #tpu.memory_space<vmem>>
        %dma_start3A_232 = tpu.memref_squeeze %dma_start3A_231 : memref<1x1x100xi32, #tpu.memory_space<vmem>> -> memref<100xi32, #tpu.memory_space<vmem>>
        %dma_start3A_233 = arith.constant 0 : i32
        %dma_start3A_234 = arith.constant 0 : i32
        %dma_start3A_235 = tpu.memref_slice %arg18[%dma_start3A_233, %dma_start3A_234] : memref<10000x16xf32, #tpu.memory_space<vmem_shared>> -> memref<10000x16xf32, #tpu.memory_space<vmem_shared>>
        tpu.enqueue_indirect_dma source(%arg15 : memref<100x16xf32, #tpu.memory_space<vmem>>) target(%dma_start3A_235 : memref<10000x16xf32, #tpu.memory_space<vmem_shared>>) offsets(%dma_start3A_232 : memref<100xi32, #tpu.memory_space<vmem>>) semaphore(%arg26 : memref<!tpu.dma_semaphore, #tpu.memory_space<semaphore_mem>>) {add = true}
        %dma_start3A_236 = arith.constant 2 : i32
        %dma_start3A_237 = arith.constant 0 : i32
        %dma_start3A_238 = arith.constant 0 : i32
        %dma_start3A_239 = tpu.memref_slice %arg12[%dma_start3A_236, %dma_start3A_237, %dma_start3A_238] : memref<4x2x100xi32, #tpu.memory_space<vmem>> -> memref<1x1x100xi32, #tpu.memory_space<vmem>>
        %dma_start3A_240 = tpu.memref_squeeze %dma_start3A_239 : memref<1x1x100xi32, #tpu.memory_space<vmem>> -> memref<100xi32, #tpu.memory_space<vmem>>
        %dma_start3A_241 = arith.constant 0 : i32
        %dma_start3A_242 = arith.constant 0 : i32
        %dma_start3A_243 = tpu.memref_slice %arg19[%dma_start3A_241, %dma_start3A_242] : memref<10000x16xf32, #tpu.memory_space<vmem_shared>> -> memref<10000x16xf32, #tpu.memory_space<vmem_shared>>
        tpu.enqueue_indirect_dma source(%arg15 : memref<100x16xf32, #tpu.memory_space<vmem>>) target(%dma_start3A_243 : memref<10000x16xf32, #tpu.memory_space<vmem_shared>>) offsets(%dma_start3A_240 : memref<100xi32, #tpu.memory_space<vmem>>) semaphore(%arg26 : memref<!tpu.dma_semaphore, #tpu.memory_space<semaphore_mem>>) {add = true}
        %run_scoped3A_244 = arith.constant 2 : i32
        %run_scoped3A_245 = arith.constant 1 : i32
        "tpu.region"() ({
          %run_scoped3A_336 = tpu.sem_alloc : memref<!tpu.dma_semaphore, #tpu.memory_space<semaphore_mem>>
          %dma_start3A_337 = arith.constant 0 : i32
          %dma_start3A_338 = tpu.memref_slice %arg12[%run_scoped3A_244, %run_scoped3A_245, %dma_start3A_337] : memref<4x2x100xi32, #tpu.memory_space<vmem>> -> memref<1x1x100xi32, #tpu.memory_space<vmem>>
          %dma_start3A_339 = tpu.memref_squeeze %dma_start3A_338 : memref<1x1x100xi32, #tpu.memory_space<vmem>> -> memref<100xi32, #tpu.memory_space<vmem>>
          %dma_start3A_340 = arith.constant 0 : i32
          %dma_start3A_341 = arith.constant 0 : i32
          %dma_start3A_342 = tpu.memref_slice %arg17[%dma_start3A_340, %dma_start3A_341] : memref<10000x128xf32, #tpu.memory_space<vmem_shared>> -> memref<10000x128xf32, #tpu.memory_space<vmem_shared>>
          tpu.enqueue_indirect_dma source(%arg13 : memref<100x128xf32, #tpu.memory_space<vmem>>) target(%dma_start3A_342 : memref<10000x128xf32, #tpu.memory_space<vmem_shared>>) offsets(%dma_start3A_339 : memref<100xi32, #tpu.memory_space<vmem>>) semaphore(%run_scoped3A_336 : memref<!tpu.dma_semaphore, #tpu.memory_space<semaphore_mem>>) {add = true}
          %dma_wait3A_343 = arith.constant 0 : i32
          %dma_wait3A_344 = tpu.memref_slice %arg12[%run_scoped3A_244, %run_scoped3A_245, %dma_wait3A_343] : memref<4x2x100xi32, #tpu.memory_space<vmem>> -> memref<1x1x100xi32, #tpu.memory_space<vmem>>
          %dma_wait3A_345 = tpu.memref_squeeze %dma_wait3A_344 : memref<1x1x100xi32, #tpu.memory_space<vmem>> -> memref<100xi32, #tpu.memory_space<vmem>>
          %dma_wait3A_346 = arith.constant 0 : i32
          %dma_wait3A_347 = arith.constant 0 : i32
          %dma_wait3A_348 = tpu.memref_slice %arg17[%dma_wait3A_346, %dma_wait3A_347] : memref<10000x128xf32, #tpu.memory_space<vmem_shared>> -> memref<10000x128xf32, #tpu.memory_space<vmem_shared>>
          tpu.wait_indirect_dma semaphore(%run_scoped3A_336 : memref<!tpu.dma_semaphore, #tpu.memory_space<semaphore_mem>>) src(%arg13 : memref<100x128xf32, #tpu.memory_space<vmem>>) dst(%dma_wait3A_348 : memref<10000x128xf32, #tpu.memory_space<vmem_shared>>)
          tpu.yield
        }) : () -> ()
        %dma_wait3A_246 = arith.constant 2 : i32
        %dma_wait3A_247 = arith.constant 1 : i32
        %dma_wait3A_248 = arith.constant 0 : i32
        %dma_wait3A_249 = tpu.memref_slice %arg12[%dma_wait3A_246, %dma_wait3A_247, %dma_wait3A_248] : memref<4x2x100xi32, #tpu.memory_space<vmem>> -> memref<1x1x100xi32, #tpu.memory_space<vmem>>
        %dma_wait3A_250 = tpu.memref_squeeze %dma_wait3A_249 : memref<1x1x100xi32, #tpu.memory_space<vmem>> -> memref<100xi32, #tpu.memory_space<vmem>>
        %dma_wait3A_251 = arith.constant 0 : i32
        %dma_wait3A_252 = arith.constant 0 : i32
        %dma_wait3A_253 = tpu.memref_slice %arg18[%dma_wait3A_251, %dma_wait3A_252] : memref<10000x16xf32, #tpu.memory_space<vmem_shared>> -> memref<10000x16xf32, #tpu.memory_space<vmem_shared>>
        tpu.wait_indirect_dma semaphore(%arg26 : memref<!tpu.dma_semaphore, #tpu.memory_space<semaphore_mem>>) src(%arg15 : memref<100x16xf32, #tpu.memory_space<vmem>>) dst(%dma_wait3A_253 : memref<10000x16xf32, #tpu.memory_space<vmem_shared>>)
        %dma_wait3A_254 = arith.constant 2 : i32
        %dma_wait3A_255 = arith.constant 0 : i32
        %dma_wait3A_256 = arith.constant 0 : i32
        %dma_wait3A_257 = tpu.memref_slice %arg12[%dma_wait3A_254, %dma_wait3A_255, %dma_wait3A_256] : memref<4x2x100xi32, #tpu.memory_space<vmem>> -> memref<1x1x100xi32, #tpu.memory_space<vmem>>
        %dma_wait3A_258 = tpu.memref_squeeze %dma_wait3A_257 : memref<1x1x100xi32, #tpu.memory_space<vmem>> -> memref<100xi32, #tpu.memory_space<vmem>>
        %dma_wait3A_259 = arith.constant 0 : i32
        %dma_wait3A_260 = arith.constant 0 : i32
        %dma_wait3A_261 = tpu.memref_slice %arg19[%dma_wait3A_259, %dma_wait3A_260] : memref<10000x16xf32, #tpu.memory_space<vmem_shared>> -> memref<10000x16xf32, #tpu.memory_space<vmem_shared>>
        tpu.wait_indirect_dma semaphore(%arg26 : memref<!tpu.dma_semaphore, #tpu.memory_space<semaphore_mem>>) src(%arg15 : memref<100x16xf32, #tpu.memory_space<vmem>>) dst(%dma_wait3A_261 : memref<10000x16xf32, #tpu.memory_space<vmem_shared>>)
        %add3A_262 = arith.constant 4 : i32
        %add3A_263 = arith.addi %add3A_219, %add3A_262 : i32
        %lt3A_264 = arith.constant 200 : i32
        %lt3A_265 = arith.cmpi slt, %add3A_263, %lt3A_264 : i32
        %convert_element_type3A_266 = arith.extui %lt3A_265 : i1 to i32
        %cond3A_267 = arith.constant 0 : i32
        %cond3A_268 = arith.cmpi ne, %convert_element_type3A_266, %cond3A_267 : i32
        scf.if %cond3A_268 {
          %add3A_336 = arith.addi %mul3A_7, %add3A_219 : i32
          %add3A_337 = arith.constant 4 : i32
          %add3A_338 = arith.addi %add3A_336, %add3A_337 : i32
          %dma_start3A_339 = arith.constant 2 : i32
          %dma_start3A_340 = arith.constant 0 : i32
          %dma_start3A_341 = arith.constant 0 : i32
          %dma_start3A_342 = tpu.memref_slice %arg12[%dma_start3A_339, %dma_start3A_340, %dma_start3A_341] : memref<4x2x100xi32, #tpu.memory_space<vmem>> -> memref<1x2x100xi32, #tpu.memory_space<vmem>>
          %dma_start3A_343 = tpu.memref_squeeze %dma_start3A_342 : memref<1x2x100xi32, #tpu.memory_space<vmem>> -> memref<2x100xi32, #tpu.memory_space<vmem>>
          %dma_start3A_344 = arith.constant 0 : i32
          %dma_start3A_345 = arith.constant 0 : i32
          %dma_start3A_346 = tpu.memref_slice %arg4[%add3A_338, %dma_start3A_344, %dma_start3A_345] : memref<3200x2x100xi32, #tpu.memory_space<hbm>> -> memref<1x2x100xi32, #tpu.memory_space<hbm>>
          %dma_start3A_347 = tpu.memref_squeeze %dma_start3A_346 : memref<1x2x100xi32, #tpu.memory_space<hbm>> -> memref<2x100xi32, #tpu.memory_space<hbm>>
          %dma_start3A_348 = arith.constant 0 : i32
          %dma_start3A_349 = arith.constant 0 : i32
          %dma_start3A_350 = tpu.memref_slice %arg12[%dma_start3A_339, %dma_start3A_348, %dma_start3A_349] : memref<4x2x100xi32, #tpu.memory_space<vmem>> -> memref<1x2x100xi32, #tpu.memory_space<vmem>>
          %dma_start3A_351 = tpu.memref_squeeze %dma_start3A_350 : memref<1x2x100xi32, #tpu.memory_space<vmem>> -> memref<2x100xi32, #tpu.memory_space<vmem>>
          %dma_start3A_352 = arith.constant 0 : i32
          %dma_start3A_353 = arith.constant 0 : i32
          %dma_start3A_354 = tpu.memref_slice %arg4[%add3A_338, %dma_start3A_352, %dma_start3A_353] : memref<3200x2x100xi32, #tpu.memory_space<hbm>> -> memref<1x2x100xi32, #tpu.memory_space<hbm>>
          %dma_start3A_355 = tpu.memref_squeeze %dma_start3A_354 : memref<1x2x100xi32, #tpu.memory_space<hbm>> -> memref<2x100xi32, #tpu.memory_space<hbm>>
          tpu.enqueue_dma source(%dma_start3A_355 : memref<2x100xi32, #tpu.memory_space<hbm>>) target(%dma_start3A_351 : memref<2x100xi32, #tpu.memory_space<vmem>>) target_semaphore(%arg24 : memref<!tpu.dma_semaphore, #tpu.memory_space<semaphore_mem>>)
        } else {
        }
        %add3A_269 = arith.constant 2 : i32
        %add3A_270 = arith.addi %add3A_219, %add3A_269 : i32
        %lt3A_271 = arith.constant 200 : i32
        %lt3A_272 = arith.cmpi slt, %add3A_270, %lt3A_271 : i32
        %convert_element_type3A_273 = arith.extui %lt3A_272 : i1 to i32
        %cond3A_274 = arith.constant 0 : i32
        %cond3A_275 = arith.cmpi ne, %convert_element_type3A_273, %cond3A_274 : i32
        scf.if %cond3A_275 {
          %add3A_336 = arith.addi %mul3A_7, %add3A_219 : i32
          %add3A_337 = arith.constant 2 : i32
          %add3A_338 = arith.addi %add3A_336, %add3A_337 : i32
          %dma_wait3A_339 = arith.constant 0 : i32
          %dma_wait3A_340 = arith.constant 0 : i32
          %dma_wait3A_341 = arith.constant 0 : i32
          %dma_wait3A_342 = tpu.memref_slice %arg12[%dma_wait3A_339, %dma_wait3A_340, %dma_wait3A_341] : memref<4x2x100xi32, #tpu.memory_space<vmem>> -> memref<1x2x100xi32, #tpu.memory_space<vmem>>
          %dma_wait3A_343 = tpu.memref_squeeze %dma_wait3A_342 : memref<1x2x100xi32, #tpu.memory_space<vmem>> -> memref<2x100xi32, #tpu.memory_space<vmem>>
          %dma_wait3A_344 = arith.constant 0 : i32
          %dma_wait3A_345 = arith.constant 0 : i32
          %dma_wait3A_346 = tpu.memref_slice %arg4[%add3A_338, %dma_wait3A_344, %dma_wait3A_345] : memref<3200x2x100xi32, #tpu.memory_space<hbm>> -> memref<1x2x100xi32, #tpu.memory_space<hbm>>
          %dma_wait3A_347 = tpu.memref_squeeze %dma_wait3A_346 : memref<1x2x100xi32, #tpu.memory_space<hbm>> -> memref<2x100xi32, #tpu.memory_space<hbm>>
          %dma_wait3A_348 = arith.constant 0 : i32
          %dma_wait3A_349 = arith.constant 0 : i32
          %dma_wait3A_350 = tpu.memref_slice %arg12[%dma_wait3A_339, %dma_wait3A_348, %dma_wait3A_349] : memref<4x2x100xi32, #tpu.memory_space<vmem>> -> memref<1x2x100xi32, #tpu.memory_space<vmem>>
          %dma_wait3A_351 = tpu.memref_squeeze %dma_wait3A_350 : memref<1x2x100xi32, #tpu.memory_space<vmem>> -> memref<2x100xi32, #tpu.memory_space<vmem>>
          %dma_wait3A_352 = arith.constant 0 : i32
          %dma_wait3A_353 = arith.constant 0 : i32
          %dma_wait3A_354 = tpu.memref_slice %arg4[%add3A_338, %dma_wait3A_352, %dma_wait3A_353] : memref<3200x2x100xi32, #tpu.memory_space<hbm>> -> memref<1x2x100xi32, #tpu.memory_space<hbm>>
          %dma_wait3A_355 = tpu.memref_squeeze %dma_wait3A_354 : memref<1x2x100xi32, #tpu.memory_space<hbm>> -> memref<2x100xi32, #tpu.memory_space<hbm>>
          tpu.wait_dma2 semaphore(%arg22 : memref<!tpu.dma_semaphore, #tpu.memory_space<semaphore_mem>>) src(%dma_wait3A_355 : memref<2x100xi32, #tpu.memory_space<hbm>>) dst(%dma_wait3A_351 : memref<2x100xi32, #tpu.memory_space<vmem>>)
          %dma_start3A_356 = arith.constant 0 : i32
          %dma_start3A_357 = arith.constant 0 : i32
          %dma_start3A_358 = arith.constant 0 : i32
          %dma_start3A_359 = tpu.memref_slice %arg12[%dma_start3A_356, %dma_start3A_357, %dma_start3A_358] : memref<4x2x100xi32, #tpu.memory_space<vmem>> -> memref<1x1x100xi32, #tpu.memory_space<vmem>>
          %dma_start3A_360 = tpu.memref_squeeze %dma_start3A_359 : memref<1x1x100xi32, #tpu.memory_space<vmem>> -> memref<100xi32, #tpu.memory_space<vmem>>
          %dma_start3A_361 = arith.constant 0 : i32
          %dma_start3A_362 = arith.constant 0 : i32
          %dma_start3A_363 = tpu.memref_slice %arg2[%dma_start3A_361, %dma_start3A_362] : memref<10000x128xf32, #tpu.memory_space<hbm>> -> memref<10000x128xf32, #tpu.memory_space<hbm>>
          tpu.enqueue_indirect_dma source(%dma_start3A_363 : memref<10000x128xf32, #tpu.memory_space<hbm>>) target(%arg13 : memref<100x128xf32, #tpu.memory_space<vmem>>) offsets(%dma_start3A_360 : memref<100xi32, #tpu.memory_space<vmem>>) semaphore(%arg20 : memref<!tpu.dma_semaphore, #tpu.memory_space<semaphore_mem>>)
        } else {
        }
        %mul3A_276 = arith.constant 4 : i32
        %mul3A_277 = arith.muli %mul3A_276, %scan3A_97 : i32
        %add3A_278 = arith.constant 3 : i32
        %add3A_279 = arith.addi %mul3A_277, %add3A_278 : i32
        %dma_wait3A_280 = arith.constant 3 : i32
        %dma_wait3A_281 = arith.constant 0 : i32
        %dma_wait3A_282 = arith.constant 0 : i32
        %dma_wait3A_283 = tpu.memref_slice %arg12[%dma_wait3A_280, %dma_wait3A_281, %dma_wait3A_282] : memref<4x2x100xi32, #tpu.memory_space<vmem>> -> memref<1x1x100xi32, #tpu.memory_space<vmem>>
        %dma_wait3A_284 = tpu.memref_squeeze %dma_wait3A_283 : memref<1x1x100xi32, #tpu.memory_space<vmem>> -> memref<100xi32, #tpu.memory_space<vmem>>
        %dma_wait3A_285 = arith.constant 0 : i32
        %dma_wait3A_286 = arith.constant 0 : i32
        %dma_wait3A_287 = tpu.memref_slice %arg2[%dma_wait3A_285, %dma_wait3A_286] : memref<10000x128xf32, #tpu.memory_space<hbm>> -> memref<10000x128xf32, #tpu.memory_space<hbm>>
        tpu.wait_indirect_dma semaphore(%arg21 : memref<!tpu.dma_semaphore, #tpu.memory_space<semaphore_mem>>) src(%dma_wait3A_287 : memref<10000x128xf32, #tpu.memory_space<hbm>>) dst(%arg14 : memref<100x128xf32, #tpu.memory_space<vmem>>)
        %dma_start3A_288 = arith.constant 3 : i32
        %dma_start3A_289 = arith.constant 1 : i32
        %dma_start3A_290 = arith.constant 0 : i32
        %dma_start3A_291 = tpu.memref_slice %arg12[%dma_start3A_288, %dma_start3A_289, %dma_start3A_290] : memref<4x2x100xi32, #tpu.memory_space<vmem>> -> memref<1x1x100xi32, #tpu.memory_space<vmem>>
        %dma_start3A_292 = tpu.memref_squeeze %dma_start3A_291 : memref<1x1x100xi32, #tpu.memory_space<vmem>> -> memref<100xi32, #tpu.memory_space<vmem>>
        %dma_start3A_293 = arith.constant 0 : i32
        %dma_start3A_294 = arith.constant 0 : i32
        %dma_start3A_295 = tpu.memref_slice %arg18[%dma_start3A_293, %dma_start3A_294] : memref<10000x16xf32, #tpu.memory_space<vmem_shared>> -> memref<10000x16xf32, #tpu.memory_space<vmem_shared>>
        tpu.enqueue_indirect_dma source(%arg15 : memref<100x16xf32, #tpu.memory_space<vmem>>) target(%dma_start3A_295 : memref<10000x16xf32, #tpu.memory_space<vmem_shared>>) offsets(%dma_start3A_292 : memref<100xi32, #tpu.memory_space<vmem>>) semaphore(%arg26 : memref<!tpu.dma_semaphore, #tpu.memory_space<semaphore_mem>>) {add = true}
        %dma_start3A_296 = arith.constant 3 : i32
        %dma_start3A_297 = arith.constant 0 : i32
        %dma_start3A_298 = arith.constant 0 : i32
        %dma_start3A_299 = tpu.memref_slice %arg12[%dma_start3A_296, %dma_start3A_297, %dma_start3A_298] : memref<4x2x100xi32, #tpu.memory_space<vmem>> -> memref<1x1x100xi32, #tpu.memory_space<vmem>>
        %dma_start3A_300 = tpu.memref_squeeze %dma_start3A_299 : memref<1x1x100xi32, #tpu.memory_space<vmem>> -> memref<100xi32, #tpu.memory_space<vmem>>
        %dma_start3A_301 = arith.constant 0 : i32
        %dma_start3A_302 = arith.constant 0 : i32
        %dma_start3A_303 = tpu.memref_slice %arg19[%dma_start3A_301, %dma_start3A_302] : memref<10000x16xf32, #tpu.memory_space<vmem_shared>> -> memref<10000x16xf32, #tpu.memory_space<vmem_shared>>
        tpu.enqueue_indirect_dma source(%arg15 : memref<100x16xf32, #tpu.memory_space<vmem>>) target(%dma_start3A_303 : memref<10000x16xf32, #tpu.memory_space<vmem_shared>>) offsets(%dma_start3A_300 : memref<100xi32, #tpu.memory_space<vmem>>) semaphore(%arg26 : memref<!tpu.dma_semaphore, #tpu.memory_space<semaphore_mem>>) {add = true}
        %run_scoped3A_304 = arith.constant 3 : i32
        %run_scoped3A_305 = arith.constant 1 : i32
        "tpu.region"() ({
          %run_scoped3A_336 = tpu.sem_alloc : memref<!tpu.dma_semaphore, #tpu.memory_space<semaphore_mem>>
          %dma_start3A_337 = arith.constant 0 : i32
          %dma_start3A_338 = tpu.memref_slice %arg12[%run_scoped3A_304, %run_scoped3A_305, %dma_start3A_337] : memref<4x2x100xi32, #tpu.memory_space<vmem>> -> memref<1x1x100xi32, #tpu.memory_space<vmem>>
          %dma_start3A_339 = tpu.memref_squeeze %dma_start3A_338 : memref<1x1x100xi32, #tpu.memory_space<vmem>> -> memref<100xi32, #tpu.memory_space<vmem>>
          %dma_start3A_340 = arith.constant 0 : i32
          %dma_start3A_341 = arith.constant 0 : i32
          %dma_start3A_342 = tpu.memref_slice %arg17[%dma_start3A_340, %dma_start3A_341] : memref<10000x128xf32, #tpu.memory_space<vmem_shared>> -> memref<10000x128xf32, #tpu.memory_space<vmem_shared>>
          tpu.enqueue_indirect_dma source(%arg14 : memref<100x128xf32, #tpu.memory_space<vmem>>) target(%dma_start3A_342 : memref<10000x128xf32, #tpu.memory_space<vmem_shared>>) offsets(%dma_start3A_339 : memref<100xi32, #tpu.memory_space<vmem>>) semaphore(%run_scoped3A_336 : memref<!tpu.dma_semaphore, #tpu.memory_space<semaphore_mem>>) {add = true}
          %dma_wait3A_343 = arith.constant 0 : i32
          %dma_wait3A_344 = tpu.memref_slice %arg12[%run_scoped3A_304, %run_scoped3A_305, %dma_wait3A_343] : memref<4x2x100xi32, #tpu.memory_space<vmem>> -> memref<1x1x100xi32, #tpu.memory_space<vmem>>
          %dma_wait3A_345 = tpu.memref_squeeze %dma_wait3A_344 : memref<1x1x100xi32, #tpu.memory_space<vmem>> -> memref<100xi32, #tpu.memory_space<vmem>>
          %dma_wait3A_346 = arith.constant 0 : i32
          %dma_wait3A_347 = arith.constant 0 : i32
          %dma_wait3A_348 = tpu.memref_slice %arg17[%dma_wait3A_346, %dma_wait3A_347] : memref<10000x128xf32, #tpu.memory_space<vmem_shared>> -> memref<10000x128xf32, #tpu.memory_space<vmem_shared>>
          tpu.wait_indirect_dma semaphore(%run_scoped3A_336 : memref<!tpu.dma_semaphore, #tpu.memory_space<semaphore_mem>>) src(%arg14 : memref<100x128xf32, #tpu.memory_space<vmem>>) dst(%dma_wait3A_348 : memref<10000x128xf32, #tpu.memory_space<vmem_shared>>)
          tpu.yield
        }) : () -> ()
        %dma_wait3A_306 = arith.constant 3 : i32
        %dma_wait3A_307 = arith.constant 1 : i32
        %dma_wait3A_308 = arith.constant 0 : i32
        %dma_wait3A_309 = tpu.memref_slice %arg12[%dma_wait3A_306, %dma_wait3A_307, %dma_wait3A_308] : memref<4x2x100xi32, #tpu.memory_space<vmem>> -> memref<1x1x100xi32, #tpu.memory_space<vmem>>
        %dma_wait3A_310 = tpu.memref_squeeze %dma_wait3A_309 : memref<1x1x100xi32, #tpu.memory_space<vmem>> -> memref<100xi32, #tpu.memory_space<vmem>>
        %dma_wait3A_311 = arith.constant 0 : i32
        %dma_wait3A_312 = arith.constant 0 : i32
        %dma_wait3A_313 = tpu.memref_slice %arg18[%dma_wait3A_311, %dma_wait3A_312] : memref<10000x16xf32, #tpu.memory_space<vmem_shared>> -> memref<10000x16xf32, #tpu.memory_space<vmem_shared>>
        tpu.wait_indirect_dma semaphore(%arg26 : memref<!tpu.dma_semaphore, #tpu.memory_space<semaphore_mem>>) src(%arg15 : memref<100x16xf32, #tpu.memory_space<vmem>>) dst(%dma_wait3A_313 : memref<10000x16xf32, #tpu.memory_space<vmem_shared>>)
        %dma_wait3A_314 = arith.constant 3 : i32
        %dma_wait3A_315 = arith.constant 0 : i32
        %dma_wait3A_316 = arith.constant 0 : i32
        %dma_wait3A_317 = tpu.memref_slice %arg12[%dma_wait3A_314, %dma_wait3A_315, %dma_wait3A_316] : memref<4x2x100xi32, #tpu.memory_space<vmem>> -> memref<1x1x100xi32, #tpu.memory_space<vmem>>
        %dma_wait3A_318 = tpu.memref_squeeze %dma_wait3A_317 : memref<1x1x100xi32, #tpu.memory_space<vmem>> -> memref<100xi32, #tpu.memory_space<vmem>>
        %dma_wait3A_319 = arith.constant 0 : i32
        %dma_wait3A_320 = arith.constant 0 : i32
        %dma_wait3A_321 = tpu.memref_slice %arg19[%dma_wait3A_319, %dma_wait3A_320] : memref<10000x16xf32, #tpu.memory_space<vmem_shared>> -> memref<10000x16xf32, #tpu.memory_space<vmem_shared>>
        tpu.wait_indirect_dma semaphore(%arg26 : memref<!tpu.dma_semaphore, #tpu.memory_space<semaphore_mem>>) src(%arg15 : memref<100x16xf32, #tpu.memory_space<vmem>>) dst(%dma_wait3A_321 : memref<10000x16xf32, #tpu.memory_space<vmem_shared>>)
        %add3A_322 = arith.constant 4 : i32
        %add3A_323 = arith.addi %add3A_279, %add3A_322 : i32
        %lt3A_324 = arith.constant 200 : i32
        %lt3A_325 = arith.cmpi slt, %add3A_323, %lt3A_324 : i32
        %convert_element_type3A_326 = arith.extui %lt3A_325 : i1 to i32
        %cond3A_327 = arith.constant 0 : i32
        %cond3A_328 = arith.cmpi ne, %convert_element_type3A_326, %cond3A_327 : i32
        scf.if %cond3A_328 {
          %add3A_336 = arith.addi %mul3A_7, %add3A_279 : i32
          %add3A_337 = arith.constant 4 : i32
          %add3A_338 = arith.addi %add3A_336, %add3A_337 : i32
          %dma_start3A_339 = arith.constant 3 : i32
          %dma_start3A_340 = arith.constant 0 : i32
          %dma_start3A_341 = arith.constant 0 : i32
          %dma_start3A_342 = tpu.memref_slice %arg12[%dma_start3A_339, %dma_start3A_340, %dma_start3A_341] : memref<4x2x100xi32, #tpu.memory_space<vmem>> -> memref<1x2x100xi32, #tpu.memory_space<vmem>>
          %dma_start3A_343 = tpu.memref_squeeze %dma_start3A_342 : memref<1x2x100xi32, #tpu.memory_space<vmem>> -> memref<2x100xi32, #tpu.memory_space<vmem>>
          %dma_start3A_344 = arith.constant 0 : i32
          %dma_start3A_345 = arith.constant 0 : i32
          %dma_start3A_346 = tpu.memref_slice %arg4[%add3A_338, %dma_start3A_344, %dma_start3A_345] : memref<3200x2x100xi32, #tpu.memory_space<hbm>> -> memref<1x2x100xi32, #tpu.memory_space<hbm>>
          %dma_start3A_347 = tpu.memref_squeeze %dma_start3A_346 : memref<1x2x100xi32, #tpu.memory_space<hbm>> -> memref<2x100xi32, #tpu.memory_space<hbm>>
          %dma_start3A_348 = arith.constant 0 : i32
          %dma_start3A_349 = arith.constant 0 : i32
          %dma_start3A_350 = tpu.memref_slice %arg12[%dma_start3A_339, %dma_start3A_348, %dma_start3A_349] : memref<4x2x100xi32, #tpu.memory_space<vmem>> -> memref<1x2x100xi32, #tpu.memory_space<vmem>>
          %dma_start3A_351 = tpu.memref_squeeze %dma_start3A_350 : memref<1x2x100xi32, #tpu.memory_space<vmem>> -> memref<2x100xi32, #tpu.memory_space<vmem>>
          %dma_start3A_352 = arith.constant 0 : i32
          %dma_start3A_353 = arith.constant 0 : i32
          %dma_start3A_354 = tpu.memref_slice %arg4[%add3A_338, %dma_start3A_352, %dma_start3A_353] : memref<3200x2x100xi32, #tpu.memory_space<hbm>> -> memref<1x2x100xi32, #tpu.memory_space<hbm>>
          %dma_start3A_355 = tpu.memref_squeeze %dma_start3A_354 : memref<1x2x100xi32, #tpu.memory_space<hbm>> -> memref<2x100xi32, #tpu.memory_space<hbm>>
          tpu.enqueue_dma source(%dma_start3A_355 : memref<2x100xi32, #tpu.memory_space<hbm>>) target(%dma_start3A_351 : memref<2x100xi32, #tpu.memory_space<vmem>>) target_semaphore(%arg25 : memref<!tpu.dma_semaphore, #tpu.memory_space<semaphore_mem>>)
        } else {
        }
        %add3A_329 = arith.constant 2 : i32
        %add3A_330 = arith.addi %add3A_279, %add3A_329 : i32
        %lt3A_331 = arith.constant 200 : i32
        %lt3A_332 = arith.cmpi slt, %add3A_330, %lt3A_331 : i32
        %convert_element_type3A_333 = arith.extui %lt3A_332 : i1 to i32
        %cond3A_334 = arith.constant 0 : i32
        %cond3A_335 = arith.cmpi ne, %convert_element_type3A_333, %cond3A_334 : i32
        scf.if %cond3A_335 {
          %add3A_336 = arith.addi %mul3A_7, %add3A_279 : i32
          %add3A_337 = arith.constant 2 : i32
          %add3A_338 = arith.addi %add3A_336, %add3A_337 : i32
          %dma_wait3A_339 = arith.constant 1 : i32
          %dma_wait3A_340 = arith.constant 0 : i32
          %dma_wait3A_341 = arith.constant 0 : i32
          %dma_wait3A_342 = tpu.memref_slice %arg12[%dma_wait3A_339, %dma_wait3A_340, %dma_wait3A_341] : memref<4x2x100xi32, #tpu.memory_space<vmem>> -> memref<1x2x100xi32, #tpu.memory_space<vmem>>
          %dma_wait3A_343 = tpu.memref_squeeze %dma_wait3A_342 : memref<1x2x100xi32, #tpu.memory_space<vmem>> -> memref<2x100xi32, #tpu.memory_space<vmem>>
          %dma_wait3A_344 = arith.constant 0 : i32
          %dma_wait3A_345 = arith.constant 0 : i32
          %dma_wait3A_346 = tpu.memref_slice %arg4[%add3A_338, %dma_wait3A_344, %dma_wait3A_345] : memref<3200x2x100xi32, #tpu.memory_space<hbm>> -> memref<1x2x100xi32, #tpu.memory_space<hbm>>
          %dma_wait3A_347 = tpu.memref_squeeze %dma_wait3A_346 : memref<1x2x100xi32, #tpu.memory_space<hbm>> -> memref<2x100xi32, #tpu.memory_space<hbm>>
          %dma_wait3A_348 = arith.constant 0 : i32
          %dma_wait3A_349 = arith.constant 0 : i32
          %dma_wait3A_350 = tpu.memref_slice %arg12[%dma_wait3A_339, %dma_wait3A_348, %dma_wait3A_349] : memref<4x2x100xi32, #tpu.memory_space<vmem>> -> memref<1x2x100xi32, #tpu.memory_space<vmem>>
          %dma_wait3A_351 = tpu.memref_squeeze %dma_wait3A_350 : memref<1x2x100xi32, #tpu.memory_space<vmem>> -> memref<2x100xi32, #tpu.memory_space<vmem>>
          %dma_wait3A_352 = arith.constant 0 : i32
          %dma_wait3A_353 = arith.constant 0 : i32
          %dma_wait3A_354 = tpu.memref_slice %arg4[%add3A_338, %dma_wait3A_352, %dma_wait3A_353] : memref<3200x2x100xi32, #tpu.memory_space<hbm>> -> memref<1x2x100xi32, #tpu.memory_space<hbm>>
          %dma_wait3A_355 = tpu.memref_squeeze %dma_wait3A_354 : memref<1x2x100xi32, #tpu.memory_space<hbm>> -> memref<2x100xi32, #tpu.memory_space<hbm>>
          tpu.wait_dma2 semaphore(%arg23 : memref<!tpu.dma_semaphore, #tpu.memory_space<semaphore_mem>>) src(%dma_wait3A_355 : memref<2x100xi32, #tpu.memory_space<hbm>>) dst(%dma_wait3A_351 : memref<2x100xi32, #tpu.memory_space<vmem>>)
          %dma_start3A_356 = arith.constant 1 : i32
          %dma_start3A_357 = arith.constant 0 : i32
          %dma_start3A_358 = arith.constant 0 : i32
          %dma_start3A_359 = tpu.memref_slice %arg12[%dma_start3A_356, %dma_start3A_357, %dma_start3A_358] : memref<4x2x100xi32, #tpu.memory_space<vmem>> -> memref<1x1x100xi32, #tpu.memory_space<vmem>>
          %dma_start3A_360 = tpu.memref_squeeze %dma_start3A_359 : memref<1x1x100xi32, #tpu.memory_space<vmem>> -> memref<100xi32, #tpu.memory_space<vmem>>
          %dma_start3A_361 = arith.constant 0 : i32
          %dma_start3A_362 = arith.constant 0 : i32
          %dma_start3A_363 = tpu.memref_slice %arg2[%dma_start3A_361, %dma_start3A_362] : memref<10000x128xf32, #tpu.memory_space<hbm>> -> memref<10000x128xf32, #tpu.memory_space<hbm>>
          tpu.enqueue_indirect_dma source(%dma_start3A_363 : memref<10000x128xf32, #tpu.memory_space<hbm>>) target(%arg14 : memref<100x128xf32, #tpu.memory_space<vmem>>) offsets(%dma_start3A_360 : memref<100xi32, #tpu.memory_space<vmem>>) semaphore(%arg21 : memref<!tpu.dma_semaphore, #tpu.memory_space<semaphore_mem>>)
        } else {
        }
      }
      %scan3A_73 = arith.constant 50 : i32
      %barrier3A_74 = arith.constant 0 : index
      tpu.barrier barrier_id(%barrier3A_74)
      %mul3A_75 = arith.constant 125 : i32
      %mul3A_76 = arith.muli %arg1, %mul3A_75 : i32
      "tpu.region"() ({
        %run_scoped3A_97 = tpu.sem_alloc : memref<!tpu.dma_semaphore, #tpu.memory_space<semaphore_mem>>
        %dma_start3A_98 = arith.constant 0 : i32
        %dma_start3A_99 = tpu.memref_slice %arg17[%mul3A_76, %dma_start3A_98] : memref<10000x128xf32, #tpu.memory_space<vmem_shared>> -> memref<100x128xf32, #tpu.memory_space<vmem_shared>>
        %dma_start3A_100 = arith.constant 0 : i32
        %dma_start3A_101 = tpu.memref_slice %arg17[%mul3A_76, %dma_start3A_100] : memref<10000x128xf32, #tpu.memory_space<vmem_shared>> -> memref<100x128xf32, #tpu.memory_space<vmem_shared>>
        tpu.enqueue_dma source(%dma_start3A_101 : memref<100x128xf32, #tpu.memory_space<vmem_shared>>) target(%arg13 : memref<100x128xf32, #tpu.memory_space<vmem>>) target_semaphore(%run_scoped3A_97 : memref<!tpu.dma_semaphore, #tpu.memory_space<semaphore_mem>>)
        %dma_wait3A = arith.constant 0 : i32
        %dma_wait3A_102 = tpu.memref_slice %arg17[%mul3A_76, %dma_wait3A] : memref<10000x128xf32, #tpu.memory_space<vmem_shared>> -> memref<100x128xf32, #tpu.memory_space<vmem_shared>>
        %dma_wait3A_103 = arith.constant 0 : i32
        %dma_wait3A_104 = tpu.memref_slice %arg17[%mul3A_76, %dma_wait3A_103] : memref<10000x128xf32, #tpu.memory_space<vmem_shared>> -> memref<100x128xf32, #tpu.memory_space<vmem_shared>>
        tpu.wait_dma2 semaphore(%run_scoped3A_97 : memref<!tpu.dma_semaphore, #tpu.memory_space<semaphore_mem>>) src(%dma_wait3A_104 : memref<100x128xf32, #tpu.memory_space<vmem_shared>>) dst(%arg13 : memref<100x128xf32, #tpu.memory_space<vmem>>)
        tpu.yield
      }) : () -> ()
      %add3A_77 = arith.constant 100 : i32
      %add3A_78 = arith.addi %mul3A_76, %add3A_77 : i32
      "tpu.region"() ({
        %run_scoped3A_97 = tpu.sem_alloc : memref<!tpu.dma_semaphore, #tpu.memory_space<semaphore_mem>>
        %dma_start3A_98 = arith.constant 0 : i32
        %dma_start3A_99 = arith.constant 0 : i32
        %dma_start3A_100 = tpu.memref_slice %arg14[%dma_start3A_98, %dma_start3A_99] : memref<100x128xf32, #tpu.memory_space<vmem>> -> memref<25x128xf32, #tpu.memory_space<vmem>>
        %dma_start3A_101 = arith.constant 0 : i32
        %dma_start3A_102 = tpu.memref_slice %arg17[%add3A_78, %dma_start3A_101] : memref<10000x128xf32, #tpu.memory_space<vmem_shared>> -> memref<25x128xf32, #tpu.memory_space<vmem_shared>>
        %dma_start3A_103 = arith.constant 0 : i32
        %dma_start3A_104 = arith.constant 0 : i32
        %dma_start3A_105 = tpu.memref_slice %arg14[%dma_start3A_103, %dma_start3A_104] : memref<100x128xf32, #tpu.memory_space<vmem>> -> memref<25x128xf32, #tpu.memory_space<vmem>>
        %dma_start3A_106 = arith.constant 0 : i32
        %dma_start3A_107 = tpu.memref_slice %arg17[%add3A_78, %dma_start3A_106] : memref<10000x128xf32, #tpu.memory_space<vmem_shared>> -> memref<25x128xf32, #tpu.memory_space<vmem_shared>>
        tpu.enqueue_dma source(%dma_start3A_107 : memref<25x128xf32, #tpu.memory_space<vmem_shared>>) target(%dma_start3A_105 : memref<25x128xf32, #tpu.memory_space<vmem>>) target_semaphore(%run_scoped3A_97 : memref<!tpu.dma_semaphore, #tpu.memory_space<semaphore_mem>>)
        %dma_wait3A = arith.constant 0 : i32
        %dma_wait3A_108 = arith.constant 0 : i32
        %dma_wait3A_109 = tpu.memref_slice %arg14[%dma_wait3A, %dma_wait3A_108] : memref<100x128xf32, #tpu.memory_space<vmem>> -> memref<25x128xf32, #tpu.memory_space<vmem>>
        %dma_wait3A_110 = arith.constant 0 : i32
        %dma_wait3A_111 = tpu.memref_slice %arg17[%add3A_78, %dma_wait3A_110] : memref<10000x128xf32, #tpu.memory_space<vmem_shared>> -> memref<25x128xf32, #tpu.memory_space<vmem_shared>>
        %dma_wait3A_112 = arith.constant 0 : i32
        %dma_wait3A_113 = arith.constant 0 : i32
        %dma_wait3A_114 = tpu.memref_slice %arg14[%dma_wait3A_112, %dma_wait3A_113] : memref<100x128xf32, #tpu.memory_space<vmem>> -> memref<25x128xf32, #tpu.memory_space<vmem>>
        %dma_wait3A_115 = arith.constant 0 : i32
        %dma_wait3A_116 = tpu.memref_slice %arg17[%add3A_78, %dma_wait3A_115] : memref<10000x128xf32, #tpu.memory_space<vmem_shared>> -> memref<25x128xf32, #tpu.memory_space<vmem_shared>>
        tpu.wait_dma2 semaphore(%run_scoped3A_97 : memref<!tpu.dma_semaphore, #tpu.memory_space<semaphore_mem>>) src(%dma_wait3A_116 : memref<25x128xf32, #tpu.memory_space<vmem_shared>>) dst(%dma_wait3A_114 : memref<25x128xf32, #tpu.memory_space<vmem>>)
        tpu.yield
      }) : () -> ()
      "tpu.region"() ({
        %run_scoped3A_97 = tpu.sem_alloc : memref<!tpu.dma_semaphore, #tpu.memory_space<semaphore_mem>>
        %dma_start3A_98 = arith.constant 0 : i32
        %dma_start3A_99 = tpu.memref_slice %arg18[%mul3A_76, %dma_start3A_98] : memref<10000x16xf32, #tpu.memory_space<vmem_shared>> -> memref<125x16xf32, #tpu.memory_space<vmem_shared>>
        %dma_start3A_100 = arith.constant 0 : i32
        %dma_start3A_101 = tpu.memref_slice %arg18[%mul3A_76, %dma_start3A_100] : memref<10000x16xf32, #tpu.memory_space<vmem_shared>> -> memref<125x16xf32, #tpu.memory_space<vmem_shared>>
        tpu.enqueue_dma source(%dma_start3A_101 : memref<125x16xf32, #tpu.memory_space<vmem_shared>>) target(%arg16 : memref<125x16xf32, #tpu.memory_space<vmem>>) target_semaphore(%run_scoped3A_97 : memref<!tpu.dma_semaphore, #tpu.memory_space<semaphore_mem>>)
        %dma_wait3A = arith.constant 0 : i32
        %dma_wait3A_102 = tpu.memref_slice %arg18[%mul3A_76, %dma_wait3A] : memref<10000x16xf32, #tpu.memory_space<vmem_shared>> -> memref<125x16xf32, #tpu.memory_space<vmem_shared>>
        %dma_wait3A_103 = arith.constant 0 : i32
        %dma_wait3A_104 = tpu.memref_slice %arg18[%mul3A_76, %dma_wait3A_103] : memref<10000x16xf32, #tpu.memory_space<vmem_shared>> -> memref<125x16xf32, #tpu.memory_space<vmem_shared>>
        tpu.wait_dma2 semaphore(%run_scoped3A_97 : memref<!tpu.dma_semaphore, #tpu.memory_space<semaphore_mem>>) src(%dma_wait3A_104 : memref<125x16xf32, #tpu.memory_space<vmem_shared>>) dst(%arg16 : memref<125x16xf32, #tpu.memory_space<vmem>>)
        tpu.yield
      }) : () -> ()
      %scan3A_79 = arith.constant 0 : i32
      %scan3A_80 = arith.constant 0 : i32
      %scan3A_81 = arith.constant 100 : i32
      %scan3A_82 = arith.addi %scan3A_80, %scan3A_81 : i32
      %scan3A_83 = arith.constant 1 : i32
      scf.for %scan3A_97 = %scan3A_80 to %scan3A_82 step %scan3A_83  : i32 {
        %add3A_98 = arith.constant 0 : i32
        %add3A_99 = arith.addi %add3A_98, %scan3A_97 : i32
        %get3A = arith.index_cast %add3A_99 : i32 to index
        %get3A_100 = arith.constant 0 : index
        %get3A_101 = tpu.vector_load %arg16[%get3A, %get3A_100] {strides = array<i32>} : memref<125x16xf32, #tpu.memory_space<vmem>>, vector<1x16xf32>,
        %get3A_102 = vector.shape_cast %get3A_101 : vector<1x16xf32> to vector<16xf32>
        %max3A = arith.constant 1.000000e+00 : f32
        %max3A_103 = vector.broadcast %max3A : f32 to vector<16xf32>
        %max3A_104 = arith.maximumf %get3A_102, %max3A_103 : vector<16xf32>
        %div3A = arith.constant 1.000000e+00 : f32
        %div3A_105 = vector.broadcast %div3A : f32 to vector<16xf32>
        %div3A_106 = arith.divf %div3A_105, %max3A_104 : vector<16xf32>
        %get3A_107 = arith.index_cast %scan3A_97 : i32 to index
        %get3A_108 = arith.constant 0 : index
        %get3A_109 = tpu.vector_load %arg13[%get3A_107, %get3A_108] {strides = array<i32>} : memref<100x128xf32, #tpu.memory_space<vmem>>, vector<1x16xf32>,
        %get3A_110 = vector.shape_cast %get3A_109 : vector<1x16xf32> to vector<16xf32>
        %mul3A_111 = arith.mulf %get3A_110, %div3A_106 : vector<16xf32>
        %swap3A = arith.index_cast %scan3A_97 : i32 to index
        %swap3A_112 = arith.constant 0 : index
        %swap3A_113 = tpu.vector_load %arg13[%swap3A, %swap3A_112] {strides = array<i32>} : memref<100x128xf32, #tpu.memory_space<vmem>>, vector<1x16xf32>,
        %swap3A_114 = vector.shape_cast %swap3A_113 : vector<1x16xf32> to vector<16xf32>
        %swap3A_115 = vector.shape_cast %mul3A_111 : vector<16xf32> to vector<1x16xf32>
        tpu.vector_store %arg13[%swap3A, %swap3A_112], %swap3A_115 {strides = array<i32>} : memref<100x128xf32, #tpu.memory_space<vmem>>, vector<1x16xf32>,
        %get3A_116 = arith.index_cast %scan3A_97 : i32 to index
        %get3A_117 = arith.constant 16 : index
        %get3A_118 = tpu.vector_load %arg13[%get3A_116, %get3A_117] {strides = array<i32>} : memref<100x128xf32, #tpu.memory_space<vmem>>, vector<1x16xf32>,
        %get3A_119 = vector.shape_cast %get3A_118 : vector<1x16xf32> to vector<16xf32>
        %mul3A_120 = arith.mulf %get3A_119, %div3A_106 : vector<16xf32>
        %swap3A_121 = arith.index_cast %scan3A_97 : i32 to index
        %swap3A_122 = arith.constant 16 : index
        %swap3A_123 = tpu.vector_load %arg13[%swap3A_121, %swap3A_122] {strides = array<i32>} : memref<100x128xf32, #tpu.memory_space<vmem>>, vector<1x16xf32>,
        %swap3A_124 = vector.shape_cast %swap3A_123 : vector<1x16xf32> to vector<16xf32>
        %swap3A_125 = vector.shape_cast %mul3A_120 : vector<16xf32> to vector<1x16xf32>
        tpu.vector_store %arg13[%swap3A_121, %swap3A_122], %swap3A_125 {strides = array<i32>} : memref<100x128xf32, #tpu.memory_space<vmem>>, vector<1x16xf32>,
        %get3A_126 = arith.index_cast %scan3A_97 : i32 to index
        %get3A_127 = arith.constant 32 : index
        %get3A_128 = tpu.vector_load %arg13[%get3A_126, %get3A_127] {strides = array<i32>} : memref<100x128xf32, #tpu.memory_space<vmem>>, vector<1x16xf32>,
        %get3A_129 = vector.shape_cast %get3A_128 : vector<1x16xf32> to vector<16xf32>
        %mul3A_130 = arith.mulf %get3A_129, %div3A_106 : vector<16xf32>
        %swap3A_131 = arith.index_cast %scan3A_97 : i32 to index
        %swap3A_132 = arith.constant 32 : index
        %swap3A_133 = tpu.vector_load %arg13[%swap3A_131, %swap3A_132] {strides = array<i32>} : memref<100x128xf32, #tpu.memory_space<vmem>>, vector<1x16xf32>,
        %swap3A_134 = vector.shape_cast %swap3A_133 : vector<1x16xf32> to vector<16xf32>
        %swap3A_135 = vector.shape_cast %mul3A_130 : vector<16xf32> to vector<1x16xf32>
        tpu.vector_store %arg13[%swap3A_131, %swap3A_132], %swap3A_135 {strides = array<i32>} : memref<100x128xf32, #tpu.memory_space<vmem>>, vector<1x16xf32>,
        %get3A_136 = arith.index_cast %scan3A_97 : i32 to index
        %get3A_137 = arith.constant 48 : index
        %get3A_138 = tpu.vector_load %arg13[%get3A_136, %get3A_137] {strides = array<i32>} : memref<100x128xf32, #tpu.memory_space<vmem>>, vector<1x16xf32>,
        %get3A_139 = vector.shape_cast %get3A_138 : vector<1x16xf32> to vector<16xf32>
        %mul3A_140 = arith.mulf %get3A_139, %div3A_106 : vector<16xf32>
        %swap3A_141 = arith.index_cast %scan3A_97 : i32 to index
        %swap3A_142 = arith.constant 48 : index
        %swap3A_143 = tpu.vector_load %arg13[%swap3A_141, %swap3A_142] {strides = array<i32>} : memref<100x128xf32, #tpu.memory_space<vmem>>, vector<1x16xf32>,
        %swap3A_144 = vector.shape_cast %swap3A_143 : vector<1x16xf32> to vector<16xf32>
        %swap3A_145 = vector.shape_cast %mul3A_140 : vector<16xf32> to vector<1x16xf32>
        tpu.vector_store %arg13[%swap3A_141, %swap3A_142], %swap3A_145 {strides = array<i32>} : memref<100x128xf32, #tpu.memory_space<vmem>>, vector<1x16xf32>,
        %get3A_146 = arith.index_cast %scan3A_97 : i32 to index
        %get3A_147 = arith.constant 64 : index
        %get3A_148 = tpu.vector_load %arg13[%get3A_146, %get3A_147] {strides = array<i32>} : memref<100x128xf32, #tpu.memory_space<vmem>>, vector<1x16xf32>,
        %get3A_149 = vector.shape_cast %get3A_148 : vector<1x16xf32> to vector<16xf32>
        %mul3A_150 = arith.mulf %get3A_149, %div3A_106 : vector<16xf32>
        %swap3A_151 = arith.index_cast %scan3A_97 : i32 to index
        %swap3A_152 = arith.constant 64 : index
        %swap3A_153 = tpu.vector_load %arg13[%swap3A_151, %swap3A_152] {strides = array<i32>} : memref<100x128xf32, #tpu.memory_space<vmem>>, vector<1x16xf32>,
        %swap3A_154 = vector.shape_cast %swap3A_153 : vector<1x16xf32> to vector<16xf32>
        %swap3A_155 = vector.shape_cast %mul3A_150 : vector<16xf32> to vector<1x16xf32>
        tpu.vector_store %arg13[%swap3A_151, %swap3A_152], %swap3A_155 {strides = array<i32>} : memref<100x128xf32, #tpu.memory_space<vmem>>, vector<1x16xf32>,
        %get3A_156 = arith.index_cast %scan3A_97 : i32 to index
        %get3A_157 = arith.constant 80 : index
        %get3A_158 = tpu.vector_load %arg13[%get3A_156, %get3A_157] {strides = array<i32>} : memref<100x128xf32, #tpu.memory_space<vmem>>, vector<1x16xf32>,
        %get3A_159 = vector.shape_cast %get3A_158 : vector<1x16xf32> to vector<16xf32>
        %mul3A_160 = arith.mulf %get3A_159, %div3A_106 : vector<16xf32>
        %swap3A_161 = arith.index_cast %scan3A_97 : i32 to index
        %swap3A_162 = arith.constant 80 : index
        %swap3A_163 = tpu.vector_load %arg13[%swap3A_161, %swap3A_162] {strides = array<i32>} : memref<100x128xf32, #tpu.memory_space<vmem>>, vector<1x16xf32>,
        %swap3A_164 = vector.shape_cast %swap3A_163 : vector<1x16xf32> to vector<16xf32>
        %swap3A_165 = vector.shape_cast %mul3A_160 : vector<16xf32> to vector<1x16xf32>
        tpu.vector_store %arg13[%swap3A_161, %swap3A_162], %swap3A_165 {strides = array<i32>} : memref<100x128xf32, #tpu.memory_space<vmem>>, vector<1x16xf32>,
        %get3A_166 = arith.index_cast %scan3A_97 : i32 to index
        %get3A_167 = arith.constant 96 : index
        %get3A_168 = tpu.vector_load %arg13[%get3A_166, %get3A_167] {strides = array<i32>} : memref<100x128xf32, #tpu.memory_space<vmem>>, vector<1x16xf32>,
        %get3A_169 = vector.shape_cast %get3A_168 : vector<1x16xf32> to vector<16xf32>
        %mul3A_170 = arith.mulf %get3A_169, %div3A_106 : vector<16xf32>
        %swap3A_171 = arith.index_cast %scan3A_97 : i32 to index
        %swap3A_172 = arith.constant 96 : index
        %swap3A_173 = tpu.vector_load %arg13[%swap3A_171, %swap3A_172] {strides = array<i32>} : memref<100x128xf32, #tpu.memory_space<vmem>>, vector<1x16xf32>,
        %swap3A_174 = vector.shape_cast %swap3A_173 : vector<1x16xf32> to vector<16xf32>
        %swap3A_175 = vector.shape_cast %mul3A_170 : vector<16xf32> to vector<1x16xf32>
        tpu.vector_store %arg13[%swap3A_171, %swap3A_172], %swap3A_175 {strides = array<i32>} : memref<100x128xf32, #tpu.memory_space<vmem>>, vector<1x16xf32>,
        %get3A_176 = arith.index_cast %scan3A_97 : i32 to index
        %get3A_177 = arith.constant 112 : index
        %get3A_178 = tpu.vector_load %arg13[%get3A_176, %get3A_177] {strides = array<i32>} : memref<100x128xf32, #tpu.memory_space<vmem>>, vector<1x16xf32>,
        %get3A_179 = vector.shape_cast %get3A_178 : vector<1x16xf32> to vector<16xf32>
        %mul3A_180 = arith.mulf %get3A_179, %div3A_106 : vector<16xf32>
        %swap3A_181 = arith.index_cast %scan3A_97 : i32 to index
        %swap3A_182 = arith.constant 112 : index
        %swap3A_183 = tpu.vector_load %arg13[%swap3A_181, %swap3A_182] {strides = array<i32>} : memref<100x128xf32, #tpu.memory_space<vmem>>, vector<1x16xf32>,
        %swap3A_184 = vector.shape_cast %swap3A_183 : vector<1x16xf32> to vector<16xf32>
        %swap3A_185 = vector.shape_cast %mul3A_180 : vector<16xf32> to vector<1x16xf32>
        tpu.vector_store %arg13[%swap3A_181, %swap3A_182], %swap3A_185 {strides = array<i32>} : memref<100x128xf32, #tpu.memory_space<vmem>>, vector<1x16xf32>,
      }
      %scan3A_84 = arith.constant 100 : i32
      %scan3A_85 = arith.constant 0 : i32
      %scan3A_86 = arith.constant 0 : i32
      %scan3A_87 = arith.constant 25 : i32
      %scan3A_88 = arith.addi %scan3A_86, %scan3A_87 : i32
      %scan3A_89 = arith.constant 1 : i32
      scf.for %scan3A_97 = %scan3A_86 to %scan3A_88 step %scan3A_89  : i32 {
        %add3A_98 = arith.constant 100 : i32
        %add3A_99 = arith.addi %add3A_98, %scan3A_97 : i32
        %get3A = arith.index_cast %add3A_99 : i32 to index
        %get3A_100 = arith.constant 0 : index
        %get3A_101 = tpu.vector_load %arg16[%get3A, %get3A_100] {strides = array<i32>} : memref<125x16xf32, #tpu.memory_space<vmem>>, vector<1x16xf32>,
        %get3A_102 = vector.shape_cast %get3A_101 : vector<1x16xf32> to vector<16xf32>
        %max3A = arith.constant 1.000000e+00 : f32
        %max3A_103 = vector.broadcast %max3A : f32 to vector<16xf32>
        %max3A_104 = arith.maximumf %get3A_102, %max3A_103 : vector<16xf32>
        %div3A = arith.constant 1.000000e+00 : f32
        %div3A_105 = vector.broadcast %div3A : f32 to vector<16xf32>
        %div3A_106 = arith.divf %div3A_105, %max3A_104 : vector<16xf32>
        %get3A_107 = arith.index_cast %scan3A_97 : i32 to index
        %get3A_108 = arith.constant 0 : index
        %get3A_109 = tpu.vector_load %arg14[%get3A_107, %get3A_108] {strides = array<i32>} : memref<100x128xf32, #tpu.memory_space<vmem>>, vector<1x16xf32>,
        %get3A_110 = vector.shape_cast %get3A_109 : vector<1x16xf32> to vector<16xf32>
        %mul3A_111 = arith.mulf %get3A_110, %div3A_106 : vector<16xf32>
        %swap3A = arith.index_cast %scan3A_97 : i32 to index
        %swap3A_112 = arith.constant 0 : index
        %swap3A_113 = tpu.vector_load %arg14[%swap3A, %swap3A_112] {strides = array<i32>} : memref<100x128xf32, #tpu.memory_space<vmem>>, vector<1x16xf32>,
        %swap3A_114 = vector.shape_cast %swap3A_113 : vector<1x16xf32> to vector<16xf32>
        %swap3A_115 = vector.shape_cast %mul3A_111 : vector<16xf32> to vector<1x16xf32>
        tpu.vector_store %arg14[%swap3A, %swap3A_112], %swap3A_115 {strides = array<i32>} : memref<100x128xf32, #tpu.memory_space<vmem>>, vector<1x16xf32>,
        %get3A_116 = arith.index_cast %scan3A_97 : i32 to index
        %get3A_117 = arith.constant 16 : index
        %get3A_118 = tpu.vector_load %arg14[%get3A_116, %get3A_117] {strides = array<i32>} : memref<100x128xf32, #tpu.memory_space<vmem>>, vector<1x16xf32>,
        %get3A_119 = vector.shape_cast %get3A_118 : vector<1x16xf32> to vector<16xf32>
        %mul3A_120 = arith.mulf %get3A_119, %div3A_106 : vector<16xf32>
        %swap3A_121 = arith.index_cast %scan3A_97 : i32 to index
        %swap3A_122 = arith.constant 16 : index
        %swap3A_123 = tpu.vector_load %arg14[%swap3A_121, %swap3A_122] {strides = array<i32>} : memref<100x128xf32, #tpu.memory_space<vmem>>, vector<1x16xf32>,
        %swap3A_124 = vector.shape_cast %swap3A_123 : vector<1x16xf32> to vector<16xf32>
        %swap3A_125 = vector.shape_cast %mul3A_120 : vector<16xf32> to vector<1x16xf32>
        tpu.vector_store %arg14[%swap3A_121, %swap3A_122], %swap3A_125 {strides = array<i32>} : memref<100x128xf32, #tpu.memory_space<vmem>>, vector<1x16xf32>,
        %get3A_126 = arith.index_cast %scan3A_97 : i32 to index
        %get3A_127 = arith.constant 32 : index
        %get3A_128 = tpu.vector_load %arg14[%get3A_126, %get3A_127] {strides = array<i32>} : memref<100x128xf32, #tpu.memory_space<vmem>>, vector<1x16xf32>,
        %get3A_129 = vector.shape_cast %get3A_128 : vector<1x16xf32> to vector<16xf32>
        %mul3A_130 = arith.mulf %get3A_129, %div3A_106 : vector<16xf32>
        %swap3A_131 = arith.index_cast %scan3A_97 : i32 to index
        %swap3A_132 = arith.constant 32 : index
        %swap3A_133 = tpu.vector_load %arg14[%swap3A_131, %swap3A_132] {strides = array<i32>} : memref<100x128xf32, #tpu.memory_space<vmem>>, vector<1x16xf32>,
        %swap3A_134 = vector.shape_cast %swap3A_133 : vector<1x16xf32> to vector<16xf32>
        %swap3A_135 = vector.shape_cast %mul3A_130 : vector<16xf32> to vector<1x16xf32>
        tpu.vector_store %arg14[%swap3A_131, %swap3A_132], %swap3A_135 {strides = array<i32>} : memref<100x128xf32, #tpu.memory_space<vmem>>, vector<1x16xf32>,
        %get3A_136 = arith.index_cast %scan3A_97 : i32 to index
        %get3A_137 = arith.constant 48 : index
        %get3A_138 = tpu.vector_load %arg14[%get3A_136, %get3A_137] {strides = array<i32>} : memref<100x128xf32, #tpu.memory_space<vmem>>, vector<1x16xf32>,
        %get3A_139 = vector.shape_cast %get3A_138 : vector<1x16xf32> to vector<16xf32>
        %mul3A_140 = arith.mulf %get3A_139, %div3A_106 : vector<16xf32>
        %swap3A_141 = arith.index_cast %scan3A_97 : i32 to index
        %swap3A_142 = arith.constant 48 : index
        %swap3A_143 = tpu.vector_load %arg14[%swap3A_141, %swap3A_142] {strides = array<i32>} : memref<100x128xf32, #tpu.memory_space<vmem>>, vector<1x16xf32>,
        %swap3A_144 = vector.shape_cast %swap3A_143 : vector<1x16xf32> to vector<16xf32>
        %swap3A_145 = vector.shape_cast %mul3A_140 : vector<16xf32> to vector<1x16xf32>
        tpu.vector_store %arg14[%swap3A_141, %swap3A_142], %swap3A_145 {strides = array<i32>} : memref<100x128xf32, #tpu.memory_space<vmem>>, vector<1x16xf32>,
        %get3A_146 = arith.index_cast %scan3A_97 : i32 to index
        %get3A_147 = arith.constant 64 : index
        %get3A_148 = tpu.vector_load %arg14[%get3A_146, %get3A_147] {strides = array<i32>} : memref<100x128xf32, #tpu.memory_space<vmem>>, vector<1x16xf32>,
        %get3A_149 = vector.shape_cast %get3A_148 : vector<1x16xf32> to vector<16xf32>
        %mul3A_150 = arith.mulf %get3A_149, %div3A_106 : vector<16xf32>
        %swap3A_151 = arith.index_cast %scan3A_97 : i32 to index
        %swap3A_152 = arith.constant 64 : index
        %swap3A_153 = tpu.vector_load %arg14[%swap3A_151, %swap3A_152] {strides = array<i32>} : memref<100x128xf32, #tpu.memory_space<vmem>>, vector<1x16xf32>,
        %swap3A_154 = vector.shape_cast %swap3A_153 : vector<1x16xf32> to vector<16xf32>
        %swap3A_155 = vector.shape_cast %mul3A_150 : vector<16xf32> to vector<1x16xf32>
        tpu.vector_store %arg14[%swap3A_151, %swap3A_152], %swap3A_155 {strides = array<i32>} : memref<100x128xf32, #tpu.memory_space<vmem>>, vector<1x16xf32>,
        %get3A_156 = arith.index_cast %scan3A_97 : i32 to index
        %get3A_157 = arith.constant 80 : index
        %get3A_158 = tpu.vector_load %arg14[%get3A_156, %get3A_157] {strides = array<i32>} : memref<100x128xf32, #tpu.memory_space<vmem>>, vector<1x16xf32>,
        %get3A_159 = vector.shape_cast %get3A_158 : vector<1x16xf32> to vector<16xf32>
        %mul3A_160 = arith.mulf %get3A_159, %div3A_106 : vector<16xf32>
        %swap3A_161 = arith.index_cast %scan3A_97 : i32 to index
        %swap3A_162 = arith.constant 80 : index
        %swap3A_163 = tpu.vector_load %arg14[%swap3A_161, %swap3A_162] {strides = array<i32>} : memref<100x128xf32, #tpu.memory_space<vmem>>, vector<1x16xf32>,
        %swap3A_164 = vector.shape_cast %swap3A_163 : vector<1x16xf32> to vector<16xf32>
        %swap3A_165 = vector.shape_cast %mul3A_160 : vector<16xf32> to vector<1x16xf32>
        tpu.vector_store %arg14[%swap3A_161, %swap3A_162], %swap3A_165 {strides = array<i32>} : memref<100x128xf32, #tpu.memory_space<vmem>>, vector<1x16xf32>,
        %get3A_166 = arith.index_cast %scan3A_97 : i32 to index
        %get3A_167 = arith.constant 96 : index
        %get3A_168 = tpu.vector_load %arg14[%get3A_166, %get3A_167] {strides = array<i32>} : memref<100x128xf32, #tpu.memory_space<vmem>>, vector<1x16xf32>,
        %get3A_169 = vector.shape_cast %get3A_168 : vector<1x16xf32> to vector<16xf32>
        %mul3A_170 = arith.mulf %get3A_169, %div3A_106 : vector<16xf32>
        %swap3A_171 = arith.index_cast %scan3A_97 : i32 to index
        %swap3A_172 = arith.constant 96 : index
        %swap3A_173 = tpu.vector_load %arg14[%swap3A_171, %swap3A_172] {strides = array<i32>} : memref<100x128xf32, #tpu.memory_space<vmem>>, vector<1x16xf32>,
        %swap3A_174 = vector.shape_cast %swap3A_173 : vector<1x16xf32> to vector<16xf32>
        %swap3A_175 = vector.shape_cast %mul3A_170 : vector<16xf32> to vector<1x16xf32>
        tpu.vector_store %arg14[%swap3A_171, %swap3A_172], %swap3A_175 {strides = array<i32>} : memref<100x128xf32, #tpu.memory_space<vmem>>, vector<1x16xf32>,
        %get3A_176 = arith.index_cast %scan3A_97 : i32 to index
        %get3A_177 = arith.constant 112 : index
        %get3A_178 = tpu.vector_load %arg14[%get3A_176, %get3A_177] {strides = array<i32>} : memref<100x128xf32, #tpu.memory_space<vmem>>, vector<1x16xf32>,
        %get3A_179 = vector.shape_cast %get3A_178 : vector<1x16xf32> to vector<16xf32>
        %mul3A_180 = arith.mulf %get3A_179, %div3A_106 : vector<16xf32>
        %swap3A_181 = arith.index_cast %scan3A_97 : i32 to index
        %swap3A_182 = arith.constant 112 : index
        %swap3A_183 = tpu.vector_load %arg14[%swap3A_181, %swap3A_182] {strides = array<i32>} : memref<100x128xf32, #tpu.memory_space<vmem>>, vector<1x16xf32>,
        %swap3A_184 = vector.shape_cast %swap3A_183 : vector<1x16xf32> to vector<16xf32>
        %swap3A_185 = vector.shape_cast %mul3A_180 : vector<16xf32> to vector<1x16xf32>
        tpu.vector_store %arg14[%swap3A_181, %swap3A_182], %swap3A_185 {strides = array<i32>} : memref<100x128xf32, #tpu.memory_space<vmem>>, vector<1x16xf32>,
      }
      %scan3A_90 = arith.constant 25 : i32
      "tpu.region"() ({
        %run_scoped3A_97 = tpu.sem_alloc : memref<!tpu.dma_semaphore, #tpu.memory_space<semaphore_mem>>
        %dma_start3A_98 = arith.constant 0 : i32
        %dma_start3A_99 = tpu.memref_slice %arg10[%mul3A_76, %dma_start3A_98] : memref<2000x128xf32, #tpu.memory_space<hbm>> -> memref<100x128xf32, #tpu.memory_space<hbm>>
        %dma_start3A_100 = arith.constant 0 : i32
        %dma_start3A_101 = tpu.memref_slice %arg10[%mul3A_76, %dma_start3A_100] : memref<2000x128xf32, #tpu.memory_space<hbm>> -> memref<100x128xf32, #tpu.memory_space<hbm>>
        tpu.enqueue_dma source(%arg13 : memref<100x128xf32, #tpu.memory_space<vmem>>) target(%dma_start3A_101 : memref<100x128xf32, #tpu.memory_space<hbm>>) target_semaphore(%run_scoped3A_97 : memref<!tpu.dma_semaphore, #tpu.memory_space<semaphore_mem>>)
        %dma_wait3A = arith.constant 0 : i32
        %dma_wait3A_102 = tpu.memref_slice %arg10[%mul3A_76, %dma_wait3A] : memref<2000x128xf32, #tpu.memory_space<hbm>> -> memref<100x128xf32, #tpu.memory_space<hbm>>
        %dma_wait3A_103 = arith.constant 0 : i32
        %dma_wait3A_104 = tpu.memref_slice %arg10[%mul3A_76, %dma_wait3A_103] : memref<2000x128xf32, #tpu.memory_space<hbm>> -> memref<100x128xf32, #tpu.memory_space<hbm>>
        tpu.wait_dma2 semaphore(%run_scoped3A_97 : memref<!tpu.dma_semaphore, #tpu.memory_space<semaphore_mem>>) src(%arg13 : memref<100x128xf32, #tpu.memory_space<vmem>>) dst(%dma_wait3A_104 : memref<100x128xf32, #tpu.memory_space<hbm>>)
        tpu.yield
      }) : () -> ()
      %add3A_91 = arith.constant 100 : i32
      %add3A_92 = arith.addi %mul3A_76, %add3A_91 : i32
      "tpu.region"() ({
        %run_scoped3A_97 = tpu.sem_alloc : memref<!tpu.dma_semaphore, #tpu.memory_space<semaphore_mem>>
        %dma_start3A_98 = arith.constant 0 : i32
        %dma_start3A_99 = arith.constant 0 : i32
        %dma_start3A_100 = tpu.memref_slice %arg14[%dma_start3A_98, %dma_start3A_99] : memref<100x128xf32, #tpu.memory_space<vmem>> -> memref<25x128xf32, #tpu.memory_space<vmem>>
        %dma_start3A_101 = arith.constant 0 : i32
        %dma_start3A_102 = tpu.memref_slice %arg10[%add3A_92, %dma_start3A_101] : memref<2000x128xf32, #tpu.memory_space<hbm>> -> memref<25x128xf32, #tpu.memory_space<hbm>>
        %dma_start3A_103 = arith.constant 0 : i32
        %dma_start3A_104 = tpu.memref_slice %arg10[%add3A_92, %dma_start3A_103] : memref<2000x128xf32, #tpu.memory_space<hbm>> -> memref<25x128xf32, #tpu.memory_space<hbm>>
        %dma_start3A_105 = arith.constant 0 : i32
        %dma_start3A_106 = arith.constant 0 : i32
        %dma_start3A_107 = tpu.memref_slice %arg14[%dma_start3A_105, %dma_start3A_106] : memref<100x128xf32, #tpu.memory_space<vmem>> -> memref<25x128xf32, #tpu.memory_space<vmem>>
        tpu.enqueue_dma source(%dma_start3A_107 : memref<25x128xf32, #tpu.memory_space<vmem>>) target(%dma_start3A_104 : memref<25x128xf32, #tpu.memory_space<hbm>>) target_semaphore(%run_scoped3A_97 : memref<!tpu.dma_semaphore, #tpu.memory_space<semaphore_mem>>)
        %dma_wait3A = arith.constant 0 : i32
        %dma_wait3A_108 = arith.constant 0 : i32
        %dma_wait3A_109 = tpu.memref_slice %arg14[%dma_wait3A, %dma_wait3A_108] : memref<100x128xf32, #tpu.memory_space<vmem>> -> memref<25x128xf32, #tpu.memory_space<vmem>>
        %dma_wait3A_110 = arith.constant 0 : i32
        %dma_wait3A_111 = tpu.memref_slice %arg10[%add3A_92, %dma_wait3A_110] : memref<2000x128xf32, #tpu.memory_space<hbm>> -> memref<25x128xf32, #tpu.memory_space<hbm>>
        %dma_wait3A_112 = arith.constant 0 : i32
        %dma_wait3A_113 = tpu.memref_slice %arg10[%add3A_92, %dma_wait3A_112] : memref<2000x128xf32, #tpu.memory_space<hbm>> -> memref<25x128xf32, #tpu.memory_space<hbm>>
        %dma_wait3A_114 = arith.constant 0 : i32
        %dma_wait3A_115 = arith.constant 0 : i32
        %dma_wait3A_116 = tpu.memref_slice %arg14[%dma_wait3A_114, %dma_wait3A_115] : memref<100x128xf32, #tpu.memory_space<vmem>> -> memref<25x128xf32, #tpu.memory_space<vmem>>
        tpu.wait_dma2 semaphore(%run_scoped3A_97 : memref<!tpu.dma_semaphore, #tpu.memory_space<semaphore_mem>>) src(%dma_wait3A_116 : memref<25x128xf32, #tpu.memory_space<vmem>>) dst(%dma_wait3A_113 : memref<25x128xf32, #tpu.memory_space<hbm>>)
        tpu.yield
      }) : () -> ()
      %mul3A_93 = arith.constant 625 : i32
      %mul3A_94 = arith.muli %arg1, %mul3A_93 : i32
      %mul3A_95 = arith.constant 625 : i32
      %mul3A_96 = arith.muli %arg1, %mul3A_95 : i32
      "tpu.region"() ({
        %run_scoped3A_97 = tpu.sem_alloc : memref<!tpu.dma_semaphore, #tpu.memory_space<semaphore_mem>>
        %dma_start3A_98 = arith.constant 0 : i32
        %dma_start3A_99 = tpu.memref_slice %arg11[%mul3A_96, %dma_start3A_98] : memref<10000x16xf32, #tpu.memory_space<hbm>> -> memref<625x16xf32, #tpu.memory_space<hbm>>
        %dma_start3A_100 = arith.constant 0 : i32
        %dma_start3A_101 = tpu.memref_slice %arg19[%mul3A_94, %dma_start3A_100] : memref<10000x16xf32, #tpu.memory_space<vmem_shared>> -> memref<625x16xf32, #tpu.memory_space<vmem_shared>>
        tpu.enqueue_dma source(%dma_start3A_101 : memref<625x16xf32, #tpu.memory_space<vmem_shared>>) target(%dma_start3A_99 : memref<625x16xf32, #tpu.memory_space<hbm>>) target_semaphore(%run_scoped3A_97 : memref<!tpu.dma_semaphore, #tpu.memory_space<semaphore_mem>>)
        %dma_wait3A = arith.constant 0 : i32
        %dma_wait3A_102 = tpu.memref_slice %arg11[%mul3A_96, %dma_wait3A] : memref<10000x16xf32, #tpu.memory_space<hbm>> -> memref<625x16xf32, #tpu.memory_space<hbm>>
        %dma_wait3A_103 = arith.constant 0 : i32
        %dma_wait3A_104 = tpu.memref_slice %arg19[%mul3A_94, %dma_wait3A_103] : memref<10000x16xf32, #tpu.memory_space<vmem_shared>> -> memref<625x16xf32, #tpu.memory_space<vmem_shared>>
        tpu.wait_dma2 semaphore(%run_scoped3A_97 : memref<!tpu.dma_semaphore, #tpu.memory_space<semaphore_mem>>) src(%dma_wait3A_104 : memref<625x16xf32, #tpu.memory_space<vmem_shared>>) dst(%dma_wait3A_102 : memref<625x16xf32, #tpu.memory_space<hbm>>)
        tpu.yield
      }) : () -> ()
    } else {
    }
    return
  }
}

#map = affine_map<(d0, d1) -> (0, 0)>
#map1 = affine_map<(d0, d1) -> (0, 0, 0)>
module attributes {stable_mosaic.version = 14 : i64} {
  func.func @_scB_body(%arg0: i32, %arg1: i32, %arg2: memref<2000x128xf32, #tpu.memory_space<hbm>>, %arg3: memref<3200x2x100xi32, #tpu.memory_space<hbm>>, %arg4: memref<625x128xf32, #tpu.memory_space<hbm>>, %arg5: memref<625x16xf32, #tpu.memory_space<hbm>>, %arg6: memref<100x16xf32, #tpu.memory_space<hbm>>, %arg7: memref<2x10000x128xf32, #tpu.memory_space<hbm>>, %arg8: memref<4x2x100xi32, #tpu.memory_space<vmem>>, %arg9: memref<100x128xf32, #tpu.memory_space<vmem>>, %arg10: memref<100x128xf32, #tpu.memory_space<vmem>>, %arg11: memref<10000x128xf32, #tpu.memory_space<vmem_shared>>, %arg12: memref<!tpu.dma_semaphore, #tpu.memory_space<semaphore_mem>>, %arg13: memref<!tpu.dma_semaphore, #tpu.memory_space<semaphore_mem>>, %arg14: memref<!tpu.dma_semaphore, #tpu.memory_space<semaphore_mem>>, %arg15: memref<!tpu.dma_semaphore, #tpu.memory_space<semaphore_mem>>, %arg16: memref<!tpu.dma_semaphore, #tpu.memory_space<semaphore_mem>>, %arg17: memref<!tpu.dma_semaphore, #tpu.memory_space<semaphore_mem>>) attributes {dimension_semantics = [#tpu.dimension_semantics<core_parallel>, #tpu.dimension_semantics<subcore_parallel>], iteration_bounds = array<i64: 2, 16>, scalar_prefetch = 0 : i64, scratch_operands = 10 : i64, tpu.core_type = #tpu.core_type<sc_vector_subcore>, window_params = [{transform_indices = #map}, {transform_indices = #map1}, {transform_indices = #map}, {transform_indices = #map}, {transform_indices = #map}, {transform_indices = #map1}]} {
    %mul3A = arith.constant 2 : i32
    %mul3A_0 = arith.muli %arg1, %mul3A : i32
    %add3A = arith.addi %mul3A_0, %arg0 : i32
    %mul3A_1 = arith.constant 100 : i32
    %mul3A_2 = arith.muli %add3A, %mul3A_1 : i32
    %mul3A_3 = arith.constant 625 : i32
    %mul3A_4 = arith.muli %arg1, %mul3A_3 : i32
    "tpu.region"() ({
      %run_scoped3A_71 = tpu.sem_alloc : memref<!tpu.dma_semaphore, #tpu.memory_space<semaphore_mem>>
      %dma_start3A_72 = arith.constant 0 : i32
      %dma_start3A_73 = tpu.memref_slice %arg11[%mul3A_4, %dma_start3A_72] : memref<10000x128xf32, #tpu.memory_space<vmem_shared>> -> memref<625x128xf32, #tpu.memory_space<vmem_shared>>
      %dma_start3A_74 = arith.constant 0 : i32
      %dma_start3A_75 = arith.constant 0 : i32
      %dma_start3A_76 = tpu.memref_slice %arg4[%dma_start3A_74, %dma_start3A_75] : memref<625x128xf32, #tpu.memory_space<hbm>> -> memref<625x128xf32, #tpu.memory_space<hbm>>
      tpu.enqueue_dma source(%dma_start3A_76 : memref<625x128xf32, #tpu.memory_space<hbm>>) target(%dma_start3A_73 : memref<625x128xf32, #tpu.memory_space<vmem_shared>>) target_semaphore(%run_scoped3A_71 : memref<!tpu.dma_semaphore, #tpu.memory_space<semaphore_mem>>)
      %dma_wait3A = arith.constant 0 : i32
      %dma_wait3A_77 = tpu.memref_slice %arg11[%mul3A_4, %dma_wait3A] : memref<10000x128xf32, #tpu.memory_space<vmem_shared>> -> memref<625x128xf32, #tpu.memory_space<vmem_shared>>
      %dma_wait3A_78 = arith.constant 0 : i32
      %dma_wait3A_79 = arith.constant 0 : i32
      %dma_wait3A_80 = tpu.memref_slice %arg4[%dma_wait3A_78, %dma_wait3A_79] : memref<625x128xf32, #tpu.memory_space<hbm>> -> memref<625x128xf32, #tpu.memory_space<hbm>>
      tpu.wait_dma2 semaphore(%run_scoped3A_71 : memref<!tpu.dma_semaphore, #tpu.memory_space<semaphore_mem>>) src(%dma_wait3A_80 : memref<625x128xf32, #tpu.memory_space<hbm>>) dst(%dma_wait3A_77 : memref<625x128xf32, #tpu.memory_space<vmem_shared>>)
      tpu.yield
    }) : () -> ()
    %run_scoped3A = arith.constant 0 : i32
    "tpu.region"() ({
      %run_scoped3A_71 = tpu.sem_alloc : memref<!tpu.dma_semaphore, #tpu.memory_space<semaphore_mem>>
      %dma_start3A_72 = arith.constant 0 : i32
      %dma_start3A_73 = arith.constant 0 : i32
      %dma_start3A_74 = tpu.memref_slice %arg8[%run_scoped3A, %dma_start3A_72, %dma_start3A_73] : memref<4x2x100xi32, #tpu.memory_space<vmem>> -> memref<1x2x100xi32, #tpu.memory_space<vmem>>
      %dma_start3A_75 = tpu.memref_squeeze %dma_start3A_74 : memref<1x2x100xi32, #tpu.memory_space<vmem>> -> memref<2x100xi32, #tpu.memory_space<vmem>>
      %dma_start3A_76 = arith.constant 0 : i32
      %dma_start3A_77 = arith.constant 0 : i32
      %dma_start3A_78 = tpu.memref_slice %arg3[%mul3A_2, %dma_start3A_76, %dma_start3A_77] : memref<3200x2x100xi32, #tpu.memory_space<hbm>> -> memref<1x2x100xi32, #tpu.memory_space<hbm>>
      %dma_start3A_79 = tpu.memref_squeeze %dma_start3A_78 : memref<1x2x100xi32, #tpu.memory_space<hbm>> -> memref<2x100xi32, #tpu.memory_space<hbm>>
      %dma_start3A_80 = arith.constant 0 : i32
      %dma_start3A_81 = arith.constant 0 : i32
      %dma_start3A_82 = tpu.memref_slice %arg8[%run_scoped3A, %dma_start3A_80, %dma_start3A_81] : memref<4x2x100xi32, #tpu.memory_space<vmem>> -> memref<1x2x100xi32, #tpu.memory_space<vmem>>
      %dma_start3A_83 = tpu.memref_squeeze %dma_start3A_82 : memref<1x2x100xi32, #tpu.memory_space<vmem>> -> memref<2x100xi32, #tpu.memory_space<vmem>>
      %dma_start3A_84 = arith.constant 0 : i32
      %dma_start3A_85 = arith.constant 0 : i32
      %dma_start3A_86 = tpu.memref_slice %arg3[%mul3A_2, %dma_start3A_84, %dma_start3A_85] : memref<3200x2x100xi32, #tpu.memory_space<hbm>> -> memref<1x2x100xi32, #tpu.memory_space<hbm>>
      %dma_start3A_87 = tpu.memref_squeeze %dma_start3A_86 : memref<1x2x100xi32, #tpu.memory_space<hbm>> -> memref<2x100xi32, #tpu.memory_space<hbm>>
      tpu.enqueue_dma source(%dma_start3A_87 : memref<2x100xi32, #tpu.memory_space<hbm>>) target(%dma_start3A_83 : memref<2x100xi32, #tpu.memory_space<vmem>>) target_semaphore(%run_scoped3A_71 : memref<!tpu.dma_semaphore, #tpu.memory_space<semaphore_mem>>)
      %dma_wait3A = arith.constant 0 : i32
      %dma_wait3A_88 = arith.constant 0 : i32
      %dma_wait3A_89 = tpu.memref_slice %arg8[%run_scoped3A, %dma_wait3A, %dma_wait3A_88] : memref<4x2x100xi32, #tpu.memory_space<vmem>> -> memref<1x2x100xi32, #tpu.memory_space<vmem>>
      %dma_wait3A_90 = tpu.memref_squeeze %dma_wait3A_89 : memref<1x2x100xi32, #tpu.memory_space<vmem>> -> memref<2x100xi32, #tpu.memory_space<vmem>>
      %dma_wait3A_91 = arith.constant 0 : i32
      %dma_wait3A_92 = arith.constant 0 : i32
      %dma_wait3A_93 = tpu.memref_slice %arg3[%mul3A_2, %dma_wait3A_91, %dma_wait3A_92] : memref<3200x2x100xi32, #tpu.memory_space<hbm>> -> memref<1x2x100xi32, #tpu.memory_space<hbm>>
      %dma_wait3A_94 = tpu.memref_squeeze %dma_wait3A_93 : memref<1x2x100xi32, #tpu.memory_space<hbm>> -> memref<2x100xi32, #tpu.memory_space<hbm>>
      %dma_wait3A_95 = arith.constant 0 : i32
      %dma_wait3A_96 = arith.constant 0 : i32
      %dma_wait3A_97 = tpu.memref_slice %arg8[%run_scoped3A, %dma_wait3A_95, %dma_wait3A_96] : memref<4x2x100xi32, #tpu.memory_space<vmem>> -> memref<1x2x100xi32, #tpu.memory_space<vmem>>
      %dma_wait3A_98 = tpu.memref_squeeze %dma_wait3A_97 : memref<1x2x100xi32, #tpu.memory_space<vmem>> -> memref<2x100xi32, #tpu.memory_space<vmem>>
      %dma_wait3A_99 = arith.constant 0 : i32
      %dma_wait3A_100 = arith.constant 0 : i32
      %dma_wait3A_101 = tpu.memref_slice %arg3[%mul3A_2, %dma_wait3A_99, %dma_wait3A_100] : memref<3200x2x100xi32, #tpu.memory_space<hbm>> -> memref<1x2x100xi32, #tpu.memory_space<hbm>>
      %dma_wait3A_102 = tpu.memref_squeeze %dma_wait3A_101 : memref<1x2x100xi32, #tpu.memory_space<hbm>> -> memref<2x100xi32, #tpu.memory_space<hbm>>
      tpu.wait_dma2 semaphore(%run_scoped3A_71 : memref<!tpu.dma_semaphore, #tpu.memory_space<semaphore_mem>>) src(%dma_wait3A_102 : memref<2x100xi32, #tpu.memory_space<hbm>>) dst(%dma_wait3A_98 : memref<2x100xi32, #tpu.memory_space<vmem>>)
      tpu.yield
    }) : () -> ()
    %add3A_5 = arith.constant 1 : i32
    %add3A_6 = arith.addi %mul3A_2, %add3A_5 : i32
    %run_scoped3A_7 = arith.constant 1 : i32
    "tpu.region"() ({
      %run_scoped3A_71 = tpu.sem_alloc : memref<!tpu.dma_semaphore, #tpu.memory_space<semaphore_mem>>
      %dma_start3A_72 = arith.constant 0 : i32
      %dma_start3A_73 = arith.constant 0 : i32
      %dma_start3A_74 = tpu.memref_slice %arg8[%run_scoped3A_7, %dma_start3A_72, %dma_start3A_73] : memref<4x2x100xi32, #tpu.memory_space<vmem>> -> memref<1x2x100xi32, #tpu.memory_space<vmem>>
      %dma_start3A_75 = tpu.memref_squeeze %dma_start3A_74 : memref<1x2x100xi32, #tpu.memory_space<vmem>> -> memref<2x100xi32, #tpu.memory_space<vmem>>
      %dma_start3A_76 = arith.constant 0 : i32
      %dma_start3A_77 = arith.constant 0 : i32
      %dma_start3A_78 = tpu.memref_slice %arg3[%add3A_6, %dma_start3A_76, %dma_start3A_77] : memref<3200x2x100xi32, #tpu.memory_space<hbm>> -> memref<1x2x100xi32, #tpu.memory_space<hbm>>
      %dma_start3A_79 = tpu.memref_squeeze %dma_start3A_78 : memref<1x2x100xi32, #tpu.memory_space<hbm>> -> memref<2x100xi32, #tpu.memory_space<hbm>>
      %dma_start3A_80 = arith.constant 0 : i32
      %dma_start3A_81 = arith.constant 0 : i32
      %dma_start3A_82 = tpu.memref_slice %arg8[%run_scoped3A_7, %dma_start3A_80, %dma_start3A_81] : memref<4x2x100xi32, #tpu.memory_space<vmem>> -> memref<1x2x100xi32, #tpu.memory_space<vmem>>
      %dma_start3A_83 = tpu.memref_squeeze %dma_start3A_82 : memref<1x2x100xi32, #tpu.memory_space<vmem>> -> memref<2x100xi32, #tpu.memory_space<vmem>>
      %dma_start3A_84 = arith.constant 0 : i32
      %dma_start3A_85 = arith.constant 0 : i32
      %dma_start3A_86 = tpu.memref_slice %arg3[%add3A_6, %dma_start3A_84, %dma_start3A_85] : memref<3200x2x100xi32, #tpu.memory_space<hbm>> -> memref<1x2x100xi32, #tpu.memory_space<hbm>>
      %dma_start3A_87 = tpu.memref_squeeze %dma_start3A_86 : memref<1x2x100xi32, #tpu.memory_space<hbm>> -> memref<2x100xi32, #tpu.memory_space<hbm>>
      tpu.enqueue_dma source(%dma_start3A_87 : memref<2x100xi32, #tpu.memory_space<hbm>>) target(%dma_start3A_83 : memref<2x100xi32, #tpu.memory_space<vmem>>) target_semaphore(%run_scoped3A_71 : memref<!tpu.dma_semaphore, #tpu.memory_space<semaphore_mem>>)
      %dma_wait3A = arith.constant 0 : i32
      %dma_wait3A_88 = arith.constant 0 : i32
      %dma_wait3A_89 = tpu.memref_slice %arg8[%run_scoped3A_7, %dma_wait3A, %dma_wait3A_88] : memref<4x2x100xi32, #tpu.memory_space<vmem>> -> memref<1x2x100xi32, #tpu.memory_space<vmem>>
      %dma_wait3A_90 = tpu.memref_squeeze %dma_wait3A_89 : memref<1x2x100xi32, #tpu.memory_space<vmem>> -> memref<2x100xi32, #tpu.memory_space<vmem>>
      %dma_wait3A_91 = arith.constant 0 : i32
      %dma_wait3A_92 = arith.constant 0 : i32
      %dma_wait3A_93 = tpu.memref_slice %arg3[%add3A_6, %dma_wait3A_91, %dma_wait3A_92] : memref<3200x2x100xi32, #tpu.memory_space<hbm>> -> memref<1x2x100xi32, #tpu.memory_space<hbm>>
      %dma_wait3A_94 = tpu.memref_squeeze %dma_wait3A_93 : memref<1x2x100xi32, #tpu.memory_space<hbm>> -> memref<2x100xi32, #tpu.memory_space<hbm>>
      %dma_wait3A_95 = arith.constant 0 : i32
      %dma_wait3A_96 = arith.constant 0 : i32
      %dma_wait3A_97 = tpu.memref_slice %arg8[%run_scoped3A_7, %dma_wait3A_95, %dma_wait3A_96] : memref<4x2x100xi32, #tpu.memory_space<vmem>> -> memref<1x2x100xi32, #tpu.memory_space<vmem>>
      %dma_wait3A_98 = tpu.memref_squeeze %dma_wait3A_97 : memref<1x2x100xi32, #tpu.memory_space<vmem>> -> memref<2x100xi32, #tpu.memory_space<vmem>>
      %dma_wait3A_99 = arith.constant 0 : i32
      %dma_wait3A_100 = arith.constant 0 : i32
      %dma_wait3A_101 = tpu.memref_slice %arg3[%add3A_6, %dma_wait3A_99, %dma_wait3A_100] : memref<3200x2x100xi32, #tpu.memory_space<hbm>> -> memref<1x2x100xi32, #tpu.memory_space<hbm>>
      %dma_wait3A_102 = tpu.memref_squeeze %dma_wait3A_101 : memref<1x2x100xi32, #tpu.memory_space<hbm>> -> memref<2x100xi32, #tpu.memory_space<hbm>>
      tpu.wait_dma2 semaphore(%run_scoped3A_71 : memref<!tpu.dma_semaphore, #tpu.memory_space<semaphore_mem>>) src(%dma_wait3A_102 : memref<2x100xi32, #tpu.memory_space<hbm>>) dst(%dma_wait3A_98 : memref<2x100xi32, #tpu.memory_space<vmem>>)
      tpu.yield
    }) : () -> ()
    %add3A_8 = arith.constant 2 : i32
    %add3A_9 = arith.addi %mul3A_2, %add3A_8 : i32
    %dma_start3A = arith.constant 2 : i32
    %dma_start3A_10 = arith.constant 0 : i32
    %dma_start3A_11 = arith.constant 0 : i32
    %dma_start3A_12 = tpu.memref_slice %arg8[%dma_start3A, %dma_start3A_10, %dma_start3A_11] : memref<4x2x100xi32, #tpu.memory_space<vmem>> -> memref<1x2x100xi32, #tpu.memory_space<vmem>>
    %dma_start3A_13 = tpu.memref_squeeze %dma_start3A_12 : memref<1x2x100xi32, #tpu.memory_space<vmem>> -> memref<2x100xi32, #tpu.memory_space<vmem>>
    %dma_start3A_14 = arith.constant 0 : i32
    %dma_start3A_15 = arith.constant 0 : i32
    %dma_start3A_16 = tpu.memref_slice %arg3[%add3A_9, %dma_start3A_14, %dma_start3A_15] : memref<3200x2x100xi32, #tpu.memory_space<hbm>> -> memref<1x2x100xi32, #tpu.memory_space<hbm>>
    %dma_start3A_17 = tpu.memref_squeeze %dma_start3A_16 : memref<1x2x100xi32, #tpu.memory_space<hbm>> -> memref<2x100xi32, #tpu.memory_space<hbm>>
    %dma_start3A_18 = arith.constant 0 : i32
    %dma_start3A_19 = arith.constant 0 : i32
    %dma_start3A_20 = tpu.memref_slice %arg8[%dma_start3A, %dma_start3A_18, %dma_start3A_19] : memref<4x2x100xi32, #tpu.memory_space<vmem>> -> memref<1x2x100xi32, #tpu.memory_space<vmem>>
    %dma_start3A_21 = tpu.memref_squeeze %dma_start3A_20 : memref<1x2x100xi32, #tpu.memory_space<vmem>> -> memref<2x100xi32, #tpu.memory_space<vmem>>
    %dma_start3A_22 = arith.constant 0 : i32
    %dma_start3A_23 = arith.constant 0 : i32
    %dma_start3A_24 = tpu.memref_slice %arg3[%add3A_9, %dma_start3A_22, %dma_start3A_23] : memref<3200x2x100xi32, #tpu.memory_space<hbm>> -> memref<1x2x100xi32, #tpu.memory_space<hbm>>
    %dma_start3A_25 = tpu.memref_squeeze %dma_start3A_24 : memref<1x2x100xi32, #tpu.memory_space<hbm>> -> memref<2x100xi32, #tpu.memory_space<hbm>>
    tpu.enqueue_dma source(%dma_start3A_25 : memref<2x100xi32, #tpu.memory_space<hbm>>) target(%dma_start3A_21 : memref<2x100xi32, #tpu.memory_space<vmem>>) target_semaphore(%arg16 : memref<!tpu.dma_semaphore, #tpu.memory_space<semaphore_mem>>)
    %add3A_26 = arith.constant 3 : i32
    %add3A_27 = arith.addi %mul3A_2, %add3A_26 : i32
    %dma_start3A_28 = arith.constant 3 : i32
    %dma_start3A_29 = arith.constant 0 : i32
    %dma_start3A_30 = arith.constant 0 : i32
    %dma_start3A_31 = tpu.memref_slice %arg8[%dma_start3A_28, %dma_start3A_29, %dma_start3A_30] : memref<4x2x100xi32, #tpu.memory_space<vmem>> -> memref<1x2x100xi32, #tpu.memory_space<vmem>>
    %dma_start3A_32 = tpu.memref_squeeze %dma_start3A_31 : memref<1x2x100xi32, #tpu.memory_space<vmem>> -> memref<2x100xi32, #tpu.memory_space<vmem>>
    %dma_start3A_33 = arith.constant 0 : i32
    %dma_start3A_34 = arith.constant 0 : i32
    %dma_start3A_35 = tpu.memref_slice %arg3[%add3A_27, %dma_start3A_33, %dma_start3A_34] : memref<3200x2x100xi32, #tpu.memory_space<hbm>> -> memref<1x2x100xi32, #tpu.memory_space<hbm>>
    %dma_start3A_36 = tpu.memref_squeeze %dma_start3A_35 : memref<1x2x100xi32, #tpu.memory_space<hbm>> -> memref<2x100xi32, #tpu.memory_space<hbm>>
    %dma_start3A_37 = arith.constant 0 : i32
    %dma_start3A_38 = arith.constant 0 : i32
    %dma_start3A_39 = tpu.memref_slice %arg8[%dma_start3A_28, %dma_start3A_37, %dma_start3A_38] : memref<4x2x100xi32, #tpu.memory_space<vmem>> -> memref<1x2x100xi32, #tpu.memory_space<vmem>>
    %dma_start3A_40 = tpu.memref_squeeze %dma_start3A_39 : memref<1x2x100xi32, #tpu.memory_space<vmem>> -> memref<2x100xi32, #tpu.memory_space<vmem>>
    %dma_start3A_41 = arith.constant 0 : i32
    %dma_start3A_42 = arith.constant 0 : i32
    %dma_start3A_43 = tpu.memref_slice %arg3[%add3A_27, %dma_start3A_41, %dma_start3A_42] : memref<3200x2x100xi32, #tpu.memory_space<hbm>> -> memref<1x2x100xi32, #tpu.memory_space<hbm>>
    %dma_start3A_44 = tpu.memref_squeeze %dma_start3A_43 : memref<1x2x100xi32, #tpu.memory_space<hbm>> -> memref<2x100xi32, #tpu.memory_space<hbm>>
    tpu.enqueue_dma source(%dma_start3A_44 : memref<2x100xi32, #tpu.memory_space<hbm>>) target(%dma_start3A_40 : memref<2x100xi32, #tpu.memory_space<vmem>>) target_semaphore(%arg17 : memref<!tpu.dma_semaphore, #tpu.memory_space<semaphore_mem>>)
    %dma_start3A_45 = arith.constant 0 : i32
    %dma_start3A_46 = arith.constant 0 : i32
    %dma_start3A_47 = arith.constant 0 : i32
    %dma_start3A_48 = tpu.memref_slice %arg8[%dma_start3A_45, %dma_start3A_46, %dma_start3A_47] : memref<4x2x100xi32, #tpu.memory_space<vmem>> -> memref<1x1x100xi32, #tpu.memory_space<vmem>>
    %dma_start3A_49 = tpu.memref_squeeze %dma_start3A_48 : memref<1x1x100xi32, #tpu.memory_space<vmem>> -> memref<100xi32, #tpu.memory_space<vmem>>
    %dma_start3A_50 = arith.constant 0 : i32
    %dma_start3A_51 = arith.constant 0 : i32
    %dma_start3A_52 = tpu.memref_slice %arg2[%dma_start3A_50, %dma_start3A_51] : memref<2000x128xf32, #tpu.memory_space<hbm>> -> memref<2000x128xf32, #tpu.memory_space<hbm>>
    tpu.enqueue_indirect_dma source(%dma_start3A_52 : memref<2000x128xf32, #tpu.memory_space<hbm>>) target(%arg9 : memref<100x128xf32, #tpu.memory_space<vmem>>) offsets(%dma_start3A_49 : memref<100xi32, #tpu.memory_space<vmem>>) semaphore(%arg12 : memref<!tpu.dma_semaphore, #tpu.memory_space<semaphore_mem>>)
    %dma_start3A_53 = arith.constant 1 : i32
    %dma_start3A_54 = arith.constant 0 : i32
    %dma_start3A_55 = arith.constant 0 : i32
    %dma_start3A_56 = tpu.memref_slice %arg8[%dma_start3A_53, %dma_start3A_54, %dma_start3A_55] : memref<4x2x100xi32, #tpu.memory_space<vmem>> -> memref<1x1x100xi32, #tpu.memory_space<vmem>>
    %dma_start3A_57 = tpu.memref_squeeze %dma_start3A_56 : memref<1x1x100xi32, #tpu.memory_space<vmem>> -> memref<100xi32, #tpu.memory_space<vmem>>
    %dma_start3A_58 = arith.constant 0 : i32
    %dma_start3A_59 = arith.constant 0 : i32
    %dma_start3A_60 = tpu.memref_slice %arg2[%dma_start3A_58, %dma_start3A_59] : memref<2000x128xf32, #tpu.memory_space<hbm>> -> memref<2000x128xf32, #tpu.memory_space<hbm>>
    tpu.enqueue_indirect_dma source(%dma_start3A_60 : memref<2000x128xf32, #tpu.memory_space<hbm>>) target(%arg10 : memref<100x128xf32, #tpu.memory_space<vmem>>) offsets(%dma_start3A_57 : memref<100xi32, #tpu.memory_space<vmem>>) semaphore(%arg13 : memref<!tpu.dma_semaphore, #tpu.memory_space<semaphore_mem>>)
    %barrier3A = arith.constant 0 : index
    tpu.barrier barrier_id(%barrier3A)
    %scan3A = arith.constant 0 : i32
    %scan3A_61 = arith.constant 0 : i32
    %scan3A_62 = arith.constant 25 : i32
    %scan3A_63 = arith.addi %scan3A_61, %scan3A_62 : i32
    %scan3A_64 = arith.constant 1 : i32
    scf.for %scan3A_71 = %scan3A_61 to %scan3A_63 step %scan3A_64  : i32 {
      %mul3A_72 = arith.constant 4 : i32
      %mul3A_73 = arith.muli %mul3A_72, %scan3A_71 : i32
      %add3A_74 = arith.constant 0 : i32
      %add3A_75 = arith.addi %mul3A_73, %add3A_74 : i32
      %dma_wait3A = arith.constant 0 : i32
      %dma_wait3A_76 = arith.constant 0 : i32
      %dma_wait3A_77 = arith.constant 0 : i32
      %dma_wait3A_78 = tpu.memref_slice %arg8[%dma_wait3A, %dma_wait3A_76, %dma_wait3A_77] : memref<4x2x100xi32, #tpu.memory_space<vmem>> -> memref<1x1x100xi32, #tpu.memory_space<vmem>>
      %dma_wait3A_79 = tpu.memref_squeeze %dma_wait3A_78 : memref<1x1x100xi32, #tpu.memory_space<vmem>> -> memref<100xi32, #tpu.memory_space<vmem>>
      %dma_wait3A_80 = arith.constant 0 : i32
      %dma_wait3A_81 = arith.constant 0 : i32
      %dma_wait3A_82 = tpu.memref_slice %arg2[%dma_wait3A_80, %dma_wait3A_81] : memref<2000x128xf32, #tpu.memory_space<hbm>> -> memref<2000x128xf32, #tpu.memory_space<hbm>>
      tpu.wait_indirect_dma semaphore(%arg12 : memref<!tpu.dma_semaphore, #tpu.memory_space<semaphore_mem>>) src(%dma_wait3A_82 : memref<2000x128xf32, #tpu.memory_space<hbm>>) dst(%arg9 : memref<100x128xf32, #tpu.memory_space<vmem>>)
      %run_scoped3A_83 = arith.constant 0 : i32
      %run_scoped3A_84 = arith.constant 1 : i32
      "tpu.region"() ({
        %run_scoped3A_180 = tpu.sem_alloc : memref<!tpu.dma_semaphore, #tpu.memory_space<semaphore_mem>>
        %dma_start3A_181 = arith.constant 0 : i32
        %dma_start3A_182 = tpu.memref_slice %arg8[%run_scoped3A_83, %run_scoped3A_84, %dma_start3A_181] : memref<4x2x100xi32, #tpu.memory_space<vmem>> -> memref<1x1x100xi32, #tpu.memory_space<vmem>>
        %dma_start3A_183 = tpu.memref_squeeze %dma_start3A_182 : memref<1x1x100xi32, #tpu.memory_space<vmem>> -> memref<100xi32, #tpu.memory_space<vmem>>
        %dma_start3A_184 = arith.constant 0 : i32
        %dma_start3A_185 = arith.constant 0 : i32
        %dma_start3A_186 = tpu.memref_slice %arg11[%dma_start3A_184, %dma_start3A_185] : memref<10000x128xf32, #tpu.memory_space<vmem_shared>> -> memref<10000x128xf32, #tpu.memory_space<vmem_shared>>
        tpu.enqueue_indirect_dma source(%arg9 : memref<100x128xf32, #tpu.memory_space<vmem>>) target(%dma_start3A_186 : memref<10000x128xf32, #tpu.memory_space<vmem_shared>>) offsets(%dma_start3A_183 : memref<100xi32, #tpu.memory_space<vmem>>) semaphore(%run_scoped3A_180 : memref<!tpu.dma_semaphore, #tpu.memory_space<semaphore_mem>>) {add = true}
        %dma_wait3A_187 = arith.constant 0 : i32
        %dma_wait3A_188 = tpu.memref_slice %arg8[%run_scoped3A_83, %run_scoped3A_84, %dma_wait3A_187] : memref<4x2x100xi32, #tpu.memory_space<vmem>> -> memref<1x1x100xi32, #tpu.memory_space<vmem>>
        %dma_wait3A_189 = tpu.memref_squeeze %dma_wait3A_188 : memref<1x1x100xi32, #tpu.memory_space<vmem>> -> memref<100xi32, #tpu.memory_space<vmem>>
        %dma_wait3A_190 = arith.constant 0 : i32
        %dma_wait3A_191 = arith.constant 0 : i32
        %dma_wait3A_192 = tpu.memref_slice %arg11[%dma_wait3A_190, %dma_wait3A_191] : memref<10000x128xf32, #tpu.memory_space<vmem_shared>> -> memref<10000x128xf32, #tpu.memory_space<vmem_shared>>
        tpu.wait_indirect_dma semaphore(%run_scoped3A_180 : memref<!tpu.dma_semaphore, #tpu.memory_space<semaphore_mem>>) src(%arg9 : memref<100x128xf32, #tpu.memory_space<vmem>>) dst(%dma_wait3A_192 : memref<10000x128xf32, #tpu.memory_space<vmem_shared>>)
        tpu.yield
      }) : () -> ()
      %add3A_85 = arith.constant 4 : i32
      %add3A_86 = arith.addi %add3A_75, %add3A_85 : i32
      %lt3A = arith.constant 100 : i32
      %lt3A_87 = arith.cmpi slt, %add3A_86, %lt3A : i32
      %convert_element_type3A = arith.extui %lt3A_87 : i1 to i32
      %cond3A = arith.constant 0 : i32
      %cond3A_88 = arith.cmpi ne, %convert_element_type3A, %cond3A : i32
      scf.if %cond3A_88 {
        %add3A_180 = arith.addi %mul3A_2, %add3A_75 : i32
        %add3A_181 = arith.constant 4 : i32
        %add3A_182 = arith.addi %add3A_180, %add3A_181 : i32
        %dma_start3A_183 = arith.constant 0 : i32
        %dma_start3A_184 = arith.constant 0 : i32
        %dma_start3A_185 = arith.constant 0 : i32
        %dma_start3A_186 = tpu.memref_slice %arg8[%dma_start3A_183, %dma_start3A_184, %dma_start3A_185] : memref<4x2x100xi32, #tpu.memory_space<vmem>> -> memref<1x2x100xi32, #tpu.memory_space<vmem>>
        %dma_start3A_187 = tpu.memref_squeeze %dma_start3A_186 : memref<1x2x100xi32, #tpu.memory_space<vmem>> -> memref<2x100xi32, #tpu.memory_space<vmem>>
        %dma_start3A_188 = arith.constant 0 : i32
        %dma_start3A_189 = arith.constant 0 : i32
        %dma_start3A_190 = tpu.memref_slice %arg3[%add3A_182, %dma_start3A_188, %dma_start3A_189] : memref<3200x2x100xi32, #tpu.memory_space<hbm>> -> memref<1x2x100xi32, #tpu.memory_space<hbm>>
        %dma_start3A_191 = tpu.memref_squeeze %dma_start3A_190 : memref<1x2x100xi32, #tpu.memory_space<hbm>> -> memref<2x100xi32, #tpu.memory_space<hbm>>
        %dma_start3A_192 = arith.constant 0 : i32
        %dma_start3A_193 = arith.constant 0 : i32
        %dma_start3A_194 = tpu.memref_slice %arg8[%dma_start3A_183, %dma_start3A_192, %dma_start3A_193] : memref<4x2x100xi32, #tpu.memory_space<vmem>> -> memref<1x2x100xi32, #tpu.memory_space<vmem>>
        %dma_start3A_195 = tpu.memref_squeeze %dma_start3A_194 : memref<1x2x100xi32, #tpu.memory_space<vmem>> -> memref<2x100xi32, #tpu.memory_space<vmem>>
        %dma_start3A_196 = arith.constant 0 : i32
        %dma_start3A_197 = arith.constant 0 : i32
        %dma_start3A_198 = tpu.memref_slice %arg3[%add3A_182, %dma_start3A_196, %dma_start3A_197] : memref<3200x2x100xi32, #tpu.memory_space<hbm>> -> memref<1x2x100xi32, #tpu.memory_space<hbm>>
        %dma_start3A_199 = tpu.memref_squeeze %dma_start3A_198 : memref<1x2x100xi32, #tpu.memory_space<hbm>> -> memref<2x100xi32, #tpu.memory_space<hbm>>
        tpu.enqueue_dma source(%dma_start3A_199 : memref<2x100xi32, #tpu.memory_space<hbm>>) target(%dma_start3A_195 : memref<2x100xi32, #tpu.memory_space<vmem>>) target_semaphore(%arg14 : memref<!tpu.dma_semaphore, #tpu.memory_space<semaphore_mem>>)
      } else {
      }
      %add3A_89 = arith.constant 2 : i32
      %add3A_90 = arith.addi %add3A_75, %add3A_89 : i32
      %lt3A_91 = arith.constant 100 : i32
      %lt3A_92 = arith.cmpi slt, %add3A_90, %lt3A_91 : i32
      %convert_element_type3A_93 = arith.extui %lt3A_92 : i1 to i32
      %cond3A_94 = arith.constant 0 : i32
      %cond3A_95 = arith.cmpi ne, %convert_element_type3A_93, %cond3A_94 : i32
      scf.if %cond3A_95 {
        %add3A_180 = arith.addi %mul3A_2, %add3A_75 : i32
        %add3A_181 = arith.constant 2 : i32
        %add3A_182 = arith.addi %add3A_180, %add3A_181 : i32
        %dma_wait3A_183 = arith.constant 2 : i32
        %dma_wait3A_184 = arith.constant 0 : i32
        %dma_wait3A_185 = arith.constant 0 : i32
        %dma_wait3A_186 = tpu.memref_slice %arg8[%dma_wait3A_183, %dma_wait3A_184, %dma_wait3A_185] : memref<4x2x100xi32, #tpu.memory_space<vmem>> -> memref<1x2x100xi32, #tpu.memory_space<vmem>>
        %dma_wait3A_187 = tpu.memref_squeeze %dma_wait3A_186 : memref<1x2x100xi32, #tpu.memory_space<vmem>> -> memref<2x100xi32, #tpu.memory_space<vmem>>
        %dma_wait3A_188 = arith.constant 0 : i32
        %dma_wait3A_189 = arith.constant 0 : i32
        %dma_wait3A_190 = tpu.memref_slice %arg3[%add3A_182, %dma_wait3A_188, %dma_wait3A_189] : memref<3200x2x100xi32, #tpu.memory_space<hbm>> -> memref<1x2x100xi32, #tpu.memory_space<hbm>>
        %dma_wait3A_191 = tpu.memref_squeeze %dma_wait3A_190 : memref<1x2x100xi32, #tpu.memory_space<hbm>> -> memref<2x100xi32, #tpu.memory_space<hbm>>
        %dma_wait3A_192 = arith.constant 0 : i32
        %dma_wait3A_193 = arith.constant 0 : i32
        %dma_wait3A_194 = tpu.memref_slice %arg8[%dma_wait3A_183, %dma_wait3A_192, %dma_wait3A_193] : memref<4x2x100xi32, #tpu.memory_space<vmem>> -> memref<1x2x100xi32, #tpu.memory_space<vmem>>
        %dma_wait3A_195 = tpu.memref_squeeze %dma_wait3A_194 : memref<1x2x100xi32, #tpu.memory_space<vmem>> -> memref<2x100xi32, #tpu.memory_space<vmem>>
        %dma_wait3A_196 = arith.constant 0 : i32
        %dma_wait3A_197 = arith.constant 0 : i32
        %dma_wait3A_198 = tpu.memref_slice %arg3[%add3A_182, %dma_wait3A_196, %dma_wait3A_197] : memref<3200x2x100xi32, #tpu.memory_space<hbm>> -> memref<1x2x100xi32, #tpu.memory_space<hbm>>
        %dma_wait3A_199 = tpu.memref_squeeze %dma_wait3A_198 : memref<1x2x100xi32, #tpu.memory_space<hbm>> -> memref<2x100xi32, #tpu.memory_space<hbm>>
        tpu.wait_dma2 semaphore(%arg16 : memref<!tpu.dma_semaphore, #tpu.memory_space<semaphore_mem>>) src(%dma_wait3A_199 : memref<2x100xi32, #tpu.memory_space<hbm>>) dst(%dma_wait3A_195 : memref<2x100xi32, #tpu.memory_space<vmem>>)
        %dma_start3A_200 = arith.constant 2 : i32
        %dma_start3A_201 = arith.constant 0 : i32
        %dma_start3A_202 = arith.constant 0 : i32
        %dma_start3A_203 = tpu.memref_slice %arg8[%dma_start3A_200, %dma_start3A_201, %dma_start3A_202] : memref<4x2x100xi32, #tpu.memory_space<vmem>> -> memref<1x1x100xi32, #tpu.memory_space<vmem>>
        %dma_start3A_204 = tpu.memref_squeeze %dma_start3A_203 : memref<1x1x100xi32, #tpu.memory_space<vmem>> -> memref<100xi32, #tpu.memory_space<vmem>>
        %dma_start3A_205 = arith.constant 0 : i32
        %dma_start3A_206 = arith.constant 0 : i32
        %dma_start3A_207 = tpu.memref_slice %arg2[%dma_start3A_205, %dma_start3A_206] : memref<2000x128xf32, #tpu.memory_space<hbm>> -> memref<2000x128xf32, #tpu.memory_space<hbm>>
        tpu.enqueue_indirect_dma source(%dma_start3A_207 : memref<2000x128xf32, #tpu.memory_space<hbm>>) target(%arg9 : memref<100x128xf32, #tpu.memory_space<vmem>>) offsets(%dma_start3A_204 : memref<100xi32, #tpu.memory_space<vmem>>) semaphore(%arg12 : memref<!tpu.dma_semaphore, #tpu.memory_space<semaphore_mem>>)
      } else {
      }
      %mul3A_96 = arith.constant 4 : i32
      %mul3A_97 = arith.muli %mul3A_96, %scan3A_71 : i32
      %add3A_98 = arith.constant 1 : i32
      %add3A_99 = arith.addi %mul3A_97, %add3A_98 : i32
      %dma_wait3A_100 = arith.constant 1 : i32
      %dma_wait3A_101 = arith.constant 0 : i32
      %dma_wait3A_102 = arith.constant 0 : i32
      %dma_wait3A_103 = tpu.memref_slice %arg8[%dma_wait3A_100, %dma_wait3A_101, %dma_wait3A_102] : memref<4x2x100xi32, #tpu.memory_space<vmem>> -> memref<1x1x100xi32, #tpu.memory_space<vmem>>
      %dma_wait3A_104 = tpu.memref_squeeze %dma_wait3A_103 : memref<1x1x100xi32, #tpu.memory_space<vmem>> -> memref<100xi32, #tpu.memory_space<vmem>>
      %dma_wait3A_105 = arith.constant 0 : i32
      %dma_wait3A_106 = arith.constant 0 : i32
      %dma_wait3A_107 = tpu.memref_slice %arg2[%dma_wait3A_105, %dma_wait3A_106] : memref<2000x128xf32, #tpu.memory_space<hbm>> -> memref<2000x128xf32, #tpu.memory_space<hbm>>
      tpu.wait_indirect_dma semaphore(%arg13 : memref<!tpu.dma_semaphore, #tpu.memory_space<semaphore_mem>>) src(%dma_wait3A_107 : memref<2000x128xf32, #tpu.memory_space<hbm>>) dst(%arg10 : memref<100x128xf32, #tpu.memory_space<vmem>>)
      %run_scoped3A_108 = arith.constant 1 : i32
      %run_scoped3A_109 = arith.constant 1 : i32
      "tpu.region"() ({
        %run_scoped3A_180 = tpu.sem_alloc : memref<!tpu.dma_semaphore, #tpu.memory_space<semaphore_mem>>
        %dma_start3A_181 = arith.constant 0 : i32
        %dma_start3A_182 = tpu.memref_slice %arg8[%run_scoped3A_108, %run_scoped3A_109, %dma_start3A_181] : memref<4x2x100xi32, #tpu.memory_space<vmem>> -> memref<1x1x100xi32, #tpu.memory_space<vmem>>
        %dma_start3A_183 = tpu.memref_squeeze %dma_start3A_182 : memref<1x1x100xi32, #tpu.memory_space<vmem>> -> memref<100xi32, #tpu.memory_space<vmem>>
        %dma_start3A_184 = arith.constant 0 : i32
        %dma_start3A_185 = arith.constant 0 : i32
        %dma_start3A_186 = tpu.memref_slice %arg11[%dma_start3A_184, %dma_start3A_185] : memref<10000x128xf32, #tpu.memory_space<vmem_shared>> -> memref<10000x128xf32, #tpu.memory_space<vmem_shared>>
        tpu.enqueue_indirect_dma source(%arg10 : memref<100x128xf32, #tpu.memory_space<vmem>>) target(%dma_start3A_186 : memref<10000x128xf32, #tpu.memory_space<vmem_shared>>) offsets(%dma_start3A_183 : memref<100xi32, #tpu.memory_space<vmem>>) semaphore(%run_scoped3A_180 : memref<!tpu.dma_semaphore, #tpu.memory_space<semaphore_mem>>) {add = true}
        %dma_wait3A_187 = arith.constant 0 : i32
        %dma_wait3A_188 = tpu.memref_slice %arg8[%run_scoped3A_108, %run_scoped3A_109, %dma_wait3A_187] : memref<4x2x100xi32, #tpu.memory_space<vmem>> -> memref<1x1x100xi32, #tpu.memory_space<vmem>>
        %dma_wait3A_189 = tpu.memref_squeeze %dma_wait3A_188 : memref<1x1x100xi32, #tpu.memory_space<vmem>> -> memref<100xi32, #tpu.memory_space<vmem>>
        %dma_wait3A_190 = arith.constant 0 : i32
        %dma_wait3A_191 = arith.constant 0 : i32
        %dma_wait3A_192 = tpu.memref_slice %arg11[%dma_wait3A_190, %dma_wait3A_191] : memref<10000x128xf32, #tpu.memory_space<vmem_shared>> -> memref<10000x128xf32, #tpu.memory_space<vmem_shared>>
        tpu.wait_indirect_dma semaphore(%run_scoped3A_180 : memref<!tpu.dma_semaphore, #tpu.memory_space<semaphore_mem>>) src(%arg10 : memref<100x128xf32, #tpu.memory_space<vmem>>) dst(%dma_wait3A_192 : memref<10000x128xf32, #tpu.memory_space<vmem_shared>>)
        tpu.yield
      }) : () -> ()
      %add3A_110 = arith.constant 4 : i32
      %add3A_111 = arith.addi %add3A_99, %add3A_110 : i32
      %lt3A_112 = arith.constant 100 : i32
      %lt3A_113 = arith.cmpi slt, %add3A_111, %lt3A_112 : i32
      %convert_element_type3A_114 = arith.extui %lt3A_113 : i1 to i32
      %cond3A_115 = arith.constant 0 : i32
      %cond3A_116 = arith.cmpi ne, %convert_element_type3A_114, %cond3A_115 : i32
      scf.if %cond3A_116 {
        %add3A_180 = arith.addi %mul3A_2, %add3A_99 : i32
        %add3A_181 = arith.constant 4 : i32
        %add3A_182 = arith.addi %add3A_180, %add3A_181 : i32
        %dma_start3A_183 = arith.constant 1 : i32
        %dma_start3A_184 = arith.constant 0 : i32
        %dma_start3A_185 = arith.constant 0 : i32
        %dma_start3A_186 = tpu.memref_slice %arg8[%dma_start3A_183, %dma_start3A_184, %dma_start3A_185] : memref<4x2x100xi32, #tpu.memory_space<vmem>> -> memref<1x2x100xi32, #tpu.memory_space<vmem>>
        %dma_start3A_187 = tpu.memref_squeeze %dma_start3A_186 : memref<1x2x100xi32, #tpu.memory_space<vmem>> -> memref<2x100xi32, #tpu.memory_space<vmem>>
        %dma_start3A_188 = arith.constant 0 : i32
        %dma_start3A_189 = arith.constant 0 : i32
        %dma_start3A_190 = tpu.memref_slice %arg3[%add3A_182, %dma_start3A_188, %dma_start3A_189] : memref<3200x2x100xi32, #tpu.memory_space<hbm>> -> memref<1x2x100xi32, #tpu.memory_space<hbm>>
        %dma_start3A_191 = tpu.memref_squeeze %dma_start3A_190 : memref<1x2x100xi32, #tpu.memory_space<hbm>> -> memref<2x100xi32, #tpu.memory_space<hbm>>
        %dma_start3A_192 = arith.constant 0 : i32
        %dma_start3A_193 = arith.constant 0 : i32
        %dma_start3A_194 = tpu.memref_slice %arg8[%dma_start3A_183, %dma_start3A_192, %dma_start3A_193] : memref<4x2x100xi32, #tpu.memory_space<vmem>> -> memref<1x2x100xi32, #tpu.memory_space<vmem>>
        %dma_start3A_195 = tpu.memref_squeeze %dma_start3A_194 : memref<1x2x100xi32, #tpu.memory_space<vmem>> -> memref<2x100xi32, #tpu.memory_space<vmem>>
        %dma_start3A_196 = arith.constant 0 : i32
        %dma_start3A_197 = arith.constant 0 : i32
        %dma_start3A_198 = tpu.memref_slice %arg3[%add3A_182, %dma_start3A_196, %dma_start3A_197] : memref<3200x2x100xi32, #tpu.memory_space<hbm>> -> memref<1x2x100xi32, #tpu.memory_space<hbm>>
        %dma_start3A_199 = tpu.memref_squeeze %dma_start3A_198 : memref<1x2x100xi32, #tpu.memory_space<hbm>> -> memref<2x100xi32, #tpu.memory_space<hbm>>
        tpu.enqueue_dma source(%dma_start3A_199 : memref<2x100xi32, #tpu.memory_space<hbm>>) target(%dma_start3A_195 : memref<2x100xi32, #tpu.memory_space<vmem>>) target_semaphore(%arg15 : memref<!tpu.dma_semaphore, #tpu.memory_space<semaphore_mem>>)
      } else {
      }
      %add3A_117 = arith.constant 2 : i32
      %add3A_118 = arith.addi %add3A_99, %add3A_117 : i32
      %lt3A_119 = arith.constant 100 : i32
      %lt3A_120 = arith.cmpi slt, %add3A_118, %lt3A_119 : i32
      %convert_element_type3A_121 = arith.extui %lt3A_120 : i1 to i32
      %cond3A_122 = arith.constant 0 : i32
      %cond3A_123 = arith.cmpi ne, %convert_element_type3A_121, %cond3A_122 : i32
      scf.if %cond3A_123 {
        %add3A_180 = arith.addi %mul3A_2, %add3A_99 : i32
        %add3A_181 = arith.constant 2 : i32
        %add3A_182 = arith.addi %add3A_180, %add3A_181 : i32
        %dma_wait3A_183 = arith.constant 3 : i32
        %dma_wait3A_184 = arith.constant 0 : i32
        %dma_wait3A_185 = arith.constant 0 : i32
        %dma_wait3A_186 = tpu.memref_slice %arg8[%dma_wait3A_183, %dma_wait3A_184, %dma_wait3A_185] : memref<4x2x100xi32, #tpu.memory_space<vmem>> -> memref<1x2x100xi32, #tpu.memory_space<vmem>>
        %dma_wait3A_187 = tpu.memref_squeeze %dma_wait3A_186 : memref<1x2x100xi32, #tpu.memory_space<vmem>> -> memref<2x100xi32, #tpu.memory_space<vmem>>
        %dma_wait3A_188 = arith.constant 0 : i32
        %dma_wait3A_189 = arith.constant 0 : i32
        %dma_wait3A_190 = tpu.memref_slice %arg3[%add3A_182, %dma_wait3A_188, %dma_wait3A_189] : memref<3200x2x100xi32, #tpu.memory_space<hbm>> -> memref<1x2x100xi32, #tpu.memory_space<hbm>>
        %dma_wait3A_191 = tpu.memref_squeeze %dma_wait3A_190 : memref<1x2x100xi32, #tpu.memory_space<hbm>> -> memref<2x100xi32, #tpu.memory_space<hbm>>
        %dma_wait3A_192 = arith.constant 0 : i32
        %dma_wait3A_193 = arith.constant 0 : i32
        %dma_wait3A_194 = tpu.memref_slice %arg8[%dma_wait3A_183, %dma_wait3A_192, %dma_wait3A_193] : memref<4x2x100xi32, #tpu.memory_space<vmem>> -> memref<1x2x100xi32, #tpu.memory_space<vmem>>
        %dma_wait3A_195 = tpu.memref_squeeze %dma_wait3A_194 : memref<1x2x100xi32, #tpu.memory_space<vmem>> -> memref<2x100xi32, #tpu.memory_space<vmem>>
        %dma_wait3A_196 = arith.constant 0 : i32
        %dma_wait3A_197 = arith.constant 0 : i32
        %dma_wait3A_198 = tpu.memref_slice %arg3[%add3A_182, %dma_wait3A_196, %dma_wait3A_197] : memref<3200x2x100xi32, #tpu.memory_space<hbm>> -> memref<1x2x100xi32, #tpu.memory_space<hbm>>
        %dma_wait3A_199 = tpu.memref_squeeze %dma_wait3A_198 : memref<1x2x100xi32, #tpu.memory_space<hbm>> -> memref<2x100xi32, #tpu.memory_space<hbm>>
        tpu.wait_dma2 semaphore(%arg17 : memref<!tpu.dma_semaphore, #tpu.memory_space<semaphore_mem>>) src(%dma_wait3A_199 : memref<2x100xi32, #tpu.memory_space<hbm>>) dst(%dma_wait3A_195 : memref<2x100xi32, #tpu.memory_space<vmem>>)
        %dma_start3A_200 = arith.constant 3 : i32
        %dma_start3A_201 = arith.constant 0 : i32
        %dma_start3A_202 = arith.constant 0 : i32
        %dma_start3A_203 = tpu.memref_slice %arg8[%dma_start3A_200, %dma_start3A_201, %dma_start3A_202] : memref<4x2x100xi32, #tpu.memory_space<vmem>> -> memref<1x1x100xi32, #tpu.memory_space<vmem>>
        %dma_start3A_204 = tpu.memref_squeeze %dma_start3A_203 : memref<1x1x100xi32, #tpu.memory_space<vmem>> -> memref<100xi32, #tpu.memory_space<vmem>>
        %dma_start3A_205 = arith.constant 0 : i32
        %dma_start3A_206 = arith.constant 0 : i32
        %dma_start3A_207 = tpu.memref_slice %arg2[%dma_start3A_205, %dma_start3A_206] : memref<2000x128xf32, #tpu.memory_space<hbm>> -> memref<2000x128xf32, #tpu.memory_space<hbm>>
        tpu.enqueue_indirect_dma source(%dma_start3A_207 : memref<2000x128xf32, #tpu.memory_space<hbm>>) target(%arg10 : memref<100x128xf32, #tpu.memory_space<vmem>>) offsets(%dma_start3A_204 : memref<100xi32, #tpu.memory_space<vmem>>) semaphore(%arg13 : memref<!tpu.dma_semaphore, #tpu.memory_space<semaphore_mem>>)
      } else {
      }
      %mul3A_124 = arith.constant 4 : i32
      %mul3A_125 = arith.muli %mul3A_124, %scan3A_71 : i32
      %add3A_126 = arith.constant 2 : i32
      %add3A_127 = arith.addi %mul3A_125, %add3A_126 : i32
      %dma_wait3A_128 = arith.constant 2 : i32
      %dma_wait3A_129 = arith.constant 0 : i32
      %dma_wait3A_130 = arith.constant 0 : i32
      %dma_wait3A_131 = tpu.memref_slice %arg8[%dma_wait3A_128, %dma_wait3A_129, %dma_wait3A_130] : memref<4x2x100xi32, #tpu.memory_space<vmem>> -> memref<1x1x100xi32, #tpu.memory_space<vmem>>
      %dma_wait3A_132 = tpu.memref_squeeze %dma_wait3A_131 : memref<1x1x100xi32, #tpu.memory_space<vmem>> -> memref<100xi32, #tpu.memory_space<vmem>>
      %dma_wait3A_133 = arith.constant 0 : i32
      %dma_wait3A_134 = arith.constant 0 : i32
      %dma_wait3A_135 = tpu.memref_slice %arg2[%dma_wait3A_133, %dma_wait3A_134] : memref<2000x128xf32, #tpu.memory_space<hbm>> -> memref<2000x128xf32, #tpu.memory_space<hbm>>
      tpu.wait_indirect_dma semaphore(%arg12 : memref<!tpu.dma_semaphore, #tpu.memory_space<semaphore_mem>>) src(%dma_wait3A_135 : memref<2000x128xf32, #tpu.memory_space<hbm>>) dst(%arg9 : memref<100x128xf32, #tpu.memory_space<vmem>>)
      %run_scoped3A_136 = arith.constant 2 : i32
      %run_scoped3A_137 = arith.constant 1 : i32
      "tpu.region"() ({
        %run_scoped3A_180 = tpu.sem_alloc : memref<!tpu.dma_semaphore, #tpu.memory_space<semaphore_mem>>
        %dma_start3A_181 = arith.constant 0 : i32
        %dma_start3A_182 = tpu.memref_slice %arg8[%run_scoped3A_136, %run_scoped3A_137, %dma_start3A_181] : memref<4x2x100xi32, #tpu.memory_space<vmem>> -> memref<1x1x100xi32, #tpu.memory_space<vmem>>
        %dma_start3A_183 = tpu.memref_squeeze %dma_start3A_182 : memref<1x1x100xi32, #tpu.memory_space<vmem>> -> memref<100xi32, #tpu.memory_space<vmem>>
        %dma_start3A_184 = arith.constant 0 : i32
        %dma_start3A_185 = arith.constant 0 : i32
        %dma_start3A_186 = tpu.memref_slice %arg11[%dma_start3A_184, %dma_start3A_185] : memref<10000x128xf32, #tpu.memory_space<vmem_shared>> -> memref<10000x128xf32, #tpu.memory_space<vmem_shared>>
        tpu.enqueue_indirect_dma source(%arg9 : memref<100x128xf32, #tpu.memory_space<vmem>>) target(%dma_start3A_186 : memref<10000x128xf32, #tpu.memory_space<vmem_shared>>) offsets(%dma_start3A_183 : memref<100xi32, #tpu.memory_space<vmem>>) semaphore(%run_scoped3A_180 : memref<!tpu.dma_semaphore, #tpu.memory_space<semaphore_mem>>) {add = true}
        %dma_wait3A_187 = arith.constant 0 : i32
        %dma_wait3A_188 = tpu.memref_slice %arg8[%run_scoped3A_136, %run_scoped3A_137, %dma_wait3A_187] : memref<4x2x100xi32, #tpu.memory_space<vmem>> -> memref<1x1x100xi32, #tpu.memory_space<vmem>>
        %dma_wait3A_189 = tpu.memref_squeeze %dma_wait3A_188 : memref<1x1x100xi32, #tpu.memory_space<vmem>> -> memref<100xi32, #tpu.memory_space<vmem>>
        %dma_wait3A_190 = arith.constant 0 : i32
        %dma_wait3A_191 = arith.constant 0 : i32
        %dma_wait3A_192 = tpu.memref_slice %arg11[%dma_wait3A_190, %dma_wait3A_191] : memref<10000x128xf32, #tpu.memory_space<vmem_shared>> -> memref<10000x128xf32, #tpu.memory_space<vmem_shared>>
        tpu.wait_indirect_dma semaphore(%run_scoped3A_180 : memref<!tpu.dma_semaphore, #tpu.memory_space<semaphore_mem>>) src(%arg9 : memref<100x128xf32, #tpu.memory_space<vmem>>) dst(%dma_wait3A_192 : memref<10000x128xf32, #tpu.memory_space<vmem_shared>>)
        tpu.yield
      }) : () -> ()
      %add3A_138 = arith.constant 4 : i32
      %add3A_139 = arith.addi %add3A_127, %add3A_138 : i32
      %lt3A_140 = arith.constant 100 : i32
      %lt3A_141 = arith.cmpi slt, %add3A_139, %lt3A_140 : i32
      %convert_element_type3A_142 = arith.extui %lt3A_141 : i1 to i32
      %cond3A_143 = arith.constant 0 : i32
      %cond3A_144 = arith.cmpi ne, %convert_element_type3A_142, %cond3A_143 : i32
      scf.if %cond3A_144 {
        %add3A_180 = arith.addi %mul3A_2, %add3A_127 : i32
        %add3A_181 = arith.constant 4 : i32
        %add3A_182 = arith.addi %add3A_180, %add3A_181 : i32
        %dma_start3A_183 = arith.constant 2 : i32
        %dma_start3A_184 = arith.constant 0 : i32
        %dma_start3A_185 = arith.constant 0 : i32
        %dma_start3A_186 = tpu.memref_slice %arg8[%dma_start3A_183, %dma_start3A_184, %dma_start3A_185] : memref<4x2x100xi32, #tpu.memory_space<vmem>> -> memref<1x2x100xi32, #tpu.memory_space<vmem>>
        %dma_start3A_187 = tpu.memref_squeeze %dma_start3A_186 : memref<1x2x100xi32, #tpu.memory_space<vmem>> -> memref<2x100xi32, #tpu.memory_space<vmem>>
        %dma_start3A_188 = arith.constant 0 : i32
        %dma_start3A_189 = arith.constant 0 : i32
        %dma_start3A_190 = tpu.memref_slice %arg3[%add3A_182, %dma_start3A_188, %dma_start3A_189] : memref<3200x2x100xi32, #tpu.memory_space<hbm>> -> memref<1x2x100xi32, #tpu.memory_space<hbm>>
        %dma_start3A_191 = tpu.memref_squeeze %dma_start3A_190 : memref<1x2x100xi32, #tpu.memory_space<hbm>> -> memref<2x100xi32, #tpu.memory_space<hbm>>
        %dma_start3A_192 = arith.constant 0 : i32
        %dma_start3A_193 = arith.constant 0 : i32
        %dma_start3A_194 = tpu.memref_slice %arg8[%dma_start3A_183, %dma_start3A_192, %dma_start3A_193] : memref<4x2x100xi32, #tpu.memory_space<vmem>> -> memref<1x2x100xi32, #tpu.memory_space<vmem>>
        %dma_start3A_195 = tpu.memref_squeeze %dma_start3A_194 : memref<1x2x100xi32, #tpu.memory_space<vmem>> -> memref<2x100xi32, #tpu.memory_space<vmem>>
        %dma_start3A_196 = arith.constant 0 : i32
        %dma_start3A_197 = arith.constant 0 : i32
        %dma_start3A_198 = tpu.memref_slice %arg3[%add3A_182, %dma_start3A_196, %dma_start3A_197] : memref<3200x2x100xi32, #tpu.memory_space<hbm>> -> memref<1x2x100xi32, #tpu.memory_space<hbm>>
        %dma_start3A_199 = tpu.memref_squeeze %dma_start3A_198 : memref<1x2x100xi32, #tpu.memory_space<hbm>> -> memref<2x100xi32, #tpu.memory_space<hbm>>
        tpu.enqueue_dma source(%dma_start3A_199 : memref<2x100xi32, #tpu.memory_space<hbm>>) target(%dma_start3A_195 : memref<2x100xi32, #tpu.memory_space<vmem>>) target_semaphore(%arg16 : memref<!tpu.dma_semaphore, #tpu.memory_space<semaphore_mem>>)
      } else {
      }
      %add3A_145 = arith.constant 2 : i32
      %add3A_146 = arith.addi %add3A_127, %add3A_145 : i32
      %lt3A_147 = arith.constant 100 : i32
      %lt3A_148 = arith.cmpi slt, %add3A_146, %lt3A_147 : i32
      %convert_element_type3A_149 = arith.extui %lt3A_148 : i1 to i32
      %cond3A_150 = arith.constant 0 : i32
      %cond3A_151 = arith.cmpi ne, %convert_element_type3A_149, %cond3A_150 : i32
      scf.if %cond3A_151 {
        %add3A_180 = arith.addi %mul3A_2, %add3A_127 : i32
        %add3A_181 = arith.constant 2 : i32
        %add3A_182 = arith.addi %add3A_180, %add3A_181 : i32
        %dma_wait3A_183 = arith.constant 0 : i32
        %dma_wait3A_184 = arith.constant 0 : i32
        %dma_wait3A_185 = arith.constant 0 : i32
        %dma_wait3A_186 = tpu.memref_slice %arg8[%dma_wait3A_183, %dma_wait3A_184, %dma_wait3A_185] : memref<4x2x100xi32, #tpu.memory_space<vmem>> -> memref<1x2x100xi32, #tpu.memory_space<vmem>>
        %dma_wait3A_187 = tpu.memref_squeeze %dma_wait3A_186 : memref<1x2x100xi32, #tpu.memory_space<vmem>> -> memref<2x100xi32, #tpu.memory_space<vmem>>
        %dma_wait3A_188 = arith.constant 0 : i32
        %dma_wait3A_189 = arith.constant 0 : i32
        %dma_wait3A_190 = tpu.memref_slice %arg3[%add3A_182, %dma_wait3A_188, %dma_wait3A_189] : memref<3200x2x100xi32, #tpu.memory_space<hbm>> -> memref<1x2x100xi32, #tpu.memory_space<hbm>>
        %dma_wait3A_191 = tpu.memref_squeeze %dma_wait3A_190 : memref<1x2x100xi32, #tpu.memory_space<hbm>> -> memref<2x100xi32, #tpu.memory_space<hbm>>
        %dma_wait3A_192 = arith.constant 0 : i32
        %dma_wait3A_193 = arith.constant 0 : i32
        %dma_wait3A_194 = tpu.memref_slice %arg8[%dma_wait3A_183, %dma_wait3A_192, %dma_wait3A_193] : memref<4x2x100xi32, #tpu.memory_space<vmem>> -> memref<1x2x100xi32, #tpu.memory_space<vmem>>
        %dma_wait3A_195 = tpu.memref_squeeze %dma_wait3A_194 : memref<1x2x100xi32, #tpu.memory_space<vmem>> -> memref<2x100xi32, #tpu.memory_space<vmem>>
        %dma_wait3A_196 = arith.constant 0 : i32
        %dma_wait3A_197 = arith.constant 0 : i32
        %dma_wait3A_198 = tpu.memref_slice %arg3[%add3A_182, %dma_wait3A_196, %dma_wait3A_197] : memref<3200x2x100xi32, #tpu.memory_space<hbm>> -> memref<1x2x100xi32, #tpu.memory_space<hbm>>
        %dma_wait3A_199 = tpu.memref_squeeze %dma_wait3A_198 : memref<1x2x100xi32, #tpu.memory_space<hbm>> -> memref<2x100xi32, #tpu.memory_space<hbm>>
        tpu.wait_dma2 semaphore(%arg14 : memref<!tpu.dma_semaphore, #tpu.memory_space<semaphore_mem>>) src(%dma_wait3A_199 : memref<2x100xi32, #tpu.memory_space<hbm>>) dst(%dma_wait3A_195 : memref<2x100xi32, #tpu.memory_space<vmem>>)
        %dma_start3A_200 = arith.constant 0 : i32
        %dma_start3A_201 = arith.constant 0 : i32
        %dma_start3A_202 = arith.constant 0 : i32
        %dma_start3A_203 = tpu.memref_slice %arg8[%dma_start3A_200, %dma_start3A_201, %dma_start3A_202] : memref<4x2x100xi32, #tpu.memory_space<vmem>> -> memref<1x1x100xi32, #tpu.memory_space<vmem>>
        %dma_start3A_204 = tpu.memref_squeeze %dma_start3A_203 : memref<1x1x100xi32, #tpu.memory_space<vmem>> -> memref<100xi32, #tpu.memory_space<vmem>>
        %dma_start3A_205 = arith.constant 0 : i32
        %dma_start3A_206 = arith.constant 0 : i32
        %dma_start3A_207 = tpu.memref_slice %arg2[%dma_start3A_205, %dma_start3A_206] : memref<2000x128xf32, #tpu.memory_space<hbm>> -> memref<2000x128xf32, #tpu.memory_space<hbm>>
        tpu.enqueue_indirect_dma source(%dma_start3A_207 : memref<2000x128xf32, #tpu.memory_space<hbm>>) target(%arg9 : memref<100x128xf32, #tpu.memory_space<vmem>>) offsets(%dma_start3A_204 : memref<100xi32, #tpu.memory_space<vmem>>) semaphore(%arg12 : memref<!tpu.dma_semaphore, #tpu.memory_space<semaphore_mem>>)
      } else {
      }
      %mul3A_152 = arith.constant 4 : i32
      %mul3A_153 = arith.muli %mul3A_152, %scan3A_71 : i32
      %add3A_154 = arith.constant 3 : i32
      %add3A_155 = arith.addi %mul3A_153, %add3A_154 : i32
      %dma_wait3A_156 = arith.constant 3 : i32
      %dma_wait3A_157 = arith.constant 0 : i32
      %dma_wait3A_158 = arith.constant 0 : i32
      %dma_wait3A_159 = tpu.memref_slice %arg8[%dma_wait3A_156, %dma_wait3A_157, %dma_wait3A_158] : memref<4x2x100xi32, #tpu.memory_space<vmem>> -> memref<1x1x100xi32, #tpu.memory_space<vmem>>
      %dma_wait3A_160 = tpu.memref_squeeze %dma_wait3A_159 : memref<1x1x100xi32, #tpu.memory_space<vmem>> -> memref<100xi32, #tpu.memory_space<vmem>>
      %dma_wait3A_161 = arith.constant 0 : i32
      %dma_wait3A_162 = arith.constant 0 : i32
      %dma_wait3A_163 = tpu.memref_slice %arg2[%dma_wait3A_161, %dma_wait3A_162] : memref<2000x128xf32, #tpu.memory_space<hbm>> -> memref<2000x128xf32, #tpu.memory_space<hbm>>
      tpu.wait_indirect_dma semaphore(%arg13 : memref<!tpu.dma_semaphore, #tpu.memory_space<semaphore_mem>>) src(%dma_wait3A_163 : memref<2000x128xf32, #tpu.memory_space<hbm>>) dst(%arg10 : memref<100x128xf32, #tpu.memory_space<vmem>>)
      %run_scoped3A_164 = arith.constant 3 : i32
      %run_scoped3A_165 = arith.constant 1 : i32
      "tpu.region"() ({
        %run_scoped3A_180 = tpu.sem_alloc : memref<!tpu.dma_semaphore, #tpu.memory_space<semaphore_mem>>
        %dma_start3A_181 = arith.constant 0 : i32
        %dma_start3A_182 = tpu.memref_slice %arg8[%run_scoped3A_164, %run_scoped3A_165, %dma_start3A_181] : memref<4x2x100xi32, #tpu.memory_space<vmem>> -> memref<1x1x100xi32, #tpu.memory_space<vmem>>
        %dma_start3A_183 = tpu.memref_squeeze %dma_start3A_182 : memref<1x1x100xi32, #tpu.memory_space<vmem>> -> memref<100xi32, #tpu.memory_space<vmem>>
        %dma_start3A_184 = arith.constant 0 : i32
        %dma_start3A_185 = arith.constant 0 : i32
        %dma_start3A_186 = tpu.memref_slice %arg11[%dma_start3A_184, %dma_start3A_185] : memref<10000x128xf32, #tpu.memory_space<vmem_shared>> -> memref<10000x128xf32, #tpu.memory_space<vmem_shared>>
        tpu.enqueue_indirect_dma source(%arg10 : memref<100x128xf32, #tpu.memory_space<vmem>>) target(%dma_start3A_186 : memref<10000x128xf32, #tpu.memory_space<vmem_shared>>) offsets(%dma_start3A_183 : memref<100xi32, #tpu.memory_space<vmem>>) semaphore(%run_scoped3A_180 : memref<!tpu.dma_semaphore, #tpu.memory_space<semaphore_mem>>) {add = true}
        %dma_wait3A_187 = arith.constant 0 : i32
        %dma_wait3A_188 = tpu.memref_slice %arg8[%run_scoped3A_164, %run_scoped3A_165, %dma_wait3A_187] : memref<4x2x100xi32, #tpu.memory_space<vmem>> -> memref<1x1x100xi32, #tpu.memory_space<vmem>>
        %dma_wait3A_189 = tpu.memref_squeeze %dma_wait3A_188 : memref<1x1x100xi32, #tpu.memory_space<vmem>> -> memref<100xi32, #tpu.memory_space<vmem>>
        %dma_wait3A_190 = arith.constant 0 : i32
        %dma_wait3A_191 = arith.constant 0 : i32
        %dma_wait3A_192 = tpu.memref_slice %arg11[%dma_wait3A_190, %dma_wait3A_191] : memref<10000x128xf32, #tpu.memory_space<vmem_shared>> -> memref<10000x128xf32, #tpu.memory_space<vmem_shared>>
        tpu.wait_indirect_dma semaphore(%run_scoped3A_180 : memref<!tpu.dma_semaphore, #tpu.memory_space<semaphore_mem>>) src(%arg10 : memref<100x128xf32, #tpu.memory_space<vmem>>) dst(%dma_wait3A_192 : memref<10000x128xf32, #tpu.memory_space<vmem_shared>>)
        tpu.yield
      }) : () -> ()
      %add3A_166 = arith.constant 4 : i32
      %add3A_167 = arith.addi %add3A_155, %add3A_166 : i32
      %lt3A_168 = arith.constant 100 : i32
      %lt3A_169 = arith.cmpi slt, %add3A_167, %lt3A_168 : i32
      %convert_element_type3A_170 = arith.extui %lt3A_169 : i1 to i32
      %cond3A_171 = arith.constant 0 : i32
      %cond3A_172 = arith.cmpi ne, %convert_element_type3A_170, %cond3A_171 : i32
      scf.if %cond3A_172 {
        %add3A_180 = arith.addi %mul3A_2, %add3A_155 : i32
        %add3A_181 = arith.constant 4 : i32
        %add3A_182 = arith.addi %add3A_180, %add3A_181 : i32
        %dma_start3A_183 = arith.constant 3 : i32
        %dma_start3A_184 = arith.constant 0 : i32
        %dma_start3A_185 = arith.constant 0 : i32
        %dma_start3A_186 = tpu.memref_slice %arg8[%dma_start3A_183, %dma_start3A_184, %dma_start3A_185] : memref<4x2x100xi32, #tpu.memory_space<vmem>> -> memref<1x2x100xi32, #tpu.memory_space<vmem>>
        %dma_start3A_187 = tpu.memref_squeeze %dma_start3A_186 : memref<1x2x100xi32, #tpu.memory_space<vmem>> -> memref<2x100xi32, #tpu.memory_space<vmem>>
        %dma_start3A_188 = arith.constant 0 : i32
        %dma_start3A_189 = arith.constant 0 : i32
        %dma_start3A_190 = tpu.memref_slice %arg3[%add3A_182, %dma_start3A_188, %dma_start3A_189] : memref<3200x2x100xi32, #tpu.memory_space<hbm>> -> memref<1x2x100xi32, #tpu.memory_space<hbm>>
        %dma_start3A_191 = tpu.memref_squeeze %dma_start3A_190 : memref<1x2x100xi32, #tpu.memory_space<hbm>> -> memref<2x100xi32, #tpu.memory_space<hbm>>
        %dma_start3A_192 = arith.constant 0 : i32
        %dma_start3A_193 = arith.constant 0 : i32
        %dma_start3A_194 = tpu.memref_slice %arg8[%dma_start3A_183, %dma_start3A_192, %dma_start3A_193] : memref<4x2x100xi32, #tpu.memory_space<vmem>> -> memref<1x2x100xi32, #tpu.memory_space<vmem>>
        %dma_start3A_195 = tpu.memref_squeeze %dma_start3A_194 : memref<1x2x100xi32, #tpu.memory_space<vmem>> -> memref<2x100xi32, #tpu.memory_space<vmem>>
        %dma_start3A_196 = arith.constant 0 : i32
        %dma_start3A_197 = arith.constant 0 : i32
        %dma_start3A_198 = tpu.memref_slice %arg3[%add3A_182, %dma_start3A_196, %dma_start3A_197] : memref<3200x2x100xi32, #tpu.memory_space<hbm>> -> memref<1x2x100xi32, #tpu.memory_space<hbm>>
        %dma_start3A_199 = tpu.memref_squeeze %dma_start3A_198 : memref<1x2x100xi32, #tpu.memory_space<hbm>> -> memref<2x100xi32, #tpu.memory_space<hbm>>
        tpu.enqueue_dma source(%dma_start3A_199 : memref<2x100xi32, #tpu.memory_space<hbm>>) target(%dma_start3A_195 : memref<2x100xi32, #tpu.memory_space<vmem>>) target_semaphore(%arg17 : memref<!tpu.dma_semaphore, #tpu.memory_space<semaphore_mem>>)
      } else {
      }
      %add3A_173 = arith.constant 2 : i32
      %add3A_174 = arith.addi %add3A_155, %add3A_173 : i32
      %lt3A_175 = arith.constant 100 : i32
      %lt3A_176 = arith.cmpi slt, %add3A_174, %lt3A_175 : i32
      %convert_element_type3A_177 = arith.extui %lt3A_176 : i1 to i32
      %cond3A_178 = arith.constant 0 : i32
      %cond3A_179 = arith.cmpi ne, %convert_element_type3A_177, %cond3A_178 : i32
      scf.if %cond3A_179 {
        %add3A_180 = arith.addi %mul3A_2, %add3A_155 : i32
        %add3A_181 = arith.constant 2 : i32
        %add3A_182 = arith.addi %add3A_180, %add3A_181 : i32
        %dma_wait3A_183 = arith.constant 1 : i32
        %dma_wait3A_184 = arith.constant 0 : i32
        %dma_wait3A_185 = arith.constant 0 : i32
        %dma_wait3A_186 = tpu.memref_slice %arg8[%dma_wait3A_183, %dma_wait3A_184, %dma_wait3A_185] : memref<4x2x100xi32, #tpu.memory_space<vmem>> -> memref<1x2x100xi32, #tpu.memory_space<vmem>>
        %dma_wait3A_187 = tpu.memref_squeeze %dma_wait3A_186 : memref<1x2x100xi32, #tpu.memory_space<vmem>> -> memref<2x100xi32, #tpu.memory_space<vmem>>
        %dma_wait3A_188 = arith.constant 0 : i32
        %dma_wait3A_189 = arith.constant 0 : i32
        %dma_wait3A_190 = tpu.memref_slice %arg3[%add3A_182, %dma_wait3A_188, %dma_wait3A_189] : memref<3200x2x100xi32, #tpu.memory_space<hbm>> -> memref<1x2x100xi32, #tpu.memory_space<hbm>>
        %dma_wait3A_191 = tpu.memref_squeeze %dma_wait3A_190 : memref<1x2x100xi32, #tpu.memory_space<hbm>> -> memref<2x100xi32, #tpu.memory_space<hbm>>
        %dma_wait3A_192 = arith.constant 0 : i32
        %dma_wait3A_193 = arith.constant 0 : i32
        %dma_wait3A_194 = tpu.memref_slice %arg8[%dma_wait3A_183, %dma_wait3A_192, %dma_wait3A_193] : memref<4x2x100xi32, #tpu.memory_space<vmem>> -> memref<1x2x100xi32, #tpu.memory_space<vmem>>
        %dma_wait3A_195 = tpu.memref_squeeze %dma_wait3A_194 : memref<1x2x100xi32, #tpu.memory_space<vmem>> -> memref<2x100xi32, #tpu.memory_space<vmem>>
        %dma_wait3A_196 = arith.constant 0 : i32
        %dma_wait3A_197 = arith.constant 0 : i32
        %dma_wait3A_198 = tpu.memref_slice %arg3[%add3A_182, %dma_wait3A_196, %dma_wait3A_197] : memref<3200x2x100xi32, #tpu.memory_space<hbm>> -> memref<1x2x100xi32, #tpu.memory_space<hbm>>
        %dma_wait3A_199 = tpu.memref_squeeze %dma_wait3A_198 : memref<1x2x100xi32, #tpu.memory_space<hbm>> -> memref<2x100xi32, #tpu.memory_space<hbm>>
        tpu.wait_dma2 semaphore(%arg15 : memref<!tpu.dma_semaphore, #tpu.memory_space<semaphore_mem>>) src(%dma_wait3A_199 : memref<2x100xi32, #tpu.memory_space<hbm>>) dst(%dma_wait3A_195 : memref<2x100xi32, #tpu.memory_space<vmem>>)
        %dma_start3A_200 = arith.constant 1 : i32
        %dma_start3A_201 = arith.constant 0 : i32
        %dma_start3A_202 = arith.constant 0 : i32
        %dma_start3A_203 = tpu.memref_slice %arg8[%dma_start3A_200, %dma_start3A_201, %dma_start3A_202] : memref<4x2x100xi32, #tpu.memory_space<vmem>> -> memref<1x1x100xi32, #tpu.memory_space<vmem>>
        %dma_start3A_204 = tpu.memref_squeeze %dma_start3A_203 : memref<1x1x100xi32, #tpu.memory_space<vmem>> -> memref<100xi32, #tpu.memory_space<vmem>>
        %dma_start3A_205 = arith.constant 0 : i32
        %dma_start3A_206 = arith.constant 0 : i32
        %dma_start3A_207 = tpu.memref_slice %arg2[%dma_start3A_205, %dma_start3A_206] : memref<2000x128xf32, #tpu.memory_space<hbm>> -> memref<2000x128xf32, #tpu.memory_space<hbm>>
        tpu.enqueue_indirect_dma source(%dma_start3A_207 : memref<2000x128xf32, #tpu.memory_space<hbm>>) target(%arg10 : memref<100x128xf32, #tpu.memory_space<vmem>>) offsets(%dma_start3A_204 : memref<100xi32, #tpu.memory_space<vmem>>) semaphore(%arg13 : memref<!tpu.dma_semaphore, #tpu.memory_space<semaphore_mem>>)
      } else {
      }
    }
    %scan3A_65 = arith.constant 25 : i32
    %barrier3A_66 = arith.constant 0 : index
    tpu.barrier barrier_id(%barrier3A_66)
    %mul3A_67 = arith.constant 625 : i32
    %mul3A_68 = arith.muli %arg1, %mul3A_67 : i32
    %mul3A_69 = arith.constant 625 : i32
    %mul3A_70 = arith.muli %arg1, %mul3A_69 : i32
    "tpu.region"() ({
      %run_scoped3A_71 = tpu.sem_alloc : memref<!tpu.dma_semaphore, #tpu.memory_space<semaphore_mem>>
      %dma_start3A_72 = arith.constant 0 : i32
      %dma_start3A_73 = tpu.memref_slice %arg7[%arg0, %mul3A_70, %dma_start3A_72] : memref<2x10000x128xf32, #tpu.memory_space<hbm>> -> memref<1x625x128xf32, #tpu.memory_space<hbm>>
      %dma_start3A_74 = tpu.memref_squeeze %dma_start3A_73 : memref<1x625x128xf32, #tpu.memory_space<hbm>> -> memref<625x128xf32, #tpu.memory_space<hbm>>
      %dma_start3A_75 = arith.constant 0 : i32
      %dma_start3A_76 = tpu.memref_slice %arg11[%mul3A_68, %dma_start3A_75] : memref<10000x128xf32, #tpu.memory_space<vmem_shared>> -> memref<625x128xf32, #tpu.memory_space<vmem_shared>>
      tpu.enqueue_dma source(%dma_start3A_76 : memref<625x128xf32, #tpu.memory_space<vmem_shared>>) target(%dma_start3A_74 : memref<625x128xf32, #tpu.memory_space<hbm>>) target_semaphore(%run_scoped3A_71 : memref<!tpu.dma_semaphore, #tpu.memory_space<semaphore_mem>>)
      %dma_wait3A = arith.constant 0 : i32
      %dma_wait3A_77 = tpu.memref_slice %arg7[%arg0, %mul3A_70, %dma_wait3A] : memref<2x10000x128xf32, #tpu.memory_space<hbm>> -> memref<1x625x128xf32, #tpu.memory_space<hbm>>
      %dma_wait3A_78 = tpu.memref_squeeze %dma_wait3A_77 : memref<1x625x128xf32, #tpu.memory_space<hbm>> -> memref<625x128xf32, #tpu.memory_space<hbm>>
      %dma_wait3A_79 = arith.constant 0 : i32
      %dma_wait3A_80 = tpu.memref_slice %arg11[%mul3A_68, %dma_wait3A_79] : memref<10000x128xf32, #tpu.memory_space<vmem_shared>> -> memref<625x128xf32, #tpu.memory_space<vmem_shared>>
      tpu.wait_dma2 semaphore(%run_scoped3A_71 : memref<!tpu.dma_semaphore, #tpu.memory_space<semaphore_mem>>) src(%dma_wait3A_80 : memref<625x128xf32, #tpu.memory_space<vmem_shared>>) dst(%dma_wait3A_78 : memref<625x128xf32, #tpu.memory_space<hbm>>)
      tpu.yield
    }) : () -> ()
    return
  }
}

module attributes {stable_mosaic.version = 14 : i64} {
  func.func @_mlp_body(%arg0: i32, %arg1: memref<1000x128xf32, #tpu.memory_space<vmem>>, %arg2: memref<128x64xf32, #tpu.memory_space<vmem>>, %arg3: memref<1x64xf32, #tpu.memory_space<vmem>>, %arg4: memref<64x128xf32, #tpu.memory_space<vmem>>, %arg5: memref<1x128xf32, #tpu.memory_space<vmem>>, %arg6: memref<1000x128xf32, #tpu.memory_space<vmem>>) attributes {dimension_semantics = [#tpu.dimension_semantics<arbitrary>], iteration_bounds = array<i64: 10>, scalar_prefetch = 0 : i64, scratch_operands = 0 : i64, tpu.core_type = #tpu.core_type<tc>, window_params = [{transform_indices = @transform_0, window_bounds = array<i64: 1000, 128>}, {pipeline_mode = #tpu.pipeline_mode<synchronous>, transform_indices = @transform_1, window_bounds = array<i64: 128, 64>}, {pipeline_mode = #tpu.pipeline_mode<synchronous>, transform_indices = @transform_2, window_bounds = array<i64: 1, 64>}, {pipeline_mode = #tpu.pipeline_mode<synchronous>, transform_indices = @transform_3, window_bounds = array<i64: 64, 128>}, {pipeline_mode = #tpu.pipeline_mode<synchronous>, transform_indices = @transform_4, window_bounds = array<i64: 1, 128>}, {transform_indices = @transform_5, window_bounds = array<i64: 1000, 128>}]} {
    %get3A = arith.constant 0 : index
    %get3A_0 = arith.constant 0 : index
    %get3A_1 = vector.load %arg1[%get3A, %get3A_0] : memref<1000x128xf32, #tpu.memory_space<vmem>>, vector<1000x128xf32>
    %get3A_2 = arith.constant 0 : index
    %get3A_3 = arith.constant 0 : index
    %get3A_4 = vector.load %arg2[%get3A_2, %get3A_3] : memref<128x64xf32, #tpu.memory_space<vmem>>, vector<128x64xf32>
    %dot_general3A = arith.constant dense<0.000000e+00> : vector<1000x64xf32>
    %dot_general3A_5 = tpu.matmul %get3A_1, %get3A_4, %dot_general3A {dimension_numbers = #tpu.dot_dimension_numbers<[1], [0], [0], [1], [0, 0, 1, 1], [], []>, transpose_lhs_hint = false} : vector<1000x128xf32>, vector<128x64xf32>, vector<1000x64xf32> -> vector<1000x64xf32>
    %get3A_6 = arith.constant 0 : index
    %get3A_7 = arith.constant 0 : index
    %get3A_8 = vector.load %arg3[%get3A_6, %get3A_7] : memref<1x64xf32, #tpu.memory_space<vmem>>, vector<1x64xf32>
    %add3A = vector.broadcast %get3A_8 : vector<1x64xf32> to vector<1000x64xf32>
    %add3A_9 = arith.addf %dot_general3A_5, %add3A : vector<1000x64xf32>
    %ge3A = arith.constant 0.000000e+00 : f32
    %ge3A_10 = vector.broadcast %ge3A : f32 to vector<1000x64xf32>
    %ge3A_11 = arith.cmpf oge, %add3A_9, %ge3A_10 : vector<1000x64xf32>
    %mul3A = arith.constant 2.000000e-01 : f32
    %mul3A_12 = vector.broadcast %mul3A : f32 to vector<1000x64xf32>
    %mul3A_13 = arith.mulf %mul3A_12, %add3A_9 : vector<1000x64xf32>
    %select_n3A = arith.select %ge3A_11, %add3A_9, %mul3A_13 : vector<1000x64xi1>, vector<1000x64xf32>
    %get3A_14 = arith.constant 0 : index
    %get3A_15 = arith.constant 0 : index
    %get3A_16 = vector.load %arg4[%get3A_14, %get3A_15] : memref<64x128xf32, #tpu.memory_space<vmem>>, vector<64x128xf32>
    %dot_general3A_17 = arith.constant dense<0.000000e+00> : vector<1000x128xf32>
    %dot_general3A_18 = tpu.matmul %select_n3A, %get3A_16, %dot_general3A_17 {dimension_numbers = #tpu.dot_dimension_numbers<[1], [0], [0], [1], [0, 0, 1, 1], [], []>, transpose_lhs_hint = false} : vector<1000x64xf32>, vector<64x128xf32>, vector<1000x128xf32> -> vector<1000x128xf32>
    %get3A_19 = arith.constant 0 : index
    %get3A_20 = arith.constant 0 : index
    %get3A_21 = vector.load %arg5[%get3A_19, %get3A_20] : memref<1x128xf32, #tpu.memory_space<vmem>>, vector<1x128xf32>
    %add3A_22 = vector.broadcast %get3A_21 : vector<1x128xf32> to vector<1000x128xf32>
    %add3A_23 = arith.addf %dot_general3A_18, %add3A_22 : vector<1000x128xf32>
    %swap3A = arith.constant 0 : index
    %swap3A_24 = arith.constant 0 : index
    %swap3A_25 = vector.load %arg6[%swap3A, %swap3A_24] : memref<1000x128xf32, #tpu.memory_space<vmem>>, vector<1000x128xf32>
    tpu.vector_store %arg6[%swap3A, %swap3A_24], %add3A_23 {strides = array<i32>} : memref<1000x128xf32, #tpu.memory_space<vmem>>, vector<1000x128xf32>,
    return
  }
  func.func @transform_0(%arg0: i32) -> (i32, i32) {
    %c0_i32 = arith.constant 0 : i32
    %c0_i32_0 = arith.constant 0 : i32
    return %arg0, %c0_i32 : i32, i32
  }
  func.func @transform_1(%arg0: i32) -> (i32, i32) {
    %c0_i32 = arith.constant 0 : i32
    %c0_i32_0 = arith.constant 0 : i32
    %c0_i32_1 = arith.constant 0 : i32
    return %c0_i32, %c0_i32_0 : i32, i32
  }
  func.func @transform_2(%arg0: i32) -> (i32, i32) {
    %c0_i32 = arith.constant 0 : i32
    %c0_i32_0 = arith.constant 0 : i32
    %c0_i32_1 = arith.constant 0 : i32
    return %c0_i32, %c0_i32_0 : i32, i32
  }
  func.func @transform_3(%arg0: i32) -> (i32, i32) {
    %c0_i32 = arith.constant 0 : i32
    %c0_i32_0 = arith.constant 0 : i32
    %c0_i32_1 = arith.constant 0 : i32
    return %c0_i32, %c0_i32_0 : i32, i32
  }
  func.func @transform_4(%arg0: i32) -> (i32, i32) {
    %c0_i32 = arith.constant 0 : i32
    %c0_i32_0 = arith.constant 0 : i32
    %c0_i32_1 = arith.constant 0 : i32
    return %c0_i32, %c0_i32_0 : i32, i32
  }
  func.func @transform_5(%arg0: i32) -> (i32, i32) {
    %c0_i32 = arith.constant 0 : i32
    %c0_i32_0 = arith.constant 0 : i32
    return %arg0, %c0_i32 : i32, i32
  }
}

module attributes {stable_mosaic.version = 14 : i64} {
  func.func @_final_body(%arg0: i32, %arg1: memref<1x2xf32, #tpu.memory_space<smem>>, %arg2: memref<1000x128xf32, #tpu.memory_space<vmem>>, %arg3: memref<1000x128xf32, #tpu.memory_space<vmem>>, %arg4: memref<1000x16xf32, #tpu.memory_space<vmem>>, %arg5: memref<2x1000x128xf32, #tpu.memory_space<vmem>>, %arg6: memref<1000x16xf32, #tpu.memory_space<vmem>>, %arg7: memref<1000x128xf32, #tpu.memory_space<vmem>>) attributes {dimension_semantics = [#tpu.dimension_semantics<arbitrary>], iteration_bounds = array<i64: 10>, scalar_prefetch = 0 : i64, scratch_operands = 0 : i64, tpu.core_type = #tpu.core_type<tc>, window_params = [{transform_indices = @transform_0, window_bounds = array<i64: 1, 2>}, {transform_indices = @transform_1, window_bounds = array<i64: 1000, 128>}, {transform_indices = @transform_2, window_bounds = array<i64: 1000, 128>}, {transform_indices = @transform_3, window_bounds = array<i64: 1000, 16>}, {transform_indices = @transform_4, window_bounds = array<i64: 2, 1000, 128>}, {transform_indices = @transform_5, window_bounds = array<i64: 1000, 16>}, {transform_indices = @transform_6, window_bounds = array<i64: 1000, 128>}]} {
    %get3A = arith.constant 0 : index
    %get3A_0 = arith.constant 0 : index
    %get3A_1 = memref.load %arg1[%get3A, %get3A_0] : memref<1x2xf32, #tpu.memory_space<smem>>
    %get3A_2 = arith.constant 0 : index
    %get3A_3 = arith.constant 1 : index
    %get3A_4 = memref.load %arg1[%get3A_2, %get3A_3] : memref<1x2xf32, #tpu.memory_space<smem>>
    %get3A_5 = arith.constant 0 : index
    %get3A_6 = arith.constant 0 : index
    %get3A_7 = vector.load %arg3[%get3A_5, %get3A_6] : memref<1000x128xf32, #tpu.memory_space<vmem>>, vector<1000x128xf32>
    %get3A_8 = arith.constant 0 : index
    %get3A_9 = arith.constant 0 : index
    %get3A_10 = vector.load %arg4[%get3A_8, %get3A_9] : memref<1000x16xf32, #tpu.memory_space<vmem>>, vector<1000x1xf32>
    %max3A = arith.constant 1.000000e+00 : f32
    %max3A_11 = vector.broadcast %max3A : f32 to vector<1000x1xf32>
    %max3A_12 = arith.maximumf %get3A_10, %max3A_11 : vector<1000x1xf32>
    %div3A = vector.broadcast %max3A_12 : vector<1000x1xf32> to vector<1000x128xf32>
    %div3A_13 = arith.divf %get3A_7, %div3A : vector<1000x128xf32>
    %get3A_14 = arith.constant 0 : index
    %get3A_15 = arith.constant 0 : index
    %get3A_16 = arith.constant 0 : index
    %get3A_17 = vector.load %arg5[%get3A_14, %get3A_15, %get3A_16] : memref<2x1000x128xf32, #tpu.memory_space<vmem>>, vector<1x1000x128xf32>
    %get3A_18 = vector.shape_cast %get3A_17 : vector<1x1000x128xf32> to vector<1000x128xf32>
    %get3A_19 = arith.constant 1 : index
    %get3A_20 = arith.constant 0 : index
    %get3A_21 = arith.constant 0 : index
    %get3A_22 = vector.load %arg5[%get3A_19, %get3A_20, %get3A_21] : memref<2x1000x128xf32, #tpu.memory_space<vmem>>, vector<1x1000x128xf32>
    %get3A_23 = vector.shape_cast %get3A_22 : vector<1x1000x128xf32> to vector<1000x128xf32>
    %add3A = arith.addf %get3A_18, %get3A_23 : vector<1000x128xf32>
    %get3A_24 = arith.constant 0 : index
    %get3A_25 = arith.constant 0 : index
    %get3A_26 = vector.load %arg6[%get3A_24, %get3A_25] : memref<1000x16xf32, #tpu.memory_space<vmem>>, vector<1000x1xf32>
    %max3A_27 = arith.constant 1.000000e+00 : f32
    %max3A_28 = vector.broadcast %max3A_27 : f32 to vector<1000x1xf32>
    %max3A_29 = arith.maximumf %get3A_26, %max3A_28 : vector<1000x1xf32>
    %div3A_30 = vector.broadcast %max3A_29 : vector<1000x1xf32> to vector<1000x128xf32>
    %div3A_31 = arith.divf %add3A, %div3A_30 : vector<1000x128xf32>
    %add3A_32 = arith.addf %div3A_13, %div3A_31 : vector<1000x128xf32>
    %mul3A = arith.constant 5.000000e-01 : f32
    %mul3A_33 = vector.broadcast %mul3A : f32 to vector<1000x128xf32>
    %mul3A_34 = arith.mulf %add3A_32, %mul3A_33 : vector<1000x128xf32>
    %mul3A_35 = vector.broadcast %get3A_1 : f32 to vector<1000x128xf32>
    %mul3A_36 = arith.mulf %mul3A_35, %mul3A_34 : vector<1000x128xf32>
    %get3A_37 = arith.constant 0 : index
    %get3A_38 = arith.constant 0 : index
    %get3A_39 = vector.load %arg2[%get3A_37, %get3A_38] : memref<1000x128xf32, #tpu.memory_space<vmem>>, vector<1000x128xf32>
    %mul3A_40 = vector.broadcast %get3A_4 : f32 to vector<1000x128xf32>
    %mul3A_41 = arith.mulf %mul3A_40, %get3A_39 : vector<1000x128xf32>
    %add3A_42 = arith.addf %mul3A_36, %mul3A_41 : vector<1000x128xf32>
    %ge3A = arith.constant 0.000000e+00 : f32
    %ge3A_43 = vector.broadcast %ge3A : f32 to vector<1000x128xf32>
    %ge3A_44 = arith.cmpf oge, %add3A_42, %ge3A_43 : vector<1000x128xf32>
    %mul3A_45 = arith.constant 2.000000e-01 : f32
    %mul3A_46 = vector.broadcast %mul3A_45 : f32 to vector<1000x128xf32>
    %mul3A_47 = arith.mulf %mul3A_46, %add3A_42 : vector<1000x128xf32>
    %select_n3A = arith.select %ge3A_44, %add3A_42, %mul3A_47 : vector<1000x128xi1>, vector<1000x128xf32>
    %swap3A = arith.constant 0 : index
    %swap3A_48 = arith.constant 0 : index
    %swap3A_49 = vector.load %arg7[%swap3A, %swap3A_48] : memref<1000x128xf32, #tpu.memory_space<vmem>>, vector<1000x128xf32>
    tpu.vector_store %arg7[%swap3A, %swap3A_48], %select_n3A {strides = array<i32>} : memref<1000x128xf32, #tpu.memory_space<vmem>>, vector<1000x128xf32>,
    return
  }
  func.func @transform_0(%arg0: i32) -> (i32, i32) {
    %c0_i32 = arith.constant 0 : i32
    %c0_i32_0 = arith.constant 0 : i32
    %c0_i32_1 = arith.constant 0 : i32
    return %c0_i32, %c0_i32_0 : i32, i32
  }
  func.func @transform_1(%arg0: i32) -> (i32, i32) {
    %c0_i32 = arith.constant 0 : i32
    %c0_i32_0 = arith.constant 0 : i32
    return %arg0, %c0_i32 : i32, i32
  }
  func.func @transform_2(%arg0: i32) -> (i32, i32) {
    %c0_i32 = arith.constant 0 : i32
    %c0_i32_0 = arith.constant 0 : i32
    return %arg0, %c0_i32 : i32, i32
  }
  func.func @transform_3(%arg0: i32) -> (i32, i32) {
    %c0_i32 = arith.constant 0 : i32
    %c0_i32_0 = arith.constant 0 : i32
    return %arg0, %c0_i32 : i32, i32
  }
  func.func @transform_4(%arg0: i32) -> (i32, i32, i32) {
    %c0_i32 = arith.constant 0 : i32
    %c0_i32_0 = arith.constant 0 : i32
    %c0_i32_1 = arith.constant 0 : i32
    return %c0_i32, %arg0, %c0_i32_0 : i32, i32, i32
  }
  func.func @transform_5(%arg0: i32) -> (i32, i32) {
    %c0_i32 = arith.constant 0 : i32
    %c0_i32_0 = arith.constant 0 : i32
    return %arg0, %c0_i32 : i32, i32
  }
  func.func @transform_6(%arg0: i32) -> (i32, i32) {
    %c0_i32 = arith.constant 0 : i32
    %c0_i32_0 = arith.constant 0 : i32
    return %arg0, %c0_i32 : i32, i32
  }
}

</mosaic_0001>

<sc_bundles>
// kernel: kernel.6.cloned.1.call-start
scs
__scs_entry_jumppad:
0x0: {  	(pc) =	sbr.rel $0x88, $3  }
0x1: {  	(tag) =	ssettag $0x0;
	lr =	simm.s32 $0x1  }
0x2: {  	[smem:$0x3F98] =	sst lr;
	_ =	strace $0xD0000000  }
0x3: {  	_ = 	snop  }
0x4: {  	_ = 	snop  }
0x5: {  	_ = 	snop  }
0x6: {  	_ = 	snop  }
0x7: {  	_ = 	snop  }
__scs_overlays_trampoline_lowered:
0x8: {  	[smem:$0x3FA7] =	sst s0  }
0x9: {  	[smem:$0x3FA8] =	sst s1  }
0xa: {  	[smem:$0x3FA9] =	sst s2  }
0xb: {  	[smem:$0x3FAA] =	sst s3  }
0xc: {  	[smem:$0x3FAB] =	sst s4  }
0xd: {  	[smem:$0x3FAC] =	sst s5  }
0xe: {  	[smem:$0x3FAD] =	sst s6  }
0xf: {  	[smem:$0x3FAE] =	sst s7  }
0x10: {  	[smem:$0x3FAF] =	sst s8  }
0x11: {  	[smem:$0x3FB0] =	sst s9;
	s0 =	simm.s32 @!p0 $0x0  }
0x12: {  	s1 =	sld [smem:$0x3F96];
	s0 =	simm.s32 @p0 $0x1  }
0x13: {  	[smem:$0x3FB1] =	sst s0;
	s0 =	simm.s32 @!p1 $0x0  }
0x14: {  	s2 =	sld [smem:$0x3F95];
	s0 =	simm.s32 @p1 $0x1  }
0x15: {  	[smem:$0x3FB2] =	sst s0;
	s0 =	simm.s32 @!p2 $0x0  }
0x16: {  	s3 =	sld [smem:$0x3FDB];
	s0 =	simm.s32 @p2 $0x1  }
0x17: {  	s4 =	simm.s32 $0x1BF5;
	[smem:$0x3FB4] =	sst s0  }
0x18: {  	s0 =	sld [smem:$0x3F97];
	_ =	swait.ge [sflag:s4], $0x0  }
0x19: {  	s7 =	sld [smem:$0x3F98]  }
0x1a: {  	s8 =	sadd.s32 $0xFFFFE003, lr  }
0x1b: {  	s9 =	sadd.s32 $0xFFFFFEF7, lr;
	s5 =	simm.s32 $0xFFFFFFFF;
	p2 =	slt.u32 s8, $0xFFFFF086  }
0x1c: {  	p1 =	slt.u32 s9, $0xF7A;
	s5 =	simm.s32 @!p2 $0x0  }
0x1d: {  	s5 =	simm.s32 @p1 $0x1;
	p0 =	seq.s32 s7, s2  }
0x1e: {  	s7 =	smul.u32 @!p0 $0xF7A, s2;
	p2 =	seq.s32 @!p0 s5, $0x0  }
0x1f: {  	s9 =	smul.u32 $0xF7A, s1;
	s8 =	simm.s32 @!p0 $0x1BF5;
	p2 =	por !p2, p0  }
0x20: {  	[sflag:s8] =	ssyncset.s32 @!p0 $0xFFFFF086;
	s6 =	sadd.s32 @!p0 s3, s7;
	s7 =	simm.s32 @!p0 $0x108  }
0x21: {  	s3 =	sadd.s32 s3, s9;
	s6 =	sadd.s32 @!p0 $0x88, s6;
	s7 =	simm.s32 @p2 $0x1082  }
0x22: {  	[simem:s7], [sflag:s8] =	dma.local @!p0 [hbm:s6], $0xF7A  }
0x23: {  	s9 =	sor.u32 $0xD0000000, s2;
	s6 =	simm.s32 $0x108;
	_ =	swait.ge @!p0 [sflag:s8], $0x0  }
0x24: {  	s3 =	sadd.s32 $0x88, s3;
	s6 =	simm.s32 @!p1 $0x1082;
	[sflag:s4] =	ssyncset.s32 $0xFFFFF086  }
0x25: {  	[simem:s6], [sflag:s4] =	dma.local [hbm:s3], $0xF7A  }
0x26: {  	[smem:$0x3F98] =	sst s1;
	(tag) =	ssettag s2;
	_ =	strace s9  }
0x27: {  	s1 =	sld [smem:$0x3FA8]  }
0x28: {  	s2 =	sld [smem:$0x3FA9]  }
0x29: {  	s4 =	sld [smem:$0x3FAB]  }
0x2a: {  	p0 =	seq.s32 s5, $0x0;
	s5 =	sld [smem:$0x3FAC]  }
0x2b: {  	s6 =	sld [smem:$0x3FAD]  }
0x2c: {  	s7 =	sld [smem:$0x3FAE]  }
0x2d: {  	s3 =	simm.s32 $0x108;
	s8 =	sld [smem:$0x3FAF]  }
0x2e: {  	s3 =	simm.s32 @!p0 $0x1082;
	s9 =	sld [smem:$0x3FB0]  }
0x2f: {  	lr =	sadd.s32 s0, s3;
	s0 =	sld [smem:$0x3FA7]  }
0x30: {  	s3 =	sld [smem:$0x3FAA]  }
0x31: {  	[smem:$0x3FB3] =	sst s10  }
0x32: {  	s10 =	sld [smem:$0x3FB1];
	_ =	sdelay $0x3  }
0x33: {  	p0 =	seq.s32 s10, $0x1;
	s10 =	sld [smem:$0x3FB3];
	_ =	sdelay $0x3  }
0x34: {  	[smem:$0x3FB3] =	sst s10  }
0x35: {  	s10 =	sld [smem:$0x3FB2];
	_ =	sdelay $0x3  }
0x36: {  	p1 =	seq.s32 s10, $0x1;
	s10 =	sld [smem:$0x3FB3];
	_ =	sdelay $0x3  }
0x37: {  	[smem:$0x3FB3] =	sst s10  }
0x38: {  	s10 =	sld [smem:$0x3FB4]  }
0x39: {  	_ = 	snop;
	(pc) =	sbr.ind lr, $3  }
0x3a: {  	_ = 	snop  }
0x3b: {  	_ = 	snop  }
0x3c: {  	p2 =	seq.s32 s10, $0x1;
	s10 =	sld [smem:$0x3FB3]  }
0x3d: {  	_ =	shalt  }
0x3e: {  	_ =	shalt  }
0x3f: {  	_ =	shalt  }
0x40: {  	_ =	shalt  }
0x41: {  	_ =	shalt  }
0x42: {  	_ =	shalt  }
0x43: {  	_ =	shalt  }
0x44: {  	_ =	shalt  }
0x45: {  	_ =	shalt  }
0x46: {  	_ =	shalt  }
0x47: {  	_ =	shalt  }
0x48: {  	_ =	shalt  }
0x49: {  	_ =	shalt  }
0x4a: {  	_ =	shalt  }
0x4b: {  	_ =	shalt  }
0x4c: {  	_ =	shalt  }
0x4d: {  	_ =	shalt  }
0x4e: {  	_ =	shalt  }
0x4f: {  	_ =	shalt  }
0x50: {  	_ =	shalt  }
0x51: {  	_ =	shalt  }
0x52: {  	_ =	shalt  }
0x53: {  	_ =	shalt  }
0x54: {  	_ =	shalt  }
0x55: {  	_ =	shalt  }
0x56: {  	_ =	shalt  }
0x57: {  	_ =	shalt  }
0x58: {  	_ =	shalt  }
0x59: {  	_ =	shalt  }
0x5a: {  	_ =	shalt  }
0x5b: {  	_ =	shalt  }
0x5c: {  	_ =	shalt  }
0x5d: {  	_ =	shalt  }
0x5e: {  	_ =	shalt  }
0x5f: {  	_ =	shalt  }
0x60: {  	_ =	shalt  }
0x61: {  	_ =	shalt  }
0x62: {  	_ =	shalt  }
0x63: {  	_ =	shalt  }
0x64: {  	_ =	shalt  }
0x65: {  	_ =	shalt  }
0x66: {  	_ =	shalt  }
0x67: {  	_ =	shalt  }
0x68: {  	_ =	shalt  }
0x69: {  	_ =	shalt  }
0x6a: {  	_ =	shalt  }
0x6b: {  	_ =	shalt  }
0x6c: {  	_ =	shalt  }
0x6d: {  	_ =	shalt  }
0x6e: {  	_ =	shalt  }
0x6f: {  	_ =	shalt  }
0x70: {  	_ =	shalt  }
0x71: {  	_ =	shalt  }
0x72: {  	_ =	shalt  }
0x73: {  	_ =	shalt  }
0x74: {  	_ =	shalt  }
0x75: {  	_ =	shalt  }
0x76: {  	_ =	shalt  }
0x77: {  	_ =	shalt  }
0x78: {  	_ =	shalt  }
0x79: {  	_ =	shalt  }
0x7a: {  	_ =	shalt  }
0x7b: {  	_ =	shalt  }
0x7c: {  	_ =	shalt  }
0x7d: {  	_ =	shalt  }
0x7e: {  	_ =	shalt  }
0x7f: {  	_ =	shalt  }
0x80: {  	_ =	shalt  }
0x81: {  	_ =	shalt  }
0x82: {  	_ =	shalt  }
0x83: {  	_ =	shalt  }
0x84: {  	_ =	shalt  }
0x85: {  	_ =	shalt  }
0x86: {  	_ =	shalt  }
0x87: {  	_ =	shalt  }
.Lfunc_end0:
.L_simem_size_0:
called_computation_lowered:
.L_overlay_start_0:
0x88: {  	s2 =	sld [smem:$0x3FD9]  }
0x89: {  	s3 =	sld [smem:$0x3FFE];
	_ =	sdelay $0x1  }
0x8a: {  	s1 =	srdreg.scid  }
0x8b: {  	s0 =	sand.u32 $0x1, s1  }
0x8c: {  	s17 =	sshll.u32 s0, $0xA;
	s2 =	sadd.s32 s3, s2  }
0x8d: {  	s2 =	sadd.s32 s2, s17  }
0x8e: {  	[smem:$0x3FBF] =	sst s2  }
0x8f: {  	_ = 	snop  }
0x90: {  	s2 =	sld [smem:$0x3FD0];
	(tm) =	ssettm $0x1  }
0x91: {  	s18 =	sld [smem:$0x3FFB];
	_ =	sdelay $0x3  }
0x92: {  	_ =	strace s18  }
0x93: {  	s3 =	sld [smem:$0x3FFC];
	_ =	sdelay $0x3  }
0x94: {  	_ =	strace s3  }
0x95: {  	s3 =	sld [smem:$0x3FFD];
	_ =	sdelay $0x3  }
0x96: {  	_ =	strace s3  }
0x97: {  	_ =	strace $0x8FFFFFFF  }
0x98: {  	s19 =	sld [smem:$0x3FDB];
	_ =	sdelay $0x1  }
0x99: {  	s4 =	simm.s32 $_scs_section_size  }
0x9a: {  	s5 =	simm.s32 $_size__tile_overlayer_lowered;
	s6 =	simm.s32 $_tile_overlayer_lowered  }
0x9b: {  	s22 =	simm.s32 $0x1BFF;
	s21 =	sshll.u32 s6, $0x1;
	s3 =	sadd.s32 s4, s19  }
0x9c: {  	s7 =	simm.s32 $0x0;
	s20 =	sshll.u32 s5, $0x1;
	s5 =	sadd.s32 s21, s3  }
0x9d: {  	[timem:s7], [sflag:s22] =	dma.local [hbm:s5], s20  }
0x9e: {  	_ =	swait.ge [sflag:s22], s20  }
0x9f: {  	s4 =	ssub.s32 $0x0, s20;
	[sflag:s22] =	ssyncset.done $0x0  }
0xa0: {  	[sflag:s22] =	ssyncadd.s32 s4;
	_ =	sdelay $0x1  }
0xa1: {  	s23 =	simm.s32 $0x1B8B  }
0xa2: {  	_ =	swait.ge [sflag:s23], $0x1  }
0xa3: {  	[sflag:s23] =	ssyncset.done $0x0  }
0xa4: {  	s25 =	simm.s32 $0x1B8E;
	s24 =	sld [smem:$0x3FFE];
	[sflag:s23] =	ssyncadd.s32 $0xFFFFFFFF  }
0xa5: {  	s26 =	simm.s32 $execute0_lowered;
	[smem:$0x3FD2] =	sst s25  }
0xa6: {  	s5 =	sshll.u32 s26, $0x1;
	_ =	strace $0x80000046;
	[dreg:$0x1] =	wrdreg $0xFFFFFFFF  }
0xa7: {  	s28 =	simm.s32 $_size_execute0_lowered;
	s3 =	sadd.s32 s3, s5;
	[dreg:$0x0] =	wrdreg $0x0  }
0xa8: {  	s5 =	sshll.u32 s28, $0x1;
	[dreg:$0x2] =	wrdreg s3  }
0xa9: {  	[dreg:$0x3] =	wrdreg s5  }
0xaa: {  	[dreg:$0x4] =	wrdreg $0xC0  }
0xab: {  	_ =	task [dreg:s7], $0x5FFFF  }
0xac: {  	[dreg:$0x1] =	wrdreg $0xFFFFFFFF  }
0xad: {  	[dreg:$0x0] =	wrdreg $0x60  }
0xae: {  	[dreg:$0x2] =	wrdreg s2  }
0xaf: {  	[dreg:$0x3] =	wrdreg s24  }
0xb0: {  	[dreg:$0x4] =	wrdreg $0x75500  }
0xb1: {  	[dreg:$0x5] =	wrdreg $0x1ADD00  }
0xb2: {  	[dreg:$0x6] =	wrdreg $0x1D4E00  }
0xb3: {  	[dreg:$0x7] =	wrdreg $0x9  }
0xb4: {  	_ =	task.clear_ibuf [dreg:s7], $0x8FFFF;
	_ =	strace $0x90000046  }
0xb5: {  	s29 =	simm.s32 $0x9;
	_ =	strace $0x80000048  }
0xb6: {  	_ =	swait.ge [sflag:s29], $0x1  }
0xb7: {  	[sflag:s29] =	ssyncadd.s32 $0xFFFFFFFF  }
0xb8: {  	_ =	strace $0x90000048  }
0xb9: {  	_ =	sfence  }
0xba: {  	s30 =	sld [smem:$0x0];
	_ =	sdelay $0x2  }
0xbb: {  	s31 =	sshll.u32 s1, $0xD;
	s1 =	sshrl.u32 s1, $0x2  }
0xbc: {  	s3 =	sand.u32 $0x4000, s31;
	s1 =	sadd.s32 s1, s30  }
0xbd: {  	s0 =	sor.u32 s3, s0;
	s1 =	sshll.u32 s1, $0x11  }
0xbe: {  	s0 =	sor.u32 s1, s0  }
0xbf: {  	s0 =	sadd.s32 $0x8F2B, s0  }
0xc0: {  	[sflag:s0] =	ssyncadd.remote.s32 $0x1  }
0xc1: {  	_ =	sfence.sel $0xFFFF  }
0xc2: {  	[dreg:$0x0] =	wrdreg $0xFFFFFFFF;
	(pc) =	sbr.abs _section_cstart, $3  }
0xc3: {  	[dreg:$0x1] =	wrdreg $0xFFFFFFFF  }
0xc4: {  	_ =	task.clear_ibuf [dreg:s7], $0x2FFFF;
	_ =	strace $0x9FFFFFFF  }
0xc5: {  	(tm) =	ssettm $0x7FFFFFFF  }
tec
execute0_lowered:
.L_overlay_start_1:
0x0: {  	(tag) =	ssettag $0x1  }
0x1: {  	s1 =	rddreg [dreg:$0x0]  }
0x2: {  	s0 =	rddreg [dreg:$0x1]  }
0x3: {  	s2 =	rddreg [dreg:$0x2]  }
0x4: {  	s3 =	rddreg [dreg:$0x3]  }
0x5: {  	s5 =	rddreg [dreg:$0x4];
	s6 =	simm.s32 $0x0;
	s19 =	stileid.u32  }
0x6: {  	s16 =	srdreg.scid;
	s30 =	simm.s32 $0x138;
	s28 =	simm.s32 $0x0  }
0x7: {  	[smem:$0x7FF] =	sst s6;
	s4 =	sadd.s32 $0x2400, s0;
	s7 =	smul.u32 $0x13880, s19  }
0x8: {  	s8 =	sadd.s32 $0x16A00, s0;
	s9 =	sadd.s32 $0x2B800, s0;
	s11 =	smul.u32 $0xA280, s19  }
0x9: {  	s12 =	sadd.s32 $0x2B200, s0;
	s14 =	smul.u32 $0x1450, s19;
	s15 =	sadd.s32 $0x38000, s0  }
0xa: {  	s26 =	smul.u32 $0x1F40, s19;
	_ =	strace $0x80000047;
	[dreg:$0x6] =	wrdreg s9  }
0xb: {  	s31 =	sadd.s32 $0x2B000, s0;
	s9 =	sand.u32 $0x1, s16;
	[dreg:$0x7] =	wrdreg s12  }
0xc: {  	[dreg:$0x10] =	wrdreg s31;
	s31 =	sshll.u32 s19, $0x6;
	s10 =	sshrl.u32 s7, $0x3  }
0xd: {  	s17 =	ssub.s32 $0x2, s9;
	s11 =	sshrl.u32 s11, $0x3;
	p0 =	seq.s32 s9, $0x1  }
0xe: {  	s9 =	sadd.s32 s4, s14;
	s29 =	sor.u32 $0x1C08, s31;
	s10 =	sadd.s32 s10, s0  }
0xf: {  	s13 =	sshrl.u32 s17, $0x1;
	s16 =	sadd.s32 $0x1A, s11;
	[dreg:$0x1c] =	wrdreg s29  }
0x10: {  	s12 =	ssub.s32 s17, s13;
	s18 =	sadd.s32 s4, s16;
	s17 =	sadd.s32 $0x34, s11  }
0x11: {  	s11 =	sadd.s32 $0x4E, s11;
	s21 =	sadd.s32 s8, s16;
	[dreg:$0x8] =	wrdreg s18  }
0x12: {  	s13 =	sadd.s32 s8, s14;
	s14 =	sadd.s32 $0x2E000, s0;
	[dreg:$0xb] =	wrdreg s21  }
0x13: {  	s0 =	sadd.s32 $0x33000, s0;
	s16 =	sshrl.u32 s26, $0x2;
	[dreg:$0x11] =	wrdreg s14  }
0x14: {  	s18 =	smul.u32 $0x3E80, s19;
	s20 =	sadd.s32 s4, s17;
	[dreg:$0x12] =	wrdreg s0  }
0x15: {  	s4 =	sadd.s32 s4, s11;
	s22 =	sadd.s32 s8, s17;
	[dreg:$0x9] =	wrdreg s20  }
0x16: {  	s8 =	sadd.s32 s8, s11;
	s17 =	smul.u32 $0x2710, s19;
	[dreg:$0xa] =	wrdreg s4  }
0x17: {  	s0 =	sadd.s32 s16, s3;
	s26 =	smax.u32 s12, $0x1;
	[dreg:$0xc] =	wrdreg s22  }
0x18: {  	s11 =	simm.s32 $0xD0;
	s12 =	simm.s32 $0x1A0;
	[dreg:$0xd] =	wrdreg s8  }
0x19: {  	s14 =	simm.s32 $0x270;
	s16 =	simm.s32 $0x340;
	[dreg:$0x16] =	wrdreg s0  }
0x1a: {  	s19 =	simm.s32 $0x208;
	s20 =	sadd.s32 $0x3FE00, s10;
	[dreg:$0x1b] =	wrdreg s26  }
0x1b: {  	s10 =	simm.s32 $0x6740;
	s4 =	sadd.s32 $0x3200, s18;
	s23 =	sshrl.u32 s18, $0x3  }
0x1c: {  	[dreg:$0x14] =	wrdreg s20;
	s21 =	sadd.s32 s18, s2;
	s22 =	sadd.s32 s17, s3  }
0x1d: {  	s18 =	simm.s32 $0x1;
	s20 =	simm.s32 $0x5;
	[dreg:$0x15] =	wrdreg s21  }
0x1e: {  	s24 =	sshrl.u32 s4, $0x3;
	s8 =	sadd.s32 s15, s23;
	[dreg:$0x17] =	wrdreg s22  }
0x1f: {  	s23 =	sshrl.u32 s17, $0x3;
	s22 =	simm.s32 $0x68;
	[dreg:$0xe] =	wrdreg s8  }
0x20: {  	s21 =	simm.s32 $0x2;
	s25 =	sadd.s32 s15, s24;
	[dreg:$0x18] =	wrdreg s23  }
.Ltmp0:
0x21: {  	s15 =	sadd.s32 s7, s2;
	[dreg:$0xf] =	wrdreg s25;
	(pc) =	sbr.rel .LBB2_1-.Ltmp0, $4  }
0x22: {  	s24 =	sadd.s32 s17, s5;
	s17 =	simm.s32 $0x3540;
	[dreg:$0x13] =	wrdreg s15  }
0x23: {  	s23 =	simm.s32 $0x7;
	s7 =	simm.s32 $0x6;
	[dreg:$0x19] =	wrdreg s24  }
0x24: {  	s25 =	sadd.s32 s4, s2;
	s4 =	simm.s32 $0x8;
	s15 =	simm.s32 $0x64  }
0x25: {  	s24 =	simm.s32 $0x2D8;
	[dreg:$0x1a] =	wrdreg s25;
	s25 =	simm.s32 $0x4  }
.LBB2_5:
0x26: {  	[bflag:$0x0] =	sbarrier.arrive $0xFFFF  }
0x27: {  	s0 =	rddreg [dreg:$0x14]  }
0x28: {  	s29 =	rddreg [dreg:$0x1c]  }
0x29: {  	s8 =	rddreg [dreg:$0x1d]  }
0x2a: {  	[hbm:s0], [sflag:s29] =	dma.local [spmem:s8], $0x2710  }
0x2b: {  	_ =	swait.ge [sflag:s4], $0x2710  }
0x2c: {  	[sflag:s4] =	ssyncset.done $0x0;
	s8 =	rddreg [dreg:$0x11]  }
0x2d: {  	s26 =	rddreg [dreg:$0x17];
	[sflag:s4] =	ssyncadd.s32 $0xFFFFD8F0  }
.LBB2_14:
0x2e: {  	s0 =	rddreg [dreg:$0x18]  }
0x2f: {  	s26 =	sshrl.u32 s26, $0x3;
	s0 =	sadd.s32 s8, s0  }
0x30: {  	[hbm:s0], [sflag:s29] =	dma.local [spmem:s26], $0x4E2  }
0x31: {  	_ =	swait.ge [sflag:s4], $0x4E2  }
0x32: {  	s28 =	sadd.s32 $0x1, s28;
	s31 =	rddreg [dreg:$0x1b]  }
0x33: {  	p1 =	sne.s32 s28, s31  }
.Ltmp1:
0x34: {  	_ = 	snop;
	(pc) =	sbr.rel @!p1 .LBB2_15-.Ltmp1, $3  }
0x35: {  	_ =	sdelay $0x1  }
0x36: {  	[sflag:s4] =	ssyncset.done $0x0  }
0x37: {  	[sflag:s4] =	ssyncadd.s32 $0xFFFFFB1E  }
.LBB2_1:
.Ltmp2:
0x38: {  	(pc) =	sbr.rel @!p0 .LBB2_2-.Ltmp2, $1  }
0x39: {  	_ =	sdelay $0x3  }
0x3a: {  	s0 =	rddreg [dreg:$0x15]  }
0x3b: {  	s8 =	rddreg [dreg:$0x6];
	s0 =	sshrl.u32 s0, $0x3  }
0x3c: {  	[spmem:s0], [sflag:s29] =	dma.local [hbm:s8], $0x7D0  }
0x3d: {  	_ =	swait.ge [sflag:s4], $0x7D0  }
0x3e: {  	[sflag:s4] =	ssyncset.done $0x0;
	s8 =	rddreg [dreg:$0x16]  }
0x3f: {  	[sflag:s4] =	ssyncadd.s32 $0xFFFFF830;
	s0 =	sshrl.u32 s8, $0x3;
	s8 =	rddreg [dreg:$0x7]  }
0x40: {  	[spmem:s0], [sflag:s29] =	dma.local [hbm:s8], $0xFA  }
0x41: {  	_ =	swait.ge [sflag:s4], $0xFA  }
0x42: {  	[sflag:s4] =	ssyncset.done $0x0  }
0x43: {  	s26 =	rddreg [dreg:$0x10];
	[sflag:s4] =	ssyncadd.s32 $0xFFFFFF06  }
0x44: {  	[tilespmem:s10], [sflag:$0x8] =	stream.linear.gather [hbm4b:s26+s6], $0x640, $0x38;
	[tilespmem:$0x1FBF0] =	vst v63  }
0x45: {  	_ =	swait.ge [sflag:s4], $0x640  }
0x46: {  	[sflag:s4] =	ssyncset.done $0x0;
	s26 =	rddreg [dreg:$0x19]  }
0x47: {  	[sflag:s4] =	ssyncadd.s32 $0xFFFFF9C0;
	s0 =	sshrl.u32 s26, $0x3  }
0x48: {  	[spmem:s0], [sflag:s29] =	dma.local [hbm:s8], $0x4E2  }
0x49: {  	_ =	swait.ge [sflag:s4], $0x4E2  }
0x4a: {  	[sflag:s4] =	ssyncset.done $0x0  }
0x4b: {  	[sflag:s4] =	ssyncadd.s32 $0xFFFFFB1E  }
0x4c: {  	[tilespmem:s6], [sflag:$0x8] =	stream.linear.gather [hbm4b:s13+s6], $0xD0, $0x38;
	[tilespmem:$0x1FBF0] =	vst v63  }
0x4d: {  	_ =	swait.ge [sflag:s4], $0xD0  }
0x4e: {  	[sflag:s4] =	ssyncset.done $0x0  }
0x4f: {  	s8 =	rddreg [dreg:$0xb];
	[sflag:s4] =	ssyncadd.s32 $0xFFFFFF30  }
0x50: {  	[tilespmem:s11], [sflag:$0x8] =	stream.linear.gather [hbm4b:s8+s6], $0xD0, $0x38;
	[tilespmem:$0x1FBF0] =	vst v63  }
0x51: {  	_ =	swait.ge [sflag:s4], $0xD0  }
0x52: {  	[sflag:s4] =	ssyncset.done $0x0  }
0x53: {  	s26 =	rddreg [dreg:$0xc];
	[sflag:s4] =	ssyncadd.s32 $0xFFFFFF30  }
0x54: {  	[tilespmem:s12], [sflag:$0x5] =	stream.linear.gather [hbm4b:s26+s6], $0xD0, $0x38;
	[tilespmem:$0x1FBF0] =	vst v63  }
0x55: {  	s29 =	rddreg [dreg:$0xd]  }
0x56: {  	[tilespmem:s14], [sflag:$0x6] =	stream.linear.gather [hbm4b:s29+s6], $0xD0, $0x38;
	[tilespmem:$0x1FBF0] =	vst v63  }
0x57: {  	_ = 	snop  }
0x58: {  	[tilespmem:s16], [sflag:$0x1] =	stream.indirect.gather [hbm4b:s1+s15], $0x80, s6, s15, $0xb8;
	[tilespmem:$0x1FBF0] =	vst v63  }
0x59: {  	_ = 	snop  }
0x5a: {  	[tilespmem:s17], [sflag:$0x2] =	stream.indirect.gather [hbm4b:s1+s15], $0x80, s11, s15, $0xb8;
	[tilespmem:$0x1FBF0] =	vst v63  }
0x5b: {  	s31 =	simm.s32 $0xFFFFEC18;
	[bflag:$0x0] =	sbarrier.arrive $0xFFFF  }
.LBB2_7:
0x5c: {  	_ =	swait.ge [sflag:s18], $0x3200  }
0x5d: {  	[sflag:s18] =	ssyncset.done $0x0  }
0x5e: {  	[sflag:s18] =	ssyncadd.s32 $0xFFFFCE00  }
0x5f: {  	[spmem:s3] =	stream.indirect.scatter.add.f32 [tilespmem:s10], [sflag:$0x7], $0x10, s22, s15, $0xb8;
	[tilespmem:$0x1FBF0] =	vst v63  }
0x60: {  	_ = 	snop  }
0x61: {  	[spmem:s5] =	stream.indirect.scatter.add.f32 [tilespmem:s10], [sflag:$0x7], $0x10, s6, s15, $0xb8;
	[tilespmem:$0x1FBF0] =	vst v63  }
0x62: {  	_ = 	snop  }
0x63: {  	[spmem:s2] =	stream.indirect.scatter.add.f32 [tilespmem:s16], [sflag:$0x8], $0x80, s22, s15, $0xb8;
	[tilespmem:$0x1FBF0] =	vst v63  }
0x64: {  	_ =	swait.ge [sflag:s4], $0x3200  }
0x65: {  	[sflag:s4] =	ssyncset.done $0x0  }
0x66: {  	[sflag:s4] =	ssyncadd.s32 $0xFFFFCE00  }
0x67: {  	_ =	swait.ge [sflag:s23], $0x640  }
0x68: {  	[sflag:s23] =	ssyncset.done $0x0  }
0x69: {  	[sflag:s23] =	ssyncadd.s32 $0xFFFFF9C0  }
0x6a: {  	p1 =	seq.s32 s31, $0x0;
	_ =	swait.ge [sflag:s23], $0x640  }
0x6b: {  	s0 =	sadd.s32 @!p1 s31, s13;
	[sflag:s23] =	ssyncset.done $0x0  }
0x6c: {  	s26 =	simm.s32 @!p1 $0x0;
	s8 =	sadd.s32 @!p1 $0x1450, s0;
	[sflag:s23] =	ssyncadd.s32 $0xFFFFF9C0  }
0x6d: {  	[tilespmem:s26], [sflag:$0x3] =	stream.linear.gather @!p1 [hbm4b:s8+s26], $0xD0, $0x38;
	[tilespmem:$0x1FBF0] =	vst v63  }
0x6e: {  	_ =	swait.ge [sflag:s20], $0xD0  }
0x6f: {  	[sflag:s20] =	ssyncset.done $0x0  }
0x70: {  	[sflag:s20] =	ssyncadd.s32 $0xFFFFFF30  }
0x71: {  	[tilespmem:s16], [sflag:$0x1] =	stream.indirect.gather [hbm4b:s1+s15], $0x80, s12, s15, $0xb8;
	[tilespmem:$0x1FBF0] =	vst v63  }
0x72: {  	_ =	swait.ge [sflag:s21], $0x3200  }
0x73: {  	[sflag:s21] =	ssyncset.done $0x0  }
0x74: {  	[sflag:s21] =	ssyncadd.s32 $0xFFFFCE00  }
0x75: {  	[spmem:s3] =	stream.indirect.scatter.add.f32 [tilespmem:s10], [sflag:$0x7], $0x10, s30, s15, $0xb8;
	[tilespmem:$0x1FBF0] =	vst v63  }
0x76: {  	_ = 	snop  }
0x77: {  	[spmem:s5] =	stream.indirect.scatter.add.f32 [tilespmem:s10], [sflag:$0x7], $0x10, s11, s15, $0xb8;
	[tilespmem:$0x1FBF0] =	vst v63  }
0x78: {  	_ = 	snop  }
0x79: {  	[spmem:s2] =	stream.indirect.scatter.add.f32 [tilespmem:s17], [sflag:$0x8], $0x80, s30, s15, $0xb8;
	[tilespmem:$0x1FBF0] =	vst v63  }
0x7a: {  	_ =	swait.ge [sflag:s4], $0x3200  }
0x7b: {  	[sflag:s4] =	ssyncset.done $0x0  }
0x7c: {  	[sflag:s4] =	ssyncadd.s32 $0xFFFFCE00  }
0x7d: {  	_ =	swait.ge [sflag:s23], $0x640  }
0x7e: {  	[sflag:s23] =	ssyncset.done $0x0  }
0x7f: {  	[sflag:s23] =	ssyncadd.s32 $0xFFFFF9C0  }
0x80: {  	_ =	swait.ge [sflag:s23], $0x640  }
0x81: {  	[sflag:s23] =	ssyncset.done $0x0  }
0x82: {  	s29 =	simm.s32 @!p1 $0xD0;
	s8 =	sadd.s32 @!p1 $0x146A, s0;
	[sflag:s23] =	ssyncadd.s32 $0xFFFFF9C0  }
0x83: {  	[tilespmem:s29], [sflag:$0x4] =	stream.linear.gather @!p1 [hbm4b:s8+s26], $0xD0, $0x38;
	[tilespmem:$0x1FBF0] =	vst v63  }
0x84: {  	_ =	swait.ge [sflag:s7], $0xD0  }
0x85: {  	[sflag:s7] =	ssyncset.done $0x0  }
0x86: {  	[sflag:s7] =	ssyncadd.s32 $0xFFFFFF30  }
0x87: {  	[tilespmem:s17], [sflag:$0x2] =	stream.indirect.gather [hbm4b:s1+s15], $0x80, s14, s15, $0xb8;
	[tilespmem:$0x1FBF0] =	vst v63  }
0x88: {  	_ =	swait.ge [sflag:s18], $0x3200  }
0x89: {  	[sflag:s18] =	ssyncset.done $0x0  }
0x8a: {  	[sflag:s18] =	ssyncadd.s32 $0xFFFFCE00  }
0x8b: {  	[spmem:s3] =	stream.indirect.scatter.add.f32 [tilespmem:s10], [sflag:$0x7], $0x10, s19, s15, $0xb8;
	[tilespmem:$0x1FBF0] =	vst v63  }
0x8c: {  	_ = 	snop  }
0x8d: {  	[spmem:s5] =	stream.indirect.scatter.add.f32 [tilespmem:s10], [sflag:$0x7], $0x10, s12, s15, $0xb8;
	[tilespmem:$0x1FBF0] =	vst v63  }
0x8e: {  	_ = 	snop  }
0x8f: {  	[spmem:s2] =	stream.indirect.scatter.add.f32 [tilespmem:s16], [sflag:$0x8], $0x80, s19, s15, $0xb8;
	[tilespmem:$0x1FBF0] =	vst v63  }
0x90: {  	_ =	swait.ge [sflag:s4], $0x3200  }
0x91: {  	[sflag:s4] =	ssyncset.done $0x0  }
0x92: {  	[sflag:s4] =	ssyncadd.s32 $0xFFFFCE00  }
0x93: {  	_ =	swait.ge [sflag:s23], $0x640  }
0x94: {  	[sflag:s23] =	ssyncset.done $0x0  }
0x95: {  	[sflag:s23] =	ssyncadd.s32 $0xFFFFF9C0  }
0x96: {  	_ =	swait.ge [sflag:s23], $0x640  }
0x97: {  	[sflag:s23] =	ssyncset.done $0x0  }
0x98: {  	s0 =	sadd.s32 @!p1 $0x1484, s0;
	s8 =	simm.s32 @!p1 $0x1A0;
	[sflag:s23] =	ssyncadd.s32 $0xFFFFF9C0  }
0x99: {  	[tilespmem:s8], [sflag:$0x5] =	stream.linear.gather @!p1 [hbm4b:s0+s26], $0xD0, $0x38;
	[tilespmem:$0x1FBF0] =	vst v63  }
0x9a: {  	s0 =	simm.s32 @!p1 $0x3  }
0x9b: {  	_ =	swait.ge @!p1 [sflag:s0], $0xD0  }
0x9c: {  	[sflag:s0] =	ssyncset.done @!p1 $0x0  }
0x9d: {  	s8 =	simm.s32 @!p1 $0x340;
	[sflag:s0] =	ssyncadd.s32 @!p1 $0xFFFFFF30;
	s0 =	simm.s32 @!p1 $0x64  }
0x9e: {  	[tilespmem:s8], [sflag:$0x1] =	stream.indirect.gather @!p1 [hbm4b:s1+s0], $0x80, s26, s0, $0xb8;
	[tilespmem:$0x1FBF0] =	vst v63  }
0x9f: {  	_ =	swait.ge [sflag:s21], $0x3200  }
0xa0: {  	[sflag:s21] =	ssyncset.done $0x0  }
0xa1: {  	[sflag:s21] =	ssyncadd.s32 $0xFFFFCE00  }
0xa2: {  	[spmem:s3] =	stream.indirect.scatter.add.f32 [tilespmem:s10], [sflag:$0x7], $0x10, s24, s15, $0xb8;
	[tilespmem:$0x1FBF0] =	vst v63  }
0xa3: {  	_ = 	snop  }
0xa4: {  	[spmem:s5] =	stream.indirect.scatter.add.f32 [tilespmem:s10], [sflag:$0x7], $0x10, s14, s15, $0xb8;
	[tilespmem:$0x1FBF0] =	vst v63  }
0xa5: {  	_ = 	snop  }
0xa6: {  	[spmem:s2] =	stream.indirect.scatter.add.f32 [tilespmem:s17], [sflag:$0x8], $0x80, s24, s15, $0xb8;
	[tilespmem:$0x1FBF0] =	vst v63  }
0xa7: {  	_ =	swait.ge [sflag:s4], $0x3200  }
0xa8: {  	[sflag:s4] =	ssyncset.done $0x0  }
0xa9: {  	[sflag:s4] =	ssyncadd.s32 $0xFFFFCE00  }
0xaa: {  	_ =	swait.ge [sflag:s23], $0x640  }
.Ltmp3:
0xab: {  	[sflag:s23] =	ssyncset.done $0x0;
	(pc) =	sbr.rel @p1 .LBB2_9-.Ltmp3, $4  }
0xac: {  	[sflag:s23] =	ssyncadd.s32 $0xFFFFF9C0  }
0xad: {  	_ =	swait.ge [sflag:s23], $0x640  }
0xae: {  	[sflag:s23] =	ssyncset.done $0x0  }
0xaf: {  	[sflag:s23] =	ssyncadd.s32 $0xFFFFF9C0  }
0xb0: {  	s0 =	sadd.s32 s31, s13  }
0xb1: {  	s0 =	sadd.s32 $0x149E, s0  }
0xb2: {  	[tilespmem:s14], [sflag:$0x6] =	stream.linear.gather [hbm4b:s0+s6], $0xD0, $0x38;
	[tilespmem:$0x1FBF0] =	vst v63  }
.Ltmp4:
0xb3: {  	_ = 	snop;
	(pc) =	sbr.rel .LBB2_7-.Ltmp4, $4  }
0xb4: {  	_ =	swait.ge [sflag:s25], $0xD0  }
0xb5: {  	[sflag:s25] =	ssyncset.done $0x0  }
0xb6: {  	s31 =	sadd.s32 $0x68, s31;
	[sflag:s25] =	ssyncadd.s32 $0xFFFFFF30  }
0xb7: {  	[tilespmem:s17], [sflag:$0x2] =	stream.indirect.gather [hbm4b:s1+s15], $0x80, s11, s15, $0xb8;
	[tilespmem:$0x1FBF0] =	vst v63  }
.LBB2_2:
0xb8: {  	s0 =	rddreg [dreg:$0x13]  }
0xb9: {  	s31 =	rddreg [dreg:$0x6];
	s8 =	sshrl.u32 s0, $0x3  }
0xba: {  	[dreg:$0x1d] =	wrdreg s8  }
0xbb: {  	[spmem:s8], [sflag:s29] =	dma.local [hbm:s31], $0x2710  }
0xbc: {  	_ =	swait.ge [sflag:s4], $0x2710  }
0xbd: {  	[sflag:s4] =	ssyncset.done $0x0;
	s8 =	rddreg [dreg:$0x17]  }
0xbe: {  	s31 =	rddreg [dreg:$0x7];
	[sflag:s4] =	ssyncadd.s32 $0xFFFFD8F0;
	s26 =	sshrl.u32 s8, $0x3  }
0xbf: {  	[spmem:s26], [sflag:s29] =	dma.local [hbm:s31], $0x4E2  }
0xc0: {  	_ =	swait.ge [sflag:s4], $0x4E2  }
0xc1: {  	[sflag:s4] =	ssyncset.done $0x0  }
0xc2: {  	s8 =	rddreg [dreg:$0x10];
	[sflag:s4] =	ssyncadd.s32 $0xFFFFFB1E  }
0xc3: {  	[tilespmem:s10], [sflag:$0x8] =	stream.linear.gather [hbm4b:s8+s6], $0x640, $0x38;
	[tilespmem:$0x1FBF0] =	vst v63  }
0xc4: {  	_ =	swait.ge [sflag:s4], $0x640  }
0xc5: {  	[sflag:s4] =	ssyncset.done $0x0  }
0xc6: {  	[sflag:s4] =	ssyncadd.s32 $0xFFFFF9C0  }
0xc7: {  	[tilespmem:s6], [sflag:$0x8] =	stream.linear.gather [hbm4b:s9+s6], $0xD0, $0x38;
	[tilespmem:$0x1FBF0] =	vst v63  }
0xc8: {  	_ =	swait.ge [sflag:s4], $0xD0  }
0xc9: {  	[sflag:s4] =	ssyncset.done $0x0  }
0xca: {  	s26 =	rddreg [dreg:$0x8];
	[sflag:s4] =	ssyncadd.s32 $0xFFFFFF30  }
0xcb: {  	[tilespmem:s11], [sflag:$0x8] =	stream.linear.gather [hbm4b:s26+s6], $0xD0, $0x38;
	[tilespmem:$0x1FBF0] =	vst v63  }
0xcc: {  	_ =	swait.ge [sflag:s4], $0xD0  }
0xcd: {  	[sflag:s4] =	ssyncset.done $0x0  }
0xce: {  	s29 =	rddreg [dreg:$0x9];
	[sflag:s4] =	ssyncadd.s32 $0xFFFFFF30  }
0xcf: {  	[tilespmem:s12], [sflag:$0x5] =	stream.linear.gather [hbm4b:s29+s6], $0xD0, $0x38;
	[tilespmem:$0x1FBF0] =	vst v63  }
0xd0: {  	s31 =	rddreg [dreg:$0xa]  }
0xd1: {  	[tilespmem:s14], [sflag:$0x6] =	stream.linear.gather [hbm4b:s31+s6], $0xD0, $0x38;
	[tilespmem:$0x1FBF0] =	vst v63  }
0xd2: {  	_ = 	snop  }
0xd3: {  	[tilespmem:s16], [sflag:$0x1] =	stream.indirect.gather [hbm4b:s1+s15], $0x80, s6, s15, $0xb8;
	[tilespmem:$0x1FBF0] =	vst v63  }
0xd4: {  	_ = 	snop  }
0xd5: {  	[tilespmem:s17], [sflag:$0x2] =	stream.indirect.gather [hbm4b:s1+s15], $0x80, s11, s15, $0xb8;
	[tilespmem:$0x1FBF0] =	vst v63  }
0xd6: {  	s26 =	simm.s32 $0xFFFFEC18;
	[bflag:$0x0] =	sbarrier.arrive $0xFFFF  }
.LBB2_3:
0xd7: {  	_ =	swait.ge [sflag:s18], $0x3200  }
0xd8: {  	[sflag:s18] =	ssyncset.done $0x0  }
0xd9: {  	[sflag:s18] =	ssyncadd.s32 $0xFFFFCE00  }
0xda: {  	[spmem:s3] =	stream.indirect.scatter.add.f32 [tilespmem:s10], [sflag:$0x7], $0x10, s22, s15, $0xb8;
	[tilespmem:$0x1FBF0] =	vst v63  }
0xdb: {  	_ = 	snop  }
0xdc: {  	[spmem:s2] =	stream.indirect.scatter.add.f32 [tilespmem:s16], [sflag:$0x8], $0x80, s22, s15, $0xb8;
	[tilespmem:$0x1FBF0] =	vst v63  }
0xdd: {  	_ =	swait.ge [sflag:s4], $0x3200  }
0xde: {  	[sflag:s4] =	ssyncset.done $0x0  }
0xdf: {  	[sflag:s4] =	ssyncadd.s32 $0xFFFFCE00  }
0xe0: {  	p1 =	seq.s32 s26, $0x0;
	_ =	swait.ge [sflag:s23], $0x640  }
0xe1: {  	s8 =	sadd.s32 @!p1 s26, s9;
	[sflag:s23] =	ssyncset.done $0x0  }
0xe2: {  	s0 =	simm.s32 @!p1 $0x0;
	s29 =	sadd.s32 @!p1 $0x1450, s8;
	[sflag:s23] =	ssyncadd.s32 $0xFFFFF9C0  }
0xe3: {  	[tilespmem:s0], [sflag:$0x3] =	stream.linear.gather @!p1 [hbm4b:s29+s0], $0xD0, $0x38;
	[tilespmem:$0x1FBF0] =	vst v63  }
0xe4: {  	_ =	swait.ge [sflag:s20], $0xD0  }
0xe5: {  	[sflag:s20] =	ssyncset.done $0x0  }
0xe6: {  	[sflag:s20] =	ssyncadd.s32 $0xFFFFFF30  }
0xe7: {  	[tilespmem:s16], [sflag:$0x1] =	stream.indirect.gather [hbm4b:s1+s15], $0x80, s12, s15, $0xb8;
	[tilespmem:$0x1FBF0] =	vst v63  }
0xe8: {  	_ =	swait.ge [sflag:s21], $0x3200  }
0xe9: {  	[sflag:s21] =	ssyncset.done $0x0  }
0xea: {  	[sflag:s21] =	ssyncadd.s32 $0xFFFFCE00  }
0xeb: {  	[spmem:s3] =	stream.indirect.scatter.add.f32 [tilespmem:s10], [sflag:$0x7], $0x10, s30, s15, $0xb8;
	[tilespmem:$0x1FBF0] =	vst v63  }
0xec: {  	_ = 	snop  }
0xed: {  	[spmem:s2] =	stream.indirect.scatter.add.f32 [tilespmem:s17], [sflag:$0x8], $0x80, s30, s15, $0xb8;
	[tilespmem:$0x1FBF0] =	vst v63  }
0xee: {  	_ =	swait.ge [sflag:s4], $0x3200  }
0xef: {  	[sflag:s4] =	ssyncset.done $0x0  }
0xf0: {  	[sflag:s4] =	ssyncadd.s32 $0xFFFFCE00  }
0xf1: {  	_ =	swait.ge [sflag:s23], $0x640  }
0xf2: {  	[sflag:s23] =	ssyncset.done $0x0  }
0xf3: {  	s31 =	simm.s32 @!p1 $0xD0;
	s29 =	sadd.s32 @!p1 $0x146A, s8;
	[sflag:s23] =	ssyncadd.s32 $0xFFFFF9C0  }
0xf4: {  	[tilespmem:s31], [sflag:$0x4] =	stream.linear.gather @!p1 [hbm4b:s29+s0], $0xD0, $0x38;
	[tilespmem:$0x1FBF0] =	vst v63  }
0xf5: {  	_ =	swait.ge [sflag:s7], $0xD0  }
0xf6: {  	[sflag:s7] =	ssyncset.done $0x0  }
0xf7: {  	[sflag:s7] =	ssyncadd.s32 $0xFFFFFF30  }
0xf8: {  	[tilespmem:s17], [sflag:$0x2] =	stream.indirect.gather [hbm4b:s1+s15], $0x80, s14, s15, $0xb8;
	[tilespmem:$0x1FBF0] =	vst v63  }
0xf9: {  	_ =	swait.ge [sflag:s18], $0x3200  }
0xfa: {  	[sflag:s18] =	ssyncset.done $0x0  }
0xfb: {  	[sflag:s18] =	ssyncadd.s32 $0xFFFFCE00  }
0xfc: {  	[spmem:s3] =	stream.indirect.scatter.add.f32 [tilespmem:s10], [sflag:$0x7], $0x10, s19, s15, $0xb8;
	[tilespmem:$0x1FBF0] =	vst v63  }
0xfd: {  	_ = 	snop  }
0xfe: {  	[spmem:s2] =	stream.indirect.scatter.add.f32 [tilespmem:s16], [sflag:$0x8], $0x80, s19, s15, $0xb8;
	[tilespmem:$0x1FBF0] =	vst v63  }
0xff: {  	_ =	swait.ge [sflag:s4], $0x3200  }
0x100: {  	[sflag:s4] =	ssyncset.done $0x0  }
0x101: {  	[sflag:s4] =	ssyncadd.s32 $0xFFFFCE00  }
0x102: {  	_ =	swait.ge [sflag:s23], $0x640  }
0x103: {  	[sflag:s23] =	ssyncset.done $0x0  }
0x104: {  	s8 =	sadd.s32 @!p1 $0x1484, s8;
	s29 =	simm.s32 @!p1 $0x1A0;
	[sflag:s23] =	ssyncadd.s32 $0xFFFFF9C0  }
0x105: {  	[tilespmem:s29], [sflag:$0x5] =	stream.linear.gather @!p1 [hbm4b:s8+s0], $0xD0, $0x38;
	[tilespmem:$0x1FBF0] =	vst v63  }
0x106: {  	s8 =	simm.s32 @!p1 $0x3  }
0x107: {  	_ =	swait.ge @!p1 [sflag:s8], $0xD0  }
0x108: {  	[sflag:s8] =	ssyncset.done @!p1 $0x0  }
0x109: {  	s29 =	simm.s32 @!p1 $0x340;
	[sflag:s8] =	ssyncadd.s32 @!p1 $0xFFFFFF30;
	s8 =	simm.s32 @!p1 $0x64  }
0x10a: {  	[tilespmem:s29], [sflag:$0x1] =	stream.indirect.gather @!p1 [hbm4b:s1+s8], $0x80, s0, s8, $0xb8;
	[tilespmem:$0x1FBF0] =	vst v63  }
0x10b: {  	_ =	swait.ge [sflag:s21], $0x3200  }
0x10c: {  	[sflag:s21] =	ssyncset.done $0x0  }
0x10d: {  	[sflag:s21] =	ssyncadd.s32 $0xFFFFCE00  }
0x10e: {  	[spmem:s3] =	stream.indirect.scatter.add.f32 [tilespmem:s10], [sflag:$0x7], $0x10, s24, s15, $0xb8;
	[tilespmem:$0x1FBF0] =	vst v63  }
0x10f: {  	_ = 	snop  }
0x110: {  	[spmem:s2] =	stream.indirect.scatter.add.f32 [tilespmem:s17], [sflag:$0x8], $0x80, s24, s15, $0xb8;
	[tilespmem:$0x1FBF0] =	vst v63  }
0x111: {  	_ =	swait.ge [sflag:s4], $0x3200  }
.Ltmp5:
0x112: {  	[sflag:s4] =	ssyncset.done $0x0;
	(pc) =	sbr.rel @p1 .LBB2_5-.Ltmp5, $4  }
0x113: {  	[sflag:s4] =	ssyncadd.s32 $0xFFFFCE00  }
0x114: {  	_ =	swait.ge [sflag:s23], $0x640  }
0x115: {  	[sflag:s23] =	ssyncset.done $0x0  }
0x116: {  	[sflag:s23] =	ssyncadd.s32 $0xFFFFF9C0  }
0x117: {  	s0 =	sadd.s32 s26, s9  }
0x118: {  	s0 =	sadd.s32 $0x149E, s0  }
0x119: {  	[tilespmem:s14], [sflag:$0x6] =	stream.linear.gather [hbm4b:s0+s6], $0xD0, $0x38;
	[tilespmem:$0x1FBF0] =	vst v63  }
.Ltmp6:
0x11a: {  	_ = 	snop;
	(pc) =	sbr.rel .LBB2_3-.Ltmp6, $4  }
0x11b: {  	_ =	swait.ge [sflag:s25], $0xD0  }
0x11c: {  	[sflag:s25] =	ssyncset.done $0x0  }
0x11d: {  	s26 =	sadd.s32 $0x68, s26;
	[sflag:s25] =	ssyncadd.s32 $0xFFFFFF30  }
0x11e: {  	[tilespmem:s17], [sflag:$0x2] =	stream.indirect.gather [hbm4b:s1+s15], $0x80, s11, s15, $0xb8;
	[tilespmem:$0x1FBF0] =	vst v63  }
.LBB2_9:
0x11f: {  	[bflag:$0x0] =	sbarrier.arrive $0xFFFF  }
0x120: {  	s0 =	rddreg [dreg:$0x15]  }
0x121: {  	[tilespmem:s16], [sflag:$0x8] =	stream.linear.gather [spmem:s0], $0x3200, $0x38;
	[tilespmem:$0x1FBF0] =	vst v63  }
0x122: {  	_ =	swait.ge [sflag:s4], $0x3200  }
0x123: {  	[sflag:s4] =	ssyncset.done $0x0  }
0x124: {  	s8 =	rddreg [dreg:$0x1a];
	[sflag:s4] =	ssyncadd.s32 $0xFFFFCE00  }
0x125: {  	[tilespmem:s17], [sflag:$0x8] =	stream.linear.gather [spmem:s8], $0xC80, $0x38;
	[tilespmem:$0x1FBF0] =	vst v63  }
0x126: {  	_ =	swait.ge [sflag:s4], $0xC80  }
0x127: {  	[sflag:s4] =	ssyncset.done $0x0  }
0x128: {  	s8 =	simm.s32 $0x6D80;
	s26 =	rddreg [dreg:$0x16];
	[sflag:s4] =	ssyncadd.s32 $0xFFFFF380  }
0x129: {  	[tilespmem:s8], [sflag:$0x8] =	stream.linear.gather [spmem:s26], $0x7D0, $0x38;
	[tilespmem:$0x1FBF0] =	vst v63  }
0x12a: {  	_ =	swait.ge [sflag:s4], $0x7D0  }
0x12b: {  	[sflag:s4] =	ssyncset.done $0x0  }
0x12c: {  	s31 =	simm.s32 $0x0;
	[sflag:s4] =	ssyncadd.s32 $0xFFFFF830  }
0x12d: {  	v0 =	vld [tilespmem:s31+$0x6D80];
	_ =	sdelay $0x4  }
0x12e: {  	v0 =	vmax.f32 v0, $1.000000000e+00  }
0x12f: {  	(erf) = vrcp.f32 v0;
	_ =	sdelay $0x3  }
0x130: {  	s26 =	simm.s32 $0x380  }
0x131: {  	v58 =	vld [tilespmem:s26+$0xFFFFFFC0]  }
0x132: {  	v1 =	vld [tilespmem:s26+$0xFFFFFFD0]  }
0x133: {  	v2 =	vld [tilespmem:s26+$0xFFFFFFE0]  }
0x134: {  	v3 =	vld [tilespmem:s26+$0xFFFFFFF0]  }
0x135: {  	v4 =	vld [tilespmem:s26+$0x0];
	v5 =	vpop (erf)  }
0x136: {  	v6 =	vld [tilespmem:s26+$0x10];
	v0 =	vmul.f32 v5, v58  }
0x137: {  	v7 =	vld [tilespmem:s26+$0x20];
	v1 =	vmul.f32 v1, v5  }
0x138: {  	v8 =	vld [tilespmem:s26+$0x30];
	v2 =	vmul.f32 v2, v5;
	[tilespmem:s26+$0xFFFFFFC0] =	vst v0  }
0x139: {  	v59 =	vmul.f32 v3, v5;
	[tilespmem:s26+$0xFFFFFFD0] =	vst v1  }
0x13a: {  	v60 =	vmul.f32 v4, v5;
	[tilespmem:s26+$0xFFFFFFE0] =	vst v2  }
0x13b: {  	v61 =	vmul.f32 v6, v5;
	[tilespmem:s26+$0xFFFFFFF0] =	vst v59  }
0x13c: {  	v62 =	vmul.f32 v7, v5;
	[tilespmem:s26+$0x0] =	vst v60  }
0x13d: {  	v63 =	vmul.f32 v8, v5;
	[tilespmem:s26+$0x10] =	vst v61  }
0x13e: {  	[tilespmem:s26+$0x20] =	vst v62  }
0x13f: {  	s29 =	simm.s32 $0x80;
	s8 =	simm.s32 $0x10;
	[tilespmem:s26+$0x30] =	vst v63  }
.LBB2_10:
0x140: {  	p1 =	sne.s32 s29, $0x18C0;
	v0 =	vld [tilespmem:s8+$0x6D80];
	_ =	sdelay $0x4  }
0x141: {  	v0 =	vmax.f32 v0, $1.000000000e+00  }
0x142: {  	s26 =	sadd.s32 $0x80, s26;
	(erf) = vrcp.f32 v0  }
0x143: {  	v0 =	vld [tilespmem:s26+$0xFFFFFFF0]  }
0x144: {  	v1 =	vld [tilespmem:s26+$0x30]  }
0x145: {  	v2 =	vld [tilespmem:s26+$0x10]  }
0x146: {  	v3 =	vld [tilespmem:s26+$0xFFFFFFD0]  }
0x147: {  	v4 =	vld [tilespmem:s26+$0xFFFFFFC0]  }
0x148: {  	v5 =	vld [tilespmem:s26+$0xFFFFFFE0]  }
0x149: {  	v6 =	vld [tilespmem:s26+$0x0]  }
0x14a: {  	v7 =	vld [tilespmem:s26+$0x20]  }
0x14b: {  	v8 =	vpop (erf)  }
0x14c: {  	v4 =	vmul.f32 v8, v4;
	v3 =	vmul.f32 v3, v8  }
0x14d: {  	v0 =	vmul.f32 v0, v8;
	v5 =	vmul.f32 v5, v8  }
0x14e: {  	v2 =	vmul.f32 v2, v8;
	[tilespmem:s26+$0xFFFFFFC0] =	vst v4;
	v4 =	vmul.f32 v6, v8  }
0x14f: {  	v1 =	vmul.f32 v1, v8;
	[tilespmem:s26+$0xFFFFFFD0] =	vst v3;
	v3 =	vmul.f32 v7, v8  }
0x150: {  	[tilespmem:s26+$0xFFFFFFE0] =	vst v5  }
.Ltmp7:
0x151: {  	[tilespmem:s26+$0xFFFFFFF0] =	vst v0;
	(pc) =	sbr.rel @p1 .LBB2_10-.Ltmp7, $4  }
0x152: {  	[tilespmem:s26+$0x0] =	vst v4  }
0x153: {  	[tilespmem:s26+$0x10] =	vst v2  }
0x154: {  	[tilespmem:s26+$0x20] =	vst v3  }
0x155: {  	s8 =	sshra.s32 s29, $0x2;
	s29 =	sadd.s32 $0x40, s29;
	[tilespmem:s26+$0x30] =	vst v1  }
0x156: {  	v0 =	vld [tilespmem:s8+$0x6D80];
	_ =	sdelay $0x4  }
0x157: {  	v0 =	vmax.f32 v0, $1.000000000e+00  }
0x158: {  	(erf) = vrcp.f32 v0;
	_ =	sdelay $0x3  }
0x159: {  	s0 =	sadd.s32 $0x80, s26  }
0x15a: {  	v46 =	vld [tilespmem:s0+$0xFFFFFFC0]  }
0x15b: {  	v1 =	vld [tilespmem:s0+$0xFFFFFFD0]  }
0x15c: {  	v2 =	vld [tilespmem:s0+$0xFFFFFFE0]  }
0x15d: {  	v3 =	vld [tilespmem:s0+$0xFFFFFFF0]  }
0x15e: {  	v4 =	vld [tilespmem:s0+$0x0];
	v5 =	vpop (erf)  }
0x15f: {  	v6 =	vld [tilespmem:s0+$0x10];
	v0 =	vmul.f32 v5, v46  }
0x160: {  	v7 =	vld [tilespmem:s0+$0x20];
	v1 =	vmul.f32 v1, v5  }
0x161: {  	v8 =	vld [tilespmem:s0+$0x30];
	v2 =	vmul.f32 v2, v5;
	[tilespmem:s0+$0xFFFFFFC0] =	vst v0  }
0x162: {  	v47 =	vmul.f32 v3, v5;
	[tilespmem:s0+$0xFFFFFFD0] =	vst v1  }
0x163: {  	v48 =	vmul.f32 v4, v5;
	[tilespmem:s0+$0xFFFFFFE0] =	vst v2  }
0x164: {  	v49 =	vmul.f32 v6, v5;
	[tilespmem:s0+$0xFFFFFFF0] =	vst v47  }
0x165: {  	v50 =	vmul.f32 v7, v5;
	[tilespmem:s0+$0x0] =	vst v48  }
0x166: {  	v51 =	vmul.f32 v8, v5;
	[tilespmem:s0+$0x10] =	vst v49  }
0x167: {  	[tilespmem:s0+$0x20] =	vst v50  }
0x168: {  	[tilespmem:s0+$0x30] =	vst v51  }
0x169: {  	v0 =	vld [tilespmem:s31+$0x73C0];
	_ =	sdelay $0x4  }
0x16a: {  	v0 =	vmax.f32 v0, $1.000000000e+00  }
0x16b: {  	(erf) = vrcp.f32 v0;
	_ =	sdelay $0x3  }
0x16c: {  	s31 =	simm.s32 $0x3580  }
0x16d: {  	v52 =	vld [tilespmem:s31+$0xFFFFFFC0]  }
0x16e: {  	v1 =	vld [tilespmem:s31+$0xFFFFFFD0]  }
0x16f: {  	v2 =	vld [tilespmem:s31+$0xFFFFFFE0]  }
0x170: {  	v53 =	vld [tilespmem:s31+$0xFFFFFFF0]  }
0x171: {  	v54 =	vld [tilespmem:s31+$0x0];
	v55 =	vpop (erf)  }
0x172: {  	v56 =	vld [tilespmem:s31+$0x10];
	v0 =	vmul.f32 v55, v52  }
0x173: {  	v57 =	vld [tilespmem:s31+$0x20];
	v1 =	vmul.f32 v1, v55  }
0x174: {  	v58 =	vld [tilespmem:s31+$0x30];
	v2 =	vmul.f32 v2, v55;
	[tilespmem:s31+$0xFFFFFFC0] =	vst v0  }
0x175: {  	v59 =	vmul.f32 v53, v55;
	[tilespmem:s31+$0xFFFFFFD0] =	vst v1  }
0x176: {  	v60 =	vmul.f32 v54, v55;
	[tilespmem:s31+$0xFFFFFFE0] =	vst v2  }
0x177: {  	v61 =	vmul.f32 v56, v55;
	[tilespmem:s31+$0xFFFFFFF0] =	vst v59  }
0x178: {  	v62 =	vmul.f32 v57, v55;
	[tilespmem:s31+$0x0] =	vst v60  }
0x179: {  	v63 =	vmul.f32 v58, v55;
	[tilespmem:s31+$0x10] =	vst v61  }
0x17a: {  	[tilespmem:s31+$0x20] =	vst v62  }
0x17b: {  	s29 =	simm.s32 $0x10;
	s26 =	simm.s32 $0x80;
	[tilespmem:s31+$0x30] =	vst v63  }
.LBB2_12:
0x17c: {  	p1 =	sne.s32 s26, $0x600;
	v0 =	vld [tilespmem:s29+$0x73C0];
	_ =	sdelay $0x4  }
0x17d: {  	v0 =	vmax.f32 v0, $1.000000000e+00  }
0x17e: {  	s31 =	sadd.s32 $0x80, s31;
	(erf) = vrcp.f32 v0  }
0x17f: {  	v0 =	vld [tilespmem:s31+$0xFFFFFFF0]  }
0x180: {  	v1 =	vld [tilespmem:s31+$0x30]  }
0x181: {  	v2 =	vld [tilespmem:s31+$0x10]  }
0x182: {  	v3 =	vld [tilespmem:s31+$0xFFFFFFD0]  }
0x183: {  	v4 =	vld [tilespmem:s31+$0xFFFFFFC0]  }
0x184: {  	v5 =	vld [tilespmem:s31+$0xFFFFFFE0]  }
0x185: {  	v6 =	vld [tilespmem:s31+$0x0]  }
0x186: {  	v7 =	vld [tilespmem:s31+$0x20]  }
0x187: {  	v8 =	vpop (erf)  }
0x188: {  	v4 =	vmul.f32 v8, v4;
	v3 =	vmul.f32 v3, v8  }
0x189: {  	v0 =	vmul.f32 v0, v8;
	v5 =	vmul.f32 v5, v8  }
0x18a: {  	v2 =	vmul.f32 v2, v8;
	[tilespmem:s31+$0xFFFFFFC0] =	vst v4;
	v4 =	vmul.f32 v6, v8  }
0x18b: {  	v1 =	vmul.f32 v1, v8;
	[tilespmem:s31+$0xFFFFFFD0] =	vst v3;
	v3 =	vmul.f32 v7, v8  }
0x18c: {  	[tilespmem:s31+$0xFFFFFFE0] =	vst v5  }
.Ltmp8:
0x18d: {  	[tilespmem:s31+$0xFFFFFFF0] =	vst v0;
	(pc) =	sbr.rel @p1 .LBB2_12-.Ltmp8, $4  }
0x18e: {  	[tilespmem:s31+$0x0] =	vst v4  }
0x18f: {  	[tilespmem:s31+$0x10] =	vst v2  }
0x190: {  	[tilespmem:s31+$0x20] =	vst v3  }
0x191: {  	s29 =	sshra.s32 s26, $0x2;
	s26 =	sadd.s32 $0x40, s26;
	[tilespmem:s31+$0x30] =	vst v1  }
0x192: {  	v0 =	vld [tilespmem:s29+$0x73C0];
	_ =	sdelay $0x4  }
0x193: {  	v0 =	vmax.f32 v0, $1.000000000e+00  }
0x194: {  	(erf) = vrcp.f32 v0;
	_ =	sdelay $0x3  }
0x195: {  	s0 =	sadd.s32 $0x80, s31  }
0x196: {  	v58 =	vld [tilespmem:s0+$0xFFFFFFC0]  }
0x197: {  	v1 =	vld [tilespmem:s0+$0xFFFFFFD0]  }
0x198: {  	v2 =	vld [tilespmem:s0+$0xFFFFFFE0]  }
0x199: {  	v3 =	vld [tilespmem:s0+$0xFFFFFFF0]  }
0x19a: {  	v4 =	vld [tilespmem:s0+$0x0];
	v5 =	vpop (erf)  }
0x19b: {  	v6 =	vld [tilespmem:s0+$0x10];
	v0 =	vmul.f32 v5, v58  }
0x19c: {  	v7 =	vld [tilespmem:s0+$0x20];
	v1 =	vmul.f32 v1, v5  }
0x19d: {  	v8 =	vld [tilespmem:s0+$0x30];
	v2 =	vmul.f32 v2, v5;
	[tilespmem:s0+$0xFFFFFFC0] =	vst v0  }
0x19e: {  	v59 =	vmul.f32 v3, v5;
	[tilespmem:s0+$0xFFFFFFD0] =	vst v1  }
0x19f: {  	v60 =	vmul.f32 v4, v5;
	[tilespmem:s0+$0xFFFFFFE0] =	vst v2  }
0x1a0: {  	v61 =	vmul.f32 v6, v5;
	[tilespmem:s0+$0xFFFFFFF0] =	vst v59  }
0x1a1: {  	v62 =	vmul.f32 v7, v5;
	[tilespmem:s0+$0x0] =	vst v60  }
0x1a2: {  	v63 =	vmul.f32 v8, v5;
	[tilespmem:s0+$0x10] =	vst v61  }
0x1a3: {  	[tilespmem:s0+$0x20] =	vst v62  }
0x1a4: {  	s26 =	rddreg [dreg:$0xe];
	[tilespmem:s0+$0x30] =	vst v63  }
0x1a5: {  	[hbm4b:s26+s6] =	stream.linear.scatter [tilespmem:s16], [sflag:$0x8], $0x3200, $0x38;
	[tilespmem:$0x1FBF0] =	vst v63  }
0x1a6: {  	_ =	swait.ge [sflag:s4], $0x3200  }
0x1a7: {  	[sflag:s4] =	ssyncset.done $0x0  }
0x1a8: {  	s31 =	rddreg [dreg:$0xf];
	[sflag:s4] =	ssyncadd.s32 $0xFFFFCE00  }
0x1a9: {  	[hbm4b:s31+s6] =	stream.linear.scatter [tilespmem:s17], [sflag:$0x8], $0xC80, $0x38;
	[tilespmem:$0x1FBF0] =	vst v63  }
.Ltmp9:
0x1aa: {  	_ = 	snop;
	(pc) =	sbr.rel .LBB2_14-.Ltmp9, $4  }
0x1ab: {  	_ =	swait.ge [sflag:s4], $0xC80  }
0x1ac: {  	s8 =	rddreg [dreg:$0x12]  }
0x1ad: {  	[sflag:s4] =	ssyncset.done $0x0;
	s26 =	rddreg [dreg:$0x19]  }
0x1ae: {  	s29 =	rddreg [dreg:$0x1c];
	[sflag:s4] =	ssyncadd.s32 $0xFFFFF380  }
.LBB2_15:
0x1af: {  	_ =	sfence.sel $0x180000  }
0x1b0: {  	[bflag:$0x0] =	sbarrier.arrive $0xFFFF  }
0x1b1: {  	_ =	strace $0x90000047  }
0x1b2: {  	s0 =	stileid.u32;
	[bflag:$0x2] =	sbarrier.arrive $0xFFFF  }
0x1b3: {  	p0 =	sne.s32 s0, $0x0;
	s0 =	rddreg [dreg:$0x5]  }
0x1b4: {  	s0 =	sadd.s32 @!p0 $0x100000, s0  }
0x1b5: {  	[sflag:s0] =	ssyncadd.tile.s32 @!p0 $0x1;
	_ =	shalt  }
.Lfunc_end2:
_tile_overlayer_lowered:
.L_overlay_start_2:
0x1b6: {  	(tag) =	ssettag $0x2  }
0x1b7: {  	s0 =	rddreg [dreg:$0x0];
	s2 =	stileid.u32  }
0x1b8: {  	s1 =	rddreg [dreg:$0x1];
	p0 =	sne.s32 s2, $0x0  }
0x1b9: {  	s3 =	rddreg [dreg:$0x2];
	[bflag:$0x3] =	sbarrier.arrive $0xFFFF;
	s2 =	simm.s32 @!p0 $0x1C08  }
0x1ba: {  	[timem:s3], [sflag:s2] =	dma.local @!p0 [hbm:s0], s1  }
0x1bb: {  	s0 =	simm.s32 @!p0 $0x8  }
0x1bc: {  	_ =	swait.ge @!p0 [sflag:s0], s1  }
0x1bd: {  	s1 =	ssub.s32 @!p0 $0x0, s1;
	[sflag:s0] =	ssyncset.done @!p0 $0x0  }
0x1be: {  	[sflag:s0] =	ssyncadd.s32 @!p0 s1  }
0x1bf: {  	[bflag:$0x3] =	sbarrier.arrive $0xFFFF  }
0x1c0: {  	_ =	shalt  }

// kernel: kernel.9.cloned.1.call-start
scs
__scs_entry_jumppad:
0x0: {  	(pc) =	sbr.rel $0x88, $3  }
0x1: {  	(tag) =	ssettag $0x0;
	lr =	simm.s32 $0x1  }
0x2: {  	[smem:$0x3F98] =	sst lr;
	_ =	strace $0xD0000000  }
0x3: {  	_ = 	snop  }
0x4: {  	_ = 	snop  }
0x5: {  	_ = 	snop  }
0x6: {  	_ = 	snop  }
0x7: {  	_ = 	snop  }
__scs_overlays_trampoline_lowered:
0x8: {  	[smem:$0x3FA7] =	sst s0  }
0x9: {  	[smem:$0x3FA8] =	sst s1  }
0xa: {  	[smem:$0x3FA9] =	sst s2  }
0xb: {  	[smem:$0x3FAA] =	sst s3  }
0xc: {  	[smem:$0x3FAB] =	sst s4  }
0xd: {  	[smem:$0x3FAC] =	sst s5  }
0xe: {  	[smem:$0x3FAD] =	sst s6  }
0xf: {  	[smem:$0x3FAE] =	sst s7  }
0x10: {  	[smem:$0x3FAF] =	sst s8  }
0x11: {  	[smem:$0x3FB0] =	sst s9;
	s0 =	simm.s32 @!p0 $0x0  }
0x12: {  	s1 =	sld [smem:$0x3F96];
	s0 =	simm.s32 @p0 $0x1  }
0x13: {  	[smem:$0x3FB1] =	sst s0;
	s0 =	simm.s32 @!p1 $0x0  }
0x14: {  	s2 =	sld [smem:$0x3F95];
	s0 =	simm.s32 @p1 $0x1  }
0x15: {  	[smem:$0x3FB2] =	sst s0;
	s0 =	simm.s32 @!p2 $0x0  }
0x16: {  	s3 =	sld [smem:$0x3FDB];
	s0 =	simm.s32 @p2 $0x1  }
0x17: {  	s4 =	simm.s32 $0x1BF5;
	[smem:$0x3FB4] =	sst s0  }
0x18: {  	s0 =	sld [smem:$0x3F97];
	_ =	swait.ge [sflag:s4], $0x0  }
0x19: {  	s7 =	sld [smem:$0x3F98]  }
0x1a: {  	s8 =	sadd.s32 $0xFFFFE003, lr  }
0x1b: {  	s9 =	sadd.s32 $0xFFFFFEF7, lr;
	s5 =	simm.s32 $0xFFFFFFFF;
	p2 =	slt.u32 s8, $0xFFFFF086  }
0x1c: {  	p1 =	slt.u32 s9, $0xF7A;
	s5 =	simm.s32 @!p2 $0x0  }
0x1d: {  	s5 =	simm.s32 @p1 $0x1;
	p0 =	seq.s32 s7, s2  }
0x1e: {  	s7 =	smul.u32 @!p0 $0xF7A, s2;
	p2 =	seq.s32 @!p0 s5, $0x0  }
0x1f: {  	s9 =	smul.u32 $0xF7A, s1;
	s8 =	simm.s32 @!p0 $0x1BF5;
	p2 =	por !p2, p0  }
0x20: {  	[sflag:s8] =	ssyncset.s32 @!p0 $0xFFFFF086;
	s6 =	sadd.s32 @!p0 s3, s7;
	s7 =	simm.s32 @!p0 $0x108  }
0x21: {  	s3 =	sadd.s32 s3, s9;
	s6 =	sadd.s32 @!p0 $0x88, s6;
	s7 =	simm.s32 @p2 $0x1082  }
0x22: {  	[simem:s7], [sflag:s8] =	dma.local @!p0 [hbm:s6], $0xF7A  }
0x23: {  	s9 =	sor.u32 $0xD0000000, s2;
	s6 =	simm.s32 $0x108;
	_ =	swait.ge @!p0 [sflag:s8], $0x0  }
0x24: {  	s3 =	sadd.s32 $0x88, s3;
	s6 =	simm.s32 @!p1 $0x1082;
	[sflag:s4] =	ssyncset.s32 $0xFFFFF086  }
0x25: {  	[simem:s6], [sflag:s4] =	dma.local [hbm:s3], $0xF7A  }
0x26: {  	[smem:$0x3F98] =	sst s1;
	(tag) =	ssettag s2;
	_ =	strace s9  }
0x27: {  	s1 =	sld [smem:$0x3FA8]  }
0x28: {  	s2 =	sld [smem:$0x3FA9]  }
0x29: {  	s4 =	sld [smem:$0x3FAB]  }
0x2a: {  	p0 =	seq.s32 s5, $0x0;
	s5 =	sld [smem:$0x3FAC]  }
0x2b: {  	s6 =	sld [smem:$0x3FAD]  }
0x2c: {  	s7 =	sld [smem:$0x3FAE]  }
0x2d: {  	s3 =	simm.s32 $0x108;
	s8 =	sld [smem:$0x3FAF]  }
0x2e: {  	s3 =	simm.s32 @!p0 $0x1082;
	s9 =	sld [smem:$0x3FB0]  }
0x2f: {  	lr =	sadd.s32 s0, s3;
	s0 =	sld [smem:$0x3FA7]  }
0x30: {  	s3 =	sld [smem:$0x3FAA]  }
0x31: {  	[smem:$0x3FB3] =	sst s10  }
0x32: {  	s10 =	sld [smem:$0x3FB1];
	_ =	sdelay $0x3  }
0x33: {  	p0 =	seq.s32 s10, $0x1;
	s10 =	sld [smem:$0x3FB3];
	_ =	sdelay $0x3  }
0x34: {  	[smem:$0x3FB3] =	sst s10  }
0x35: {  	s10 =	sld [smem:$0x3FB2];
	_ =	sdelay $0x3  }
0x36: {  	p1 =	seq.s32 s10, $0x1;
	s10 =	sld [smem:$0x3FB3];
	_ =	sdelay $0x3  }
0x37: {  	[smem:$0x3FB3] =	sst s10  }
0x38: {  	s10 =	sld [smem:$0x3FB4]  }
0x39: {  	_ = 	snop;
	(pc) =	sbr.ind lr, $3  }
0x3a: {  	_ = 	snop  }
0x3b: {  	_ = 	snop  }
0x3c: {  	p2 =	seq.s32 s10, $0x1;
	s10 =	sld [smem:$0x3FB3]  }
0x3d: {  	_ =	shalt  }
0x3e: {  	_ =	shalt  }
0x3f: {  	_ =	shalt  }
0x40: {  	_ =	shalt  }
0x41: {  	_ =	shalt  }
0x42: {  	_ =	shalt  }
0x43: {  	_ =	shalt  }
0x44: {  	_ =	shalt  }
0x45: {  	_ =	shalt  }
0x46: {  	_ =	shalt  }
0x47: {  	_ =	shalt  }
0x48: {  	_ =	shalt  }
0x49: {  	_ =	shalt  }
0x4a: {  	_ =	shalt  }
0x4b: {  	_ =	shalt  }
0x4c: {  	_ =	shalt  }
0x4d: {  	_ =	shalt  }
0x4e: {  	_ =	shalt  }
0x4f: {  	_ =	shalt  }
0x50: {  	_ =	shalt  }
0x51: {  	_ =	shalt  }
0x52: {  	_ =	shalt  }
0x53: {  	_ =	shalt  }
0x54: {  	_ =	shalt  }
0x55: {  	_ =	shalt  }
0x56: {  	_ =	shalt  }
0x57: {  	_ =	shalt  }
0x58: {  	_ =	shalt  }
0x59: {  	_ =	shalt  }
0x5a: {  	_ =	shalt  }
0x5b: {  	_ =	shalt  }
0x5c: {  	_ =	shalt  }
0x5d: {  	_ =	shalt  }
0x5e: {  	_ =	shalt  }
0x5f: {  	_ =	shalt  }
0x60: {  	_ =	shalt  }
0x61: {  	_ =	shalt  }
0x62: {  	_ =	shalt  }
0x63: {  	_ =	shalt  }
0x64: {  	_ =	shalt  }
0x65: {  	_ =	shalt  }
0x66: {  	_ =	shalt  }
0x67: {  	_ =	shalt  }
0x68: {  	_ =	shalt  }
0x69: {  	_ =	shalt  }
0x6a: {  	_ =	shalt  }
0x6b: {  	_ =	shalt  }
0x6c: {  	_ =	shalt  }
0x6d: {  	_ =	shalt  }
0x6e: {  	_ =	shalt  }
0x6f: {  	_ =	shalt  }
0x70: {  	_ =	shalt  }
0x71: {  	_ =	shalt  }
0x72: {  	_ =	shalt  }
0x73: {  	_ =	shalt  }
0x74: {  	_ =	shalt  }
0x75: {  	_ =	shalt  }
0x76: {  	_ =	shalt  }
0x77: {  	_ =	shalt  }
0x78: {  	_ =	shalt  }
0x79: {  	_ =	shalt  }
0x7a: {  	_ =	shalt  }
0x7b: {  	_ =	shalt  }
0x7c: {  	_ =	shalt  }
0x7d: {  	_ =	shalt  }
0x7e: {  	_ =	shalt  }
0x7f: {  	_ =	shalt  }
0x80: {  	_ =	shalt  }
0x81: {  	_ =	shalt  }
0x82: {  	_ =	shalt  }
0x83: {  	_ =	shalt  }
0x84: {  	_ =	shalt  }
0x85: {  	_ =	shalt  }
0x86: {  	_ =	shalt  }
0x87: {  	_ =	shalt  }
.Lfunc_end0:
.L_simem_size_0:
called_computation.1_lowered:
.L_overlay_start_0:
0x88: {  	s2 =	sld [smem:$0x3FD9]  }
0x89: {  	s3 =	sld [smem:$0x3FFE];
	_ =	sdelay $0x1  }
0x8a: {  	s1 =	srdreg.scid  }
0x8b: {  	s0 =	sand.u32 $0x1, s1  }
0x8c: {  	s16 =	sshll.u32 s0, $0xA;
	s2 =	sadd.s32 s3, s2  }
0x8d: {  	s2 =	sadd.s32 s2, s16  }
0x8e: {  	[smem:$0x3FBF] =	sst s2  }
0x8f: {  	_ = 	snop  }
0x90: {  	(tm) =	ssettm $0x1  }
0x91: {  	s17 =	sld [smem:$0x3FFB];
	_ =	sdelay $0x3  }
0x92: {  	_ =	strace s17  }
0x93: {  	s2 =	sld [smem:$0x3FFC];
	_ =	sdelay $0x3  }
0x94: {  	_ =	strace s2  }
0x95: {  	s2 =	sld [smem:$0x3FFD];
	_ =	sdelay $0x3  }
0x96: {  	_ =	strace s2  }
0x97: {  	_ =	strace $0x8FFFFFFF  }
0x98: {  	s18 =	sld [smem:$0x3FDB];
	_ =	sdelay $0x1  }
0x99: {  	s19 =	simm.s32 $_scs_section_size  }
0x9a: {  	s4 =	simm.s32 $_size__tile_overlayer_lowered;
	s5 =	simm.s32 $_tile_overlayer_lowered  }
0x9b: {  	s22 =	simm.s32 $0x1BFF;
	s21 =	sshll.u32 s5, $0x1;
	s2 =	sadd.s32 s19, s18  }
0x9c: {  	s6 =	simm.s32 $0x0;
	s20 =	sshll.u32 s4, $0x1;
	s4 =	sadd.s32 s21, s2  }
0x9d: {  	[timem:s6], [sflag:s22] =	dma.local [hbm:s4], s20  }
0x9e: {  	_ =	swait.ge [sflag:s22], s20  }
0x9f: {  	s3 =	ssub.s32 $0x0, s20;
	[sflag:s22] =	ssyncset.done $0x0  }
0xa0: {  	[sflag:s22] =	ssyncadd.s32 s3;
	_ =	sdelay $0x1  }
0xa1: {  	s23 =	simm.s32 $0x1B8B  }
0xa2: {  	_ =	swait.ge [sflag:s23], $0x1  }
0xa3: {  	[sflag:s23] =	ssyncset.done $0x0  }
0xa4: {  	s25 =	simm.s32 $0x1B8E;
	s24 =	sld [smem:$0x3FFE];
	[sflag:s23] =	ssyncadd.s32 $0xFFFFFFFF  }
0xa5: {  	s26 =	simm.s32 $execute0_lowered;
	[smem:$0x3FD2] =	sst s25  }
0xa6: {  	s4 =	sshll.u32 s26, $0x1;
	_ =	strace $0x80000049;
	[dreg:$0x1] =	wrdreg $0xFFFFFFFF  }
0xa7: {  	s28 =	simm.s32 $_size_execute0_lowered;
	s2 =	sadd.s32 s2, s4;
	[dreg:$0x0] =	wrdreg $0x0  }
0xa8: {  	s4 =	sshll.u32 s28, $0x1;
	[dreg:$0x2] =	wrdreg s2  }
0xa9: {  	[dreg:$0x3] =	wrdreg s4  }
0xaa: {  	[dreg:$0x4] =	wrdreg $0xC0  }
0xab: {  	_ =	task [dreg:s6], $0x5FFFF  }
0xac: {  	[dreg:$0x1] =	wrdreg $0xFFFFFFFF  }
0xad: {  	[dreg:$0x0] =	wrdreg $0x60  }
0xae: {  	[dreg:$0x2] =	wrdreg s24  }
0xaf: {  	[dreg:$0x3] =	wrdreg $0x67400  }
0xb0: {  	[dreg:$0x4] =	wrdreg $0x9  }
0xb1: {  	_ =	task.clear_ibuf [dreg:s6], $0x5FFFF;
	_ =	strace $0x90000049  }
0xb2: {  	s29 =	simm.s32 $0x9;
	_ =	strace $0x8000004B  }
0xb3: {  	_ =	swait.ge [sflag:s29], $0x1  }
0xb4: {  	[sflag:s29] =	ssyncadd.s32 $0xFFFFFFFF  }
0xb5: {  	_ =	strace $0x9000004B  }
0xb6: {  	_ =	sfence  }
0xb7: {  	s30 =	sld [smem:$0x0];
	_ =	sdelay $0x2  }
0xb8: {  	s31 =	sshll.u32 s1, $0xD;
	s1 =	sshrl.u32 s1, $0x2  }
0xb9: {  	s3 =	sand.u32 $0x4000, s31;
	s1 =	sadd.s32 s1, s30  }
0xba: {  	s0 =	sor.u32 s3, s0;
	s1 =	sshll.u32 s1, $0x11  }
0xbb: {  	s0 =	sor.u32 s1, s0  }
0xbc: {  	s0 =	sadd.s32 $0x8F2B, s0  }
0xbd: {  	[sflag:s0] =	ssyncadd.remote.s32 $0x1  }
0xbe: {  	_ =	sfence.sel $0xFFFF  }
0xbf: {  	[dreg:$0x0] =	wrdreg $0xFFFFFFFF;
	(pc) =	sbr.abs _section_cstart, $3  }
0xc0: {  	[dreg:$0x1] =	wrdreg $0xFFFFFFFF  }
0xc1: {  	_ =	task.clear_ibuf [dreg:s6], $0x2FFFF;
	_ =	strace $0x9FFFFFFF  }
0xc2: {  	(tm) =	ssettm $0x7FFFFFFF  }
0xc3: {  	_ =	shalt  }
tec
execute0_lowered:
.L_overlay_start_1:
0x0: {  	(tag) =	ssettag $0x1  }
0x1: {  	s0 =	rddreg [dreg:$0x0]  }
0x2: {  	s2 =	rddreg [dreg:$0x1]  }
0x3: {  	s1 =	srdreg.scid;
	s11 =	stileid.u32  }
0x4: {  	s3 =	simm.s32 $0x0;
	s28 =	simm.s32 $0x68;
	s29 =	simm.s32 $0x5  }
0x5: {  	s30 =	simm.s32 $0x2;
	s31 =	simm.s32 $0x138;
	s1 =	sand.u32 $0x1, s1  }
0x6: {  	s6 =	smul.u32 $0x13880, s11;
	[smem:$0x7FF] =	sst s3;
	s8 =	sadd.s32 $0x2B800, s0  }
0x7: {  	s14 =	sshll.u32 s11, $0x1;
	s16 =	sshll.u32 s11, $0x6;
	s11 =	smul.u32 $0xA280, s11  }
0x8: {  	s7 =	smul.u32 $0x138800, s1;
	_ =	strace $0x8000004A;
	[dreg:$0x3] =	wrdreg s8  }
0x9: {  	s9 =	ssub.s32 $0x2, s1;
	s8 =	sor.u32 s1, s14;
	s1 =	smul.u32 $0x5140, s1  }
0xa: {  	s4 =	sadd.s32 $0x38000, s0;
	s5 =	sadd.s32 $0x67000, s0;
	s10 =	smul.u32 $0x5140, s8  }
0xb: {  	s12 =	sor.u32 $0x1C07, s16;
	s15 =	sshrl.u32 s9, $0x1;
	s8 =	smul.u32 $0xA28, s8  }
0xc: {  	s7 =	sadd.s32 s6, s7;
	s9 =	ssub.s32 s9, s15;
	s6 =	sadd.s32 s6, s2  }
0xd: {  	s21 =	sadd.s32 s1, s11;
	s7 =	sshrl.u32 s7, $0x3;
	s10 =	sshrl.u32 s10, $0x3  }
0xe: {  	s17 =	sadd.s32 s5, s8;
	s22 =	smax.u32 s9, $0x1;
	s23 =	sadd.s32 $0x5B0, s21  }
0xf: {  	s24 =	sadd.s32 $0x4E0, s21;
	s25 =	sadd.s32 $0x410, s21;
	s11 =	sshrl.u32 s6, $0x3  }
0x10: {  	s6 =	simm.s32 $0x2D8;
	s9 =	simm.s32 $0x4;
	[dreg:$0x4] =	wrdreg s17  }
0x11: {  	s0 =	sadd.s32 s7, s0;
	s10 =	sadd.s32 s5, s10;
	[dreg:$0x9] =	wrdreg s22  }
0x12: {  	s1 =	sshrl.u32 s23, $0x3;
	s8 =	sshrl.u32 s24, $0x3;
	s26 =	sshrl.u32 s25, $0x3  }
0x13: {  	s22 =	simm.s32 $0x270;
	s23 =	simm.s32 $0x64;
	s24 =	simm.s32 $0x340  }
0x14: {  	s25 =	simm.s32 $0x3540;
	[dreg:$0xb] =	wrdreg s11;
	s18 =	sadd.s32 $0x1A, s10  }
0x15: {  	s19 =	sadd.s32 $0x34, s10;
	s20 =	sadd.s32 $0x4E, s10;
	s0 =	sadd.s32 $0x7B600, s0  }
0x16: {  	s14 =	sadd.s32 s1, s5;
	s15 =	sadd.s32 s8, s5;
	[dreg:$0x5] =	wrdreg s18  }
.Ltmp0:
0x17: {  	s16 =	sadd.s32 s26, s5;
	[dreg:$0x6] =	wrdreg s19;
	(pc) =	sbr.rel .LBB2_1-.Ltmp0, $4  }
0x18: {  	s26 =	simm.s32 $0x1;
	s1 =	simm.s32 $0x208;
	[dreg:$0x7] =	wrdreg s20  }
0x19: {  	s8 =	simm.s32 $0x3;
	s10 =	simm.s32 $0x0;
	[dreg:$0x8] =	wrdreg s0  }
0x1a: {  	s0 =	sadd.s32 $0x340, s21;
	s19 =	simm.s32 $0x7;
	s20 =	simm.s32 $0xD0  }
0x1b: {  	s21 =	simm.s32 $0x1A0;
	[dreg:$0xa] =	wrdreg s0;
	s0 =	simm.s32 $0x6  }
.LBB2_4:
0x1c: {  	_ =	swait.ge [sflag:s30], $0x3200  }
0x1d: {  	[sflag:s30] =	ssyncset.done $0x0  }
0x1e: {  	[sflag:s30] =	ssyncadd.s32 $0xFFFFCE00  }
0x1f: {  	[spmem:s2] =	stream.indirect.scatter.add.f32 [tilespmem:s25], [sflag:$0x7], $0x80, s6, s23, $0xb8;
	[tilespmem:$0x19FC0] =	vst v63  }
0x20: {  	_ =	swait.ge [sflag:s19], $0x3200  }
0x21: {  	[sflag:s19] =	ssyncset.done $0x0  }
0x22: {  	[sflag:s19] =	ssyncadd.s32 $0xFFFFCE00  }
0x23: {  	[bflag:$0x0] =	sbarrier.arrive $0xFFFF  }
0x24: {  	s7 =	rddreg [dreg:$0x8]  }
0x25: {  	s11 =	rddreg [dreg:$0xb]  }
0x26: {  	[hbm:s7], [sflag:s18] =	dma.local [spmem:s11], $0x2710  }
0x27: {  	_ =	swait.ge [sflag:s19], $0x2710  }
0x28: {  	s12 =	smov.u32 s18;
	s10 =	sadd.s32 $0x1, s10;
	s18 =	rddreg [dreg:$0x9]  }
0x29: {  	p0 =	sne.s32 s10, s18  }
.Ltmp1:
0x2a: {  	_ = 	snop;
	(pc) =	sbr.rel @!p0 .LBB2_5-.Ltmp1, $3  }
0x2b: {  	_ =	sdelay $0x1  }
0x2c: {  	[sflag:s19] =	ssyncset.done $0x0  }
0x2d: {  	[sflag:s19] =	ssyncadd.s32 $0xFFFFD8F0  }
.LBB2_1:
0x2e: {  	s7 =	rddreg [dreg:$0x3]  }
0x2f: {  	[spmem:s11], [sflag:s12] =	dma.local [hbm:s7], $0x2710  }
0x30: {  	_ =	swait.ge [sflag:s19], $0x2710  }
0x31: {  	[sflag:s19] =	ssyncset.done $0x0  }
0x32: {  	s11 =	rddreg [dreg:$0x4];
	[sflag:s19] =	ssyncadd.s32 $0xFFFFD8F0  }
0x33: {  	[tilespmem:s3], [sflag:$0x7] =	stream.linear.gather [hbm4b:s11+s3], $0xD0, $0x38;
	[tilespmem:$0x19FC0] =	vst v63  }
0x34: {  	_ =	swait.ge [sflag:s19], $0xD0  }
0x35: {  	[sflag:s19] =	ssyncset.done $0x0  }
0x36: {  	s18 =	smov.u32 s12;
	s12 =	rddreg [dreg:$0x5];
	[sflag:s19] =	ssyncadd.s32 $0xFFFFFF30  }
0x37: {  	[tilespmem:s20], [sflag:$0x7] =	stream.linear.gather [hbm4b:s12+s3], $0xD0, $0x38;
	[tilespmem:$0x19FC0] =	vst v63  }
0x38: {  	_ =	swait.ge [sflag:s19], $0xD0  }
0x39: {  	[sflag:s19] =	ssyncset.done $0x0  }
0x3a: {  	s13 =	rddreg [dreg:$0x6];
	[sflag:s19] =	ssyncadd.s32 $0xFFFFFF30  }
0x3b: {  	[tilespmem:s21], [sflag:$0x5] =	stream.linear.gather [hbm4b:s13+s3], $0xD0, $0x38;
	[tilespmem:$0x19FC0] =	vst v63  }
0x3c: {  	s17 =	rddreg [dreg:$0x7]  }
0x3d: {  	[tilespmem:s22], [sflag:$0x6] =	stream.linear.gather [hbm4b:s17+s3], $0xD0, $0x38;
	[tilespmem:$0x19FC0] =	vst v63  }
0x3e: {  	_ = 	snop  }
0x3f: {  	[tilespmem:s24], [sflag:$0x1] =	stream.indirect.gather [hbm4b:s4+s23], $0x80, s3, s23, $0xb8;
	[tilespmem:$0x19FC0] =	vst v63  }
0x40: {  	_ = 	snop  }
0x41: {  	[tilespmem:s25], [sflag:$0x2] =	stream.indirect.gather [hbm4b:s4+s23], $0x80, s20, s23, $0xb8;
	[tilespmem:$0x19FC0] =	vst v63  }
0x42: {  	[bflag:$0x0] =	sbarrier.arrive $0xFFFF  }
0x43: {  	s12 =	simm.s32 $0x0;
	s17 =	rddreg [dreg:$0xa]  }
.LBB2_2:
0x44: {  	_ =	swait.ge [sflag:s26], $0x3200  }
0x45: {  	[sflag:s26] =	ssyncset.done $0x0  }
0x46: {  	[sflag:s26] =	ssyncadd.s32 $0xFFFFCE00  }
0x47: {  	[spmem:s2] =	stream.indirect.scatter.add.f32 [tilespmem:s24], [sflag:$0x7], $0x80, s28, s23, $0xb8;
	[tilespmem:$0x19FC0] =	vst v63  }
0x48: {  	p0 =	seq.s32 s12, $0x9C0;
	_ =	swait.ge [sflag:s19], $0x3200  }
0x49: {  	s13 =	sshrl.u32 @!p0 s17, $0x3;
	[sflag:s19] =	ssyncset.done $0x0  }
0x4a: {  	s11 =	simm.s32 @!p0 $0x0;
	s13 =	sadd.s32 @!p0 s5, s13;
	[sflag:s19] =	ssyncadd.s32 $0xFFFFCE00  }
0x4b: {  	[tilespmem:s11], [sflag:$0x3] =	stream.linear.gather @!p0 [hbm4b:s13+s11], $0xD0, $0x38;
	[tilespmem:$0x19FC0] =	vst v63  }
0x4c: {  	_ =	swait.ge [sflag:s29], $0xD0  }
0x4d: {  	[sflag:s29] =	ssyncset.done $0x0  }
0x4e: {  	[sflag:s29] =	ssyncadd.s32 $0xFFFFFF30  }
0x4f: {  	[tilespmem:s24], [sflag:$0x1] =	stream.indirect.gather [hbm4b:s4+s23], $0x80, s21, s23, $0xb8;
	[tilespmem:$0x19FC0] =	vst v63  }
0x50: {  	_ =	swait.ge [sflag:s30], $0x3200  }
0x51: {  	[sflag:s30] =	ssyncset.done $0x0  }
0x52: {  	[sflag:s30] =	ssyncadd.s32 $0xFFFFCE00  }
0x53: {  	[spmem:s2] =	stream.indirect.scatter.add.f32 [tilespmem:s25], [sflag:$0x7], $0x80, s31, s23, $0xb8;
	[tilespmem:$0x19FC0] =	vst v63  }
0x54: {  	_ =	swait.ge [sflag:s19], $0x3200  }
0x55: {  	[sflag:s19] =	ssyncset.done $0x0  }
0x56: {  	s7 =	simm.s32 @!p0 $0xD0;
	s13 =	sadd.s32 @!p0 s12, s16;
	[sflag:s19] =	ssyncadd.s32 $0xFFFFCE00  }
0x57: {  	[tilespmem:s7], [sflag:$0x4] =	stream.linear.gather @!p0 [hbm4b:s13+s11], $0xD0, $0x38;
	[tilespmem:$0x19FC0] =	vst v63  }
0x58: {  	_ =	swait.ge [sflag:s0], $0xD0  }
0x59: {  	[sflag:s0] =	ssyncset.done $0x0  }
0x5a: {  	[sflag:s0] =	ssyncadd.s32 $0xFFFFFF30  }
0x5b: {  	[tilespmem:s25], [sflag:$0x2] =	stream.indirect.gather [hbm4b:s4+s23], $0x80, s22, s23, $0xb8;
	[tilespmem:$0x19FC0] =	vst v63  }
0x5c: {  	_ =	swait.ge [sflag:s26], $0x3200  }
0x5d: {  	[sflag:s26] =	ssyncset.done $0x0  }
.Ltmp2:
0x5e: {  	[sflag:s26] =	ssyncadd.s32 $0xFFFFCE00;
	(pc) =	sbr.rel @p0 .LBB2_4-.Ltmp2, $4  }
0x5f: {  	[spmem:s2] =	stream.indirect.scatter.add.f32 [tilespmem:s24], [sflag:$0x7], $0x80, s1, s23, $0xb8;
	[tilespmem:$0x19FC0] =	vst v63  }
0x60: {  	_ =	swait.ge [sflag:s19], $0x3200  }
0x61: {  	[sflag:s19] =	ssyncset.done $0x0  }
0x62: {  	[sflag:s19] =	ssyncadd.s32 $0xFFFFCE00  }
0x63: {  	s7 =	sadd.s32 s12, s15  }
0x64: {  	[tilespmem:s21], [sflag:$0x5] =	stream.linear.gather [hbm4b:s7+s3], $0xD0, $0x38;
	[tilespmem:$0x19FC0] =	vst v63  }
0x65: {  	_ =	swait.ge [sflag:s8], $0xD0  }
0x66: {  	[sflag:s8] =	ssyncset.done $0x0  }
0x67: {  	[sflag:s8] =	ssyncadd.s32 $0xFFFFFF30  }
0x68: {  	[tilespmem:s24], [sflag:$0x1] =	stream.indirect.gather [hbm4b:s4+s23], $0x80, s3, s23, $0xb8;
	[tilespmem:$0x19FC0] =	vst v63  }
0x69: {  	_ =	swait.ge [sflag:s30], $0x3200  }
0x6a: {  	[sflag:s30] =	ssyncset.done $0x0  }
0x6b: {  	[sflag:s30] =	ssyncadd.s32 $0xFFFFCE00  }
0x6c: {  	[spmem:s2] =	stream.indirect.scatter.add.f32 [tilespmem:s25], [sflag:$0x7], $0x80, s6, s23, $0xb8;
	[tilespmem:$0x19FC0] =	vst v63  }
0x6d: {  	_ =	swait.ge [sflag:s19], $0x3200  }
0x6e: {  	[sflag:s19] =	ssyncset.done $0x0  }
0x6f: {  	s13 =	sadd.s32 s12, s14;
	[sflag:s19] =	ssyncadd.s32 $0xFFFFCE00  }
0x70: {  	[tilespmem:s22], [sflag:$0x6] =	stream.linear.gather [hbm4b:s13+s3], $0xD0, $0x38;
	[tilespmem:$0x19FC0] =	vst v63  }
.Ltmp3:
0x71: {  	_ = 	snop;
	(pc) =	sbr.rel .LBB2_2-.Ltmp3, $4  }
0x72: {  	_ =	swait.ge [sflag:s9], $0xD0  }
0x73: {  	[sflag:s9] =	ssyncset.done $0x0  }
0x74: {  	s12 =	sadd.s32 $0x68, s12;
	s17 =	sadd.s32 $0x340, s17;
	[sflag:s9] =	ssyncadd.s32 $0xFFFFFF30  }
0x75: {  	[tilespmem:s25], [sflag:$0x2] =	stream.indirect.gather [hbm4b:s4+s23], $0x80, s20, s23, $0xb8;
	[tilespmem:$0x19FC0] =	vst v63  }
.LBB2_5:
0x76: {  	_ =	sfence.sel $0x180000  }
0x77: {  	[bflag:$0x0] =	sbarrier.arrive $0xFFFF  }
0x78: {  	_ =	strace $0x9000004A  }
0x79: {  	s0 =	stileid.u32;
	[bflag:$0x2] =	sbarrier.arrive $0xFFFF  }
0x7a: {  	p0 =	sne.s32 s0, $0x0;
	s0 =	rddreg [dreg:$0x2]  }
0x7b: {  	s0 =	sadd.s32 @!p0 $0x100000, s0  }
0x7c: {  	[sflag:s0] =	ssyncadd.tile.s32 @!p0 $0x1;
	_ =	shalt  }
.Lfunc_end2:
_tile_overlayer_lowered:
.L_overlay_start_2:
0x7d: {  	(tag) =	ssettag $0x2  }
0x7e: {  	s0 =	rddreg [dreg:$0x0];
	s2 =	stileid.u32  }
0x7f: {  	s1 =	rddreg [dreg:$0x1];
	p0 =	sne.s32 s2, $0x0  }
0x80: {  	s3 =	rddreg [dreg:$0x2];
	[bflag:$0x3] =	sbarrier.arrive $0xFFFF;
	s2 =	simm.s32 @!p0 $0x1C07  }
0x81: {  	[timem:s3], [sflag:s2] =	dma.local @!p0 [hbm:s0], s1  }
0x82: {  	s0 =	simm.s32 @!p0 $0x7  }
0x83: {  	_ =	swait.ge @!p0 [sflag:s0], s1  }
0x84: {  	s1 =	ssub.s32 @!p0 $0x0, s1;
	[sflag:s0] =	ssyncset.done @!p0 $0x0  }
0x85: {  	[sflag:s0] =	ssyncadd.s32 @!p0 s1  }
0x86: {  	[bflag:$0x3] =	sbarrier.arrive $0xFFFF  }
0x87: {  	_ =	shalt  }

</sc_bundles>
